<compile_context>
chip_gen: v7x
topology: tpu7x:2x2x1
jax: 0.10.2.dev20260603
libtpu: 0.0.44.dev20260713+nightly
codegen_flags: <defaults>
</compile_context>

<pallas_src>
import functools
import jax
import jax.numpy as jnp
from jax import lax
from jax.experimental import pallas as pl
from jax.experimental.pallas import tpu as pltpu
from jax.experimental.pallas import tpu_sc as plsc

N = 10000
D = 128
G = 64
E = 320000
NC = 2
NS = 16
NW = NC * NS
NP = 10240
RT = NP // NS
EP = 327680
CH = 80
C = 32
NB = 5
CPT = EP // NC // NS // C


@functools.cache
def _mesh():
    return plsc.VectorSubcoreMesh(
        core_axis_name="c", subcore_axis_name="s",
        num_cores=NC, num_subcores=NS)


def _deg_body(dst_hbm, ones_hbm, zeros_hbm, out_hbm, dst_vm, ones_vm, zero_vm,
              deg_sh):
    c = lax.axis_index("c")
    s = lax.axis_index("s")
    r0 = s * RT
    pltpu.sync_copy(zeros_hbm, zero_vm)
    for k in range(RT // 128):
        pltpu.sync_copy(zero_vm, deg_sh.at[pl.ds(r0 + k * 128, 128)])
    pltpu.sync_copy(ones_hbm, ones_vm)
    pltpu.sync_copy(dst_hbm.at[pl.ds((s * NC + c) * CH, CH)], dst_vm)
    plsc.subcore_barrier()

    def body(j, carry):
        pltpu.sync_copy(ones_vm, deg_sh.at[dst_vm.at[j]], add=True)
        return carry

    lax.fori_loop(0, CH, body, 0)
    plsc.subcore_barrier()
    pltpu.sync_copy(deg_sh.at[pl.ds(r0, RT)],
                    out_hbm.at[pl.ds(c * NP + r0, RT)])


@functools.cache
def _deg_kernel():
    return pl.kernel(
        _deg_body,
        out_type=jax.ShapeDtypeStruct((NC * NP, 8), jnp.float32),
        mesh=_mesh(),
        scratch_types=[
            pltpu.VMEM((CH, 128), jnp.int32),
            pltpu.VMEM((128, 8), jnp.float32),
            pltpu.VMEM((128, 8), jnp.float32),
            pltpu.VMEM_SHARED((NP, 8), jnp.float32),
        ],
        compiler_params=pltpu.CompilerParams(use_tc_tiling_on_sc=False),
    )


def _agg_body(src_hbm, dst_hbm, hs_hbm, zeros_hbm, out_hbm, src_vm, dst_vm,
              rbs, acc, sgs, sss):
    c = lax.axis_index("c")
    s = lax.axis_index("s")
    r0 = s * RT
    wid = c * NS + s
    pltpu.sync_copy(src_hbm.at[pl.ds(wid * CPT, CPT)], src_vm)
    pltpu.sync_copy(dst_hbm.at[pl.ds(wid * CPT, CPT)], dst_vm)
    for b in range(1, NB):
        pltpu.async_copy(hs_hbm.at[src_vm.at[b]], rbs[b], sgs[b])
    pltpu.sync_copy(zeros_hbm, rbs[0])
    for k in range(RT // C):
        pltpu.sync_copy(rbs[0], acc.at[pl.ds(r0 + k * C, C)])
    pltpu.async_copy(hs_hbm.at[src_vm.at[0]], rbs[0], sgs[0])
    plsc.subcore_barrier()


    def body(i, carry):
        j = NB * i
        for b in range(NB):
            pltpu.make_async_copy(hs_hbm.at[src_vm.at[j + b]], rbs[b],
                                  sgs[b]).wait()
            pltpu.async_copy(rbs[b], acc.at[dst_vm.at[j + b]], sss[b],
                             add=True)
        for b in range(NB):
            @pl.when(j + NB + b < CPT)
            def _(b=b):
                pltpu.make_async_copy(rbs[b], acc.at[dst_vm.at[0]],
                                      sss[b]).wait()
                pltpu.async_copy(hs_hbm.at[src_vm.at[j + NB + b]], rbs[b],
                                 sgs[b])
        return carry

    lax.fori_loop(0, CPT // NB, body, 0)
    for b in range(NB):
        pltpu.make_async_copy(rbs[b], acc.at[dst_vm.at[0]], sss[b]).wait()
    plsc.subcore_barrier()
    pltpu.sync_copy(acc.at[pl.ds(r0, RT)],
                    out_hbm.at[pl.ds(c * NP + r0, RT)])


@functools.cache
def _agg_kernel():
    return pl.kernel(
        _agg_body,
        out_type=jax.ShapeDtypeStruct((NC * NP, D), jnp.float32),
        mesh=_mesh(),
        scratch_types=[
            pltpu.VMEM((CPT, C), jnp.int32),
            pltpu.VMEM((CPT, C), jnp.int32),
            [pltpu.VMEM((C, D), jnp.float32) for _ in range(NB)],
            pltpu.VMEM_SHARED((NP, D), jnp.float32),
            [pltpu.SemaphoreType.DMA for _ in range(NB)],
            [pltpu.SemaphoreType.DMA for _ in range(NB)],
        ],
        compiler_params=pltpu.CompilerParams(use_tc_tiling_on_sc=False),
    )


def _tc1_body(x_ref, degp_ref, w_ref, hs_ref, dinv_ref):
    deg = degp_ref[0] + degp_ref[1] + 1.0
    dinv = lax.rsqrt(deg)
    dinv_ref[...] = dinv
    hs_ref[...] = jnp.dot(x_ref[...] * dinv, w_ref[...],
                          preferred_element_type=jnp.float32)


def _tc_mid_body(acc_ref, hsp_ref, dinv_ref, b_ref, w_ref, hs_ref):
    dinv = dinv_ref[...]
    t = (acc_ref[0] + acc_ref[1] + hsp_ref[...]) * dinv + b_ref[...]
    t = jnp.maximum(t, 0.0)
    rid = lax.broadcasted_iota(jnp.int32, (NP, 1), 0)
    t = jnp.where(rid < N, t, 0.0)
    hs_ref[...] = jnp.dot(t * dinv, w_ref[...],
                          preferred_element_type=jnp.float32)


def _tc_fin_body(acc_ref, hsp_ref, dinv_ref, b_ref, batch_ref, wout_ref,
                 bout_ref, out_ref):
    h = (acc_ref[0] + acc_ref[1] + hsp_ref[...]) * dinv_ref[...] + b_ref[...]
    h = jnp.maximum(h, 0.0)
    oh = (batch_ref[...] == lax.broadcasted_iota(jnp.int32, (NP, G), 1)
          ).astype(jnp.float32)
    dn = (((0,), (0,)), ((), ()))
    sums = lax.dot_general(oh, h, dn, preferred_element_type=jnp.float32)
    cnt = lax.dot_general(oh, jnp.ones((NP, 1), jnp.float32), dn,
                          preferred_element_type=jnp.float32)
    pooled = sums / jnp.maximum(cnt, 1.0)
    out_ref[...] = (jnp.dot(pooled, wout_ref[...],
                            preferred_element_type=jnp.float32)
                    + bout_ref[...])


_tc1 = pl.pallas_call(
    _tc1_body,
    out_shape=[jax.ShapeDtypeStruct((NP, D), jnp.float32),
               jax.ShapeDtypeStruct((NP, 1), jnp.float32)],
)

_tc_mid = pl.pallas_call(
    _tc_mid_body,
    out_shape=jax.ShapeDtypeStruct((NP, D), jnp.float32),
)

_tc_fin = pl.pallas_call(
    _tc_fin_body,
    out_shape=jax.ShapeDtypeStruct((G, D), jnp.float32),
)


def kernel(x, edge_index, batch, W1, b1, W2, b2, W3, b3, Wout, bout):
    f32 = jnp.float32
    i32 = jnp.int32
    pad_e = N + (jnp.arange(EP - E, dtype=i32) % (NP - N))
    src = jnp.concatenate([edge_index[0].astype(i32), pad_e])
    dst = jnp.concatenate([edge_index[1].astype(i32), pad_e])
    src_w = src.reshape(NC * NS * CPT, C)
    dst_w = dst.reshape(NC * NS * CPT, C)
    dst_deg = dst.reshape(NW * CH, 128)
    x_pad = jnp.pad(x.astype(f32), ((0, NP - N), (0, 0)))
    batch_pad = jnp.pad(batch.astype(i32), (0, NP - N),
                        constant_values=G).reshape(NP, 1)
    zeros8 = jnp.zeros((128, 8), f32)
    ones8 = jnp.ones((128, 8), f32)
    zerosD = jnp.zeros((C, D), f32)

    deg_out = _deg_kernel()(dst_deg, ones8, zeros8)
    degp = deg_out.reshape(NC, NP, 8)[:, :, :1]

    agg = _agg_kernel()
    hs1, dinv = _tc1(x_pad, degp, W1)
    acc1 = agg(src_w, dst_w, hs1, zerosD).reshape(NC, NP, D)
    hs2 = _tc_mid(acc1, hs1, dinv, b1.reshape(1, D), W2)
    acc2 = agg(src_w, dst_w, hs2, zerosD).reshape(NC, NP, D)
    hs3 = _tc_mid(acc2, hs2, dinv, b2.reshape(1, D), W3)
    acc3 = agg(src_w, dst_w, hs3, zerosD).reshape(NC, NP, D)
    out = _tc_fin(acc3, hs3, dinv, b3.reshape(1, D), batch_pad, Wout,
                  bout.reshape(1, D))
    return out

# --- scband reference (transcript-rebuilt; emitter-appended) ---
"""Pipeline reference for scband-gcn-22728966930472 (READ-ONLY COPY).

The authoritative reference and input builder live on the scoring server;
editing this copy changes nothing except your own understanding.
"""

import jax, jax.numpy as jnp
import numpy as np

N = 10000
E = 320000
D = 128
G = 64


def gcn_conv(x, edge_index, W, b):
    n = x.shape[0]
    loop = jnp.arange(n, dtype=edge_index.dtype)
    src = jnp.concatenate([edge_index[0], loop])
    dst = jnp.concatenate([edge_index[1], loop])
    deg = jnp.zeros((n,), dtype=x.dtype).at[dst].add(1.0)
    dinv = jnp.where(deg > 0, deg ** -0.5, 0.0)
    norm = dinv[src] * dinv[dst]
    h = x @ W
    msg = h[src] * norm[:, None]
    out = jnp.zeros((n, W.shape[1]), dtype=x.dtype).at[dst].add(msg)
    return out + b


def setup_inputs(seed: int = 0):
    key = jax.random.key(seed)
    ks = jax.random.split(key, 12)
    x = jax.random.normal(ks[0], (N, D), dtype=jnp.float32)
    edge_index = jax.random.randint(ks[1], (2, E), 0, N, dtype=jnp.int32)
    batch = jnp.sort(jax.random.randint(ks[2], (N,), 0, G, dtype=jnp.int32))
    W1 = jax.random.normal(ks[3], (D, D), dtype=jnp.float32) * 0.05
    b1 = jnp.zeros((D,), dtype=jnp.float32)
    W2 = jax.random.normal(ks[4], (D, D), dtype=jnp.float32) * 0.05
    b2 = jnp.zeros((D,), dtype=jnp.float32)
    W3 = jax.random.normal(ks[5], (D, D), dtype=jnp.float32) * 0.05
    b3 = jnp.zeros((D,), dtype=jnp.float32)
    Wout = jax.random.normal(ks[6], (D, D), dtype=jnp.float32) * 0.05
    bout = jnp.zeros((D,), dtype=jnp.float32)
    return {"x": x, "edge_index": edge_index, "batch": batch,
            "W1": W1, "b1": b1, "W2": W2, "b2": b2,
            "W3": W3, "b3": b3, "Wout": Wout, "bout": bout}


def reference(x, edge_index, batch, W1, b1, W2, b2, W3, b3, Wout, bout):
    # GCN forward in eval mode (dropout = identity)
    h = jax.nn.relu(gcn_conv(x, edge_index, W1, b1))
    h = jax.nn.relu(gcn_conv(h, edge_index, W2, b2))
    h = jax.nn.relu(gcn_conv(h, edge_index, W3, b3))
    # global_mean_pool over graph ids
    sums = jax.ops.segment_sum(h, batch, num_segments=G)
    cnt = jax.ops.segment_sum(jnp.ones((h.shape[0], 1), h.dtype), batch, num_segments=G)
    pooled = sums / jnp.maximum(cnt, 1.0)
    return pooled @ Wout + bout

if __name__ == "__main__":
    import jax
    _d = setup_inputs()
    print(jax.jit(kernel)(*tuple(_d.values())))

</pallas_src>

<mosaic_0001>
#map = affine_map<(d0, d1) -> (0, 0)>
module attributes {stable_mosaic.version = 14 : i64} {
  func.func @_agg_body(%arg0: i32, %arg1: i32, %arg2: memref<10240x32xi32, #tpu.memory_space<hbm>>, %arg3: memref<10240x32xi32, #tpu.memory_space<hbm>>, %arg4: memref<10240x128xf32, #tpu.memory_space<hbm>>, %arg5: memref<32x128xf32, #tpu.memory_space<hbm>>, %arg6: memref<20480x128xf32, #tpu.memory_space<hbm>>, %arg7: memref<320x32xi32, #tpu.memory_space<vmem>>, %arg8: memref<320x32xi32, #tpu.memory_space<vmem>>, %arg9: memref<32x128xf32, #tpu.memory_space<vmem>>, %arg10: memref<32x128xf32, #tpu.memory_space<vmem>>, %arg11: memref<32x128xf32, #tpu.memory_space<vmem>>, %arg12: memref<32x128xf32, #tpu.memory_space<vmem>>, %arg13: memref<32x128xf32, #tpu.memory_space<vmem>>, %arg14: memref<10240x128xf32, #tpu.memory_space<vmem_shared>>, %arg15: memref<!tpu.dma_semaphore, #tpu.memory_space<semaphore_mem>>, %arg16: memref<!tpu.dma_semaphore, #tpu.memory_space<semaphore_mem>>, %arg17: memref<!tpu.dma_semaphore, #tpu.memory_space<semaphore_mem>>, %arg18: memref<!tpu.dma_semaphore, #tpu.memory_space<semaphore_mem>>, %arg19: memref<!tpu.dma_semaphore, #tpu.memory_space<semaphore_mem>>, %arg20: memref<!tpu.dma_semaphore, #tpu.memory_space<semaphore_mem>>, %arg21: memref<!tpu.dma_semaphore, #tpu.memory_space<semaphore_mem>>, %arg22: memref<!tpu.dma_semaphore, #tpu.memory_space<semaphore_mem>>, %arg23: memref<!tpu.dma_semaphore, #tpu.memory_space<semaphore_mem>>, %arg24: memref<!tpu.dma_semaphore, #tpu.memory_space<semaphore_mem>>) attributes {dimension_semantics = [#tpu.dimension_semantics<core_parallel>, #tpu.dimension_semantics<subcore_parallel>], iteration_bounds = array<i64: 2, 16>, scalar_prefetch = 0 : i64, scratch_operands = 18 : i64, tpu.core_type = #tpu.core_type<sc_vector_subcore>, window_params = [{transform_indices = #map}, {transform_indices = #map}, {transform_indices = #map}, {transform_indices = #map}, {transform_indices = #map}]} {
    %mul3A = arith.constant 640 : i32
    %mul3A_0 = arith.muli %arg1, %mul3A : i32
    %mul3A_1 = arith.constant 16 : i32
    %mul3A_2 = arith.muli %arg0, %mul3A_1 : i32
    %add3A = arith.addi %mul3A_2, %arg1 : i32
    %mul3A_3 = arith.constant 320 : i32
    %mul3A_4 = arith.muli %add3A, %mul3A_3 : i32
    "tpu.region"() ({
      %run_scoped3A = tpu.sem_alloc : memref<!tpu.dma_semaphore, #tpu.memory_space<semaphore_mem>>
      %dma_start3A_124 = arith.constant 0 : i32
      %dma_start3A_125 = tpu.memref_slice %arg2[%mul3A_4, %dma_start3A_124] : memref<10240x32xi32, #tpu.memory_space<hbm>> -> memref<320x32xi32, #tpu.memory_space<hbm>>
      %dma_start3A_126 = arith.constant 0 : i32
      %dma_start3A_127 = tpu.memref_slice %arg2[%mul3A_4, %dma_start3A_126] : memref<10240x32xi32, #tpu.memory_space<hbm>> -> memref<320x32xi32, #tpu.memory_space<hbm>>
      tpu.enqueue_dma source(%dma_start3A_127 : memref<320x32xi32, #tpu.memory_space<hbm>>) target(%arg7 : memref<320x32xi32, #tpu.memory_space<vmem>>) target_semaphore(%run_scoped3A : memref<!tpu.dma_semaphore, #tpu.memory_space<semaphore_mem>>)
      %dma_wait3A_128 = arith.constant 0 : i32
      %dma_wait3A_129 = tpu.memref_slice %arg2[%mul3A_4, %dma_wait3A_128] : memref<10240x32xi32, #tpu.memory_space<hbm>> -> memref<320x32xi32, #tpu.memory_space<hbm>>
      %dma_wait3A_130 = arith.constant 0 : i32
      %dma_wait3A_131 = tpu.memref_slice %arg2[%mul3A_4, %dma_wait3A_130] : memref<10240x32xi32, #tpu.memory_space<hbm>> -> memref<320x32xi32, #tpu.memory_space<hbm>>
      tpu.wait_dma2 semaphore(%run_scoped3A : memref<!tpu.dma_semaphore, #tpu.memory_space<semaphore_mem>>) src(%dma_wait3A_131 : memref<320x32xi32, #tpu.memory_space<hbm>>) dst(%arg7 : memref<320x32xi32, #tpu.memory_space<vmem>>)
      tpu.yield
    }) : () -> ()
    %mul3A_5 = arith.constant 320 : i32
    %mul3A_6 = arith.muli %add3A, %mul3A_5 : i32
    "tpu.region"() ({
      %run_scoped3A = tpu.sem_alloc : memref<!tpu.dma_semaphore, #tpu.memory_space<semaphore_mem>>
      %dma_start3A_124 = arith.constant 0 : i32
      %dma_start3A_125 = tpu.memref_slice %arg3[%mul3A_6, %dma_start3A_124] : memref<10240x32xi32, #tpu.memory_space<hbm>> -> memref<320x32xi32, #tpu.memory_space<hbm>>
      %dma_start3A_126 = arith.constant 0 : i32
      %dma_start3A_127 = tpu.memref_slice %arg3[%mul3A_6, %dma_start3A_126] : memref<10240x32xi32, #tpu.memory_space<hbm>> -> memref<320x32xi32, #tpu.memory_space<hbm>>
      tpu.enqueue_dma source(%dma_start3A_127 : memref<320x32xi32, #tpu.memory_space<hbm>>) target(%arg8 : memref<320x32xi32, #tpu.memory_space<vmem>>) target_semaphore(%run_scoped3A : memref<!tpu.dma_semaphore, #tpu.memory_space<semaphore_mem>>)
      %dma_wait3A_128 = arith.constant 0 : i32
      %dma_wait3A_129 = tpu.memref_slice %arg3[%mul3A_6, %dma_wait3A_128] : memref<10240x32xi32, #tpu.memory_space<hbm>> -> memref<320x32xi32, #tpu.memory_space<hbm>>
      %dma_wait3A_130 = arith.constant 0 : i32
      %dma_wait3A_131 = tpu.memref_slice %arg3[%mul3A_6, %dma_wait3A_130] : memref<10240x32xi32, #tpu.memory_space<hbm>> -> memref<320x32xi32, #tpu.memory_space<hbm>>
      tpu.wait_dma2 semaphore(%run_scoped3A : memref<!tpu.dma_semaphore, #tpu.memory_space<semaphore_mem>>) src(%dma_wait3A_131 : memref<320x32xi32, #tpu.memory_space<hbm>>) dst(%arg8 : memref<320x32xi32, #tpu.memory_space<vmem>>)
      tpu.yield
    }) : () -> ()
    %dma_start3A = arith.constant 1 : i32
    %dma_start3A_7 = arith.constant 0 : i32
    %dma_start3A_8 = tpu.memref_slice %arg7[%dma_start3A, %dma_start3A_7] : memref<320x32xi32, #tpu.memory_space<vmem>> -> memref<1x32xi32, #tpu.memory_space<vmem>>
    %dma_start3A_9 = tpu.memref_squeeze %dma_start3A_8 : memref<1x32xi32, #tpu.memory_space<vmem>> -> memref<32xi32, #tpu.memory_space<vmem>>
    %dma_start3A_10 = arith.constant 0 : i32
    %dma_start3A_11 = arith.constant 0 : i32
    %dma_start3A_12 = tpu.memref_slice %arg4[%dma_start3A_10, %dma_start3A_11] : memref<10240x128xf32, #tpu.memory_space<hbm>> -> memref<10240x128xf32, #tpu.memory_space<hbm>>
    tpu.enqueue_indirect_dma source(%dma_start3A_12 : memref<10240x128xf32, #tpu.memory_space<hbm>>) target(%arg10 : memref<32x128xf32, #tpu.memory_space<vmem>>) offsets(%dma_start3A_9 : memref<32xi32, #tpu.memory_space<vmem>>) semaphore(%arg16 : memref<!tpu.dma_semaphore, #tpu.memory_space<semaphore_mem>>)
    %dma_start3A_13 = arith.constant 2 : i32
    %dma_start3A_14 = arith.constant 0 : i32
    %dma_start3A_15 = tpu.memref_slice %arg7[%dma_start3A_13, %dma_start3A_14] : memref<320x32xi32, #tpu.memory_space<vmem>> -> memref<1x32xi32, #tpu.memory_space<vmem>>
    %dma_start3A_16 = tpu.memref_squeeze %dma_start3A_15 : memref<1x32xi32, #tpu.memory_space<vmem>> -> memref<32xi32, #tpu.memory_space<vmem>>
    %dma_start3A_17 = arith.constant 0 : i32
    %dma_start3A_18 = arith.constant 0 : i32
    %dma_start3A_19 = tpu.memref_slice %arg4[%dma_start3A_17, %dma_start3A_18] : memref<10240x128xf32, #tpu.memory_space<hbm>> -> memref<10240x128xf32, #tpu.memory_space<hbm>>
    tpu.enqueue_indirect_dma source(%dma_start3A_19 : memref<10240x128xf32, #tpu.memory_space<hbm>>) target(%arg11 : memref<32x128xf32, #tpu.memory_space<vmem>>) offsets(%dma_start3A_16 : memref<32xi32, #tpu.memory_space<vmem>>) semaphore(%arg17 : memref<!tpu.dma_semaphore, #tpu.memory_space<semaphore_mem>>)
    %dma_start3A_20 = arith.constant 3 : i32
    %dma_start3A_21 = arith.constant 0 : i32
    %dma_start3A_22 = tpu.memref_slice %arg7[%dma_start3A_20, %dma_start3A_21] : memref<320x32xi32, #tpu.memory_space<vmem>> -> memref<1x32xi32, #tpu.memory_space<vmem>>
    %dma_start3A_23 = tpu.memref_squeeze %dma_start3A_22 : memref<1x32xi32, #tpu.memory_space<vmem>> -> memref<32xi32, #tpu.memory_space<vmem>>
    %dma_start3A_24 = arith.constant 0 : i32
    %dma_start3A_25 = arith.constant 0 : i32
    %dma_start3A_26 = tpu.memref_slice %arg4[%dma_start3A_24, %dma_start3A_25] : memref<10240x128xf32, #tpu.memory_space<hbm>> -> memref<10240x128xf32, #tpu.memory_space<hbm>>
    tpu.enqueue_indirect_dma source(%dma_start3A_26 : memref<10240x128xf32, #tpu.memory_space<hbm>>) target(%arg12 : memref<32x128xf32, #tpu.memory_space<vmem>>) offsets(%dma_start3A_23 : memref<32xi32, #tpu.memory_space<vmem>>) semaphore(%arg18 : memref<!tpu.dma_semaphore, #tpu.memory_space<semaphore_mem>>)
    %dma_start3A_27 = arith.constant 4 : i32
    %dma_start3A_28 = arith.constant 0 : i32
    %dma_start3A_29 = tpu.memref_slice %arg7[%dma_start3A_27, %dma_start3A_28] : memref<320x32xi32, #tpu.memory_space<vmem>> -> memref<1x32xi32, #tpu.memory_space<vmem>>
    %dma_start3A_30 = tpu.memref_squeeze %dma_start3A_29 : memref<1x32xi32, #tpu.memory_space<vmem>> -> memref<32xi32, #tpu.memory_space<vmem>>
    %dma_start3A_31 = arith.constant 0 : i32
    %dma_start3A_32 = arith.constant 0 : i32
    %dma_start3A_33 = tpu.memref_slice %arg4[%dma_start3A_31, %dma_start3A_32] : memref<10240x128xf32, #tpu.memory_space<hbm>> -> memref<10240x128xf32, #tpu.memory_space<hbm>>
    tpu.enqueue_indirect_dma source(%dma_start3A_33 : memref<10240x128xf32, #tpu.memory_space<hbm>>) target(%arg13 : memref<32x128xf32, #tpu.memory_space<vmem>>) offsets(%dma_start3A_30 : memref<32xi32, #tpu.memory_space<vmem>>) semaphore(%arg19 : memref<!tpu.dma_semaphore, #tpu.memory_space<semaphore_mem>>)
    "tpu.region"() ({
      %run_scoped3A = tpu.sem_alloc : memref<!tpu.dma_semaphore, #tpu.memory_space<semaphore_mem>>
      tpu.enqueue_dma source(%arg5 : memref<32x128xf32, #tpu.memory_space<hbm>>) target(%arg9 : memref<32x128xf32, #tpu.memory_space<vmem>>) target_semaphore(%run_scoped3A : memref<!tpu.dma_semaphore, #tpu.memory_space<semaphore_mem>>)
      tpu.wait_dma2 semaphore(%run_scoped3A : memref<!tpu.dma_semaphore, #tpu.memory_space<semaphore_mem>>) src(%arg5 : memref<32x128xf32, #tpu.memory_space<hbm>>) dst(%arg9 : memref<32x128xf32, #tpu.memory_space<vmem>>)
      tpu.yield
    }) : () -> ()
    %add3A_34 = arith.constant 0 : i32
    %add3A_35 = arith.addi %mul3A_0, %add3A_34 : i32
    "tpu.region"() ({
      %run_scoped3A = tpu.sem_alloc : memref<!tpu.dma_semaphore, #tpu.memory_space<semaphore_mem>>
      %dma_start3A_124 = arith.constant 0 : i32
      %dma_start3A_125 = tpu.memref_slice %arg14[%add3A_35, %dma_start3A_124] : memref<10240x128xf32, #tpu.memory_space<vmem_shared>> -> memref<32x128xf32, #tpu.memory_space<vmem_shared>>
      %dma_start3A_126 = arith.constant 0 : i32
      %dma_start3A_127 = tpu.memref_slice %arg14[%add3A_35, %dma_start3A_126] : memref<10240x128xf32, #tpu.memory_space<vmem_shared>> -> memref<32x128xf32, #tpu.memory_space<vmem_shared>>
      tpu.enqueue_dma source(%arg9 : memref<32x128xf32, #tpu.memory_space<vmem>>) target(%dma_start3A_127 : memref<32x128xf32, #tpu.memory_space<vmem_shared>>) target_semaphore(%run_scoped3A : memref<!tpu.dma_semaphore, #tpu.memory_space<semaphore_mem>>)
      %dma_wait3A_128 = arith.constant 0 : i32
      %dma_wait3A_129 = tpu.memref_slice %arg14[%add3A_35, %dma_wait3A_128] : memref<10240x128xf32, #tpu.memory_space<vmem_shared>> -> memref<32x128xf32, #tpu.memory_space<vmem_shared>>
      %dma_wait3A_130 = arith.constant 0 : i32
      %dma_wait3A_131 = tpu.memref_slice %arg14[%add3A_35, %dma_wait3A_130] : memref<10240x128xf32, #tpu.memory_space<vmem_shared>> -> memref<32x128xf32, #tpu.memory_space<vmem_shared>>
      tpu.wait_dma2 semaphore(%run_scoped3A : memref<!tpu.dma_semaphore, #tpu.memory_space<semaphore_mem>>) src(%arg9 : memref<32x128xf32, #tpu.memory_space<vmem>>) dst(%dma_wait3A_131 : memref<32x128xf32, #tpu.memory_space<vmem_shared>>)
      tpu.yield
    }) : () -> ()
    %add3A_36 = arith.constant 32 : i32
    %add3A_37 = arith.addi %mul3A_0, %add3A_36 : i32
    "tpu.region"() ({
      %run_scoped3A = tpu.sem_alloc : memref<!tpu.dma_semaphore, #tpu.memory_space<semaphore_mem>>
      %dma_start3A_124 = arith.constant 0 : i32
      %dma_start3A_125 = tpu.memref_slice %arg14[%add3A_37, %dma_start3A_124] : memref<10240x128xf32, #tpu.memory_space<vmem_shared>> -> memref<32x128xf32, #tpu.memory_space<vmem_shared>>
      %dma_start3A_126 = arith.constant 0 : i32
      %dma_start3A_127 = tpu.memref_slice %arg14[%add3A_37, %dma_start3A_126] : memref<10240x128xf32, #tpu.memory_space<vmem_shared>> -> memref<32x128xf32, #tpu.memory_space<vmem_shared>>
      tpu.enqueue_dma source(%arg9 : memref<32x128xf32, #tpu.memory_space<vmem>>) target(%dma_start3A_127 : memref<32x128xf32, #tpu.memory_space<vmem_shared>>) target_semaphore(%run_scoped3A : memref<!tpu.dma_semaphore, #tpu.memory_space<semaphore_mem>>)
      %dma_wait3A_128 = arith.constant 0 : i32
      %dma_wait3A_129 = tpu.memref_slice %arg14[%add3A_37, %dma_wait3A_128] : memref<10240x128xf32, #tpu.memory_space<vmem_shared>> -> memref<32x128xf32, #tpu.memory_space<vmem_shared>>
      %dma_wait3A_130 = arith.constant 0 : i32
      %dma_wait3A_131 = tpu.memref_slice %arg14[%add3A_37, %dma_wait3A_130] : memref<10240x128xf32, #tpu.memory_space<vmem_shared>> -> memref<32x128xf32, #tpu.memory_space<vmem_shared>>
      tpu.wait_dma2 semaphore(%run_scoped3A : memref<!tpu.dma_semaphore, #tpu.memory_space<semaphore_mem>>) src(%arg9 : memref<32x128xf32, #tpu.memory_space<vmem>>) dst(%dma_wait3A_131 : memref<32x128xf32, #tpu.memory_space<vmem_shared>>)
      tpu.yield
    }) : () -> ()
    %add3A_38 = arith.constant 64 : i32
    %add3A_39 = arith.addi %mul3A_0, %add3A_38 : i32
    "tpu.region"() ({
      %run_scoped3A = tpu.sem_alloc : memref<!tpu.dma_semaphore, #tpu.memory_space<semaphore_mem>>
      %dma_start3A_124 = arith.constant 0 : i32
      %dma_start3A_125 = tpu.memref_slice %arg14[%add3A_39, %dma_start3A_124] : memref<10240x128xf32, #tpu.memory_space<vmem_shared>> -> memref<32x128xf32, #tpu.memory_space<vmem_shared>>
      %dma_start3A_126 = arith.constant 0 : i32
      %dma_start3A_127 = tpu.memref_slice %arg14[%add3A_39, %dma_start3A_126] : memref<10240x128xf32, #tpu.memory_space<vmem_shared>> -> memref<32x128xf32, #tpu.memory_space<vmem_shared>>
      tpu.enqueue_dma source(%arg9 : memref<32x128xf32, #tpu.memory_space<vmem>>) target(%dma_start3A_127 : memref<32x128xf32, #tpu.memory_space<vmem_shared>>) target_semaphore(%run_scoped3A : memref<!tpu.dma_semaphore, #tpu.memory_space<semaphore_mem>>)
      %dma_wait3A_128 = arith.constant 0 : i32
      %dma_wait3A_129 = tpu.memref_slice %arg14[%add3A_39, %dma_wait3A_128] : memref<10240x128xf32, #tpu.memory_space<vmem_shared>> -> memref<32x128xf32, #tpu.memory_space<vmem_shared>>
      %dma_wait3A_130 = arith.constant 0 : i32
      %dma_wait3A_131 = tpu.memref_slice %arg14[%add3A_39, %dma_wait3A_130] : memref<10240x128xf32, #tpu.memory_space<vmem_shared>> -> memref<32x128xf32, #tpu.memory_space<vmem_shared>>
      tpu.wait_dma2 semaphore(%run_scoped3A : memref<!tpu.dma_semaphore, #tpu.memory_space<semaphore_mem>>) src(%arg9 : memref<32x128xf32, #tpu.memory_space<vmem>>) dst(%dma_wait3A_131 : memref<32x128xf32, #tpu.memory_space<vmem_shared>>)
      tpu.yield
    }) : () -> ()
    %add3A_40 = arith.constant 96 : i32
    %add3A_41 = arith.addi %mul3A_0, %add3A_40 : i32
    "tpu.region"() ({
      %run_scoped3A = tpu.sem_alloc : memref<!tpu.dma_semaphore, #tpu.memory_space<semaphore_mem>>
      %dma_start3A_124 = arith.constant 0 : i32
      %dma_start3A_125 = tpu.memref_slice %arg14[%add3A_41, %dma_start3A_124] : memref<10240x128xf32, #tpu.memory_space<vmem_shared>> -> memref<32x128xf32, #tpu.memory_space<vmem_shared>>
      %dma_start3A_126 = arith.constant 0 : i32
      %dma_start3A_127 = tpu.memref_slice %arg14[%add3A_41, %dma_start3A_126] : memref<10240x128xf32, #tpu.memory_space<vmem_shared>> -> memref<32x128xf32, #tpu.memory_space<vmem_shared>>
      tpu.enqueue_dma source(%arg9 : memref<32x128xf32, #tpu.memory_space<vmem>>) target(%dma_start3A_127 : memref<32x128xf32, #tpu.memory_space<vmem_shared>>) target_semaphore(%run_scoped3A : memref<!tpu.dma_semaphore, #tpu.memory_space<semaphore_mem>>)
      %dma_wait3A_128 = arith.constant 0 : i32
      %dma_wait3A_129 = tpu.memref_slice %arg14[%add3A_41, %dma_wait3A_128] : memref<10240x128xf32, #tpu.memory_space<vmem_shared>> -> memref<32x128xf32, #tpu.memory_space<vmem_shared>>
      %dma_wait3A_130 = arith.constant 0 : i32
      %dma_wait3A_131 = tpu.memref_slice %arg14[%add3A_41, %dma_wait3A_130] : memref<10240x128xf32, #tpu.memory_space<vmem_shared>> -> memref<32x128xf32, #tpu.memory_space<vmem_shared>>
      tpu.wait_dma2 semaphore(%run_scoped3A : memref<!tpu.dma_semaphore, #tpu.memory_space<semaphore_mem>>) src(%arg9 : memref<32x128xf32, #tpu.memory_space<vmem>>) dst(%dma_wait3A_131 : memref<32x128xf32, #tpu.memory_space<vmem_shared>>)
      tpu.yield
    }) : () -> ()
    %add3A_42 = arith.constant 128 : i32
    %add3A_43 = arith.addi %mul3A_0, %add3A_42 : i32
    "tpu.region"() ({
      %run_scoped3A = tpu.sem_alloc : memref<!tpu.dma_semaphore, #tpu.memory_space<semaphore_mem>>
      %dma_start3A_124 = arith.constant 0 : i32
      %dma_start3A_125 = tpu.memref_slice %arg14[%add3A_43, %dma_start3A_124] : memref<10240x128xf32, #tpu.memory_space<vmem_shared>> -> memref<32x128xf32, #tpu.memory_space<vmem_shared>>
      %dma_start3A_126 = arith.constant 0 : i32
      %dma_start3A_127 = tpu.memref_slice %arg14[%add3A_43, %dma_start3A_126] : memref<10240x128xf32, #tpu.memory_space<vmem_shared>> -> memref<32x128xf32, #tpu.memory_space<vmem_shared>>
      tpu.enqueue_dma source(%arg9 : memref<32x128xf32, #tpu.memory_space<vmem>>) target(%dma_start3A_127 : memref<32x128xf32, #tpu.memory_space<vmem_shared>>) target_semaphore(%run_scoped3A : memref<!tpu.dma_semaphore, #tpu.memory_space<semaphore_mem>>)
      %dma_wait3A_128 = arith.constant 0 : i32
      %dma_wait3A_129 = tpu.memref_slice %arg14[%add3A_43, %dma_wait3A_128] : memref<10240x128xf32, #tpu.memory_space<vmem_shared>> -> memref<32x128xf32, #tpu.memory_space<vmem_shared>>
      %dma_wait3A_130 = arith.constant 0 : i32
      %dma_wait3A_131 = tpu.memref_slice %arg14[%add3A_43, %dma_wait3A_130] : memref<10240x128xf32, #tpu.memory_space<vmem_shared>> -> memref<32x128xf32, #tpu.memory_space<vmem_shared>>
      tpu.wait_dma2 semaphore(%run_scoped3A : memref<!tpu.dma_semaphore, #tpu.memory_space<semaphore_mem>>) src(%arg9 : memref<32x128xf32, #tpu.memory_space<vmem>>) dst(%dma_wait3A_131 : memref<32x128xf32, #tpu.memory_space<vmem_shared>>)
      tpu.yield
    }) : () -> ()
    %add3A_44 = arith.constant 160 : i32
    %add3A_45 = arith.addi %mul3A_0, %add3A_44 : i32
    "tpu.region"() ({
      %run_scoped3A = tpu.sem_alloc : memref<!tpu.dma_semaphore, #tpu.memory_space<semaphore_mem>>
      %dma_start3A_124 = arith.constant 0 : i32
      %dma_start3A_125 = tpu.memref_slice %arg14[%add3A_45, %dma_start3A_124] : memref<10240x128xf32, #tpu.memory_space<vmem_shared>> -> memref<32x128xf32, #tpu.memory_space<vmem_shared>>
      %dma_start3A_126 = arith.constant 0 : i32
      %dma_start3A_127 = tpu.memref_slice %arg14[%add3A_45, %dma_start3A_126] : memref<10240x128xf32, #tpu.memory_space<vmem_shared>> -> memref<32x128xf32, #tpu.memory_space<vmem_shared>>
      tpu.enqueue_dma source(%arg9 : memref<32x128xf32, #tpu.memory_space<vmem>>) target(%dma_start3A_127 : memref<32x128xf32, #tpu.memory_space<vmem_shared>>) target_semaphore(%run_scoped3A : memref<!tpu.dma_semaphore, #tpu.memory_space<semaphore_mem>>)
      %dma_wait3A_128 = arith.constant 0 : i32
      %dma_wait3A_129 = tpu.memref_slice %arg14[%add3A_45, %dma_wait3A_128] : memref<10240x128xf32, #tpu.memory_space<vmem_shared>> -> memref<32x128xf32, #tpu.memory_space<vmem_shared>>
      %dma_wait3A_130 = arith.constant 0 : i32
      %dma_wait3A_131 = tpu.memref_slice %arg14[%add3A_45, %dma_wait3A_130] : memref<10240x128xf32, #tpu.memory_space<vmem_shared>> -> memref<32x128xf32, #tpu.memory_space<vmem_shared>>
      tpu.wait_dma2 semaphore(%run_scoped3A : memref<!tpu.dma_semaphore, #tpu.memory_space<semaphore_mem>>) src(%arg9 : memref<32x128xf32, #tpu.memory_space<vmem>>) dst(%dma_wait3A_131 : memref<32x128xf32, #tpu.memory_space<vmem_shared>>)
      tpu.yield
    }) : () -> ()
    %add3A_46 = arith.constant 192 : i32
    %add3A_47 = arith.addi %mul3A_0, %add3A_46 : i32
    "tpu.region"() ({
      %run_scoped3A = tpu.sem_alloc : memref<!tpu.dma_semaphore, #tpu.memory_space<semaphore_mem>>
      %dma_start3A_124 = arith.constant 0 : i32
      %dma_start3A_125 = tpu.memref_slice %arg14[%add3A_47, %dma_start3A_124] : memref<10240x128xf32, #tpu.memory_space<vmem_shared>> -> memref<32x128xf32, #tpu.memory_space<vmem_shared>>
      %dma_start3A_126 = arith.constant 0 : i32
      %dma_start3A_127 = tpu.memref_slice %arg14[%add3A_47, %dma_start3A_126] : memref<10240x128xf32, #tpu.memory_space<vmem_shared>> -> memref<32x128xf32, #tpu.memory_space<vmem_shared>>
      tpu.enqueue_dma source(%arg9 : memref<32x128xf32, #tpu.memory_space<vmem>>) target(%dma_start3A_127 : memref<32x128xf32, #tpu.memory_space<vmem_shared>>) target_semaphore(%run_scoped3A : memref<!tpu.dma_semaphore, #tpu.memory_space<semaphore_mem>>)
      %dma_wait3A_128 = arith.constant 0 : i32
      %dma_wait3A_129 = tpu.memref_slice %arg14[%add3A_47, %dma_wait3A_128] : memref<10240x128xf32, #tpu.memory_space<vmem_shared>> -> memref<32x128xf32, #tpu.memory_space<vmem_shared>>
      %dma_wait3A_130 = arith.constant 0 : i32
      %dma_wait3A_131 = tpu.memref_slice %arg14[%add3A_47, %dma_wait3A_130] : memref<10240x128xf32, #tpu.memory_space<vmem_shared>> -> memref<32x128xf32, #tpu.memory_space<vmem_shared>>
      tpu.wait_dma2 semaphore(%run_scoped3A : memref<!tpu.dma_semaphore, #tpu.memory_space<semaphore_mem>>) src(%arg9 : memref<32x128xf32, #tpu.memory_space<vmem>>) dst(%dma_wait3A_131 : memref<32x128xf32, #tpu.memory_space<vmem_shared>>)
      tpu.yield
    }) : () -> ()
    %add3A_48 = arith.constant 224 : i32
    %add3A_49 = arith.addi %mul3A_0, %add3A_48 : i32
    "tpu.region"() ({
      %run_scoped3A = tpu.sem_alloc : memref<!tpu.dma_semaphore, #tpu.memory_space<semaphore_mem>>
      %dma_start3A_124 = arith.constant 0 : i32
      %dma_start3A_125 = tpu.memref_slice %arg14[%add3A_49, %dma_start3A_124] : memref<10240x128xf32, #tpu.memory_space<vmem_shared>> -> memref<32x128xf32, #tpu.memory_space<vmem_shared>>
      %dma_start3A_126 = arith.constant 0 : i32
      %dma_start3A_127 = tpu.memref_slice %arg14[%add3A_49, %dma_start3A_126] : memref<10240x128xf32, #tpu.memory_space<vmem_shared>> -> memref<32x128xf32, #tpu.memory_space<vmem_shared>>
      tpu.enqueue_dma source(%arg9 : memref<32x128xf32, #tpu.memory_space<vmem>>) target(%dma_start3A_127 : memref<32x128xf32, #tpu.memory_space<vmem_shared>>) target_semaphore(%run_scoped3A : memref<!tpu.dma_semaphore, #tpu.memory_space<semaphore_mem>>)
      %dma_wait3A_128 = arith.constant 0 : i32
      %dma_wait3A_129 = tpu.memref_slice %arg14[%add3A_49, %dma_wait3A_128] : memref<10240x128xf32, #tpu.memory_space<vmem_shared>> -> memref<32x128xf32, #tpu.memory_space<vmem_shared>>
      %dma_wait3A_130 = arith.constant 0 : i32
      %dma_wait3A_131 = tpu.memref_slice %arg14[%add3A_49, %dma_wait3A_130] : memref<10240x128xf32, #tpu.memory_space<vmem_shared>> -> memref<32x128xf32, #tpu.memory_space<vmem_shared>>
      tpu.wait_dma2 semaphore(%run_scoped3A : memref<!tpu.dma_semaphore, #tpu.memory_space<semaphore_mem>>) src(%arg9 : memref<32x128xf32, #tpu.memory_space<vmem>>) dst(%dma_wait3A_131 : memref<32x128xf32, #tpu.memory_space<vmem_shared>>)
      tpu.yield
    }) : () -> ()
    %add3A_50 = arith.constant 256 : i32
    %add3A_51 = arith.addi %mul3A_0, %add3A_50 : i32
    "tpu.region"() ({
      %run_scoped3A = tpu.sem_alloc : memref<!tpu.dma_semaphore, #tpu.memory_space<semaphore_mem>>
      %dma_start3A_124 = arith.constant 0 : i32
      %dma_start3A_125 = tpu.memref_slice %arg14[%add3A_51, %dma_start3A_124] : memref<10240x128xf32, #tpu.memory_space<vmem_shared>> -> memref<32x128xf32, #tpu.memory_space<vmem_shared>>
      %dma_start3A_126 = arith.constant 0 : i32
      %dma_start3A_127 = tpu.memref_slice %arg14[%add3A_51, %dma_start3A_126] : memref<10240x128xf32, #tpu.memory_space<vmem_shared>> -> memref<32x128xf32, #tpu.memory_space<vmem_shared>>
      tpu.enqueue_dma source(%arg9 : memref<32x128xf32, #tpu.memory_space<vmem>>) target(%dma_start3A_127 : memref<32x128xf32, #tpu.memory_space<vmem_shared>>) target_semaphore(%run_scoped3A : memref<!tpu.dma_semaphore, #tpu.memory_space<semaphore_mem>>)
      %dma_wait3A_128 = arith.constant 0 : i32
      %dma_wait3A_129 = tpu.memref_slice %arg14[%add3A_51, %dma_wait3A_128] : memref<10240x128xf32, #tpu.memory_space<vmem_shared>> -> memref<32x128xf32, #tpu.memory_space<vmem_shared>>
      %dma_wait3A_130 = arith.constant 0 : i32
      %dma_wait3A_131 = tpu.memref_slice %arg14[%add3A_51, %dma_wait3A_130] : memref<10240x128xf32, #tpu.memory_space<vmem_shared>> -> memref<32x128xf32, #tpu.memory_space<vmem_shared>>
      tpu.wait_dma2 semaphore(%run_scoped3A : memref<!tpu.dma_semaphore, #tpu.memory_space<semaphore_mem>>) src(%arg9 : memref<32x128xf32, #tpu.memory_space<vmem>>) dst(%dma_wait3A_131 : memref<32x128xf32, #tpu.memory_space<vmem_shared>>)
      tpu.yield
    }) : () -> ()
    %add3A_52 = arith.constant 288 : i32
    %add3A_53 = arith.addi %mul3A_0, %add3A_52 : i32
    "tpu.region"() ({
      %run_scoped3A = tpu.sem_alloc : memref<!tpu.dma_semaphore, #tpu.memory_space<semaphore_mem>>
      %dma_start3A_124 = arith.constant 0 : i32
      %dma_start3A_125 = tpu.memref_slice %arg14[%add3A_53, %dma_start3A_124] : memref<10240x128xf32, #tpu.memory_space<vmem_shared>> -> memref<32x128xf32, #tpu.memory_space<vmem_shared>>
      %dma_start3A_126 = arith.constant 0 : i32
      %dma_start3A_127 = tpu.memref_slice %arg14[%add3A_53, %dma_start3A_126] : memref<10240x128xf32, #tpu.memory_space<vmem_shared>> -> memref<32x128xf32, #tpu.memory_space<vmem_shared>>
      tpu.enqueue_dma source(%arg9 : memref<32x128xf32, #tpu.memory_space<vmem>>) target(%dma_start3A_127 : memref<32x128xf32, #tpu.memory_space<vmem_shared>>) target_semaphore(%run_scoped3A : memref<!tpu.dma_semaphore, #tpu.memory_space<semaphore_mem>>)
      %dma_wait3A_128 = arith.constant 0 : i32
      %dma_wait3A_129 = tpu.memref_slice %arg14[%add3A_53, %dma_wait3A_128] : memref<10240x128xf32, #tpu.memory_space<vmem_shared>> -> memref<32x128xf32, #tpu.memory_space<vmem_shared>>
      %dma_wait3A_130 = arith.constant 0 : i32
      %dma_wait3A_131 = tpu.memref_slice %arg14[%add3A_53, %dma_wait3A_130] : memref<10240x128xf32, #tpu.memory_space<vmem_shared>> -> memref<32x128xf32, #tpu.memory_space<vmem_shared>>
      tpu.wait_dma2 semaphore(%run_scoped3A : memref<!tpu.dma_semaphore, #tpu.memory_space<semaphore_mem>>) src(%arg9 : memref<32x128xf32, #tpu.memory_space<vmem>>) dst(%dma_wait3A_131 : memref<32x128xf32, #tpu.memory_space<vmem_shared>>)
      tpu.yield
    }) : () -> ()
    %add3A_54 = arith.constant 320 : i32
    %add3A_55 = arith.addi %mul3A_0, %add3A_54 : i32
    "tpu.region"() ({
      %run_scoped3A = tpu.sem_alloc : memref<!tpu.dma_semaphore, #tpu.memory_space<semaphore_mem>>
      %dma_start3A_124 = arith.constant 0 : i32
      %dma_start3A_125 = tpu.memref_slice %arg14[%add3A_55, %dma_start3A_124] : memref<10240x128xf32, #tpu.memory_space<vmem_shared>> -> memref<32x128xf32, #tpu.memory_space<vmem_shared>>
      %dma_start3A_126 = arith.constant 0 : i32
      %dma_start3A_127 = tpu.memref_slice %arg14[%add3A_55, %dma_start3A_126] : memref<10240x128xf32, #tpu.memory_space<vmem_shared>> -> memref<32x128xf32, #tpu.memory_space<vmem_shared>>
      tpu.enqueue_dma source(%arg9 : memref<32x128xf32, #tpu.memory_space<vmem>>) target(%dma_start3A_127 : memref<32x128xf32, #tpu.memory_space<vmem_shared>>) target_semaphore(%run_scoped3A : memref<!tpu.dma_semaphore, #tpu.memory_space<semaphore_mem>>)
      %dma_wait3A_128 = arith.constant 0 : i32
      %dma_wait3A_129 = tpu.memref_slice %arg14[%add3A_55, %dma_wait3A_128] : memref<10240x128xf32, #tpu.memory_space<vmem_shared>> -> memref<32x128xf32, #tpu.memory_space<vmem_shared>>
      %dma_wait3A_130 = arith.constant 0 : i32
      %dma_wait3A_131 = tpu.memref_slice %arg14[%add3A_55, %dma_wait3A_130] : memref<10240x128xf32, #tpu.memory_space<vmem_shared>> -> memref<32x128xf32, #tpu.memory_space<vmem_shared>>
      tpu.wait_dma2 semaphore(%run_scoped3A : memref<!tpu.dma_semaphore, #tpu.memory_space<semaphore_mem>>) src(%arg9 : memref<32x128xf32, #tpu.memory_space<vmem>>) dst(%dma_wait3A_131 : memref<32x128xf32, #tpu.memory_space<vmem_shared>>)
      tpu.yield
    }) : () -> ()
    %add3A_56 = arith.constant 352 : i32
    %add3A_57 = arith.addi %mul3A_0, %add3A_56 : i32
    "tpu.region"() ({
      %run_scoped3A = tpu.sem_alloc : memref<!tpu.dma_semaphore, #tpu.memory_space<semaphore_mem>>
      %dma_start3A_124 = arith.constant 0 : i32
      %dma_start3A_125 = tpu.memref_slice %arg14[%add3A_57, %dma_start3A_124] : memref<10240x128xf32, #tpu.memory_space<vmem_shared>> -> memref<32x128xf32, #tpu.memory_space<vmem_shared>>
      %dma_start3A_126 = arith.constant 0 : i32
      %dma_start3A_127 = tpu.memref_slice %arg14[%add3A_57, %dma_start3A_126] : memref<10240x128xf32, #tpu.memory_space<vmem_shared>> -> memref<32x128xf32, #tpu.memory_space<vmem_shared>>
      tpu.enqueue_dma source(%arg9 : memref<32x128xf32, #tpu.memory_space<vmem>>) target(%dma_start3A_127 : memref<32x128xf32, #tpu.memory_space<vmem_shared>>) target_semaphore(%run_scoped3A : memref<!tpu.dma_semaphore, #tpu.memory_space<semaphore_mem>>)
      %dma_wait3A_128 = arith.constant 0 : i32
      %dma_wait3A_129 = tpu.memref_slice %arg14[%add3A_57, %dma_wait3A_128] : memref<10240x128xf32, #tpu.memory_space<vmem_shared>> -> memref<32x128xf32, #tpu.memory_space<vmem_shared>>
      %dma_wait3A_130 = arith.constant 0 : i32
      %dma_wait3A_131 = tpu.memref_slice %arg14[%add3A_57, %dma_wait3A_130] : memref<10240x128xf32, #tpu.memory_space<vmem_shared>> -> memref<32x128xf32, #tpu.memory_space<vmem_shared>>
      tpu.wait_dma2 semaphore(%run_scoped3A : memref<!tpu.dma_semaphore, #tpu.memory_space<semaphore_mem>>) src(%arg9 : memref<32x128xf32, #tpu.memory_space<vmem>>) dst(%dma_wait3A_131 : memref<32x128xf32, #tpu.memory_space<vmem_shared>>)
      tpu.yield
    }) : () -> ()
    %add3A_58 = arith.constant 384 : i32
    %add3A_59 = arith.addi %mul3A_0, %add3A_58 : i32
    "tpu.region"() ({
      %run_scoped3A = tpu.sem_alloc : memref<!tpu.dma_semaphore, #tpu.memory_space<semaphore_mem>>
      %dma_start3A_124 = arith.constant 0 : i32
      %dma_start3A_125 = tpu.memref_slice %arg14[%add3A_59, %dma_start3A_124] : memref<10240x128xf32, #tpu.memory_space<vmem_shared>> -> memref<32x128xf32, #tpu.memory_space<vmem_shared>>
      %dma_start3A_126 = arith.constant 0 : i32
      %dma_start3A_127 = tpu.memref_slice %arg14[%add3A_59, %dma_start3A_126] : memref<10240x128xf32, #tpu.memory_space<vmem_shared>> -> memref<32x128xf32, #tpu.memory_space<vmem_shared>>
      tpu.enqueue_dma source(%arg9 : memref<32x128xf32, #tpu.memory_space<vmem>>) target(%dma_start3A_127 : memref<32x128xf32, #tpu.memory_space<vmem_shared>>) target_semaphore(%run_scoped3A : memref<!tpu.dma_semaphore, #tpu.memory_space<semaphore_mem>>)
      %dma_wait3A_128 = arith.constant 0 : i32
      %dma_wait3A_129 = tpu.memref_slice %arg14[%add3A_59, %dma_wait3A_128] : memref<10240x128xf32, #tpu.memory_space<vmem_shared>> -> memref<32x128xf32, #tpu.memory_space<vmem_shared>>
      %dma_wait3A_130 = arith.constant 0 : i32
      %dma_wait3A_131 = tpu.memref_slice %arg14[%add3A_59, %dma_wait3A_130] : memref<10240x128xf32, #tpu.memory_space<vmem_shared>> -> memref<32x128xf32, #tpu.memory_space<vmem_shared>>
      tpu.wait_dma2 semaphore(%run_scoped3A : memref<!tpu.dma_semaphore, #tpu.memory_space<semaphore_mem>>) src(%arg9 : memref<32x128xf32, #tpu.memory_space<vmem>>) dst(%dma_wait3A_131 : memref<32x128xf32, #tpu.memory_space<vmem_shared>>)
      tpu.yield
    }) : () -> ()
    %add3A_60 = arith.constant 416 : i32
    %add3A_61 = arith.addi %mul3A_0, %add3A_60 : i32
    "tpu.region"() ({
      %run_scoped3A = tpu.sem_alloc : memref<!tpu.dma_semaphore, #tpu.memory_space<semaphore_mem>>
      %dma_start3A_124 = arith.constant 0 : i32
      %dma_start3A_125 = tpu.memref_slice %arg14[%add3A_61, %dma_start3A_124] : memref<10240x128xf32, #tpu.memory_space<vmem_shared>> -> memref<32x128xf32, #tpu.memory_space<vmem_shared>>
      %dma_start3A_126 = arith.constant 0 : i32
      %dma_start3A_127 = tpu.memref_slice %arg14[%add3A_61, %dma_start3A_126] : memref<10240x128xf32, #tpu.memory_space<vmem_shared>> -> memref<32x128xf32, #tpu.memory_space<vmem_shared>>
      tpu.enqueue_dma source(%arg9 : memref<32x128xf32, #tpu.memory_space<vmem>>) target(%dma_start3A_127 : memref<32x128xf32, #tpu.memory_space<vmem_shared>>) target_semaphore(%run_scoped3A : memref<!tpu.dma_semaphore, #tpu.memory_space<semaphore_mem>>)
      %dma_wait3A_128 = arith.constant 0 : i32
      %dma_wait3A_129 = tpu.memref_slice %arg14[%add3A_61, %dma_wait3A_128] : memref<10240x128xf32, #tpu.memory_space<vmem_shared>> -> memref<32x128xf32, #tpu.memory_space<vmem_shared>>
      %dma_wait3A_130 = arith.constant 0 : i32
      %dma_wait3A_131 = tpu.memref_slice %arg14[%add3A_61, %dma_wait3A_130] : memref<10240x128xf32, #tpu.memory_space<vmem_shared>> -> memref<32x128xf32, #tpu.memory_space<vmem_shared>>
      tpu.wait_dma2 semaphore(%run_scoped3A : memref<!tpu.dma_semaphore, #tpu.memory_space<semaphore_mem>>) src(%arg9 : memref<32x128xf32, #tpu.memory_space<vmem>>) dst(%dma_wait3A_131 : memref<32x128xf32, #tpu.memory_space<vmem_shared>>)
      tpu.yield
    }) : () -> ()
    %add3A_62 = arith.constant 448 : i32
    %add3A_63 = arith.addi %mul3A_0, %add3A_62 : i32
    "tpu.region"() ({
      %run_scoped3A = tpu.sem_alloc : memref<!tpu.dma_semaphore, #tpu.memory_space<semaphore_mem>>
      %dma_start3A_124 = arith.constant 0 : i32
      %dma_start3A_125 = tpu.memref_slice %arg14[%add3A_63, %dma_start3A_124] : memref<10240x128xf32, #tpu.memory_space<vmem_shared>> -> memref<32x128xf32, #tpu.memory_space<vmem_shared>>
      %dma_start3A_126 = arith.constant 0 : i32
      %dma_start3A_127 = tpu.memref_slice %arg14[%add3A_63, %dma_start3A_126] : memref<10240x128xf32, #tpu.memory_space<vmem_shared>> -> memref<32x128xf32, #tpu.memory_space<vmem_shared>>
      tpu.enqueue_dma source(%arg9 : memref<32x128xf32, #tpu.memory_space<vmem>>) target(%dma_start3A_127 : memref<32x128xf32, #tpu.memory_space<vmem_shared>>) target_semaphore(%run_scoped3A : memref<!tpu.dma_semaphore, #tpu.memory_space<semaphore_mem>>)
      %dma_wait3A_128 = arith.constant 0 : i32
      %dma_wait3A_129 = tpu.memref_slice %arg14[%add3A_63, %dma_wait3A_128] : memref<10240x128xf32, #tpu.memory_space<vmem_shared>> -> memref<32x128xf32, #tpu.memory_space<vmem_shared>>
      %dma_wait3A_130 = arith.constant 0 : i32
      %dma_wait3A_131 = tpu.memref_slice %arg14[%add3A_63, %dma_wait3A_130] : memref<10240x128xf32, #tpu.memory_space<vmem_shared>> -> memref<32x128xf32, #tpu.memory_space<vmem_shared>>
      tpu.wait_dma2 semaphore(%run_scoped3A : memref<!tpu.dma_semaphore, #tpu.memory_space<semaphore_mem>>) src(%arg9 : memref<32x128xf32, #tpu.memory_space<vmem>>) dst(%dma_wait3A_131 : memref<32x128xf32, #tpu.memory_space<vmem_shared>>)
      tpu.yield
    }) : () -> ()
    %add3A_64 = arith.constant 480 : i32
    %add3A_65 = arith.addi %mul3A_0, %add3A_64 : i32
    "tpu.region"() ({
      %run_scoped3A = tpu.sem_alloc : memref<!tpu.dma_semaphore, #tpu.memory_space<semaphore_mem>>
      %dma_start3A_124 = arith.constant 0 : i32
      %dma_start3A_125 = tpu.memref_slice %arg14[%add3A_65, %dma_start3A_124] : memref<10240x128xf32, #tpu.memory_space<vmem_shared>> -> memref<32x128xf32, #tpu.memory_space<vmem_shared>>
      %dma_start3A_126 = arith.constant 0 : i32
      %dma_start3A_127 = tpu.memref_slice %arg14[%add3A_65, %dma_start3A_126] : memref<10240x128xf32, #tpu.memory_space<vmem_shared>> -> memref<32x128xf32, #tpu.memory_space<vmem_shared>>
      tpu.enqueue_dma source(%arg9 : memref<32x128xf32, #tpu.memory_space<vmem>>) target(%dma_start3A_127 : memref<32x128xf32, #tpu.memory_space<vmem_shared>>) target_semaphore(%run_scoped3A : memref<!tpu.dma_semaphore, #tpu.memory_space<semaphore_mem>>)
      %dma_wait3A_128 = arith.constant 0 : i32
      %dma_wait3A_129 = tpu.memref_slice %arg14[%add3A_65, %dma_wait3A_128] : memref<10240x128xf32, #tpu.memory_space<vmem_shared>> -> memref<32x128xf32, #tpu.memory_space<vmem_shared>>
      %dma_wait3A_130 = arith.constant 0 : i32
      %dma_wait3A_131 = tpu.memref_slice %arg14[%add3A_65, %dma_wait3A_130] : memref<10240x128xf32, #tpu.memory_space<vmem_shared>> -> memref<32x128xf32, #tpu.memory_space<vmem_shared>>
      tpu.wait_dma2 semaphore(%run_scoped3A : memref<!tpu.dma_semaphore, #tpu.memory_space<semaphore_mem>>) src(%arg9 : memref<32x128xf32, #tpu.memory_space<vmem>>) dst(%dma_wait3A_131 : memref<32x128xf32, #tpu.memory_space<vmem_shared>>)
      tpu.yield
    }) : () -> ()
    %add3A_66 = arith.constant 512 : i32
    %add3A_67 = arith.addi %mul3A_0, %add3A_66 : i32
    "tpu.region"() ({
      %run_scoped3A = tpu.sem_alloc : memref<!tpu.dma_semaphore, #tpu.memory_space<semaphore_mem>>
      %dma_start3A_124 = arith.constant 0 : i32
      %dma_start3A_125 = tpu.memref_slice %arg14[%add3A_67, %dma_start3A_124] : memref<10240x128xf32, #tpu.memory_space<vmem_shared>> -> memref<32x128xf32, #tpu.memory_space<vmem_shared>>
      %dma_start3A_126 = arith.constant 0 : i32
      %dma_start3A_127 = tpu.memref_slice %arg14[%add3A_67, %dma_start3A_126] : memref<10240x128xf32, #tpu.memory_space<vmem_shared>> -> memref<32x128xf32, #tpu.memory_space<vmem_shared>>
      tpu.enqueue_dma source(%arg9 : memref<32x128xf32, #tpu.memory_space<vmem>>) target(%dma_start3A_127 : memref<32x128xf32, #tpu.memory_space<vmem_shared>>) target_semaphore(%run_scoped3A : memref<!tpu.dma_semaphore, #tpu.memory_space<semaphore_mem>>)
      %dma_wait3A_128 = arith.constant 0 : i32
      %dma_wait3A_129 = tpu.memref_slice %arg14[%add3A_67, %dma_wait3A_128] : memref<10240x128xf32, #tpu.memory_space<vmem_shared>> -> memref<32x128xf32, #tpu.memory_space<vmem_shared>>
      %dma_wait3A_130 = arith.constant 0 : i32
      %dma_wait3A_131 = tpu.memref_slice %arg14[%add3A_67, %dma_wait3A_130] : memref<10240x128xf32, #tpu.memory_space<vmem_shared>> -> memref<32x128xf32, #tpu.memory_space<vmem_shared>>
      tpu.wait_dma2 semaphore(%run_scoped3A : memref<!tpu.dma_semaphore, #tpu.memory_space<semaphore_mem>>) src(%arg9 : memref<32x128xf32, #tpu.memory_space<vmem>>) dst(%dma_wait3A_131 : memref<32x128xf32, #tpu.memory_space<vmem_shared>>)
      tpu.yield
    }) : () -> ()
    %add3A_68 = arith.constant 544 : i32
    %add3A_69 = arith.addi %mul3A_0, %add3A_68 : i32
    "tpu.region"() ({
      %run_scoped3A = tpu.sem_alloc : memref<!tpu.dma_semaphore, #tpu.memory_space<semaphore_mem>>
      %dma_start3A_124 = arith.constant 0 : i32
      %dma_start3A_125 = tpu.memref_slice %arg14[%add3A_69, %dma_start3A_124] : memref<10240x128xf32, #tpu.memory_space<vmem_shared>> -> memref<32x128xf32, #tpu.memory_space<vmem_shared>>
      %dma_start3A_126 = arith.constant 0 : i32
      %dma_start3A_127 = tpu.memref_slice %arg14[%add3A_69, %dma_start3A_126] : memref<10240x128xf32, #tpu.memory_space<vmem_shared>> -> memref<32x128xf32, #tpu.memory_space<vmem_shared>>
      tpu.enqueue_dma source(%arg9 : memref<32x128xf32, #tpu.memory_space<vmem>>) target(%dma_start3A_127 : memref<32x128xf32, #tpu.memory_space<vmem_shared>>) target_semaphore(%run_scoped3A : memref<!tpu.dma_semaphore, #tpu.memory_space<semaphore_mem>>)
      %dma_wait3A_128 = arith.constant 0 : i32
      %dma_wait3A_129 = tpu.memref_slice %arg14[%add3A_69, %dma_wait3A_128] : memref<10240x128xf32, #tpu.memory_space<vmem_shared>> -> memref<32x128xf32, #tpu.memory_space<vmem_shared>>
      %dma_wait3A_130 = arith.constant 0 : i32
      %dma_wait3A_131 = tpu.memref_slice %arg14[%add3A_69, %dma_wait3A_130] : memref<10240x128xf32, #tpu.memory_space<vmem_shared>> -> memref<32x128xf32, #tpu.memory_space<vmem_shared>>
      tpu.wait_dma2 semaphore(%run_scoped3A : memref<!tpu.dma_semaphore, #tpu.memory_space<semaphore_mem>>) src(%arg9 : memref<32x128xf32, #tpu.memory_space<vmem>>) dst(%dma_wait3A_131 : memref<32x128xf32, #tpu.memory_space<vmem_shared>>)
      tpu.yield
    }) : () -> ()
    %add3A_70 = arith.constant 576 : i32
    %add3A_71 = arith.addi %mul3A_0, %add3A_70 : i32
    "tpu.region"() ({
      %run_scoped3A = tpu.sem_alloc : memref<!tpu.dma_semaphore, #tpu.memory_space<semaphore_mem>>
      %dma_start3A_124 = arith.constant 0 : i32
      %dma_start3A_125 = tpu.memref_slice %arg14[%add3A_71, %dma_start3A_124] : memref<10240x128xf32, #tpu.memory_space<vmem_shared>> -> memref<32x128xf32, #tpu.memory_space<vmem_shared>>
      %dma_start3A_126 = arith.constant 0 : i32
      %dma_start3A_127 = tpu.memref_slice %arg14[%add3A_71, %dma_start3A_126] : memref<10240x128xf32, #tpu.memory_space<vmem_shared>> -> memref<32x128xf32, #tpu.memory_space<vmem_shared>>
      tpu.enqueue_dma source(%arg9 : memref<32x128xf32, #tpu.memory_space<vmem>>) target(%dma_start3A_127 : memref<32x128xf32, #tpu.memory_space<vmem_shared>>) target_semaphore(%run_scoped3A : memref<!tpu.dma_semaphore, #tpu.memory_space<semaphore_mem>>)
      %dma_wait3A_128 = arith.constant 0 : i32
      %dma_wait3A_129 = tpu.memref_slice %arg14[%add3A_71, %dma_wait3A_128] : memref<10240x128xf32, #tpu.memory_space<vmem_shared>> -> memref<32x128xf32, #tpu.memory_space<vmem_shared>>
      %dma_wait3A_130 = arith.constant 0 : i32
      %dma_wait3A_131 = tpu.memref_slice %arg14[%add3A_71, %dma_wait3A_130] : memref<10240x128xf32, #tpu.memory_space<vmem_shared>> -> memref<32x128xf32, #tpu.memory_space<vmem_shared>>
      tpu.wait_dma2 semaphore(%run_scoped3A : memref<!tpu.dma_semaphore, #tpu.memory_space<semaphore_mem>>) src(%arg9 : memref<32x128xf32, #tpu.memory_space<vmem>>) dst(%dma_wait3A_131 : memref<32x128xf32, #tpu.memory_space<vmem_shared>>)
      tpu.yield
    }) : () -> ()
    %add3A_72 = arith.constant 608 : i32
    %add3A_73 = arith.addi %mul3A_0, %add3A_72 : i32
    "tpu.region"() ({
      %run_scoped3A = tpu.sem_alloc : memref<!tpu.dma_semaphore, #tpu.memory_space<semaphore_mem>>
      %dma_start3A_124 = arith.constant 0 : i32
      %dma_start3A_125 = tpu.memref_slice %arg14[%add3A_73, %dma_start3A_124] : memref<10240x128xf32, #tpu.memory_space<vmem_shared>> -> memref<32x128xf32, #tpu.memory_space<vmem_shared>>
      %dma_start3A_126 = arith.constant 0 : i32
      %dma_start3A_127 = tpu.memref_slice %arg14[%add3A_73, %dma_start3A_126] : memref<10240x128xf32, #tpu.memory_space<vmem_shared>> -> memref<32x128xf32, #tpu.memory_space<vmem_shared>>
      tpu.enqueue_dma source(%arg9 : memref<32x128xf32, #tpu.memory_space<vmem>>) target(%dma_start3A_127 : memref<32x128xf32, #tpu.memory_space<vmem_shared>>) target_semaphore(%run_scoped3A : memref<!tpu.dma_semaphore, #tpu.memory_space<semaphore_mem>>)
      %dma_wait3A_128 = arith.constant 0 : i32
      %dma_wait3A_129 = tpu.memref_slice %arg14[%add3A_73, %dma_wait3A_128] : memref<10240x128xf32, #tpu.memory_space<vmem_shared>> -> memref<32x128xf32, #tpu.memory_space<vmem_shared>>
      %dma_wait3A_130 = arith.constant 0 : i32
      %dma_wait3A_131 = tpu.memref_slice %arg14[%add3A_73, %dma_wait3A_130] : memref<10240x128xf32, #tpu.memory_space<vmem_shared>> -> memref<32x128xf32, #tpu.memory_space<vmem_shared>>
      tpu.wait_dma2 semaphore(%run_scoped3A : memref<!tpu.dma_semaphore, #tpu.memory_space<semaphore_mem>>) src(%arg9 : memref<32x128xf32, #tpu.memory_space<vmem>>) dst(%dma_wait3A_131 : memref<32x128xf32, #tpu.memory_space<vmem_shared>>)
      tpu.yield
    }) : () -> ()
    %dma_start3A_74 = arith.constant 0 : i32
    %dma_start3A_75 = arith.constant 0 : i32
    %dma_start3A_76 = tpu.memref_slice %arg7[%dma_start3A_74, %dma_start3A_75] : memref<320x32xi32, #tpu.memory_space<vmem>> -> memref<1x32xi32, #tpu.memory_space<vmem>>
    %dma_start3A_77 = tpu.memref_squeeze %dma_start3A_76 : memref<1x32xi32, #tpu.memory_space<vmem>> -> memref<32xi32, #tpu.memory_space<vmem>>
    %dma_start3A_78 = arith.constant 0 : i32
    %dma_start3A_79 = arith.constant 0 : i32
    %dma_start3A_80 = tpu.memref_slice %arg4[%dma_start3A_78, %dma_start3A_79] : memref<10240x128xf32, #tpu.memory_space<hbm>> -> memref<10240x128xf32, #tpu.memory_space<hbm>>
    tpu.enqueue_indirect_dma source(%dma_start3A_80 : memref<10240x128xf32, #tpu.memory_space<hbm>>) target(%arg9 : memref<32x128xf32, #tpu.memory_space<vmem>>) offsets(%dma_start3A_77 : memref<32xi32, #tpu.memory_space<vmem>>) semaphore(%arg15 : memref<!tpu.dma_semaphore, #tpu.memory_space<semaphore_mem>>)
    %barrier3A = arith.constant 0 : index
    tpu.barrier barrier_id(%barrier3A)
    %scan3A = arith.constant 0 : i32
    %scan3A_81 = arith.constant 0 : i32
    %scan3A_82 = arith.constant 64 : i32
    %scan3A_83 = arith.addi %scan3A_81, %scan3A_82 : i32
    %scan3A_84 = arith.constant 1 : i32
    scf.for %scan3A_124 = %scan3A_81 to %scan3A_83 step %scan3A_84  : i32 {
      %mul3A_125 = arith.constant 5 : i32
      %mul3A_126 = arith.muli %mul3A_125, %scan3A_124 : i32
      %add3A_127 = arith.constant 0 : i32
      %add3A_128 = arith.addi %mul3A_126, %add3A_127 : i32
      %dma_wait3A_129 = arith.constant 0 : i32
      %dma_wait3A_130 = tpu.memref_slice %arg7[%add3A_128, %dma_wait3A_129] : memref<320x32xi32, #tpu.memory_space<vmem>> -> memref<1x32xi32, #tpu.memory_space<vmem>>
      %dma_wait3A_131 = tpu.memref_squeeze %dma_wait3A_130 : memref<1x32xi32, #tpu.memory_space<vmem>> -> memref<32xi32, #tpu.memory_space<vmem>>
      %dma_wait3A_132 = arith.constant 0 : i32
      %dma_wait3A_133 = arith.constant 0 : i32
      %dma_wait3A_134 = tpu.memref_slice %arg4[%dma_wait3A_132, %dma_wait3A_133] : memref<10240x128xf32, #tpu.memory_space<hbm>> -> memref<10240x128xf32, #tpu.memory_space<hbm>>
      tpu.wait_indirect_dma semaphore(%arg15 : memref<!tpu.dma_semaphore, #tpu.memory_space<semaphore_mem>>) src(%dma_wait3A_134 : memref<10240x128xf32, #tpu.memory_space<hbm>>) dst(%arg9 : memref<32x128xf32, #tpu.memory_space<vmem>>)
      %add3A_135 = arith.constant 0 : i32
      %add3A_136 = arith.addi %mul3A_126, %add3A_135 : i32
      %dma_start3A_137 = arith.constant 0 : i32
      %dma_start3A_138 = tpu.memref_slice %arg8[%add3A_136, %dma_start3A_137] : memref<320x32xi32, #tpu.memory_space<vmem>> -> memref<1x32xi32, #tpu.memory_space<vmem>>
      %dma_start3A_139 = tpu.memref_squeeze %dma_start3A_138 : memref<1x32xi32, #tpu.memory_space<vmem>> -> memref<32xi32, #tpu.memory_space<vmem>>
      %dma_start3A_140 = arith.constant 0 : i32
      %dma_start3A_141 = arith.constant 0 : i32
      %dma_start3A_142 = tpu.memref_slice %arg14[%dma_start3A_140, %dma_start3A_141] : memref<10240x128xf32, #tpu.memory_space<vmem_shared>> -> memref<10240x128xf32, #tpu.memory_space<vmem_shared>>
      tpu.enqueue_indirect_dma source(%arg9 : memref<32x128xf32, #tpu.memory_space<vmem>>) target(%dma_start3A_142 : memref<10240x128xf32, #tpu.memory_space<vmem_shared>>) offsets(%dma_start3A_139 : memref<32xi32, #tpu.memory_space<vmem>>) semaphore(%arg20 : memref<!tpu.dma_semaphore, #tpu.memory_space<semaphore_mem>>) {add = true}
      %add3A_143 = arith.constant 1 : i32
      %add3A_144 = arith.addi %mul3A_126, %add3A_143 : i32
      %dma_wait3A_145 = arith.constant 0 : i32
      %dma_wait3A_146 = tpu.memref_slice %arg7[%add3A_144, %dma_wait3A_145] : memref<320x32xi32, #tpu.memory_space<vmem>> -> memref<1x32xi32, #tpu.memory_space<vmem>>
      %dma_wait3A_147 = tpu.memref_squeeze %dma_wait3A_146 : memref<1x32xi32, #tpu.memory_space<vmem>> -> memref<32xi32, #tpu.memory_space<vmem>>
      %dma_wait3A_148 = arith.constant 0 : i32
      %dma_wait3A_149 = arith.constant 0 : i32
      %dma_wait3A_150 = tpu.memref_slice %arg4[%dma_wait3A_148, %dma_wait3A_149] : memref<10240x128xf32, #tpu.memory_space<hbm>> -> memref<10240x128xf32, #tpu.memory_space<hbm>>
      tpu.wait_indirect_dma semaphore(%arg16 : memref<!tpu.dma_semaphore, #tpu.memory_space<semaphore_mem>>) src(%dma_wait3A_150 : memref<10240x128xf32, #tpu.memory_space<hbm>>) dst(%arg10 : memref<32x128xf32, #tpu.memory_space<vmem>>)
      %add3A_151 = arith.constant 1 : i32
      %add3A_152 = arith.addi %mul3A_126, %add3A_151 : i32
      %dma_start3A_153 = arith.constant 0 : i32
      %dma_start3A_154 = tpu.memref_slice %arg8[%add3A_152, %dma_start3A_153] : memref<320x32xi32, #tpu.memory_space<vmem>> -> memref<1x32xi32, #tpu.memory_space<vmem>>
      %dma_start3A_155 = tpu.memref_squeeze %dma_start3A_154 : memref<1x32xi32, #tpu.memory_space<vmem>> -> memref<32xi32, #tpu.memory_space<vmem>>
      %dma_start3A_156 = arith.constant 0 : i32
      %dma_start3A_157 = arith.constant 0 : i32
      %dma_start3A_158 = tpu.memref_slice %arg14[%dma_start3A_156, %dma_start3A_157] : memref<10240x128xf32, #tpu.memory_space<vmem_shared>> -> memref<10240x128xf32, #tpu.memory_space<vmem_shared>>
      tpu.enqueue_indirect_dma source(%arg10 : memref<32x128xf32, #tpu.memory_space<vmem>>) target(%dma_start3A_158 : memref<10240x128xf32, #tpu.memory_space<vmem_shared>>) offsets(%dma_start3A_155 : memref<32xi32, #tpu.memory_space<vmem>>) semaphore(%arg21 : memref<!tpu.dma_semaphore, #tpu.memory_space<semaphore_mem>>) {add = true}
      %add3A_159 = arith.constant 2 : i32
      %add3A_160 = arith.addi %mul3A_126, %add3A_159 : i32
      %dma_wait3A_161 = arith.constant 0 : i32
      %dma_wait3A_162 = tpu.memref_slice %arg7[%add3A_160, %dma_wait3A_161] : memref<320x32xi32, #tpu.memory_space<vmem>> -> memref<1x32xi32, #tpu.memory_space<vmem>>
      %dma_wait3A_163 = tpu.memref_squeeze %dma_wait3A_162 : memref<1x32xi32, #tpu.memory_space<vmem>> -> memref<32xi32, #tpu.memory_space<vmem>>
      %dma_wait3A_164 = arith.constant 0 : i32
      %dma_wait3A_165 = arith.constant 0 : i32
      %dma_wait3A_166 = tpu.memref_slice %arg4[%dma_wait3A_164, %dma_wait3A_165] : memref<10240x128xf32, #tpu.memory_space<hbm>> -> memref<10240x128xf32, #tpu.memory_space<hbm>>
      tpu.wait_indirect_dma semaphore(%arg17 : memref<!tpu.dma_semaphore, #tpu.memory_space<semaphore_mem>>) src(%dma_wait3A_166 : memref<10240x128xf32, #tpu.memory_space<hbm>>) dst(%arg11 : memref<32x128xf32, #tpu.memory_space<vmem>>)
      %add3A_167 = arith.constant 2 : i32
      %add3A_168 = arith.addi %mul3A_126, %add3A_167 : i32
      %dma_start3A_169 = arith.constant 0 : i32
      %dma_start3A_170 = tpu.memref_slice %arg8[%add3A_168, %dma_start3A_169] : memref<320x32xi32, #tpu.memory_space<vmem>> -> memref<1x32xi32, #tpu.memory_space<vmem>>
      %dma_start3A_171 = tpu.memref_squeeze %dma_start3A_170 : memref<1x32xi32, #tpu.memory_space<vmem>> -> memref<32xi32, #tpu.memory_space<vmem>>
      %dma_start3A_172 = arith.constant 0 : i32
      %dma_start3A_173 = arith.constant 0 : i32
      %dma_start3A_174 = tpu.memref_slice %arg14[%dma_start3A_172, %dma_start3A_173] : memref<10240x128xf32, #tpu.memory_space<vmem_shared>> -> memref<10240x128xf32, #tpu.memory_space<vmem_shared>>
      tpu.enqueue_indirect_dma source(%arg11 : memref<32x128xf32, #tpu.memory_space<vmem>>) target(%dma_start3A_174 : memref<10240x128xf32, #tpu.memory_space<vmem_shared>>) offsets(%dma_start3A_171 : memref<32xi32, #tpu.memory_space<vmem>>) semaphore(%arg22 : memref<!tpu.dma_semaphore, #tpu.memory_space<semaphore_mem>>) {add = true}
      %add3A_175 = arith.constant 3 : i32
      %add3A_176 = arith.addi %mul3A_126, %add3A_175 : i32
      %dma_wait3A_177 = arith.constant 0 : i32
      %dma_wait3A_178 = tpu.memref_slice %arg7[%add3A_176, %dma_wait3A_177] : memref<320x32xi32, #tpu.memory_space<vmem>> -> memref<1x32xi32, #tpu.memory_space<vmem>>
      %dma_wait3A_179 = tpu.memref_squeeze %dma_wait3A_178 : memref<1x32xi32, #tpu.memory_space<vmem>> -> memref<32xi32, #tpu.memory_space<vmem>>
      %dma_wait3A_180 = arith.constant 0 : i32
      %dma_wait3A_181 = arith.constant 0 : i32
      %dma_wait3A_182 = tpu.memref_slice %arg4[%dma_wait3A_180, %dma_wait3A_181] : memref<10240x128xf32, #tpu.memory_space<hbm>> -> memref<10240x128xf32, #tpu.memory_space<hbm>>
      tpu.wait_indirect_dma semaphore(%arg18 : memref<!tpu.dma_semaphore, #tpu.memory_space<semaphore_mem>>) src(%dma_wait3A_182 : memref<10240x128xf32, #tpu.memory_space<hbm>>) dst(%arg12 : memref<32x128xf32, #tpu.memory_space<vmem>>)
      %add3A_183 = arith.constant 3 : i32
      %add3A_184 = arith.addi %mul3A_126, %add3A_183 : i32
      %dma_start3A_185 = arith.constant 0 : i32
      %dma_start3A_186 = tpu.memref_slice %arg8[%add3A_184, %dma_start3A_185] : memref<320x32xi32, #tpu.memory_space<vmem>> -> memref<1x32xi32, #tpu.memory_space<vmem>>
      %dma_start3A_187 = tpu.memref_squeeze %dma_start3A_186 : memref<1x32xi32, #tpu.memory_space<vmem>> -> memref<32xi32, #tpu.memory_space<vmem>>
      %dma_start3A_188 = arith.constant 0 : i32
      %dma_start3A_189 = arith.constant 0 : i32
      %dma_start3A_190 = tpu.memref_slice %arg14[%dma_start3A_188, %dma_start3A_189] : memref<10240x128xf32, #tpu.memory_space<vmem_shared>> -> memref<10240x128xf32, #tpu.memory_space<vmem_shared>>
      tpu.enqueue_indirect_dma source(%arg12 : memref<32x128xf32, #tpu.memory_space<vmem>>) target(%dma_start3A_190 : memref<10240x128xf32, #tpu.memory_space<vmem_shared>>) offsets(%dma_start3A_187 : memref<32xi32, #tpu.memory_space<vmem>>) semaphore(%arg23 : memref<!tpu.dma_semaphore, #tpu.memory_space<semaphore_mem>>) {add = true}
      %add3A_191 = arith.constant 4 : i32
      %add3A_192 = arith.addi %mul3A_126, %add3A_191 : i32
      %dma_wait3A_193 = arith.constant 0 : i32
      %dma_wait3A_194 = tpu.memref_slice %arg7[%add3A_192, %dma_wait3A_193] : memref<320x32xi32, #tpu.memory_space<vmem>> -> memref<1x32xi32, #tpu.memory_space<vmem>>
      %dma_wait3A_195 = tpu.memref_squeeze %dma_wait3A_194 : memref<1x32xi32, #tpu.memory_space<vmem>> -> memref<32xi32, #tpu.memory_space<vmem>>
      %dma_wait3A_196 = arith.constant 0 : i32
      %dma_wait3A_197 = arith.constant 0 : i32
      %dma_wait3A_198 = tpu.memref_slice %arg4[%dma_wait3A_196, %dma_wait3A_197] : memref<10240x128xf32, #tpu.memory_space<hbm>> -> memref<10240x128xf32, #tpu.memory_space<hbm>>
      tpu.wait_indirect_dma semaphore(%arg19 : memref<!tpu.dma_semaphore, #tpu.memory_space<semaphore_mem>>) src(%dma_wait3A_198 : memref<10240x128xf32, #tpu.memory_space<hbm>>) dst(%arg13 : memref<32x128xf32, #tpu.memory_space<vmem>>)
      %add3A_199 = arith.constant 4 : i32
      %add3A_200 = arith.addi %mul3A_126, %add3A_199 : i32
      %dma_start3A_201 = arith.constant 0 : i32
      %dma_start3A_202 = tpu.memref_slice %arg8[%add3A_200, %dma_start3A_201] : memref<320x32xi32, #tpu.memory_space<vmem>> -> memref<1x32xi32, #tpu.memory_space<vmem>>
      %dma_start3A_203 = tpu.memref_squeeze %dma_start3A_202 : memref<1x32xi32, #tpu.memory_space<vmem>> -> memref<32xi32, #tpu.memory_space<vmem>>
      %dma_start3A_204 = arith.constant 0 : i32
      %dma_start3A_205 = arith.constant 0 : i32
      %dma_start3A_206 = tpu.memref_slice %arg14[%dma_start3A_204, %dma_start3A_205] : memref<10240x128xf32, #tpu.memory_space<vmem_shared>> -> memref<10240x128xf32, #tpu.memory_space<vmem_shared>>
      tpu.enqueue_indirect_dma source(%arg13 : memref<32x128xf32, #tpu.memory_space<vmem>>) target(%dma_start3A_206 : memref<10240x128xf32, #tpu.memory_space<vmem_shared>>) offsets(%dma_start3A_203 : memref<32xi32, #tpu.memory_space<vmem>>) semaphore(%arg24 : memref<!tpu.dma_semaphore, #tpu.memory_space<semaphore_mem>>) {add = true}
      %add3A_207 = arith.constant 5 : i32
      %add3A_208 = arith.addi %mul3A_126, %add3A_207 : i32
      %add3A_209 = arith.constant 0 : i32
      %add3A_210 = arith.addi %add3A_208, %add3A_209 : i32
      %lt3A = arith.constant 320 : i32
      %lt3A_211 = arith.cmpi slt, %add3A_210, %lt3A : i32
      %convert_element_type3A = arith.extui %lt3A_211 : i1 to i32
      %cond3A = arith.constant 0 : i32
      %cond3A_212 = arith.cmpi ne, %convert_element_type3A, %cond3A : i32
      scf.if %cond3A_212 {
        %dma_wait3A_249 = arith.constant 0 : i32
        %dma_wait3A_250 = arith.constant 0 : i32
        %dma_wait3A_251 = tpu.memref_slice %arg8[%dma_wait3A_249, %dma_wait3A_250] : memref<320x32xi32, #tpu.memory_space<vmem>> -> memref<1x32xi32, #tpu.memory_space<vmem>>
        %dma_wait3A_252 = tpu.memref_squeeze %dma_wait3A_251 : memref<1x32xi32, #tpu.memory_space<vmem>> -> memref<32xi32, #tpu.memory_space<vmem>>
        %dma_wait3A_253 = arith.constant 0 : i32
        %dma_wait3A_254 = arith.constant 0 : i32
        %dma_wait3A_255 = tpu.memref_slice %arg14[%dma_wait3A_253, %dma_wait3A_254] : memref<10240x128xf32, #tpu.memory_space<vmem_shared>> -> memref<10240x128xf32, #tpu.memory_space<vmem_shared>>
        tpu.wait_indirect_dma semaphore(%arg20 : memref<!tpu.dma_semaphore, #tpu.memory_space<semaphore_mem>>) src(%arg9 : memref<32x128xf32, #tpu.memory_space<vmem>>) dst(%dma_wait3A_255 : memref<10240x128xf32, #tpu.memory_space<vmem_shared>>)
        %add3A_256 = arith.constant 5 : i32
        %add3A_257 = arith.addi %mul3A_126, %add3A_256 : i32
        %add3A_258 = arith.constant 0 : i32
        %add3A_259 = arith.addi %add3A_257, %add3A_258 : i32
        %dma_start3A_260 = arith.constant 0 : i32
        %dma_start3A_261 = tpu.memref_slice %arg7[%add3A_259, %dma_start3A_260] : memref<320x32xi32, #tpu.memory_space<vmem>> -> memref<1x32xi32, #tpu.memory_space<vmem>>
        %dma_start3A_262 = tpu.memref_squeeze %dma_start3A_261 : memref<1x32xi32, #tpu.memory_space<vmem>> -> memref<32xi32, #tpu.memory_space<vmem>>
        %dma_start3A_263 = arith.constant 0 : i32
        %dma_start3A_264 = arith.constant 0 : i32
        %dma_start3A_265 = tpu.memref_slice %arg4[%dma_start3A_263, %dma_start3A_264] : memref<10240x128xf32, #tpu.memory_space<hbm>> -> memref<10240x128xf32, #tpu.memory_space<hbm>>
        tpu.enqueue_indirect_dma source(%dma_start3A_265 : memref<10240x128xf32, #tpu.memory_space<hbm>>) target(%arg9 : memref<32x128xf32, #tpu.memory_space<vmem>>) offsets(%dma_start3A_262 : memref<32xi32, #tpu.memory_space<vmem>>) semaphore(%arg15 : memref<!tpu.dma_semaphore, #tpu.memory_space<semaphore_mem>>)
      } else {
      }
      %add3A_213 = arith.constant 5 : i32
      %add3A_214 = arith.addi %mul3A_126, %add3A_213 : i32
      %add3A_215 = arith.constant 1 : i32
      %add3A_216 = arith.addi %add3A_214, %add3A_215 : i32
      %lt3A_217 = arith.constant 320 : i32
      %lt3A_218 = arith.cmpi slt, %add3A_216, %lt3A_217 : i32
      %convert_element_type3A_219 = arith.extui %lt3A_218 : i1 to i32
      %cond3A_220 = arith.constant 0 : i32
      %cond3A_221 = arith.cmpi ne, %convert_element_type3A_219, %cond3A_220 : i32
      scf.if %cond3A_221 {
        %dma_wait3A_249 = arith.constant 0 : i32
        %dma_wait3A_250 = arith.constant 0 : i32
        %dma_wait3A_251 = tpu.memref_slice %arg8[%dma_wait3A_249, %dma_wait3A_250] : memref<320x32xi32, #tpu.memory_space<vmem>> -> memref<1x32xi32, #tpu.memory_space<vmem>>
        %dma_wait3A_252 = tpu.memref_squeeze %dma_wait3A_251 : memref<1x32xi32, #tpu.memory_space<vmem>> -> memref<32xi32, #tpu.memory_space<vmem>>
        %dma_wait3A_253 = arith.constant 0 : i32
        %dma_wait3A_254 = arith.constant 0 : i32
        %dma_wait3A_255 = tpu.memref_slice %arg14[%dma_wait3A_253, %dma_wait3A_254] : memref<10240x128xf32, #tpu.memory_space<vmem_shared>> -> memref<10240x128xf32, #tpu.memory_space<vmem_shared>>
        tpu.wait_indirect_dma semaphore(%arg21 : memref<!tpu.dma_semaphore, #tpu.memory_space<semaphore_mem>>) src(%arg10 : memref<32x128xf32, #tpu.memory_space<vmem>>) dst(%dma_wait3A_255 : memref<10240x128xf32, #tpu.memory_space<vmem_shared>>)
        %add3A_256 = arith.constant 5 : i32
        %add3A_257 = arith.addi %mul3A_126, %add3A_256 : i32
        %add3A_258 = arith.constant 1 : i32
        %add3A_259 = arith.addi %add3A_257, %add3A_258 : i32
        %dma_start3A_260 = arith.constant 0 : i32
        %dma_start3A_261 = tpu.memref_slice %arg7[%add3A_259, %dma_start3A_260] : memref<320x32xi32, #tpu.memory_space<vmem>> -> memref<1x32xi32, #tpu.memory_space<vmem>>
        %dma_start3A_262 = tpu.memref_squeeze %dma_start3A_261 : memref<1x32xi32, #tpu.memory_space<vmem>> -> memref<32xi32, #tpu.memory_space<vmem>>
        %dma_start3A_263 = arith.constant 0 : i32
        %dma_start3A_264 = arith.constant 0 : i32
        %dma_start3A_265 = tpu.memref_slice %arg4[%dma_start3A_263, %dma_start3A_264] : memref<10240x128xf32, #tpu.memory_space<hbm>> -> memref<10240x128xf32, #tpu.memory_space<hbm>>
        tpu.enqueue_indirect_dma source(%dma_start3A_265 : memref<10240x128xf32, #tpu.memory_space<hbm>>) target(%arg10 : memref<32x128xf32, #tpu.memory_space<vmem>>) offsets(%dma_start3A_262 : memref<32xi32, #tpu.memory_space<vmem>>) semaphore(%arg16 : memref<!tpu.dma_semaphore, #tpu.memory_space<semaphore_mem>>)
      } else {
      }
      %add3A_222 = arith.constant 5 : i32
      %add3A_223 = arith.addi %mul3A_126, %add3A_222 : i32
      %add3A_224 = arith.constant 2 : i32
      %add3A_225 = arith.addi %add3A_223, %add3A_224 : i32
      %lt3A_226 = arith.constant 320 : i32
      %lt3A_227 = arith.cmpi slt, %add3A_225, %lt3A_226 : i32
      %convert_element_type3A_228 = arith.extui %lt3A_227 : i1 to i32
      %cond3A_229 = arith.constant 0 : i32
      %cond3A_230 = arith.cmpi ne, %convert_element_type3A_228, %cond3A_229 : i32
      scf.if %cond3A_230 {
        %dma_wait3A_249 = arith.constant 0 : i32
        %dma_wait3A_250 = arith.constant 0 : i32
        %dma_wait3A_251 = tpu.memref_slice %arg8[%dma_wait3A_249, %dma_wait3A_250] : memref<320x32xi32, #tpu.memory_space<vmem>> -> memref<1x32xi32, #tpu.memory_space<vmem>>
        %dma_wait3A_252 = tpu.memref_squeeze %dma_wait3A_251 : memref<1x32xi32, #tpu.memory_space<vmem>> -> memref<32xi32, #tpu.memory_space<vmem>>
        %dma_wait3A_253 = arith.constant 0 : i32
        %dma_wait3A_254 = arith.constant 0 : i32
        %dma_wait3A_255 = tpu.memref_slice %arg14[%dma_wait3A_253, %dma_wait3A_254] : memref<10240x128xf32, #tpu.memory_space<vmem_shared>> -> memref<10240x128xf32, #tpu.memory_space<vmem_shared>>
        tpu.wait_indirect_dma semaphore(%arg22 : memref<!tpu.dma_semaphore, #tpu.memory_space<semaphore_mem>>) src(%arg11 : memref<32x128xf32, #tpu.memory_space<vmem>>) dst(%dma_wait3A_255 : memref<10240x128xf32, #tpu.memory_space<vmem_shared>>)
        %add3A_256 = arith.constant 5 : i32
        %add3A_257 = arith.addi %mul3A_126, %add3A_256 : i32
        %add3A_258 = arith.constant 2 : i32
        %add3A_259 = arith.addi %add3A_257, %add3A_258 : i32
        %dma_start3A_260 = arith.constant 0 : i32
        %dma_start3A_261 = tpu.memref_slice %arg7[%add3A_259, %dma_start3A_260] : memref<320x32xi32, #tpu.memory_space<vmem>> -> memref<1x32xi32, #tpu.memory_space<vmem>>
        %dma_start3A_262 = tpu.memref_squeeze %dma_start3A_261 : memref<1x32xi32, #tpu.memory_space<vmem>> -> memref<32xi32, #tpu.memory_space<vmem>>
        %dma_start3A_263 = arith.constant 0 : i32
        %dma_start3A_264 = arith.constant 0 : i32
        %dma_start3A_265 = tpu.memref_slice %arg4[%dma_start3A_263, %dma_start3A_264] : memref<10240x128xf32, #tpu.memory_space<hbm>> -> memref<10240x128xf32, #tpu.memory_space<hbm>>
        tpu.enqueue_indirect_dma source(%dma_start3A_265 : memref<10240x128xf32, #tpu.memory_space<hbm>>) target(%arg11 : memref<32x128xf32, #tpu.memory_space<vmem>>) offsets(%dma_start3A_262 : memref<32xi32, #tpu.memory_space<vmem>>) semaphore(%arg17 : memref<!tpu.dma_semaphore, #tpu.memory_space<semaphore_mem>>)
      } else {
      }
      %add3A_231 = arith.constant 5 : i32
      %add3A_232 = arith.addi %mul3A_126, %add3A_231 : i32
      %add3A_233 = arith.constant 3 : i32
      %add3A_234 = arith.addi %add3A_232, %add3A_233 : i32
      %lt3A_235 = arith.constant 320 : i32
      %lt3A_236 = arith.cmpi slt, %add3A_234, %lt3A_235 : i32
      %convert_element_type3A_237 = arith.extui %lt3A_236 : i1 to i32
      %cond3A_238 = arith.constant 0 : i32
      %cond3A_239 = arith.cmpi ne, %convert_element_type3A_237, %cond3A_238 : i32
      scf.if %cond3A_239 {
        %dma_wait3A_249 = arith.constant 0 : i32
        %dma_wait3A_250 = arith.constant 0 : i32
        %dma_wait3A_251 = tpu.memref_slice %arg8[%dma_wait3A_249, %dma_wait3A_250] : memref<320x32xi32, #tpu.memory_space<vmem>> -> memref<1x32xi32, #tpu.memory_space<vmem>>
        %dma_wait3A_252 = tpu.memref_squeeze %dma_wait3A_251 : memref<1x32xi32, #tpu.memory_space<vmem>> -> memref<32xi32, #tpu.memory_space<vmem>>
        %dma_wait3A_253 = arith.constant 0 : i32
        %dma_wait3A_254 = arith.constant 0 : i32
        %dma_wait3A_255 = tpu.memref_slice %arg14[%dma_wait3A_253, %dma_wait3A_254] : memref<10240x128xf32, #tpu.memory_space<vmem_shared>> -> memref<10240x128xf32, #tpu.memory_space<vmem_shared>>
        tpu.wait_indirect_dma semaphore(%arg23 : memref<!tpu.dma_semaphore, #tpu.memory_space<semaphore_mem>>) src(%arg12 : memref<32x128xf32, #tpu.memory_space<vmem>>) dst(%dma_wait3A_255 : memref<10240x128xf32, #tpu.memory_space<vmem_shared>>)
        %add3A_256 = arith.constant 5 : i32
        %add3A_257 = arith.addi %mul3A_126, %add3A_256 : i32
        %add3A_258 = arith.constant 3 : i32
        %add3A_259 = arith.addi %add3A_257, %add3A_258 : i32
        %dma_start3A_260 = arith.constant 0 : i32
        %dma_start3A_261 = tpu.memref_slice %arg7[%add3A_259, %dma_start3A_260] : memref<320x32xi32, #tpu.memory_space<vmem>> -> memref<1x32xi32, #tpu.memory_space<vmem>>
        %dma_start3A_262 = tpu.memref_squeeze %dma_start3A_261 : memref<1x32xi32, #tpu.memory_space<vmem>> -> memref<32xi32, #tpu.memory_space<vmem>>
        %dma_start3A_263 = arith.constant 0 : i32
        %dma_start3A_264 = arith.constant 0 : i32
        %dma_start3A_265 = tpu.memref_slice %arg4[%dma_start3A_263, %dma_start3A_264] : memref<10240x128xf32, #tpu.memory_space<hbm>> -> memref<10240x128xf32, #tpu.memory_space<hbm>>
        tpu.enqueue_indirect_dma source(%dma_start3A_265 : memref<10240x128xf32, #tpu.memory_space<hbm>>) target(%arg12 : memref<32x128xf32, #tpu.memory_space<vmem>>) offsets(%dma_start3A_262 : memref<32xi32, #tpu.memory_space<vmem>>) semaphore(%arg18 : memref<!tpu.dma_semaphore, #tpu.memory_space<semaphore_mem>>)
      } else {
      }
      %add3A_240 = arith.constant 5 : i32
      %add3A_241 = arith.addi %mul3A_126, %add3A_240 : i32
      %add3A_242 = arith.constant 4 : i32
      %add3A_243 = arith.addi %add3A_241, %add3A_242 : i32
      %lt3A_244 = arith.constant 320 : i32
      %lt3A_245 = arith.cmpi slt, %add3A_243, %lt3A_244 : i32
      %convert_element_type3A_246 = arith.extui %lt3A_245 : i1 to i32
      %cond3A_247 = arith.constant 0 : i32
      %cond3A_248 = arith.cmpi ne, %convert_element_type3A_246, %cond3A_247 : i32
      scf.if %cond3A_248 {
        %dma_wait3A_249 = arith.constant 0 : i32
        %dma_wait3A_250 = arith.constant 0 : i32
        %dma_wait3A_251 = tpu.memref_slice %arg8[%dma_wait3A_249, %dma_wait3A_250] : memref<320x32xi32, #tpu.memory_space<vmem>> -> memref<1x32xi32, #tpu.memory_space<vmem>>
        %dma_wait3A_252 = tpu.memref_squeeze %dma_wait3A_251 : memref<1x32xi32, #tpu.memory_space<vmem>> -> memref<32xi32, #tpu.memory_space<vmem>>
        %dma_wait3A_253 = arith.constant 0 : i32
        %dma_wait3A_254 = arith.constant 0 : i32
        %dma_wait3A_255 = tpu.memref_slice %arg14[%dma_wait3A_253, %dma_wait3A_254] : memref<10240x128xf32, #tpu.memory_space<vmem_shared>> -> memref<10240x128xf32, #tpu.memory_space<vmem_shared>>
        tpu.wait_indirect_dma semaphore(%arg24 : memref<!tpu.dma_semaphore, #tpu.memory_space<semaphore_mem>>) src(%arg13 : memref<32x128xf32, #tpu.memory_space<vmem>>) dst(%dma_wait3A_255 : memref<10240x128xf32, #tpu.memory_space<vmem_shared>>)
        %add3A_256 = arith.constant 5 : i32
        %add3A_257 = arith.addi %mul3A_126, %add3A_256 : i32
        %add3A_258 = arith.constant 4 : i32
        %add3A_259 = arith.addi %add3A_257, %add3A_258 : i32
        %dma_start3A_260 = arith.constant 0 : i32
        %dma_start3A_261 = tpu.memref_slice %arg7[%add3A_259, %dma_start3A_260] : memref<320x32xi32, #tpu.memory_space<vmem>> -> memref<1x32xi32, #tpu.memory_space<vmem>>
        %dma_start3A_262 = tpu.memref_squeeze %dma_start3A_261 : memref<1x32xi32, #tpu.memory_space<vmem>> -> memref<32xi32, #tpu.memory_space<vmem>>
        %dma_start3A_263 = arith.constant 0 : i32
        %dma_start3A_264 = arith.constant 0 : i32
        %dma_start3A_265 = tpu.memref_slice %arg4[%dma_start3A_263, %dma_start3A_264] : memref<10240x128xf32, #tpu.memory_space<hbm>> -> memref<10240x128xf32, #tpu.memory_space<hbm>>
        tpu.enqueue_indirect_dma source(%dma_start3A_265 : memref<10240x128xf32, #tpu.memory_space<hbm>>) target(%arg13 : memref<32x128xf32, #tpu.memory_space<vmem>>) offsets(%dma_start3A_262 : memref<32xi32, #tpu.memory_space<vmem>>) semaphore(%arg19 : memref<!tpu.dma_semaphore, #tpu.memory_space<semaphore_mem>>)
      } else {
      }
    }
    %scan3A_85 = arith.constant 64 : i32
    %dma_wait3A = arith.constant 0 : i32
    %dma_wait3A_86 = arith.constant 0 : i32
    %dma_wait3A_87 = tpu.memref_slice %arg8[%dma_wait3A, %dma_wait3A_86] : memref<320x32xi32, #tpu.memory_space<vmem>> -> memref<1x32xi32, #tpu.memory_space<vmem>>
    %dma_wait3A_88 = tpu.memref_squeeze %dma_wait3A_87 : memref<1x32xi32, #tpu.memory_space<vmem>> -> memref<32xi32, #tpu.memory_space<vmem>>
    %dma_wait3A_89 = arith.constant 0 : i32
    %dma_wait3A_90 = arith.constant 0 : i32
    %dma_wait3A_91 = tpu.memref_slice %arg14[%dma_wait3A_89, %dma_wait3A_90] : memref<10240x128xf32, #tpu.memory_space<vmem_shared>> -> memref<10240x128xf32, #tpu.memory_space<vmem_shared>>
    tpu.wait_indirect_dma semaphore(%arg20 : memref<!tpu.dma_semaphore, #tpu.memory_space<semaphore_mem>>) src(%arg9 : memref<32x128xf32, #tpu.memory_space<vmem>>) dst(%dma_wait3A_91 : memref<10240x128xf32, #tpu.memory_space<vmem_shared>>)
    %dma_wait3A_92 = arith.constant 0 : i32
    %dma_wait3A_93 = arith.constant 0 : i32
    %dma_wait3A_94 = tpu.memref_slice %arg8[%dma_wait3A_92, %dma_wait3A_93] : memref<320x32xi32, #tpu.memory_space<vmem>> -> memref<1x32xi32, #tpu.memory_space<vmem>>
    %dma_wait3A_95 = tpu.memref_squeeze %dma_wait3A_94 : memref<1x32xi32, #tpu.memory_space<vmem>> -> memref<32xi32, #tpu.memory_space<vmem>>
    %dma_wait3A_96 = arith.constant 0 : i32
    %dma_wait3A_97 = arith.constant 0 : i32
    %dma_wait3A_98 = tpu.memref_slice %arg14[%dma_wait3A_96, %dma_wait3A_97] : memref<10240x128xf32, #tpu.memory_space<vmem_shared>> -> memref<10240x128xf32, #tpu.memory_space<vmem_shared>>
    tpu.wait_indirect_dma semaphore(%arg21 : memref<!tpu.dma_semaphore, #tpu.memory_space<semaphore_mem>>) src(%arg10 : memref<32x128xf32, #tpu.memory_space<vmem>>) dst(%dma_wait3A_98 : memref<10240x128xf32, #tpu.memory_space<vmem_shared>>)
    %dma_wait3A_99 = arith.constant 0 : i32
    %dma_wait3A_100 = arith.constant 0 : i32
    %dma_wait3A_101 = tpu.memref_slice %arg8[%dma_wait3A_99, %dma_wait3A_100] : memref<320x32xi32, #tpu.memory_space<vmem>> -> memref<1x32xi32, #tpu.memory_space<vmem>>
    %dma_wait3A_102 = tpu.memref_squeeze %dma_wait3A_101 : memref<1x32xi32, #tpu.memory_space<vmem>> -> memref<32xi32, #tpu.memory_space<vmem>>
    %dma_wait3A_103 = arith.constant 0 : i32
    %dma_wait3A_104 = arith.constant 0 : i32
    %dma_wait3A_105 = tpu.memref_slice %arg14[%dma_wait3A_103, %dma_wait3A_104] : memref<10240x128xf32, #tpu.memory_space<vmem_shared>> -> memref<10240x128xf32, #tpu.memory_space<vmem_shared>>
    tpu.wait_indirect_dma semaphore(%arg22 : memref<!tpu.dma_semaphore, #tpu.memory_space<semaphore_mem>>) src(%arg11 : memref<32x128xf32, #tpu.memory_space<vmem>>) dst(%dma_wait3A_105 : memref<10240x128xf32, #tpu.memory_space<vmem_shared>>)
    %dma_wait3A_106 = arith.constant 0 : i32
    %dma_wait3A_107 = arith.constant 0 : i32
    %dma_wait3A_108 = tpu.memref_slice %arg8[%dma_wait3A_106, %dma_wait3A_107] : memref<320x32xi32, #tpu.memory_space<vmem>> -> memref<1x32xi32, #tpu.memory_space<vmem>>
    %dma_wait3A_109 = tpu.memref_squeeze %dma_wait3A_108 : memref<1x32xi32, #tpu.memory_space<vmem>> -> memref<32xi32, #tpu.memory_space<vmem>>
    %dma_wait3A_110 = arith.constant 0 : i32
    %dma_wait3A_111 = arith.constant 0 : i32
    %dma_wait3A_112 = tpu.memref_slice %arg14[%dma_wait3A_110, %dma_wait3A_111] : memref<10240x128xf32, #tpu.memory_space<vmem_shared>> -> memref<10240x128xf32, #tpu.memory_space<vmem_shared>>
    tpu.wait_indirect_dma semaphore(%arg23 : memref<!tpu.dma_semaphore, #tpu.memory_space<semaphore_mem>>) src(%arg12 : memref<32x128xf32, #tpu.memory_space<vmem>>) dst(%dma_wait3A_112 : memref<10240x128xf32, #tpu.memory_space<vmem_shared>>)
    %dma_wait3A_113 = arith.constant 0 : i32
    %dma_wait3A_114 = arith.constant 0 : i32
    %dma_wait3A_115 = tpu.memref_slice %arg8[%dma_wait3A_113, %dma_wait3A_114] : memref<320x32xi32, #tpu.memory_space<vmem>> -> memref<1x32xi32, #tpu.memory_space<vmem>>
    %dma_wait3A_116 = tpu.memref_squeeze %dma_wait3A_115 : memref<1x32xi32, #tpu.memory_space<vmem>> -> memref<32xi32, #tpu.memory_space<vmem>>
    %dma_wait3A_117 = arith.constant 0 : i32
    %dma_wait3A_118 = arith.constant 0 : i32
    %dma_wait3A_119 = tpu.memref_slice %arg14[%dma_wait3A_117, %dma_wait3A_118] : memref<10240x128xf32, #tpu.memory_space<vmem_shared>> -> memref<10240x128xf32, #tpu.memory_space<vmem_shared>>
    tpu.wait_indirect_dma semaphore(%arg24 : memref<!tpu.dma_semaphore, #tpu.memory_space<semaphore_mem>>) src(%arg13 : memref<32x128xf32, #tpu.memory_space<vmem>>) dst(%dma_wait3A_119 : memref<10240x128xf32, #tpu.memory_space<vmem_shared>>)
    %barrier3A_120 = arith.constant 0 : index
    tpu.barrier barrier_id(%barrier3A_120)
    %mul3A_121 = arith.constant 10240 : i32
    %mul3A_122 = arith.muli %arg0, %mul3A_121 : i32
    %add3A_123 = arith.addi %mul3A_122, %mul3A_0 : i32
    "tpu.region"() ({
      %run_scoped3A = tpu.sem_alloc : memref<!tpu.dma_semaphore, #tpu.memory_space<semaphore_mem>>
      %dma_start3A_124 = arith.constant 0 : i32
      %dma_start3A_125 = tpu.memref_slice %arg6[%add3A_123, %dma_start3A_124] : memref<20480x128xf32, #tpu.memory_space<hbm>> -> memref<640x128xf32, #tpu.memory_space<hbm>>
      %dma_start3A_126 = arith.constant 0 : i32
      %dma_start3A_127 = tpu.memref_slice %arg14[%mul3A_0, %dma_start3A_126] : memref<10240x128xf32, #tpu.memory_space<vmem_shared>> -> memref<640x128xf32, #tpu.memory_space<vmem_shared>>
      tpu.enqueue_dma source(%dma_start3A_127 : memref<640x128xf32, #tpu.memory_space<vmem_shared>>) target(%dma_start3A_125 : memref<640x128xf32, #tpu.memory_space<hbm>>) target_semaphore(%run_scoped3A : memref<!tpu.dma_semaphore, #tpu.memory_space<semaphore_mem>>)
      %dma_wait3A_128 = arith.constant 0 : i32
      %dma_wait3A_129 = tpu.memref_slice %arg6[%add3A_123, %dma_wait3A_128] : memref<20480x128xf32, #tpu.memory_space<hbm>> -> memref<640x128xf32, #tpu.memory_space<hbm>>
      %dma_wait3A_130 = arith.constant 0 : i32
      %dma_wait3A_131 = tpu.memref_slice %arg14[%mul3A_0, %dma_wait3A_130] : memref<10240x128xf32, #tpu.memory_space<vmem_shared>> -> memref<640x128xf32, #tpu.memory_space<vmem_shared>>
      tpu.wait_dma2 semaphore(%run_scoped3A : memref<!tpu.dma_semaphore, #tpu.memory_space<semaphore_mem>>) src(%dma_wait3A_131 : memref<640x128xf32, #tpu.memory_space<vmem_shared>>) dst(%dma_wait3A_129 : memref<640x128xf32, #tpu.memory_space<hbm>>)
      tpu.yield
    }) : () -> ()
    return
  }
}

#map = affine_map<(d0, d1) -> (0, 0)>
module attributes {stable_mosaic.version = 14 : i64} {
  func.func @_deg_body(%arg0: i32, %arg1: i32, %arg2: memref<2560x128xi32, #tpu.memory_space<hbm>>, %arg3: memref<128x8xf32, #tpu.memory_space<hbm>>, %arg4: memref<128x8xf32, #tpu.memory_space<hbm>>, %arg5: memref<20480x8xf32, #tpu.memory_space<hbm>>, %arg6: memref<80x128xi32, #tpu.memory_space<vmem>>, %arg7: memref<128x8xf32, #tpu.memory_space<vmem>>, %arg8: memref<128x8xf32, #tpu.memory_space<vmem>>, %arg9: memref<10240x8xf32, #tpu.memory_space<vmem_shared>>) attributes {dimension_semantics = [#tpu.dimension_semantics<core_parallel>, #tpu.dimension_semantics<subcore_parallel>], iteration_bounds = array<i64: 2, 16>, scalar_prefetch = 0 : i64, scratch_operands = 4 : i64, tpu.core_type = #tpu.core_type<sc_vector_subcore>, window_params = [{transform_indices = #map}, {transform_indices = #map}, {transform_indices = #map}, {transform_indices = #map}]} {
    %mul3A = arith.constant 640 : i32
    %mul3A_0 = arith.muli %arg1, %mul3A : i32
    "tpu.region"() ({
      %run_scoped3A = tpu.sem_alloc : memref<!tpu.dma_semaphore, #tpu.memory_space<semaphore_mem>>
      tpu.enqueue_dma source(%arg4 : memref<128x8xf32, #tpu.memory_space<hbm>>) target(%arg8 : memref<128x8xf32, #tpu.memory_space<vmem>>) target_semaphore(%run_scoped3A : memref<!tpu.dma_semaphore, #tpu.memory_space<semaphore_mem>>)
      tpu.wait_dma2 semaphore(%run_scoped3A : memref<!tpu.dma_semaphore, #tpu.memory_space<semaphore_mem>>) src(%arg4 : memref<128x8xf32, #tpu.memory_space<hbm>>) dst(%arg8 : memref<128x8xf32, #tpu.memory_space<vmem>>)
      tpu.yield
    }) : () -> ()
    %add3A = arith.constant 0 : i32
    %add3A_1 = arith.addi %mul3A_0, %add3A : i32
    "tpu.region"() ({
      %run_scoped3A = tpu.sem_alloc : memref<!tpu.dma_semaphore, #tpu.memory_space<semaphore_mem>>
      %dma_start3A = arith.constant 0 : i32
      %dma_start3A_24 = tpu.memref_slice %arg9[%add3A_1, %dma_start3A] : memref<10240x8xf32, #tpu.memory_space<vmem_shared>> -> memref<128x8xf32, #tpu.memory_space<vmem_shared>>
      %dma_start3A_25 = arith.constant 0 : i32
      %dma_start3A_26 = tpu.memref_slice %arg9[%add3A_1, %dma_start3A_25] : memref<10240x8xf32, #tpu.memory_space<vmem_shared>> -> memref<128x8xf32, #tpu.memory_space<vmem_shared>>
      tpu.enqueue_dma source(%arg8 : memref<128x8xf32, #tpu.memory_space<vmem>>) target(%dma_start3A_26 : memref<128x8xf32, #tpu.memory_space<vmem_shared>>) target_semaphore(%run_scoped3A : memref<!tpu.dma_semaphore, #tpu.memory_space<semaphore_mem>>)
      %dma_wait3A = arith.constant 0 : i32
      %dma_wait3A_27 = tpu.memref_slice %arg9[%add3A_1, %dma_wait3A] : memref<10240x8xf32, #tpu.memory_space<vmem_shared>> -> memref<128x8xf32, #tpu.memory_space<vmem_shared>>
      %dma_wait3A_28 = arith.constant 0 : i32
      %dma_wait3A_29 = tpu.memref_slice %arg9[%add3A_1, %dma_wait3A_28] : memref<10240x8xf32, #tpu.memory_space<vmem_shared>> -> memref<128x8xf32, #tpu.memory_space<vmem_shared>>
      tpu.wait_dma2 semaphore(%run_scoped3A : memref<!tpu.dma_semaphore, #tpu.memory_space<semaphore_mem>>) src(%arg8 : memref<128x8xf32, #tpu.memory_space<vmem>>) dst(%dma_wait3A_29 : memref<128x8xf32, #tpu.memory_space<vmem_shared>>)
      tpu.yield
    }) : () -> ()
    %add3A_2 = arith.constant 128 : i32
    %add3A_3 = arith.addi %mul3A_0, %add3A_2 : i32
    "tpu.region"() ({
      %run_scoped3A = tpu.sem_alloc : memref<!tpu.dma_semaphore, #tpu.memory_space<semaphore_mem>>
      %dma_start3A = arith.constant 0 : i32
      %dma_start3A_24 = tpu.memref_slice %arg9[%add3A_3, %dma_start3A] : memref<10240x8xf32, #tpu.memory_space<vmem_shared>> -> memref<128x8xf32, #tpu.memory_space<vmem_shared>>
      %dma_start3A_25 = arith.constant 0 : i32
      %dma_start3A_26 = tpu.memref_slice %arg9[%add3A_3, %dma_start3A_25] : memref<10240x8xf32, #tpu.memory_space<vmem_shared>> -> memref<128x8xf32, #tpu.memory_space<vmem_shared>>
      tpu.enqueue_dma source(%arg8 : memref<128x8xf32, #tpu.memory_space<vmem>>) target(%dma_start3A_26 : memref<128x8xf32, #tpu.memory_space<vmem_shared>>) target_semaphore(%run_scoped3A : memref<!tpu.dma_semaphore, #tpu.memory_space<semaphore_mem>>)
      %dma_wait3A = arith.constant 0 : i32
      %dma_wait3A_27 = tpu.memref_slice %arg9[%add3A_3, %dma_wait3A] : memref<10240x8xf32, #tpu.memory_space<vmem_shared>> -> memref<128x8xf32, #tpu.memory_space<vmem_shared>>
      %dma_wait3A_28 = arith.constant 0 : i32
      %dma_wait3A_29 = tpu.memref_slice %arg9[%add3A_3, %dma_wait3A_28] : memref<10240x8xf32, #tpu.memory_space<vmem_shared>> -> memref<128x8xf32, #tpu.memory_space<vmem_shared>>
      tpu.wait_dma2 semaphore(%run_scoped3A : memref<!tpu.dma_semaphore, #tpu.memory_space<semaphore_mem>>) src(%arg8 : memref<128x8xf32, #tpu.memory_space<vmem>>) dst(%dma_wait3A_29 : memref<128x8xf32, #tpu.memory_space<vmem_shared>>)
      tpu.yield
    }) : () -> ()
    %add3A_4 = arith.constant 256 : i32
    %add3A_5 = arith.addi %mul3A_0, %add3A_4 : i32
    "tpu.region"() ({
      %run_scoped3A = tpu.sem_alloc : memref<!tpu.dma_semaphore, #tpu.memory_space<semaphore_mem>>
      %dma_start3A = arith.constant 0 : i32
      %dma_start3A_24 = tpu.memref_slice %arg9[%add3A_5, %dma_start3A] : memref<10240x8xf32, #tpu.memory_space<vmem_shared>> -> memref<128x8xf32, #tpu.memory_space<vmem_shared>>
      %dma_start3A_25 = arith.constant 0 : i32
      %dma_start3A_26 = tpu.memref_slice %arg9[%add3A_5, %dma_start3A_25] : memref<10240x8xf32, #tpu.memory_space<vmem_shared>> -> memref<128x8xf32, #tpu.memory_space<vmem_shared>>
      tpu.enqueue_dma source(%arg8 : memref<128x8xf32, #tpu.memory_space<vmem>>) target(%dma_start3A_26 : memref<128x8xf32, #tpu.memory_space<vmem_shared>>) target_semaphore(%run_scoped3A : memref<!tpu.dma_semaphore, #tpu.memory_space<semaphore_mem>>)
      %dma_wait3A = arith.constant 0 : i32
      %dma_wait3A_27 = tpu.memref_slice %arg9[%add3A_5, %dma_wait3A] : memref<10240x8xf32, #tpu.memory_space<vmem_shared>> -> memref<128x8xf32, #tpu.memory_space<vmem_shared>>
      %dma_wait3A_28 = arith.constant 0 : i32
      %dma_wait3A_29 = tpu.memref_slice %arg9[%add3A_5, %dma_wait3A_28] : memref<10240x8xf32, #tpu.memory_space<vmem_shared>> -> memref<128x8xf32, #tpu.memory_space<vmem_shared>>
      tpu.wait_dma2 semaphore(%run_scoped3A : memref<!tpu.dma_semaphore, #tpu.memory_space<semaphore_mem>>) src(%arg8 : memref<128x8xf32, #tpu.memory_space<vmem>>) dst(%dma_wait3A_29 : memref<128x8xf32, #tpu.memory_space<vmem_shared>>)
      tpu.yield
    }) : () -> ()
    %add3A_6 = arith.constant 384 : i32
    %add3A_7 = arith.addi %mul3A_0, %add3A_6 : i32
    "tpu.region"() ({
      %run_scoped3A = tpu.sem_alloc : memref<!tpu.dma_semaphore, #tpu.memory_space<semaphore_mem>>
      %dma_start3A = arith.constant 0 : i32
      %dma_start3A_24 = tpu.memref_slice %arg9[%add3A_7, %dma_start3A] : memref<10240x8xf32, #tpu.memory_space<vmem_shared>> -> memref<128x8xf32, #tpu.memory_space<vmem_shared>>
      %dma_start3A_25 = arith.constant 0 : i32
      %dma_start3A_26 = tpu.memref_slice %arg9[%add3A_7, %dma_start3A_25] : memref<10240x8xf32, #tpu.memory_space<vmem_shared>> -> memref<128x8xf32, #tpu.memory_space<vmem_shared>>
      tpu.enqueue_dma source(%arg8 : memref<128x8xf32, #tpu.memory_space<vmem>>) target(%dma_start3A_26 : memref<128x8xf32, #tpu.memory_space<vmem_shared>>) target_semaphore(%run_scoped3A : memref<!tpu.dma_semaphore, #tpu.memory_space<semaphore_mem>>)
      %dma_wait3A = arith.constant 0 : i32
      %dma_wait3A_27 = tpu.memref_slice %arg9[%add3A_7, %dma_wait3A] : memref<10240x8xf32, #tpu.memory_space<vmem_shared>> -> memref<128x8xf32, #tpu.memory_space<vmem_shared>>
      %dma_wait3A_28 = arith.constant 0 : i32
      %dma_wait3A_29 = tpu.memref_slice %arg9[%add3A_7, %dma_wait3A_28] : memref<10240x8xf32, #tpu.memory_space<vmem_shared>> -> memref<128x8xf32, #tpu.memory_space<vmem_shared>>
      tpu.wait_dma2 semaphore(%run_scoped3A : memref<!tpu.dma_semaphore, #tpu.memory_space<semaphore_mem>>) src(%arg8 : memref<128x8xf32, #tpu.memory_space<vmem>>) dst(%dma_wait3A_29 : memref<128x8xf32, #tpu.memory_space<vmem_shared>>)
      tpu.yield
    }) : () -> ()
    %add3A_8 = arith.constant 512 : i32
    %add3A_9 = arith.addi %mul3A_0, %add3A_8 : i32
    "tpu.region"() ({
      %run_scoped3A = tpu.sem_alloc : memref<!tpu.dma_semaphore, #tpu.memory_space<semaphore_mem>>
      %dma_start3A = arith.constant 0 : i32
      %dma_start3A_24 = tpu.memref_slice %arg9[%add3A_9, %dma_start3A] : memref<10240x8xf32, #tpu.memory_space<vmem_shared>> -> memref<128x8xf32, #tpu.memory_space<vmem_shared>>
      %dma_start3A_25 = arith.constant 0 : i32
      %dma_start3A_26 = tpu.memref_slice %arg9[%add3A_9, %dma_start3A_25] : memref<10240x8xf32, #tpu.memory_space<vmem_shared>> -> memref<128x8xf32, #tpu.memory_space<vmem_shared>>
      tpu.enqueue_dma source(%arg8 : memref<128x8xf32, #tpu.memory_space<vmem>>) target(%dma_start3A_26 : memref<128x8xf32, #tpu.memory_space<vmem_shared>>) target_semaphore(%run_scoped3A : memref<!tpu.dma_semaphore, #tpu.memory_space<semaphore_mem>>)
      %dma_wait3A = arith.constant 0 : i32
      %dma_wait3A_27 = tpu.memref_slice %arg9[%add3A_9, %dma_wait3A] : memref<10240x8xf32, #tpu.memory_space<vmem_shared>> -> memref<128x8xf32, #tpu.memory_space<vmem_shared>>
      %dma_wait3A_28 = arith.constant 0 : i32
      %dma_wait3A_29 = tpu.memref_slice %arg9[%add3A_9, %dma_wait3A_28] : memref<10240x8xf32, #tpu.memory_space<vmem_shared>> -> memref<128x8xf32, #tpu.memory_space<vmem_shared>>
      tpu.wait_dma2 semaphore(%run_scoped3A : memref<!tpu.dma_semaphore, #tpu.memory_space<semaphore_mem>>) src(%arg8 : memref<128x8xf32, #tpu.memory_space<vmem>>) dst(%dma_wait3A_29 : memref<128x8xf32, #tpu.memory_space<vmem_shared>>)
      tpu.yield
    }) : () -> ()
    "tpu.region"() ({
      %run_scoped3A = tpu.sem_alloc : memref<!tpu.dma_semaphore, #tpu.memory_space<semaphore_mem>>
      tpu.enqueue_dma source(%arg3 : memref<128x8xf32, #tpu.memory_space<hbm>>) target(%arg7 : memref<128x8xf32, #tpu.memory_space<vmem>>) target_semaphore(%run_scoped3A : memref<!tpu.dma_semaphore, #tpu.memory_space<semaphore_mem>>)
      tpu.wait_dma2 semaphore(%run_scoped3A : memref<!tpu.dma_semaphore, #tpu.memory_space<semaphore_mem>>) src(%arg3 : memref<128x8xf32, #tpu.memory_space<hbm>>) dst(%arg7 : memref<128x8xf32, #tpu.memory_space<vmem>>)
      tpu.yield
    }) : () -> ()
    %mul3A_10 = arith.constant 2 : i32
    %mul3A_11 = arith.muli %arg1, %mul3A_10 : i32
    %add3A_12 = arith.addi %mul3A_11, %arg0 : i32
    %mul3A_13 = arith.constant 80 : i32
    %mul3A_14 = arith.muli %add3A_12, %mul3A_13 : i32
    "tpu.region"() ({
      %run_scoped3A = tpu.sem_alloc : memref<!tpu.dma_semaphore, #tpu.memory_space<semaphore_mem>>
      %dma_start3A = arith.constant 0 : i32
      %dma_start3A_24 = tpu.memref_slice %arg2[%mul3A_14, %dma_start3A] : memref<2560x128xi32, #tpu.memory_space<hbm>> -> memref<80x128xi32, #tpu.memory_space<hbm>>
      %dma_start3A_25 = arith.constant 0 : i32
      %dma_start3A_26 = tpu.memref_slice %arg2[%mul3A_14, %dma_start3A_25] : memref<2560x128xi32, #tpu.memory_space<hbm>> -> memref<80x128xi32, #tpu.memory_space<hbm>>
      tpu.enqueue_dma source(%dma_start3A_26 : memref<80x128xi32, #tpu.memory_space<hbm>>) target(%arg6 : memref<80x128xi32, #tpu.memory_space<vmem>>) target_semaphore(%run_scoped3A : memref<!tpu.dma_semaphore, #tpu.memory_space<semaphore_mem>>)
      %dma_wait3A = arith.constant 0 : i32
      %dma_wait3A_27 = tpu.memref_slice %arg2[%mul3A_14, %dma_wait3A] : memref<2560x128xi32, #tpu.memory_space<hbm>> -> memref<80x128xi32, #tpu.memory_space<hbm>>
      %dma_wait3A_28 = arith.constant 0 : i32
      %dma_wait3A_29 = tpu.memref_slice %arg2[%mul3A_14, %dma_wait3A_28] : memref<2560x128xi32, #tpu.memory_space<hbm>> -> memref<80x128xi32, #tpu.memory_space<hbm>>
      tpu.wait_dma2 semaphore(%run_scoped3A : memref<!tpu.dma_semaphore, #tpu.memory_space<semaphore_mem>>) src(%dma_wait3A_29 : memref<80x128xi32, #tpu.memory_space<hbm>>) dst(%arg6 : memref<80x128xi32, #tpu.memory_space<vmem>>)
      tpu.yield
    }) : () -> ()
    %barrier3A = arith.constant 0 : index
    tpu.barrier barrier_id(%barrier3A)
    %scan3A = arith.constant 0 : i32
    %scan3A_15 = arith.constant 0 : i32
    %scan3A_16 = arith.constant 80 : i32
    %scan3A_17 = arith.addi %scan3A_15, %scan3A_16 : i32
    %scan3A_18 = arith.constant 1 : i32
    scf.for %scan3A_24 = %scan3A_15 to %scan3A_17 step %scan3A_18  : i32 {
      "tpu.region"() ({
        %run_scoped3A = tpu.sem_alloc : memref<!tpu.dma_semaphore, #tpu.memory_space<semaphore_mem>>
        %dma_start3A = arith.constant 0 : i32
        %dma_start3A_25 = tpu.memref_slice %arg6[%scan3A_24, %dma_start3A] : memref<80x128xi32, #tpu.memory_space<vmem>> -> memref<1x128xi32, #tpu.memory_space<vmem>>
        %dma_start3A_26 = tpu.memref_squeeze %dma_start3A_25 : memref<1x128xi32, #tpu.memory_space<vmem>> -> memref<128xi32, #tpu.memory_space<vmem>>
        %dma_start3A_27 = arith.constant 0 : i32
        %dma_start3A_28 = arith.constant 0 : i32
        %dma_start3A_29 = tpu.memref_slice %arg9[%dma_start3A_27, %dma_start3A_28] : memref<10240x8xf32, #tpu.memory_space<vmem_shared>> -> memref<10240x8xf32, #tpu.memory_space<vmem_shared>>
        tpu.enqueue_indirect_dma source(%arg7 : memref<128x8xf32, #tpu.memory_space<vmem>>) target(%dma_start3A_29 : memref<10240x8xf32, #tpu.memory_space<vmem_shared>>) offsets(%dma_start3A_26 : memref<128xi32, #tpu.memory_space<vmem>>) semaphore(%run_scoped3A : memref<!tpu.dma_semaphore, #tpu.memory_space<semaphore_mem>>) {add = true}
        %dma_wait3A = arith.constant 0 : i32
        %dma_wait3A_30 = tpu.memref_slice %arg6[%scan3A_24, %dma_wait3A] : memref<80x128xi32, #tpu.memory_space<vmem>> -> memref<1x128xi32, #tpu.memory_space<vmem>>
        %dma_wait3A_31 = tpu.memref_squeeze %dma_wait3A_30 : memref<1x128xi32, #tpu.memory_space<vmem>> -> memref<128xi32, #tpu.memory_space<vmem>>
        %dma_wait3A_32 = arith.constant 0 : i32
        %dma_wait3A_33 = arith.constant 0 : i32
        %dma_wait3A_34 = tpu.memref_slice %arg9[%dma_wait3A_32, %dma_wait3A_33] : memref<10240x8xf32, #tpu.memory_space<vmem_shared>> -> memref<10240x8xf32, #tpu.memory_space<vmem_shared>>
        tpu.wait_indirect_dma semaphore(%run_scoped3A : memref<!tpu.dma_semaphore, #tpu.memory_space<semaphore_mem>>) src(%arg7 : memref<128x8xf32, #tpu.memory_space<vmem>>) dst(%dma_wait3A_34 : memref<10240x8xf32, #tpu.memory_space<vmem_shared>>)
        tpu.yield
      }) : () -> ()
    }
    %scan3A_19 = arith.constant 80 : i32
    %barrier3A_20 = arith.constant 0 : index
    tpu.barrier barrier_id(%barrier3A_20)
    %mul3A_21 = arith.constant 10240 : i32
    %mul3A_22 = arith.muli %arg0, %mul3A_21 : i32
    %add3A_23 = arith.addi %mul3A_22, %mul3A_0 : i32
    "tpu.region"() ({
      %run_scoped3A = tpu.sem_alloc : memref<!tpu.dma_semaphore, #tpu.memory_space<semaphore_mem>>
      %dma_start3A = arith.constant 0 : i32
      %dma_start3A_24 = tpu.memref_slice %arg5[%add3A_23, %dma_start3A] : memref<20480x8xf32, #tpu.memory_space<hbm>> -> memref<640x8xf32, #tpu.memory_space<hbm>>
      %dma_start3A_25 = arith.constant 0 : i32
      %dma_start3A_26 = tpu.memref_slice %arg9[%mul3A_0, %dma_start3A_25] : memref<10240x8xf32, #tpu.memory_space<vmem_shared>> -> memref<640x8xf32, #tpu.memory_space<vmem_shared>>
      tpu.enqueue_dma source(%dma_start3A_26 : memref<640x8xf32, #tpu.memory_space<vmem_shared>>) target(%dma_start3A_24 : memref<640x8xf32, #tpu.memory_space<hbm>>) target_semaphore(%run_scoped3A : memref<!tpu.dma_semaphore, #tpu.memory_space<semaphore_mem>>)
      %dma_wait3A = arith.constant 0 : i32
      %dma_wait3A_27 = tpu.memref_slice %arg5[%add3A_23, %dma_wait3A] : memref<20480x8xf32, #tpu.memory_space<hbm>> -> memref<640x8xf32, #tpu.memory_space<hbm>>
      %dma_wait3A_28 = arith.constant 0 : i32
      %dma_wait3A_29 = tpu.memref_slice %arg9[%mul3A_0, %dma_wait3A_28] : memref<10240x8xf32, #tpu.memory_space<vmem_shared>> -> memref<640x8xf32, #tpu.memory_space<vmem_shared>>
      tpu.wait_dma2 semaphore(%run_scoped3A : memref<!tpu.dma_semaphore, #tpu.memory_space<semaphore_mem>>) src(%dma_wait3A_29 : memref<640x8xf32, #tpu.memory_space<vmem_shared>>) dst(%dma_wait3A_27 : memref<640x8xf32, #tpu.memory_space<hbm>>)
      tpu.yield
    }) : () -> ()
    return
  }
}

#map = affine_map<(d0, d1) -> (0, 0)>
module attributes {stable_mosaic.version = 14 : i64} {
  func.func @_agg_body(%arg0: i32, %arg1: i32, %arg2: memref<10240x32xi32, #tpu.memory_space<hbm>>, %arg3: memref<10240x32xi32, #tpu.memory_space<hbm>>, %arg4: memref<10240x128xf32, #tpu.memory_space<hbm>>, %arg5: memref<32x128xf32, #tpu.memory_space<hbm>>, %arg6: memref<20480x128xf32, #tpu.memory_space<hbm>>, %arg7: memref<320x32xi32, #tpu.memory_space<vmem>>, %arg8: memref<320x32xi32, #tpu.memory_space<vmem>>, %arg9: memref<32x128xf32, #tpu.memory_space<vmem>>, %arg10: memref<32x128xf32, #tpu.memory_space<vmem>>, %arg11: memref<32x128xf32, #tpu.memory_space<vmem>>, %arg12: memref<32x128xf32, #tpu.memory_space<vmem>>, %arg13: memref<32x128xf32, #tpu.memory_space<vmem>>, %arg14: memref<10240x128xf32, #tpu.memory_space<vmem_shared>>, %arg15: memref<!tpu.dma_semaphore, #tpu.memory_space<semaphore_mem>>, %arg16: memref<!tpu.dma_semaphore, #tpu.memory_space<semaphore_mem>>, %arg17: memref<!tpu.dma_semaphore, #tpu.memory_space<semaphore_mem>>, %arg18: memref<!tpu.dma_semaphore, #tpu.memory_space<semaphore_mem>>, %arg19: memref<!tpu.dma_semaphore, #tpu.memory_space<semaphore_mem>>, %arg20: memref<!tpu.dma_semaphore, #tpu.memory_space<semaphore_mem>>, %arg21: memref<!tpu.dma_semaphore, #tpu.memory_space<semaphore_mem>>, %arg22: memref<!tpu.dma_semaphore, #tpu.memory_space<semaphore_mem>>, %arg23: memref<!tpu.dma_semaphore, #tpu.memory_space<semaphore_mem>>, %arg24: memref<!tpu.dma_semaphore, #tpu.memory_space<semaphore_mem>>) attributes {dimension_semantics = [#tpu.dimension_semantics<core_parallel>, #tpu.dimension_semantics<subcore_parallel>], iteration_bounds = array<i64: 2, 16>, scalar_prefetch = 0 : i64, scratch_operands = 18 : i64, tpu.core_type = #tpu.core_type<sc_vector_subcore>, window_params = [{transform_indices = #map}, {transform_indices = #map}, {transform_indices = #map}, {transform_indices = #map}, {transform_indices = #map}]} {
    %mul3A = arith.constant 640 : i32
    %mul3A_0 = arith.muli %arg1, %mul3A : i32
    %mul3A_1 = arith.constant 16 : i32
    %mul3A_2 = arith.muli %arg0, %mul3A_1 : i32
    %add3A = arith.addi %mul3A_2, %arg1 : i32
    %mul3A_3 = arith.constant 320 : i32
    %mul3A_4 = arith.muli %add3A, %mul3A_3 : i32
    "tpu.region"() ({
      %run_scoped3A = tpu.sem_alloc : memref<!tpu.dma_semaphore, #tpu.memory_space<semaphore_mem>>
      %dma_start3A_124 = arith.constant 0 : i32
      %dma_start3A_125 = tpu.memref_slice %arg2[%mul3A_4, %dma_start3A_124] : memref<10240x32xi32, #tpu.memory_space<hbm>> -> memref<320x32xi32, #tpu.memory_space<hbm>>
      %dma_start3A_126 = arith.constant 0 : i32
      %dma_start3A_127 = tpu.memref_slice %arg2[%mul3A_4, %dma_start3A_126] : memref<10240x32xi32, #tpu.memory_space<hbm>> -> memref<320x32xi32, #tpu.memory_space<hbm>>
      tpu.enqueue_dma source(%dma_start3A_127 : memref<320x32xi32, #tpu.memory_space<hbm>>) target(%arg7 : memref<320x32xi32, #tpu.memory_space<vmem>>) target_semaphore(%run_scoped3A : memref<!tpu.dma_semaphore, #tpu.memory_space<semaphore_mem>>)
      %dma_wait3A_128 = arith.constant 0 : i32
      %dma_wait3A_129 = tpu.memref_slice %arg2[%mul3A_4, %dma_wait3A_128] : memref<10240x32xi32, #tpu.memory_space<hbm>> -> memref<320x32xi32, #tpu.memory_space<hbm>>
      %dma_wait3A_130 = arith.constant 0 : i32
      %dma_wait3A_131 = tpu.memref_slice %arg2[%mul3A_4, %dma_wait3A_130] : memref<10240x32xi32, #tpu.memory_space<hbm>> -> memref<320x32xi32, #tpu.memory_space<hbm>>
      tpu.wait_dma2 semaphore(%run_scoped3A : memref<!tpu.dma_semaphore, #tpu.memory_space<semaphore_mem>>) src(%dma_wait3A_131 : memref<320x32xi32, #tpu.memory_space<hbm>>) dst(%arg7 : memref<320x32xi32, #tpu.memory_space<vmem>>)
      tpu.yield
    }) : () -> ()
    %mul3A_5 = arith.constant 320 : i32
    %mul3A_6 = arith.muli %add3A, %mul3A_5 : i32
    "tpu.region"() ({
      %run_scoped3A = tpu.sem_alloc : memref<!tpu.dma_semaphore, #tpu.memory_space<semaphore_mem>>
      %dma_start3A_124 = arith.constant 0 : i32
      %dma_start3A_125 = tpu.memref_slice %arg3[%mul3A_6, %dma_start3A_124] : memref<10240x32xi32, #tpu.memory_space<hbm>> -> memref<320x32xi32, #tpu.memory_space<hbm>>
      %dma_start3A_126 = arith.constant 0 : i32
      %dma_start3A_127 = tpu.memref_slice %arg3[%mul3A_6, %dma_start3A_126] : memref<10240x32xi32, #tpu.memory_space<hbm>> -> memref<320x32xi32, #tpu.memory_space<hbm>>
      tpu.enqueue_dma source(%dma_start3A_127 : memref<320x32xi32, #tpu.memory_space<hbm>>) target(%arg8 : memref<320x32xi32, #tpu.memory_space<vmem>>) target_semaphore(%run_scoped3A : memref<!tpu.dma_semaphore, #tpu.memory_space<semaphore_mem>>)
      %dma_wait3A_128 = arith.constant 0 : i32
      %dma_wait3A_129 = tpu.memref_slice %arg3[%mul3A_6, %dma_wait3A_128] : memref<10240x32xi32, #tpu.memory_space<hbm>> -> memref<320x32xi32, #tpu.memory_space<hbm>>
      %dma_wait3A_130 = arith.constant 0 : i32
      %dma_wait3A_131 = tpu.memref_slice %arg3[%mul3A_6, %dma_wait3A_130] : memref<10240x32xi32, #tpu.memory_space<hbm>> -> memref<320x32xi32, #tpu.memory_space<hbm>>
      tpu.wait_dma2 semaphore(%run_scoped3A : memref<!tpu.dma_semaphore, #tpu.memory_space<semaphore_mem>>) src(%dma_wait3A_131 : memref<320x32xi32, #tpu.memory_space<hbm>>) dst(%arg8 : memref<320x32xi32, #tpu.memory_space<vmem>>)
      tpu.yield
    }) : () -> ()
    %dma_start3A = arith.constant 1 : i32
    %dma_start3A_7 = arith.constant 0 : i32
    %dma_start3A_8 = tpu.memref_slice %arg7[%dma_start3A, %dma_start3A_7] : memref<320x32xi32, #tpu.memory_space<vmem>> -> memref<1x32xi32, #tpu.memory_space<vmem>>
    %dma_start3A_9 = tpu.memref_squeeze %dma_start3A_8 : memref<1x32xi32, #tpu.memory_space<vmem>> -> memref<32xi32, #tpu.memory_space<vmem>>
    %dma_start3A_10 = arith.constant 0 : i32
    %dma_start3A_11 = arith.constant 0 : i32
    %dma_start3A_12 = tpu.memref_slice %arg4[%dma_start3A_10, %dma_start3A_11] : memref<10240x128xf32, #tpu.memory_space<hbm>> -> memref<10240x128xf32, #tpu.memory_space<hbm>>
    tpu.enqueue_indirect_dma source(%dma_start3A_12 : memref<10240x128xf32, #tpu.memory_space<hbm>>) target(%arg10 : memref<32x128xf32, #tpu.memory_space<vmem>>) offsets(%dma_start3A_9 : memref<32xi32, #tpu.memory_space<vmem>>) semaphore(%arg16 : memref<!tpu.dma_semaphore, #tpu.memory_space<semaphore_mem>>)
    %dma_start3A_13 = arith.constant 2 : i32
    %dma_start3A_14 = arith.constant 0 : i32
    %dma_start3A_15 = tpu.memref_slice %arg7[%dma_start3A_13, %dma_start3A_14] : memref<320x32xi32, #tpu.memory_space<vmem>> -> memref<1x32xi32, #tpu.memory_space<vmem>>
    %dma_start3A_16 = tpu.memref_squeeze %dma_start3A_15 : memref<1x32xi32, #tpu.memory_space<vmem>> -> memref<32xi32, #tpu.memory_space<vmem>>
    %dma_start3A_17 = arith.constant 0 : i32
    %dma_start3A_18 = arith.constant 0 : i32
    %dma_start3A_19 = tpu.memref_slice %arg4[%dma_start3A_17, %dma_start3A_18] : memref<10240x128xf32, #tpu.memory_space<hbm>> -> memref<10240x128xf32, #tpu.memory_space<hbm>>
    tpu.enqueue_indirect_dma source(%dma_start3A_19 : memref<10240x128xf32, #tpu.memory_space<hbm>>) target(%arg11 : memref<32x128xf32, #tpu.memory_space<vmem>>) offsets(%dma_start3A_16 : memref<32xi32, #tpu.memory_space<vmem>>) semaphore(%arg17 : memref<!tpu.dma_semaphore, #tpu.memory_space<semaphore_mem>>)
    %dma_start3A_20 = arith.constant 3 : i32
    %dma_start3A_21 = arith.constant 0 : i32
    %dma_start3A_22 = tpu.memref_slice %arg7[%dma_start3A_20, %dma_start3A_21] : memref<320x32xi32, #tpu.memory_space<vmem>> -> memref<1x32xi32, #tpu.memory_space<vmem>>
    %dma_start3A_23 = tpu.memref_squeeze %dma_start3A_22 : memref<1x32xi32, #tpu.memory_space<vmem>> -> memref<32xi32, #tpu.memory_space<vmem>>
    %dma_start3A_24 = arith.constant 0 : i32
    %dma_start3A_25 = arith.constant 0 : i32
    %dma_start3A_26 = tpu.memref_slice %arg4[%dma_start3A_24, %dma_start3A_25] : memref<10240x128xf32, #tpu.memory_space<hbm>> -> memref<10240x128xf32, #tpu.memory_space<hbm>>
    tpu.enqueue_indirect_dma source(%dma_start3A_26 : memref<10240x128xf32, #tpu.memory_space<hbm>>) target(%arg12 : memref<32x128xf32, #tpu.memory_space<vmem>>) offsets(%dma_start3A_23 : memref<32xi32, #tpu.memory_space<vmem>>) semaphore(%arg18 : memref<!tpu.dma_semaphore, #tpu.memory_space<semaphore_mem>>)
    %dma_start3A_27 = arith.constant 4 : i32
    %dma_start3A_28 = arith.constant 0 : i32
    %dma_start3A_29 = tpu.memref_slice %arg7[%dma_start3A_27, %dma_start3A_28] : memref<320x32xi32, #tpu.memory_space<vmem>> -> memref<1x32xi32, #tpu.memory_space<vmem>>
    %dma_start3A_30 = tpu.memref_squeeze %dma_start3A_29 : memref<1x32xi32, #tpu.memory_space<vmem>> -> memref<32xi32, #tpu.memory_space<vmem>>
    %dma_start3A_31 = arith.constant 0 : i32
    %dma_start3A_32 = arith.constant 0 : i32
    %dma_start3A_33 = tpu.memref_slice %arg4[%dma_start3A_31, %dma_start3A_32] : memref<10240x128xf32, #tpu.memory_space<hbm>> -> memref<10240x128xf32, #tpu.memory_space<hbm>>
    tpu.enqueue_indirect_dma source(%dma_start3A_33 : memref<10240x128xf32, #tpu.memory_space<hbm>>) target(%arg13 : memref<32x128xf32, #tpu.memory_space<vmem>>) offsets(%dma_start3A_30 : memref<32xi32, #tpu.memory_space<vmem>>) semaphore(%arg19 : memref<!tpu.dma_semaphore, #tpu.memory_space<semaphore_mem>>)
    "tpu.region"() ({
      %run_scoped3A = tpu.sem_alloc : memref<!tpu.dma_semaphore, #tpu.memory_space<semaphore_mem>>
      tpu.enqueue_dma source(%arg5 : memref<32x128xf32, #tpu.memory_space<hbm>>) target(%arg9 : memref<32x128xf32, #tpu.memory_space<vmem>>) target_semaphore(%run_scoped3A : memref<!tpu.dma_semaphore, #tpu.memory_space<semaphore_mem>>)
      tpu.wait_dma2 semaphore(%run_scoped3A : memref<!tpu.dma_semaphore, #tpu.memory_space<semaphore_mem>>) src(%arg5 : memref<32x128xf32, #tpu.memory_space<hbm>>) dst(%arg9 : memref<32x128xf32, #tpu.memory_space<vmem>>)
      tpu.yield
    }) : () -> ()
    %add3A_34 = arith.constant 0 : i32
    %add3A_35 = arith.addi %mul3A_0, %add3A_34 : i32
    "tpu.region"() ({
      %run_scoped3A = tpu.sem_alloc : memref<!tpu.dma_semaphore, #tpu.memory_space<semaphore_mem>>
      %dma_start3A_124 = arith.constant 0 : i32
      %dma_start3A_125 = tpu.memref_slice %arg14[%add3A_35, %dma_start3A_124] : memref<10240x128xf32, #tpu.memory_space<vmem_shared>> -> memref<32x128xf32, #tpu.memory_space<vmem_shared>>
      %dma_start3A_126 = arith.constant 0 : i32
      %dma_start3A_127 = tpu.memref_slice %arg14[%add3A_35, %dma_start3A_126] : memref<10240x128xf32, #tpu.memory_space<vmem_shared>> -> memref<32x128xf32, #tpu.memory_space<vmem_shared>>
      tpu.enqueue_dma source(%arg9 : memref<32x128xf32, #tpu.memory_space<vmem>>) target(%dma_start3A_127 : memref<32x128xf32, #tpu.memory_space<vmem_shared>>) target_semaphore(%run_scoped3A : memref<!tpu.dma_semaphore, #tpu.memory_space<semaphore_mem>>)
      %dma_wait3A_128 = arith.constant 0 : i32
      %dma_wait3A_129 = tpu.memref_slice %arg14[%add3A_35, %dma_wait3A_128] : memref<10240x128xf32, #tpu.memory_space<vmem_shared>> -> memref<32x128xf32, #tpu.memory_space<vmem_shared>>
      %dma_wait3A_130 = arith.constant 0 : i32
      %dma_wait3A_131 = tpu.memref_slice %arg14[%add3A_35, %dma_wait3A_130] : memref<10240x128xf32, #tpu.memory_space<vmem_shared>> -> memref<32x128xf32, #tpu.memory_space<vmem_shared>>
      tpu.wait_dma2 semaphore(%run_scoped3A : memref<!tpu.dma_semaphore, #tpu.memory_space<semaphore_mem>>) src(%arg9 : memref<32x128xf32, #tpu.memory_space<vmem>>) dst(%dma_wait3A_131 : memref<32x128xf32, #tpu.memory_space<vmem_shared>>)
      tpu.yield
    }) : () -> ()
    %add3A_36 = arith.constant 32 : i32
    %add3A_37 = arith.addi %mul3A_0, %add3A_36 : i32
    "tpu.region"() ({
      %run_scoped3A = tpu.sem_alloc : memref<!tpu.dma_semaphore, #tpu.memory_space<semaphore_mem>>
      %dma_start3A_124 = arith.constant 0 : i32
      %dma_start3A_125 = tpu.memref_slice %arg14[%add3A_37, %dma_start3A_124] : memref<10240x128xf32, #tpu.memory_space<vmem_shared>> -> memref<32x128xf32, #tpu.memory_space<vmem_shared>>
      %dma_start3A_126 = arith.constant 0 : i32
      %dma_start3A_127 = tpu.memref_slice %arg14[%add3A_37, %dma_start3A_126] : memref<10240x128xf32, #tpu.memory_space<vmem_shared>> -> memref<32x128xf32, #tpu.memory_space<vmem_shared>>
      tpu.enqueue_dma source(%arg9 : memref<32x128xf32, #tpu.memory_space<vmem>>) target(%dma_start3A_127 : memref<32x128xf32, #tpu.memory_space<vmem_shared>>) target_semaphore(%run_scoped3A : memref<!tpu.dma_semaphore, #tpu.memory_space<semaphore_mem>>)
      %dma_wait3A_128 = arith.constant 0 : i32
      %dma_wait3A_129 = tpu.memref_slice %arg14[%add3A_37, %dma_wait3A_128] : memref<10240x128xf32, #tpu.memory_space<vmem_shared>> -> memref<32x128xf32, #tpu.memory_space<vmem_shared>>
      %dma_wait3A_130 = arith.constant 0 : i32
      %dma_wait3A_131 = tpu.memref_slice %arg14[%add3A_37, %dma_wait3A_130] : memref<10240x128xf32, #tpu.memory_space<vmem_shared>> -> memref<32x128xf32, #tpu.memory_space<vmem_shared>>
      tpu.wait_dma2 semaphore(%run_scoped3A : memref<!tpu.dma_semaphore, #tpu.memory_space<semaphore_mem>>) src(%arg9 : memref<32x128xf32, #tpu.memory_space<vmem>>) dst(%dma_wait3A_131 : memref<32x128xf32, #tpu.memory_space<vmem_shared>>)
      tpu.yield
    }) : () -> ()
    %add3A_38 = arith.constant 64 : i32
    %add3A_39 = arith.addi %mul3A_0, %add3A_38 : i32
    "tpu.region"() ({
      %run_scoped3A = tpu.sem_alloc : memref<!tpu.dma_semaphore, #tpu.memory_space<semaphore_mem>>
      %dma_start3A_124 = arith.constant 0 : i32
      %dma_start3A_125 = tpu.memref_slice %arg14[%add3A_39, %dma_start3A_124] : memref<10240x128xf32, #tpu.memory_space<vmem_shared>> -> memref<32x128xf32, #tpu.memory_space<vmem_shared>>
      %dma_start3A_126 = arith.constant 0 : i32
      %dma_start3A_127 = tpu.memref_slice %arg14[%add3A_39, %dma_start3A_126] : memref<10240x128xf32, #tpu.memory_space<vmem_shared>> -> memref<32x128xf32, #tpu.memory_space<vmem_shared>>
      tpu.enqueue_dma source(%arg9 : memref<32x128xf32, #tpu.memory_space<vmem>>) target(%dma_start3A_127 : memref<32x128xf32, #tpu.memory_space<vmem_shared>>) target_semaphore(%run_scoped3A : memref<!tpu.dma_semaphore, #tpu.memory_space<semaphore_mem>>)
      %dma_wait3A_128 = arith.constant 0 : i32
      %dma_wait3A_129 = tpu.memref_slice %arg14[%add3A_39, %dma_wait3A_128] : memref<10240x128xf32, #tpu.memory_space<vmem_shared>> -> memref<32x128xf32, #tpu.memory_space<vmem_shared>>
      %dma_wait3A_130 = arith.constant 0 : i32
      %dma_wait3A_131 = tpu.memref_slice %arg14[%add3A_39, %dma_wait3A_130] : memref<10240x128xf32, #tpu.memory_space<vmem_shared>> -> memref<32x128xf32, #tpu.memory_space<vmem_shared>>
      tpu.wait_dma2 semaphore(%run_scoped3A : memref<!tpu.dma_semaphore, #tpu.memory_space<semaphore_mem>>) src(%arg9 : memref<32x128xf32, #tpu.memory_space<vmem>>) dst(%dma_wait3A_131 : memref<32x128xf32, #tpu.memory_space<vmem_shared>>)
      tpu.yield
    }) : () -> ()
    %add3A_40 = arith.constant 96 : i32
    %add3A_41 = arith.addi %mul3A_0, %add3A_40 : i32
    "tpu.region"() ({
      %run_scoped3A = tpu.sem_alloc : memref<!tpu.dma_semaphore, #tpu.memory_space<semaphore_mem>>
      %dma_start3A_124 = arith.constant 0 : i32
      %dma_start3A_125 = tpu.memref_slice %arg14[%add3A_41, %dma_start3A_124] : memref<10240x128xf32, #tpu.memory_space<vmem_shared>> -> memref<32x128xf32, #tpu.memory_space<vmem_shared>>
      %dma_start3A_126 = arith.constant 0 : i32
      %dma_start3A_127 = tpu.memref_slice %arg14[%add3A_41, %dma_start3A_126] : memref<10240x128xf32, #tpu.memory_space<vmem_shared>> -> memref<32x128xf32, #tpu.memory_space<vmem_shared>>
      tpu.enqueue_dma source(%arg9 : memref<32x128xf32, #tpu.memory_space<vmem>>) target(%dma_start3A_127 : memref<32x128xf32, #tpu.memory_space<vmem_shared>>) target_semaphore(%run_scoped3A : memref<!tpu.dma_semaphore, #tpu.memory_space<semaphore_mem>>)
      %dma_wait3A_128 = arith.constant 0 : i32
      %dma_wait3A_129 = tpu.memref_slice %arg14[%add3A_41, %dma_wait3A_128] : memref<10240x128xf32, #tpu.memory_space<vmem_shared>> -> memref<32x128xf32, #tpu.memory_space<vmem_shared>>
      %dma_wait3A_130 = arith.constant 0 : i32
      %dma_wait3A_131 = tpu.memref_slice %arg14[%add3A_41, %dma_wait3A_130] : memref<10240x128xf32, #tpu.memory_space<vmem_shared>> -> memref<32x128xf32, #tpu.memory_space<vmem_shared>>
      tpu.wait_dma2 semaphore(%run_scoped3A : memref<!tpu.dma_semaphore, #tpu.memory_space<semaphore_mem>>) src(%arg9 : memref<32x128xf32, #tpu.memory_space<vmem>>) dst(%dma_wait3A_131 : memref<32x128xf32, #tpu.memory_space<vmem_shared>>)
      tpu.yield
    }) : () -> ()
    %add3A_42 = arith.constant 128 : i32
    %add3A_43 = arith.addi %mul3A_0, %add3A_42 : i32
    "tpu.region"() ({
      %run_scoped3A = tpu.sem_alloc : memref<!tpu.dma_semaphore, #tpu.memory_space<semaphore_mem>>
      %dma_start3A_124 = arith.constant 0 : i32
      %dma_start3A_125 = tpu.memref_slice %arg14[%add3A_43, %dma_start3A_124] : memref<10240x128xf32, #tpu.memory_space<vmem_shared>> -> memref<32x128xf32, #tpu.memory_space<vmem_shared>>
      %dma_start3A_126 = arith.constant 0 : i32
      %dma_start3A_127 = tpu.memref_slice %arg14[%add3A_43, %dma_start3A_126] : memref<10240x128xf32, #tpu.memory_space<vmem_shared>> -> memref<32x128xf32, #tpu.memory_space<vmem_shared>>
      tpu.enqueue_dma source(%arg9 : memref<32x128xf32, #tpu.memory_space<vmem>>) target(%dma_start3A_127 : memref<32x128xf32, #tpu.memory_space<vmem_shared>>) target_semaphore(%run_scoped3A : memref<!tpu.dma_semaphore, #tpu.memory_space<semaphore_mem>>)
      %dma_wait3A_128 = arith.constant 0 : i32
      %dma_wait3A_129 = tpu.memref_slice %arg14[%add3A_43, %dma_wait3A_128] : memref<10240x128xf32, #tpu.memory_space<vmem_shared>> -> memref<32x128xf32, #tpu.memory_space<vmem_shared>>
      %dma_wait3A_130 = arith.constant 0 : i32
      %dma_wait3A_131 = tpu.memref_slice %arg14[%add3A_43, %dma_wait3A_130] : memref<10240x128xf32, #tpu.memory_space<vmem_shared>> -> memref<32x128xf32, #tpu.memory_space<vmem_shared>>
      tpu.wait_dma2 semaphore(%run_scoped3A : memref<!tpu.dma_semaphore, #tpu.memory_space<semaphore_mem>>) src(%arg9 : memref<32x128xf32, #tpu.memory_space<vmem>>) dst(%dma_wait3A_131 : memref<32x128xf32, #tpu.memory_space<vmem_shared>>)
      tpu.yield
    }) : () -> ()
    %add3A_44 = arith.constant 160 : i32
    %add3A_45 = arith.addi %mul3A_0, %add3A_44 : i32
    "tpu.region"() ({
      %run_scoped3A = tpu.sem_alloc : memref<!tpu.dma_semaphore, #tpu.memory_space<semaphore_mem>>
      %dma_start3A_124 = arith.constant 0 : i32
      %dma_start3A_125 = tpu.memref_slice %arg14[%add3A_45, %dma_start3A_124] : memref<10240x128xf32, #tpu.memory_space<vmem_shared>> -> memref<32x128xf32, #tpu.memory_space<vmem_shared>>
      %dma_start3A_126 = arith.constant 0 : i32
      %dma_start3A_127 = tpu.memref_slice %arg14[%add3A_45, %dma_start3A_126] : memref<10240x128xf32, #tpu.memory_space<vmem_shared>> -> memref<32x128xf32, #tpu.memory_space<vmem_shared>>
      tpu.enqueue_dma source(%arg9 : memref<32x128xf32, #tpu.memory_space<vmem>>) target(%dma_start3A_127 : memref<32x128xf32, #tpu.memory_space<vmem_shared>>) target_semaphore(%run_scoped3A : memref<!tpu.dma_semaphore, #tpu.memory_space<semaphore_mem>>)
      %dma_wait3A_128 = arith.constant 0 : i32
      %dma_wait3A_129 = tpu.memref_slice %arg14[%add3A_45, %dma_wait3A_128] : memref<10240x128xf32, #tpu.memory_space<vmem_shared>> -> memref<32x128xf32, #tpu.memory_space<vmem_shared>>
      %dma_wait3A_130 = arith.constant 0 : i32
      %dma_wait3A_131 = tpu.memref_slice %arg14[%add3A_45, %dma_wait3A_130] : memref<10240x128xf32, #tpu.memory_space<vmem_shared>> -> memref<32x128xf32, #tpu.memory_space<vmem_shared>>
      tpu.wait_dma2 semaphore(%run_scoped3A : memref<!tpu.dma_semaphore, #tpu.memory_space<semaphore_mem>>) src(%arg9 : memref<32x128xf32, #tpu.memory_space<vmem>>) dst(%dma_wait3A_131 : memref<32x128xf32, #tpu.memory_space<vmem_shared>>)
      tpu.yield
    }) : () -> ()
    %add3A_46 = arith.constant 192 : i32
    %add3A_47 = arith.addi %mul3A_0, %add3A_46 : i32
    "tpu.region"() ({
      %run_scoped3A = tpu.sem_alloc : memref<!tpu.dma_semaphore, #tpu.memory_space<semaphore_mem>>
      %dma_start3A_124 = arith.constant 0 : i32
      %dma_start3A_125 = tpu.memref_slice %arg14[%add3A_47, %dma_start3A_124] : memref<10240x128xf32, #tpu.memory_space<vmem_shared>> -> memref<32x128xf32, #tpu.memory_space<vmem_shared>>
      %dma_start3A_126 = arith.constant 0 : i32
      %dma_start3A_127 = tpu.memref_slice %arg14[%add3A_47, %dma_start3A_126] : memref<10240x128xf32, #tpu.memory_space<vmem_shared>> -> memref<32x128xf32, #tpu.memory_space<vmem_shared>>
      tpu.enqueue_dma source(%arg9 : memref<32x128xf32, #tpu.memory_space<vmem>>) target(%dma_start3A_127 : memref<32x128xf32, #tpu.memory_space<vmem_shared>>) target_semaphore(%run_scoped3A : memref<!tpu.dma_semaphore, #tpu.memory_space<semaphore_mem>>)
      %dma_wait3A_128 = arith.constant 0 : i32
      %dma_wait3A_129 = tpu.memref_slice %arg14[%add3A_47, %dma_wait3A_128] : memref<10240x128xf32, #tpu.memory_space<vmem_shared>> -> memref<32x128xf32, #tpu.memory_space<vmem_shared>>
      %dma_wait3A_130 = arith.constant 0 : i32
      %dma_wait3A_131 = tpu.memref_slice %arg14[%add3A_47, %dma_wait3A_130] : memref<10240x128xf32, #tpu.memory_space<vmem_shared>> -> memref<32x128xf32, #tpu.memory_space<vmem_shared>>
      tpu.wait_dma2 semaphore(%run_scoped3A : memref<!tpu.dma_semaphore, #tpu.memory_space<semaphore_mem>>) src(%arg9 : memref<32x128xf32, #tpu.memory_space<vmem>>) dst(%dma_wait3A_131 : memref<32x128xf32, #tpu.memory_space<vmem_shared>>)
      tpu.yield
    }) : () -> ()
    %add3A_48 = arith.constant 224 : i32
    %add3A_49 = arith.addi %mul3A_0, %add3A_48 : i32
    "tpu.region"() ({
      %run_scoped3A = tpu.sem_alloc : memref<!tpu.dma_semaphore, #tpu.memory_space<semaphore_mem>>
      %dma_start3A_124 = arith.constant 0 : i32
      %dma_start3A_125 = tpu.memref_slice %arg14[%add3A_49, %dma_start3A_124] : memref<10240x128xf32, #tpu.memory_space<vmem_shared>> -> memref<32x128xf32, #tpu.memory_space<vmem_shared>>
      %dma_start3A_126 = arith.constant 0 : i32
      %dma_start3A_127 = tpu.memref_slice %arg14[%add3A_49, %dma_start3A_126] : memref<10240x128xf32, #tpu.memory_space<vmem_shared>> -> memref<32x128xf32, #tpu.memory_space<vmem_shared>>
      tpu.enqueue_dma source(%arg9 : memref<32x128xf32, #tpu.memory_space<vmem>>) target(%dma_start3A_127 : memref<32x128xf32, #tpu.memory_space<vmem_shared>>) target_semaphore(%run_scoped3A : memref<!tpu.dma_semaphore, #tpu.memory_space<semaphore_mem>>)
      %dma_wait3A_128 = arith.constant 0 : i32
      %dma_wait3A_129 = tpu.memref_slice %arg14[%add3A_49, %dma_wait3A_128] : memref<10240x128xf32, #tpu.memory_space<vmem_shared>> -> memref<32x128xf32, #tpu.memory_space<vmem_shared>>
      %dma_wait3A_130 = arith.constant 0 : i32
      %dma_wait3A_131 = tpu.memref_slice %arg14[%add3A_49, %dma_wait3A_130] : memref<10240x128xf32, #tpu.memory_space<vmem_shared>> -> memref<32x128xf32, #tpu.memory_space<vmem_shared>>
      tpu.wait_dma2 semaphore(%run_scoped3A : memref<!tpu.dma_semaphore, #tpu.memory_space<semaphore_mem>>) src(%arg9 : memref<32x128xf32, #tpu.memory_space<vmem>>) dst(%dma_wait3A_131 : memref<32x128xf32, #tpu.memory_space<vmem_shared>>)
      tpu.yield
    }) : () -> ()
    %add3A_50 = arith.constant 256 : i32
    %add3A_51 = arith.addi %mul3A_0, %add3A_50 : i32
    "tpu.region"() ({
      %run_scoped3A = tpu.sem_alloc : memref<!tpu.dma_semaphore, #tpu.memory_space<semaphore_mem>>
      %dma_start3A_124 = arith.constant 0 : i32
      %dma_start3A_125 = tpu.memref_slice %arg14[%add3A_51, %dma_start3A_124] : memref<10240x128xf32, #tpu.memory_space<vmem_shared>> -> memref<32x128xf32, #tpu.memory_space<vmem_shared>>
      %dma_start3A_126 = arith.constant 0 : i32
      %dma_start3A_127 = tpu.memref_slice %arg14[%add3A_51, %dma_start3A_126] : memref<10240x128xf32, #tpu.memory_space<vmem_shared>> -> memref<32x128xf32, #tpu.memory_space<vmem_shared>>
      tpu.enqueue_dma source(%arg9 : memref<32x128xf32, #tpu.memory_space<vmem>>) target(%dma_start3A_127 : memref<32x128xf32, #tpu.memory_space<vmem_shared>>) target_semaphore(%run_scoped3A : memref<!tpu.dma_semaphore, #tpu.memory_space<semaphore_mem>>)
      %dma_wait3A_128 = arith.constant 0 : i32
      %dma_wait3A_129 = tpu.memref_slice %arg14[%add3A_51, %dma_wait3A_128] : memref<10240x128xf32, #tpu.memory_space<vmem_shared>> -> memref<32x128xf32, #tpu.memory_space<vmem_shared>>
      %dma_wait3A_130 = arith.constant 0 : i32
      %dma_wait3A_131 = tpu.memref_slice %arg14[%add3A_51, %dma_wait3A_130] : memref<10240x128xf32, #tpu.memory_space<vmem_shared>> -> memref<32x128xf32, #tpu.memory_space<vmem_shared>>
      tpu.wait_dma2 semaphore(%run_scoped3A : memref<!tpu.dma_semaphore, #tpu.memory_space<semaphore_mem>>) src(%arg9 : memref<32x128xf32, #tpu.memory_space<vmem>>) dst(%dma_wait3A_131 : memref<32x128xf32, #tpu.memory_space<vmem_shared>>)
      tpu.yield
    }) : () -> ()
    %add3A_52 = arith.constant 288 : i32
    %add3A_53 = arith.addi %mul3A_0, %add3A_52 : i32
    "tpu.region"() ({
      %run_scoped3A = tpu.sem_alloc : memref<!tpu.dma_semaphore, #tpu.memory_space<semaphore_mem>>
      %dma_start3A_124 = arith.constant 0 : i32
      %dma_start3A_125 = tpu.memref_slice %arg14[%add3A_53, %dma_start3A_124] : memref<10240x128xf32, #tpu.memory_space<vmem_shared>> -> memref<32x128xf32, #tpu.memory_space<vmem_shared>>
      %dma_start3A_126 = arith.constant 0 : i32
      %dma_start3A_127 = tpu.memref_slice %arg14[%add3A_53, %dma_start3A_126] : memref<10240x128xf32, #tpu.memory_space<vmem_shared>> -> memref<32x128xf32, #tpu.memory_space<vmem_shared>>
      tpu.enqueue_dma source(%arg9 : memref<32x128xf32, #tpu.memory_space<vmem>>) target(%dma_start3A_127 : memref<32x128xf32, #tpu.memory_space<vmem_shared>>) target_semaphore(%run_scoped3A : memref<!tpu.dma_semaphore, #tpu.memory_space<semaphore_mem>>)
      %dma_wait3A_128 = arith.constant 0 : i32
      %dma_wait3A_129 = tpu.memref_slice %arg14[%add3A_53, %dma_wait3A_128] : memref<10240x128xf32, #tpu.memory_space<vmem_shared>> -> memref<32x128xf32, #tpu.memory_space<vmem_shared>>
      %dma_wait3A_130 = arith.constant 0 : i32
      %dma_wait3A_131 = tpu.memref_slice %arg14[%add3A_53, %dma_wait3A_130] : memref<10240x128xf32, #tpu.memory_space<vmem_shared>> -> memref<32x128xf32, #tpu.memory_space<vmem_shared>>
      tpu.wait_dma2 semaphore(%run_scoped3A : memref<!tpu.dma_semaphore, #tpu.memory_space<semaphore_mem>>) src(%arg9 : memref<32x128xf32, #tpu.memory_space<vmem>>) dst(%dma_wait3A_131 : memref<32x128xf32, #tpu.memory_space<vmem_shared>>)
      tpu.yield
    }) : () -> ()
    %add3A_54 = arith.constant 320 : i32
    %add3A_55 = arith.addi %mul3A_0, %add3A_54 : i32
    "tpu.region"() ({
      %run_scoped3A = tpu.sem_alloc : memref<!tpu.dma_semaphore, #tpu.memory_space<semaphore_mem>>
      %dma_start3A_124 = arith.constant 0 : i32
      %dma_start3A_125 = tpu.memref_slice %arg14[%add3A_55, %dma_start3A_124] : memref<10240x128xf32, #tpu.memory_space<vmem_shared>> -> memref<32x128xf32, #tpu.memory_space<vmem_shared>>
      %dma_start3A_126 = arith.constant 0 : i32
      %dma_start3A_127 = tpu.memref_slice %arg14[%add3A_55, %dma_start3A_126] : memref<10240x128xf32, #tpu.memory_space<vmem_shared>> -> memref<32x128xf32, #tpu.memory_space<vmem_shared>>
      tpu.enqueue_dma source(%arg9 : memref<32x128xf32, #tpu.memory_space<vmem>>) target(%dma_start3A_127 : memref<32x128xf32, #tpu.memory_space<vmem_shared>>) target_semaphore(%run_scoped3A : memref<!tpu.dma_semaphore, #tpu.memory_space<semaphore_mem>>)
      %dma_wait3A_128 = arith.constant 0 : i32
      %dma_wait3A_129 = tpu.memref_slice %arg14[%add3A_55, %dma_wait3A_128] : memref<10240x128xf32, #tpu.memory_space<vmem_shared>> -> memref<32x128xf32, #tpu.memory_space<vmem_shared>>
      %dma_wait3A_130 = arith.constant 0 : i32
      %dma_wait3A_131 = tpu.memref_slice %arg14[%add3A_55, %dma_wait3A_130] : memref<10240x128xf32, #tpu.memory_space<vmem_shared>> -> memref<32x128xf32, #tpu.memory_space<vmem_shared>>
      tpu.wait_dma2 semaphore(%run_scoped3A : memref<!tpu.dma_semaphore, #tpu.memory_space<semaphore_mem>>) src(%arg9 : memref<32x128xf32, #tpu.memory_space<vmem>>) dst(%dma_wait3A_131 : memref<32x128xf32, #tpu.memory_space<vmem_shared>>)
      tpu.yield
    }) : () -> ()
    %add3A_56 = arith.constant 352 : i32
    %add3A_57 = arith.addi %mul3A_0, %add3A_56 : i32
    "tpu.region"() ({
      %run_scoped3A = tpu.sem_alloc : memref<!tpu.dma_semaphore, #tpu.memory_space<semaphore_mem>>
      %dma_start3A_124 = arith.constant 0 : i32
      %dma_start3A_125 = tpu.memref_slice %arg14[%add3A_57, %dma_start3A_124] : memref<10240x128xf32, #tpu.memory_space<vmem_shared>> -> memref<32x128xf32, #tpu.memory_space<vmem_shared>>
      %dma_start3A_126 = arith.constant 0 : i32
      %dma_start3A_127 = tpu.memref_slice %arg14[%add3A_57, %dma_start3A_126] : memref<10240x128xf32, #tpu.memory_space<vmem_shared>> -> memref<32x128xf32, #tpu.memory_space<vmem_shared>>
      tpu.enqueue_dma source(%arg9 : memref<32x128xf32, #tpu.memory_space<vmem>>) target(%dma_start3A_127 : memref<32x128xf32, #tpu.memory_space<vmem_shared>>) target_semaphore(%run_scoped3A : memref<!tpu.dma_semaphore, #tpu.memory_space<semaphore_mem>>)
      %dma_wait3A_128 = arith.constant 0 : i32
      %dma_wait3A_129 = tpu.memref_slice %arg14[%add3A_57, %dma_wait3A_128] : memref<10240x128xf32, #tpu.memory_space<vmem_shared>> -> memref<32x128xf32, #tpu.memory_space<vmem_shared>>
      %dma_wait3A_130 = arith.constant 0 : i32
      %dma_wait3A_131 = tpu.memref_slice %arg14[%add3A_57, %dma_wait3A_130] : memref<10240x128xf32, #tpu.memory_space<vmem_shared>> -> memref<32x128xf32, #tpu.memory_space<vmem_shared>>
      tpu.wait_dma2 semaphore(%run_scoped3A : memref<!tpu.dma_semaphore, #tpu.memory_space<semaphore_mem>>) src(%arg9 : memref<32x128xf32, #tpu.memory_space<vmem>>) dst(%dma_wait3A_131 : memref<32x128xf32, #tpu.memory_space<vmem_shared>>)
      tpu.yield
    }) : () -> ()
    %add3A_58 = arith.constant 384 : i32
    %add3A_59 = arith.addi %mul3A_0, %add3A_58 : i32
    "tpu.region"() ({
      %run_scoped3A = tpu.sem_alloc : memref<!tpu.dma_semaphore, #tpu.memory_space<semaphore_mem>>
      %dma_start3A_124 = arith.constant 0 : i32
      %dma_start3A_125 = tpu.memref_slice %arg14[%add3A_59, %dma_start3A_124] : memref<10240x128xf32, #tpu.memory_space<vmem_shared>> -> memref<32x128xf32, #tpu.memory_space<vmem_shared>>
      %dma_start3A_126 = arith.constant 0 : i32
      %dma_start3A_127 = tpu.memref_slice %arg14[%add3A_59, %dma_start3A_126] : memref<10240x128xf32, #tpu.memory_space<vmem_shared>> -> memref<32x128xf32, #tpu.memory_space<vmem_shared>>
      tpu.enqueue_dma source(%arg9 : memref<32x128xf32, #tpu.memory_space<vmem>>) target(%dma_start3A_127 : memref<32x128xf32, #tpu.memory_space<vmem_shared>>) target_semaphore(%run_scoped3A : memref<!tpu.dma_semaphore, #tpu.memory_space<semaphore_mem>>)
      %dma_wait3A_128 = arith.constant 0 : i32
      %dma_wait3A_129 = tpu.memref_slice %arg14[%add3A_59, %dma_wait3A_128] : memref<10240x128xf32, #tpu.memory_space<vmem_shared>> -> memref<32x128xf32, #tpu.memory_space<vmem_shared>>
      %dma_wait3A_130 = arith.constant 0 : i32
      %dma_wait3A_131 = tpu.memref_slice %arg14[%add3A_59, %dma_wait3A_130] : memref<10240x128xf32, #tpu.memory_space<vmem_shared>> -> memref<32x128xf32, #tpu.memory_space<vmem_shared>>
      tpu.wait_dma2 semaphore(%run_scoped3A : memref<!tpu.dma_semaphore, #tpu.memory_space<semaphore_mem>>) src(%arg9 : memref<32x128xf32, #tpu.memory_space<vmem>>) dst(%dma_wait3A_131 : memref<32x128xf32, #tpu.memory_space<vmem_shared>>)
      tpu.yield
    }) : () -> ()
    %add3A_60 = arith.constant 416 : i32
    %add3A_61 = arith.addi %mul3A_0, %add3A_60 : i32
    "tpu.region"() ({
      %run_scoped3A = tpu.sem_alloc : memref<!tpu.dma_semaphore, #tpu.memory_space<semaphore_mem>>
      %dma_start3A_124 = arith.constant 0 : i32
      %dma_start3A_125 = tpu.memref_slice %arg14[%add3A_61, %dma_start3A_124] : memref<10240x128xf32, #tpu.memory_space<vmem_shared>> -> memref<32x128xf32, #tpu.memory_space<vmem_shared>>
      %dma_start3A_126 = arith.constant 0 : i32
      %dma_start3A_127 = tpu.memref_slice %arg14[%add3A_61, %dma_start3A_126] : memref<10240x128xf32, #tpu.memory_space<vmem_shared>> -> memref<32x128xf32, #tpu.memory_space<vmem_shared>>
      tpu.enqueue_dma source(%arg9 : memref<32x128xf32, #tpu.memory_space<vmem>>) target(%dma_start3A_127 : memref<32x128xf32, #tpu.memory_space<vmem_shared>>) target_semaphore(%run_scoped3A : memref<!tpu.dma_semaphore, #tpu.memory_space<semaphore_mem>>)
      %dma_wait3A_128 = arith.constant 0 : i32
      %dma_wait3A_129 = tpu.memref_slice %arg14[%add3A_61, %dma_wait3A_128] : memref<10240x128xf32, #tpu.memory_space<vmem_shared>> -> memref<32x128xf32, #tpu.memory_space<vmem_shared>>
      %dma_wait3A_130 = arith.constant 0 : i32
      %dma_wait3A_131 = tpu.memref_slice %arg14[%add3A_61, %dma_wait3A_130] : memref<10240x128xf32, #tpu.memory_space<vmem_shared>> -> memref<32x128xf32, #tpu.memory_space<vmem_shared>>
      tpu.wait_dma2 semaphore(%run_scoped3A : memref<!tpu.dma_semaphore, #tpu.memory_space<semaphore_mem>>) src(%arg9 : memref<32x128xf32, #tpu.memory_space<vmem>>) dst(%dma_wait3A_131 : memref<32x128xf32, #tpu.memory_space<vmem_shared>>)
      tpu.yield
    }) : () -> ()
    %add3A_62 = arith.constant 448 : i32
    %add3A_63 = arith.addi %mul3A_0, %add3A_62 : i32
    "tpu.region"() ({
      %run_scoped3A = tpu.sem_alloc : memref<!tpu.dma_semaphore, #tpu.memory_space<semaphore_mem>>
      %dma_start3A_124 = arith.constant 0 : i32
      %dma_start3A_125 = tpu.memref_slice %arg14[%add3A_63, %dma_start3A_124] : memref<10240x128xf32, #tpu.memory_space<vmem_shared>> -> memref<32x128xf32, #tpu.memory_space<vmem_shared>>
      %dma_start3A_126 = arith.constant 0 : i32
      %dma_start3A_127 = tpu.memref_slice %arg14[%add3A_63, %dma_start3A_126] : memref<10240x128xf32, #tpu.memory_space<vmem_shared>> -> memref<32x128xf32, #tpu.memory_space<vmem_shared>>
      tpu.enqueue_dma source(%arg9 : memref<32x128xf32, #tpu.memory_space<vmem>>) target(%dma_start3A_127 : memref<32x128xf32, #tpu.memory_space<vmem_shared>>) target_semaphore(%run_scoped3A : memref<!tpu.dma_semaphore, #tpu.memory_space<semaphore_mem>>)
      %dma_wait3A_128 = arith.constant 0 : i32
      %dma_wait3A_129 = tpu.memref_slice %arg14[%add3A_63, %dma_wait3A_128] : memref<10240x128xf32, #tpu.memory_space<vmem_shared>> -> memref<32x128xf32, #tpu.memory_space<vmem_shared>>
      %dma_wait3A_130 = arith.constant 0 : i32
      %dma_wait3A_131 = tpu.memref_slice %arg14[%add3A_63, %dma_wait3A_130] : memref<10240x128xf32, #tpu.memory_space<vmem_shared>> -> memref<32x128xf32, #tpu.memory_space<vmem_shared>>
      tpu.wait_dma2 semaphore(%run_scoped3A : memref<!tpu.dma_semaphore, #tpu.memory_space<semaphore_mem>>) src(%arg9 : memref<32x128xf32, #tpu.memory_space<vmem>>) dst(%dma_wait3A_131 : memref<32x128xf32, #tpu.memory_space<vmem_shared>>)
      tpu.yield
    }) : () -> ()
    %add3A_64 = arith.constant 480 : i32
    %add3A_65 = arith.addi %mul3A_0, %add3A_64 : i32
    "tpu.region"() ({
      %run_scoped3A = tpu.sem_alloc : memref<!tpu.dma_semaphore, #tpu.memory_space<semaphore_mem>>
      %dma_start3A_124 = arith.constant 0 : i32
      %dma_start3A_125 = tpu.memref_slice %arg14[%add3A_65, %dma_start3A_124] : memref<10240x128xf32, #tpu.memory_space<vmem_shared>> -> memref<32x128xf32, #tpu.memory_space<vmem_shared>>
      %dma_start3A_126 = arith.constant 0 : i32
      %dma_start3A_127 = tpu.memref_slice %arg14[%add3A_65, %dma_start3A_126] : memref<10240x128xf32, #tpu.memory_space<vmem_shared>> -> memref<32x128xf32, #tpu.memory_space<vmem_shared>>
      tpu.enqueue_dma source(%arg9 : memref<32x128xf32, #tpu.memory_space<vmem>>) target(%dma_start3A_127 : memref<32x128xf32, #tpu.memory_space<vmem_shared>>) target_semaphore(%run_scoped3A : memref<!tpu.dma_semaphore, #tpu.memory_space<semaphore_mem>>)
      %dma_wait3A_128 = arith.constant 0 : i32
      %dma_wait3A_129 = tpu.memref_slice %arg14[%add3A_65, %dma_wait3A_128] : memref<10240x128xf32, #tpu.memory_space<vmem_shared>> -> memref<32x128xf32, #tpu.memory_space<vmem_shared>>
      %dma_wait3A_130 = arith.constant 0 : i32
      %dma_wait3A_131 = tpu.memref_slice %arg14[%add3A_65, %dma_wait3A_130] : memref<10240x128xf32, #tpu.memory_space<vmem_shared>> -> memref<32x128xf32, #tpu.memory_space<vmem_shared>>
      tpu.wait_dma2 semaphore(%run_scoped3A : memref<!tpu.dma_semaphore, #tpu.memory_space<semaphore_mem>>) src(%arg9 : memref<32x128xf32, #tpu.memory_space<vmem>>) dst(%dma_wait3A_131 : memref<32x128xf32, #tpu.memory_space<vmem_shared>>)
      tpu.yield
    }) : () -> ()
    %add3A_66 = arith.constant 512 : i32
    %add3A_67 = arith.addi %mul3A_0, %add3A_66 : i32
    "tpu.region"() ({
      %run_scoped3A = tpu.sem_alloc : memref<!tpu.dma_semaphore, #tpu.memory_space<semaphore_mem>>
      %dma_start3A_124 = arith.constant 0 : i32
      %dma_start3A_125 = tpu.memref_slice %arg14[%add3A_67, %dma_start3A_124] : memref<10240x128xf32, #tpu.memory_space<vmem_shared>> -> memref<32x128xf32, #tpu.memory_space<vmem_shared>>
      %dma_start3A_126 = arith.constant 0 : i32
      %dma_start3A_127 = tpu.memref_slice %arg14[%add3A_67, %dma_start3A_126] : memref<10240x128xf32, #tpu.memory_space<vmem_shared>> -> memref<32x128xf32, #tpu.memory_space<vmem_shared>>
      tpu.enqueue_dma source(%arg9 : memref<32x128xf32, #tpu.memory_space<vmem>>) target(%dma_start3A_127 : memref<32x128xf32, #tpu.memory_space<vmem_shared>>) target_semaphore(%run_scoped3A : memref<!tpu.dma_semaphore, #tpu.memory_space<semaphore_mem>>)
      %dma_wait3A_128 = arith.constant 0 : i32
      %dma_wait3A_129 = tpu.memref_slice %arg14[%add3A_67, %dma_wait3A_128] : memref<10240x128xf32, #tpu.memory_space<vmem_shared>> -> memref<32x128xf32, #tpu.memory_space<vmem_shared>>
      %dma_wait3A_130 = arith.constant 0 : i32
      %dma_wait3A_131 = tpu.memref_slice %arg14[%add3A_67, %dma_wait3A_130] : memref<10240x128xf32, #tpu.memory_space<vmem_shared>> -> memref<32x128xf32, #tpu.memory_space<vmem_shared>>
      tpu.wait_dma2 semaphore(%run_scoped3A : memref<!tpu.dma_semaphore, #tpu.memory_space<semaphore_mem>>) src(%arg9 : memref<32x128xf32, #tpu.memory_space<vmem>>) dst(%dma_wait3A_131 : memref<32x128xf32, #tpu.memory_space<vmem_shared>>)
      tpu.yield
    }) : () -> ()
    %add3A_68 = arith.constant 544 : i32
    %add3A_69 = arith.addi %mul3A_0, %add3A_68 : i32
    "tpu.region"() ({
      %run_scoped3A = tpu.sem_alloc : memref<!tpu.dma_semaphore, #tpu.memory_space<semaphore_mem>>
      %dma_start3A_124 = arith.constant 0 : i32
      %dma_start3A_125 = tpu.memref_slice %arg14[%add3A_69, %dma_start3A_124] : memref<10240x128xf32, #tpu.memory_space<vmem_shared>> -> memref<32x128xf32, #tpu.memory_space<vmem_shared>>
      %dma_start3A_126 = arith.constant 0 : i32
      %dma_start3A_127 = tpu.memref_slice %arg14[%add3A_69, %dma_start3A_126] : memref<10240x128xf32, #tpu.memory_space<vmem_shared>> -> memref<32x128xf32, #tpu.memory_space<vmem_shared>>
      tpu.enqueue_dma source(%arg9 : memref<32x128xf32, #tpu.memory_space<vmem>>) target(%dma_start3A_127 : memref<32x128xf32, #tpu.memory_space<vmem_shared>>) target_semaphore(%run_scoped3A : memref<!tpu.dma_semaphore, #tpu.memory_space<semaphore_mem>>)
      %dma_wait3A_128 = arith.constant 0 : i32
      %dma_wait3A_129 = tpu.memref_slice %arg14[%add3A_69, %dma_wait3A_128] : memref<10240x128xf32, #tpu.memory_space<vmem_shared>> -> memref<32x128xf32, #tpu.memory_space<vmem_shared>>
      %dma_wait3A_130 = arith.constant 0 : i32
      %dma_wait3A_131 = tpu.memref_slice %arg14[%add3A_69, %dma_wait3A_130] : memref<10240x128xf32, #tpu.memory_space<vmem_shared>> -> memref<32x128xf32, #tpu.memory_space<vmem_shared>>
      tpu.wait_dma2 semaphore(%run_scoped3A : memref<!tpu.dma_semaphore, #tpu.memory_space<semaphore_mem>>) src(%arg9 : memref<32x128xf32, #tpu.memory_space<vmem>>) dst(%dma_wait3A_131 : memref<32x128xf32, #tpu.memory_space<vmem_shared>>)
      tpu.yield
    }) : () -> ()
    %add3A_70 = arith.constant 576 : i32
    %add3A_71 = arith.addi %mul3A_0, %add3A_70 : i32
    "tpu.region"() ({
      %run_scoped3A = tpu.sem_alloc : memref<!tpu.dma_semaphore, #tpu.memory_space<semaphore_mem>>
      %dma_start3A_124 = arith.constant 0 : i32
      %dma_start3A_125 = tpu.memref_slice %arg14[%add3A_71, %dma_start3A_124] : memref<10240x128xf32, #tpu.memory_space<vmem_shared>> -> memref<32x128xf32, #tpu.memory_space<vmem_shared>>
      %dma_start3A_126 = arith.constant 0 : i32
      %dma_start3A_127 = tpu.memref_slice %arg14[%add3A_71, %dma_start3A_126] : memref<10240x128xf32, #tpu.memory_space<vmem_shared>> -> memref<32x128xf32, #tpu.memory_space<vmem_shared>>
      tpu.enqueue_dma source(%arg9 : memref<32x128xf32, #tpu.memory_space<vmem>>) target(%dma_start3A_127 : memref<32x128xf32, #tpu.memory_space<vmem_shared>>) target_semaphore(%run_scoped3A : memref<!tpu.dma_semaphore, #tpu.memory_space<semaphore_mem>>)
      %dma_wait3A_128 = arith.constant 0 : i32
      %dma_wait3A_129 = tpu.memref_slice %arg14[%add3A_71, %dma_wait3A_128] : memref<10240x128xf32, #tpu.memory_space<vmem_shared>> -> memref<32x128xf32, #tpu.memory_space<vmem_shared>>
      %dma_wait3A_130 = arith.constant 0 : i32
      %dma_wait3A_131 = tpu.memref_slice %arg14[%add3A_71, %dma_wait3A_130] : memref<10240x128xf32, #tpu.memory_space<vmem_shared>> -> memref<32x128xf32, #tpu.memory_space<vmem_shared>>
      tpu.wait_dma2 semaphore(%run_scoped3A : memref<!tpu.dma_semaphore, #tpu.memory_space<semaphore_mem>>) src(%arg9 : memref<32x128xf32, #tpu.memory_space<vmem>>) dst(%dma_wait3A_131 : memref<32x128xf32, #tpu.memory_space<vmem_shared>>)
      tpu.yield
    }) : () -> ()
    %add3A_72 = arith.constant 608 : i32
    %add3A_73 = arith.addi %mul3A_0, %add3A_72 : i32
    "tpu.region"() ({
      %run_scoped3A = tpu.sem_alloc : memref<!tpu.dma_semaphore, #tpu.memory_space<semaphore_mem>>
      %dma_start3A_124 = arith.constant 0 : i32
      %dma_start3A_125 = tpu.memref_slice %arg14[%add3A_73, %dma_start3A_124] : memref<10240x128xf32, #tpu.memory_space<vmem_shared>> -> memref<32x128xf32, #tpu.memory_space<vmem_shared>>
      %dma_start3A_126 = arith.constant 0 : i32
      %dma_start3A_127 = tpu.memref_slice %arg14[%add3A_73, %dma_start3A_126] : memref<10240x128xf32, #tpu.memory_space<vmem_shared>> -> memref<32x128xf32, #tpu.memory_space<vmem_shared>>
      tpu.enqueue_dma source(%arg9 : memref<32x128xf32, #tpu.memory_space<vmem>>) target(%dma_start3A_127 : memref<32x128xf32, #tpu.memory_space<vmem_shared>>) target_semaphore(%run_scoped3A : memref<!tpu.dma_semaphore, #tpu.memory_space<semaphore_mem>>)
      %dma_wait3A_128 = arith.constant 0 : i32
      %dma_wait3A_129 = tpu.memref_slice %arg14[%add3A_73, %dma_wait3A_128] : memref<10240x128xf32, #tpu.memory_space<vmem_shared>> -> memref<32x128xf32, #tpu.memory_space<vmem_shared>>
      %dma_wait3A_130 = arith.constant 0 : i32
      %dma_wait3A_131 = tpu.memref_slice %arg14[%add3A_73, %dma_wait3A_130] : memref<10240x128xf32, #tpu.memory_space<vmem_shared>> -> memref<32x128xf32, #tpu.memory_space<vmem_shared>>
      tpu.wait_dma2 semaphore(%run_scoped3A : memref<!tpu.dma_semaphore, #tpu.memory_space<semaphore_mem>>) src(%arg9 : memref<32x128xf32, #tpu.memory_space<vmem>>) dst(%dma_wait3A_131 : memref<32x128xf32, #tpu.memory_space<vmem_shared>>)
      tpu.yield
    }) : () -> ()
    %dma_start3A_74 = arith.constant 0 : i32
    %dma_start3A_75 = arith.constant 0 : i32
    %dma_start3A_76 = tpu.memref_slice %arg7[%dma_start3A_74, %dma_start3A_75] : memref<320x32xi32, #tpu.memory_space<vmem>> -> memref<1x32xi32, #tpu.memory_space<vmem>>
    %dma_start3A_77 = tpu.memref_squeeze %dma_start3A_76 : memref<1x32xi32, #tpu.memory_space<vmem>> -> memref<32xi32, #tpu.memory_space<vmem>>
    %dma_start3A_78 = arith.constant 0 : i32
    %dma_start3A_79 = arith.constant 0 : i32
    %dma_start3A_80 = tpu.memref_slice %arg4[%dma_start3A_78, %dma_start3A_79] : memref<10240x128xf32, #tpu.memory_space<hbm>> -> memref<10240x128xf32, #tpu.memory_space<hbm>>
    tpu.enqueue_indirect_dma source(%dma_start3A_80 : memref<10240x128xf32, #tpu.memory_space<hbm>>) target(%arg9 : memref<32x128xf32, #tpu.memory_space<vmem>>) offsets(%dma_start3A_77 : memref<32xi32, #tpu.memory_space<vmem>>) semaphore(%arg15 : memref<!tpu.dma_semaphore, #tpu.memory_space<semaphore_mem>>)
    %barrier3A = arith.constant 0 : index
    tpu.barrier barrier_id(%barrier3A)
    %scan3A = arith.constant 0 : i32
    %scan3A_81 = arith.constant 0 : i32
    %scan3A_82 = arith.constant 64 : i32
    %scan3A_83 = arith.addi %scan3A_81, %scan3A_82 : i32
    %scan3A_84 = arith.constant 1 : i32
    scf.for %scan3A_124 = %scan3A_81 to %scan3A_83 step %scan3A_84  : i32 {
      %mul3A_125 = arith.constant 5 : i32
      %mul3A_126 = arith.muli %mul3A_125, %scan3A_124 : i32
      %add3A_127 = arith.constant 0 : i32
      %add3A_128 = arith.addi %mul3A_126, %add3A_127 : i32
      %dma_wait3A_129 = arith.constant 0 : i32
      %dma_wait3A_130 = tpu.memref_slice %arg7[%add3A_128, %dma_wait3A_129] : memref<320x32xi32, #tpu.memory_space<vmem>> -> memref<1x32xi32, #tpu.memory_space<vmem>>
      %dma_wait3A_131 = tpu.memref_squeeze %dma_wait3A_130 : memref<1x32xi32, #tpu.memory_space<vmem>> -> memref<32xi32, #tpu.memory_space<vmem>>
      %dma_wait3A_132 = arith.constant 0 : i32
      %dma_wait3A_133 = arith.constant 0 : i32
      %dma_wait3A_134 = tpu.memref_slice %arg4[%dma_wait3A_132, %dma_wait3A_133] : memref<10240x128xf32, #tpu.memory_space<hbm>> -> memref<10240x128xf32, #tpu.memory_space<hbm>>
      tpu.wait_indirect_dma semaphore(%arg15 : memref<!tpu.dma_semaphore, #tpu.memory_space<semaphore_mem>>) src(%dma_wait3A_134 : memref<10240x128xf32, #tpu.memory_space<hbm>>) dst(%arg9 : memref<32x128xf32, #tpu.memory_space<vmem>>)
      %add3A_135 = arith.constant 0 : i32
      %add3A_136 = arith.addi %mul3A_126, %add3A_135 : i32
      %dma_start3A_137 = arith.constant 0 : i32
      %dma_start3A_138 = tpu.memref_slice %arg8[%add3A_136, %dma_start3A_137] : memref<320x32xi32, #tpu.memory_space<vmem>> -> memref<1x32xi32, #tpu.memory_space<vmem>>
      %dma_start3A_139 = tpu.memref_squeeze %dma_start3A_138 : memref<1x32xi32, #tpu.memory_space<vmem>> -> memref<32xi32, #tpu.memory_space<vmem>>
      %dma_start3A_140 = arith.constant 0 : i32
      %dma_start3A_141 = arith.constant 0 : i32
      %dma_start3A_142 = tpu.memref_slice %arg14[%dma_start3A_140, %dma_start3A_141] : memref<10240x128xf32, #tpu.memory_space<vmem_shared>> -> memref<10240x128xf32, #tpu.memory_space<vmem_shared>>
      tpu.enqueue_indirect_dma source(%arg9 : memref<32x128xf32, #tpu.memory_space<vmem>>) target(%dma_start3A_142 : memref<10240x128xf32, #tpu.memory_space<vmem_shared>>) offsets(%dma_start3A_139 : memref<32xi32, #tpu.memory_space<vmem>>) semaphore(%arg20 : memref<!tpu.dma_semaphore, #tpu.memory_space<semaphore_mem>>) {add = true}
      %add3A_143 = arith.constant 1 : i32
      %add3A_144 = arith.addi %mul3A_126, %add3A_143 : i32
      %dma_wait3A_145 = arith.constant 0 : i32
      %dma_wait3A_146 = tpu.memref_slice %arg7[%add3A_144, %dma_wait3A_145] : memref<320x32xi32, #tpu.memory_space<vmem>> -> memref<1x32xi32, #tpu.memory_space<vmem>>
      %dma_wait3A_147 = tpu.memref_squeeze %dma_wait3A_146 : memref<1x32xi32, #tpu.memory_space<vmem>> -> memref<32xi32, #tpu.memory_space<vmem>>
      %dma_wait3A_148 = arith.constant 0 : i32
      %dma_wait3A_149 = arith.constant 0 : i32
      %dma_wait3A_150 = tpu.memref_slice %arg4[%dma_wait3A_148, %dma_wait3A_149] : memref<10240x128xf32, #tpu.memory_space<hbm>> -> memref<10240x128xf32, #tpu.memory_space<hbm>>
      tpu.wait_indirect_dma semaphore(%arg16 : memref<!tpu.dma_semaphore, #tpu.memory_space<semaphore_mem>>) src(%dma_wait3A_150 : memref<10240x128xf32, #tpu.memory_space<hbm>>) dst(%arg10 : memref<32x128xf32, #tpu.memory_space<vmem>>)
      %add3A_151 = arith.constant 1 : i32
      %add3A_152 = arith.addi %mul3A_126, %add3A_151 : i32
      %dma_start3A_153 = arith.constant 0 : i32
      %dma_start3A_154 = tpu.memref_slice %arg8[%add3A_152, %dma_start3A_153] : memref<320x32xi32, #tpu.memory_space<vmem>> -> memref<1x32xi32, #tpu.memory_space<vmem>>
      %dma_start3A_155 = tpu.memref_squeeze %dma_start3A_154 : memref<1x32xi32, #tpu.memory_space<vmem>> -> memref<32xi32, #tpu.memory_space<vmem>>
      %dma_start3A_156 = arith.constant 0 : i32
      %dma_start3A_157 = arith.constant 0 : i32
      %dma_start3A_158 = tpu.memref_slice %arg14[%dma_start3A_156, %dma_start3A_157] : memref<10240x128xf32, #tpu.memory_space<vmem_shared>> -> memref<10240x128xf32, #tpu.memory_space<vmem_shared>>
      tpu.enqueue_indirect_dma source(%arg10 : memref<32x128xf32, #tpu.memory_space<vmem>>) target(%dma_start3A_158 : memref<10240x128xf32, #tpu.memory_space<vmem_shared>>) offsets(%dma_start3A_155 : memref<32xi32, #tpu.memory_space<vmem>>) semaphore(%arg21 : memref<!tpu.dma_semaphore, #tpu.memory_space<semaphore_mem>>) {add = true}
      %add3A_159 = arith.constant 2 : i32
      %add3A_160 = arith.addi %mul3A_126, %add3A_159 : i32
      %dma_wait3A_161 = arith.constant 0 : i32
      %dma_wait3A_162 = tpu.memref_slice %arg7[%add3A_160, %dma_wait3A_161] : memref<320x32xi32, #tpu.memory_space<vmem>> -> memref<1x32xi32, #tpu.memory_space<vmem>>
      %dma_wait3A_163 = tpu.memref_squeeze %dma_wait3A_162 : memref<1x32xi32, #tpu.memory_space<vmem>> -> memref<32xi32, #tpu.memory_space<vmem>>
      %dma_wait3A_164 = arith.constant 0 : i32
      %dma_wait3A_165 = arith.constant 0 : i32
      %dma_wait3A_166 = tpu.memref_slice %arg4[%dma_wait3A_164, %dma_wait3A_165] : memref<10240x128xf32, #tpu.memory_space<hbm>> -> memref<10240x128xf32, #tpu.memory_space<hbm>>
      tpu.wait_indirect_dma semaphore(%arg17 : memref<!tpu.dma_semaphore, #tpu.memory_space<semaphore_mem>>) src(%dma_wait3A_166 : memref<10240x128xf32, #tpu.memory_space<hbm>>) dst(%arg11 : memref<32x128xf32, #tpu.memory_space<vmem>>)
      %add3A_167 = arith.constant 2 : i32
      %add3A_168 = arith.addi %mul3A_126, %add3A_167 : i32
      %dma_start3A_169 = arith.constant 0 : i32
      %dma_start3A_170 = tpu.memref_slice %arg8[%add3A_168, %dma_start3A_169] : memref<320x32xi32, #tpu.memory_space<vmem>> -> memref<1x32xi32, #tpu.memory_space<vmem>>
      %dma_start3A_171 = tpu.memref_squeeze %dma_start3A_170 : memref<1x32xi32, #tpu.memory_space<vmem>> -> memref<32xi32, #tpu.memory_space<vmem>>
      %dma_start3A_172 = arith.constant 0 : i32
      %dma_start3A_173 = arith.constant 0 : i32
      %dma_start3A_174 = tpu.memref_slice %arg14[%dma_start3A_172, %dma_start3A_173] : memref<10240x128xf32, #tpu.memory_space<vmem_shared>> -> memref<10240x128xf32, #tpu.memory_space<vmem_shared>>
      tpu.enqueue_indirect_dma source(%arg11 : memref<32x128xf32, #tpu.memory_space<vmem>>) target(%dma_start3A_174 : memref<10240x128xf32, #tpu.memory_space<vmem_shared>>) offsets(%dma_start3A_171 : memref<32xi32, #tpu.memory_space<vmem>>) semaphore(%arg22 : memref<!tpu.dma_semaphore, #tpu.memory_space<semaphore_mem>>) {add = true}
      %add3A_175 = arith.constant 3 : i32
      %add3A_176 = arith.addi %mul3A_126, %add3A_175 : i32
      %dma_wait3A_177 = arith.constant 0 : i32
      %dma_wait3A_178 = tpu.memref_slice %arg7[%add3A_176, %dma_wait3A_177] : memref<320x32xi32, #tpu.memory_space<vmem>> -> memref<1x32xi32, #tpu.memory_space<vmem>>
      %dma_wait3A_179 = tpu.memref_squeeze %dma_wait3A_178 : memref<1x32xi32, #tpu.memory_space<vmem>> -> memref<32xi32, #tpu.memory_space<vmem>>
      %dma_wait3A_180 = arith.constant 0 : i32
      %dma_wait3A_181 = arith.constant 0 : i32
      %dma_wait3A_182 = tpu.memref_slice %arg4[%dma_wait3A_180, %dma_wait3A_181] : memref<10240x128xf32, #tpu.memory_space<hbm>> -> memref<10240x128xf32, #tpu.memory_space<hbm>>
      tpu.wait_indirect_dma semaphore(%arg18 : memref<!tpu.dma_semaphore, #tpu.memory_space<semaphore_mem>>) src(%dma_wait3A_182 : memref<10240x128xf32, #tpu.memory_space<hbm>>) dst(%arg12 : memref<32x128xf32, #tpu.memory_space<vmem>>)
      %add3A_183 = arith.constant 3 : i32
      %add3A_184 = arith.addi %mul3A_126, %add3A_183 : i32
      %dma_start3A_185 = arith.constant 0 : i32
      %dma_start3A_186 = tpu.memref_slice %arg8[%add3A_184, %dma_start3A_185] : memref<320x32xi32, #tpu.memory_space<vmem>> -> memref<1x32xi32, #tpu.memory_space<vmem>>
      %dma_start3A_187 = tpu.memref_squeeze %dma_start3A_186 : memref<1x32xi32, #tpu.memory_space<vmem>> -> memref<32xi32, #tpu.memory_space<vmem>>
      %dma_start3A_188 = arith.constant 0 : i32
      %dma_start3A_189 = arith.constant 0 : i32
      %dma_start3A_190 = tpu.memref_slice %arg14[%dma_start3A_188, %dma_start3A_189] : memref<10240x128xf32, #tpu.memory_space<vmem_shared>> -> memref<10240x128xf32, #tpu.memory_space<vmem_shared>>
      tpu.enqueue_indirect_dma source(%arg12 : memref<32x128xf32, #tpu.memory_space<vmem>>) target(%dma_start3A_190 : memref<10240x128xf32, #tpu.memory_space<vmem_shared>>) offsets(%dma_start3A_187 : memref<32xi32, #tpu.memory_space<vmem>>) semaphore(%arg23 : memref<!tpu.dma_semaphore, #tpu.memory_space<semaphore_mem>>) {add = true}
      %add3A_191 = arith.constant 4 : i32
      %add3A_192 = arith.addi %mul3A_126, %add3A_191 : i32
      %dma_wait3A_193 = arith.constant 0 : i32
      %dma_wait3A_194 = tpu.memref_slice %arg7[%add3A_192, %dma_wait3A_193] : memref<320x32xi32, #tpu.memory_space<vmem>> -> memref<1x32xi32, #tpu.memory_space<vmem>>
      %dma_wait3A_195 = tpu.memref_squeeze %dma_wait3A_194 : memref<1x32xi32, #tpu.memory_space<vmem>> -> memref<32xi32, #tpu.memory_space<vmem>>
      %dma_wait3A_196 = arith.constant 0 : i32
      %dma_wait3A_197 = arith.constant 0 : i32
      %dma_wait3A_198 = tpu.memref_slice %arg4[%dma_wait3A_196, %dma_wait3A_197] : memref<10240x128xf32, #tpu.memory_space<hbm>> -> memref<10240x128xf32, #tpu.memory_space<hbm>>
      tpu.wait_indirect_dma semaphore(%arg19 : memref<!tpu.dma_semaphore, #tpu.memory_space<semaphore_mem>>) src(%dma_wait3A_198 : memref<10240x128xf32, #tpu.memory_space<hbm>>) dst(%arg13 : memref<32x128xf32, #tpu.memory_space<vmem>>)
      %add3A_199 = arith.constant 4 : i32
      %add3A_200 = arith.addi %mul3A_126, %add3A_199 : i32
      %dma_start3A_201 = arith.constant 0 : i32
      %dma_start3A_202 = tpu.memref_slice %arg8[%add3A_200, %dma_start3A_201] : memref<320x32xi32, #tpu.memory_space<vmem>> -> memref<1x32xi32, #tpu.memory_space<vmem>>
      %dma_start3A_203 = tpu.memref_squeeze %dma_start3A_202 : memref<1x32xi32, #tpu.memory_space<vmem>> -> memref<32xi32, #tpu.memory_space<vmem>>
      %dma_start3A_204 = arith.constant 0 : i32
      %dma_start3A_205 = arith.constant 0 : i32
      %dma_start3A_206 = tpu.memref_slice %arg14[%dma_start3A_204, %dma_start3A_205] : memref<10240x128xf32, #tpu.memory_space<vmem_shared>> -> memref<10240x128xf32, #tpu.memory_space<vmem_shared>>
      tpu.enqueue_indirect_dma source(%arg13 : memref<32x128xf32, #tpu.memory_space<vmem>>) target(%dma_start3A_206 : memref<10240x128xf32, #tpu.memory_space<vmem_shared>>) offsets(%dma_start3A_203 : memref<32xi32, #tpu.memory_space<vmem>>) semaphore(%arg24 : memref<!tpu.dma_semaphore, #tpu.memory_space<semaphore_mem>>) {add = true}
      %add3A_207 = arith.constant 5 : i32
      %add3A_208 = arith.addi %mul3A_126, %add3A_207 : i32
      %add3A_209 = arith.constant 0 : i32
      %add3A_210 = arith.addi %add3A_208, %add3A_209 : i32
      %lt3A = arith.constant 320 : i32
      %lt3A_211 = arith.cmpi slt, %add3A_210, %lt3A : i32
      %convert_element_type3A = arith.extui %lt3A_211 : i1 to i32
      %cond3A = arith.constant 0 : i32
      %cond3A_212 = arith.cmpi ne, %convert_element_type3A, %cond3A : i32
      scf.if %cond3A_212 {
        %dma_wait3A_249 = arith.constant 0 : i32
        %dma_wait3A_250 = arith.constant 0 : i32
        %dma_wait3A_251 = tpu.memref_slice %arg8[%dma_wait3A_249, %dma_wait3A_250] : memref<320x32xi32, #tpu.memory_space<vmem>> -> memref<1x32xi32, #tpu.memory_space<vmem>>
        %dma_wait3A_252 = tpu.memref_squeeze %dma_wait3A_251 : memref<1x32xi32, #tpu.memory_space<vmem>> -> memref<32xi32, #tpu.memory_space<vmem>>
        %dma_wait3A_253 = arith.constant 0 : i32
        %dma_wait3A_254 = arith.constant 0 : i32
        %dma_wait3A_255 = tpu.memref_slice %arg14[%dma_wait3A_253, %dma_wait3A_254] : memref<10240x128xf32, #tpu.memory_space<vmem_shared>> -> memref<10240x128xf32, #tpu.memory_space<vmem_shared>>
        tpu.wait_indirect_dma semaphore(%arg20 : memref<!tpu.dma_semaphore, #tpu.memory_space<semaphore_mem>>) src(%arg9 : memref<32x128xf32, #tpu.memory_space<vmem>>) dst(%dma_wait3A_255 : memref<10240x128xf32, #tpu.memory_space<vmem_shared>>)
        %add3A_256 = arith.constant 5 : i32
        %add3A_257 = arith.addi %mul3A_126, %add3A_256 : i32
        %add3A_258 = arith.constant 0 : i32
        %add3A_259 = arith.addi %add3A_257, %add3A_258 : i32
        %dma_start3A_260 = arith.constant 0 : i32
        %dma_start3A_261 = tpu.memref_slice %arg7[%add3A_259, %dma_start3A_260] : memref<320x32xi32, #tpu.memory_space<vmem>> -> memref<1x32xi32, #tpu.memory_space<vmem>>
        %dma_start3A_262 = tpu.memref_squeeze %dma_start3A_261 : memref<1x32xi32, #tpu.memory_space<vmem>> -> memref<32xi32, #tpu.memory_space<vmem>>
        %dma_start3A_263 = arith.constant 0 : i32
        %dma_start3A_264 = arith.constant 0 : i32
        %dma_start3A_265 = tpu.memref_slice %arg4[%dma_start3A_263, %dma_start3A_264] : memref<10240x128xf32, #tpu.memory_space<hbm>> -> memref<10240x128xf32, #tpu.memory_space<hbm>>
        tpu.enqueue_indirect_dma source(%dma_start3A_265 : memref<10240x128xf32, #tpu.memory_space<hbm>>) target(%arg9 : memref<32x128xf32, #tpu.memory_space<vmem>>) offsets(%dma_start3A_262 : memref<32xi32, #tpu.memory_space<vmem>>) semaphore(%arg15 : memref<!tpu.dma_semaphore, #tpu.memory_space<semaphore_mem>>)
      } else {
      }
      %add3A_213 = arith.constant 5 : i32
      %add3A_214 = arith.addi %mul3A_126, %add3A_213 : i32
      %add3A_215 = arith.constant 1 : i32
      %add3A_216 = arith.addi %add3A_214, %add3A_215 : i32
      %lt3A_217 = arith.constant 320 : i32
      %lt3A_218 = arith.cmpi slt, %add3A_216, %lt3A_217 : i32
      %convert_element_type3A_219 = arith.extui %lt3A_218 : i1 to i32
      %cond3A_220 = arith.constant 0 : i32
      %cond3A_221 = arith.cmpi ne, %convert_element_type3A_219, %cond3A_220 : i32
      scf.if %cond3A_221 {
        %dma_wait3A_249 = arith.constant 0 : i32
        %dma_wait3A_250 = arith.constant 0 : i32
        %dma_wait3A_251 = tpu.memref_slice %arg8[%dma_wait3A_249, %dma_wait3A_250] : memref<320x32xi32, #tpu.memory_space<vmem>> -> memref<1x32xi32, #tpu.memory_space<vmem>>
        %dma_wait3A_252 = tpu.memref_squeeze %dma_wait3A_251 : memref<1x32xi32, #tpu.memory_space<vmem>> -> memref<32xi32, #tpu.memory_space<vmem>>
        %dma_wait3A_253 = arith.constant 0 : i32
        %dma_wait3A_254 = arith.constant 0 : i32
        %dma_wait3A_255 = tpu.memref_slice %arg14[%dma_wait3A_253, %dma_wait3A_254] : memref<10240x128xf32, #tpu.memory_space<vmem_shared>> -> memref<10240x128xf32, #tpu.memory_space<vmem_shared>>
        tpu.wait_indirect_dma semaphore(%arg21 : memref<!tpu.dma_semaphore, #tpu.memory_space<semaphore_mem>>) src(%arg10 : memref<32x128xf32, #tpu.memory_space<vmem>>) dst(%dma_wait3A_255 : memref<10240x128xf32, #tpu.memory_space<vmem_shared>>)
        %add3A_256 = arith.constant 5 : i32
        %add3A_257 = arith.addi %mul3A_126, %add3A_256 : i32
        %add3A_258 = arith.constant 1 : i32
        %add3A_259 = arith.addi %add3A_257, %add3A_258 : i32
        %dma_start3A_260 = arith.constant 0 : i32
        %dma_start3A_261 = tpu.memref_slice %arg7[%add3A_259, %dma_start3A_260] : memref<320x32xi32, #tpu.memory_space<vmem>> -> memref<1x32xi32, #tpu.memory_space<vmem>>
        %dma_start3A_262 = tpu.memref_squeeze %dma_start3A_261 : memref<1x32xi32, #tpu.memory_space<vmem>> -> memref<32xi32, #tpu.memory_space<vmem>>
        %dma_start3A_263 = arith.constant 0 : i32
        %dma_start3A_264 = arith.constant 0 : i32
        %dma_start3A_265 = tpu.memref_slice %arg4[%dma_start3A_263, %dma_start3A_264] : memref<10240x128xf32, #tpu.memory_space<hbm>> -> memref<10240x128xf32, #tpu.memory_space<hbm>>
        tpu.enqueue_indirect_dma source(%dma_start3A_265 : memref<10240x128xf32, #tpu.memory_space<hbm>>) target(%arg10 : memref<32x128xf32, #tpu.memory_space<vmem>>) offsets(%dma_start3A_262 : memref<32xi32, #tpu.memory_space<vmem>>) semaphore(%arg16 : memref<!tpu.dma_semaphore, #tpu.memory_space<semaphore_mem>>)
      } else {
      }
      %add3A_222 = arith.constant 5 : i32
      %add3A_223 = arith.addi %mul3A_126, %add3A_222 : i32
      %add3A_224 = arith.constant 2 : i32
      %add3A_225 = arith.addi %add3A_223, %add3A_224 : i32
      %lt3A_226 = arith.constant 320 : i32
      %lt3A_227 = arith.cmpi slt, %add3A_225, %lt3A_226 : i32
      %convert_element_type3A_228 = arith.extui %lt3A_227 : i1 to i32
      %cond3A_229 = arith.constant 0 : i32
      %cond3A_230 = arith.cmpi ne, %convert_element_type3A_228, %cond3A_229 : i32
      scf.if %cond3A_230 {
        %dma_wait3A_249 = arith.constant 0 : i32
        %dma_wait3A_250 = arith.constant 0 : i32
        %dma_wait3A_251 = tpu.memref_slice %arg8[%dma_wait3A_249, %dma_wait3A_250] : memref<320x32xi32, #tpu.memory_space<vmem>> -> memref<1x32xi32, #tpu.memory_space<vmem>>
        %dma_wait3A_252 = tpu.memref_squeeze %dma_wait3A_251 : memref<1x32xi32, #tpu.memory_space<vmem>> -> memref<32xi32, #tpu.memory_space<vmem>>
        %dma_wait3A_253 = arith.constant 0 : i32
        %dma_wait3A_254 = arith.constant 0 : i32
        %dma_wait3A_255 = tpu.memref_slice %arg14[%dma_wait3A_253, %dma_wait3A_254] : memref<10240x128xf32, #tpu.memory_space<vmem_shared>> -> memref<10240x128xf32, #tpu.memory_space<vmem_shared>>
        tpu.wait_indirect_dma semaphore(%arg22 : memref<!tpu.dma_semaphore, #tpu.memory_space<semaphore_mem>>) src(%arg11 : memref<32x128xf32, #tpu.memory_space<vmem>>) dst(%dma_wait3A_255 : memref<10240x128xf32, #tpu.memory_space<vmem_shared>>)
        %add3A_256 = arith.constant 5 : i32
        %add3A_257 = arith.addi %mul3A_126, %add3A_256 : i32
        %add3A_258 = arith.constant 2 : i32
        %add3A_259 = arith.addi %add3A_257, %add3A_258 : i32
        %dma_start3A_260 = arith.constant 0 : i32
        %dma_start3A_261 = tpu.memref_slice %arg7[%add3A_259, %dma_start3A_260] : memref<320x32xi32, #tpu.memory_space<vmem>> -> memref<1x32xi32, #tpu.memory_space<vmem>>
        %dma_start3A_262 = tpu.memref_squeeze %dma_start3A_261 : memref<1x32xi32, #tpu.memory_space<vmem>> -> memref<32xi32, #tpu.memory_space<vmem>>
        %dma_start3A_263 = arith.constant 0 : i32
        %dma_start3A_264 = arith.constant 0 : i32
        %dma_start3A_265 = tpu.memref_slice %arg4[%dma_start3A_263, %dma_start3A_264] : memref<10240x128xf32, #tpu.memory_space<hbm>> -> memref<10240x128xf32, #tpu.memory_space<hbm>>
        tpu.enqueue_indirect_dma source(%dma_start3A_265 : memref<10240x128xf32, #tpu.memory_space<hbm>>) target(%arg11 : memref<32x128xf32, #tpu.memory_space<vmem>>) offsets(%dma_start3A_262 : memref<32xi32, #tpu.memory_space<vmem>>) semaphore(%arg17 : memref<!tpu.dma_semaphore, #tpu.memory_space<semaphore_mem>>)
      } else {
      }
      %add3A_231 = arith.constant 5 : i32
      %add3A_232 = arith.addi %mul3A_126, %add3A_231 : i32
      %add3A_233 = arith.constant 3 : i32
      %add3A_234 = arith.addi %add3A_232, %add3A_233 : i32
      %lt3A_235 = arith.constant 320 : i32
      %lt3A_236 = arith.cmpi slt, %add3A_234, %lt3A_235 : i32
      %convert_element_type3A_237 = arith.extui %lt3A_236 : i1 to i32
      %cond3A_238 = arith.constant 0 : i32
      %cond3A_239 = arith.cmpi ne, %convert_element_type3A_237, %cond3A_238 : i32
      scf.if %cond3A_239 {
        %dma_wait3A_249 = arith.constant 0 : i32
        %dma_wait3A_250 = arith.constant 0 : i32
        %dma_wait3A_251 = tpu.memref_slice %arg8[%dma_wait3A_249, %dma_wait3A_250] : memref<320x32xi32, #tpu.memory_space<vmem>> -> memref<1x32xi32, #tpu.memory_space<vmem>>
        %dma_wait3A_252 = tpu.memref_squeeze %dma_wait3A_251 : memref<1x32xi32, #tpu.memory_space<vmem>> -> memref<32xi32, #tpu.memory_space<vmem>>
        %dma_wait3A_253 = arith.constant 0 : i32
        %dma_wait3A_254 = arith.constant 0 : i32
        %dma_wait3A_255 = tpu.memref_slice %arg14[%dma_wait3A_253, %dma_wait3A_254] : memref<10240x128xf32, #tpu.memory_space<vmem_shared>> -> memref<10240x128xf32, #tpu.memory_space<vmem_shared>>
        tpu.wait_indirect_dma semaphore(%arg23 : memref<!tpu.dma_semaphore, #tpu.memory_space<semaphore_mem>>) src(%arg12 : memref<32x128xf32, #tpu.memory_space<vmem>>) dst(%dma_wait3A_255 : memref<10240x128xf32, #tpu.memory_space<vmem_shared>>)
        %add3A_256 = arith.constant 5 : i32
        %add3A_257 = arith.addi %mul3A_126, %add3A_256 : i32
        %add3A_258 = arith.constant 3 : i32
        %add3A_259 = arith.addi %add3A_257, %add3A_258 : i32
        %dma_start3A_260 = arith.constant 0 : i32
        %dma_start3A_261 = tpu.memref_slice %arg7[%add3A_259, %dma_start3A_260] : memref<320x32xi32, #tpu.memory_space<vmem>> -> memref<1x32xi32, #tpu.memory_space<vmem>>
        %dma_start3A_262 = tpu.memref_squeeze %dma_start3A_261 : memref<1x32xi32, #tpu.memory_space<vmem>> -> memref<32xi32, #tpu.memory_space<vmem>>
        %dma_start3A_263 = arith.constant 0 : i32
        %dma_start3A_264 = arith.constant 0 : i32
        %dma_start3A_265 = tpu.memref_slice %arg4[%dma_start3A_263, %dma_start3A_264] : memref<10240x128xf32, #tpu.memory_space<hbm>> -> memref<10240x128xf32, #tpu.memory_space<hbm>>
        tpu.enqueue_indirect_dma source(%dma_start3A_265 : memref<10240x128xf32, #tpu.memory_space<hbm>>) target(%arg12 : memref<32x128xf32, #tpu.memory_space<vmem>>) offsets(%dma_start3A_262 : memref<32xi32, #tpu.memory_space<vmem>>) semaphore(%arg18 : memref<!tpu.dma_semaphore, #tpu.memory_space<semaphore_mem>>)
      } else {
      }
      %add3A_240 = arith.constant 5 : i32
      %add3A_241 = arith.addi %mul3A_126, %add3A_240 : i32
      %add3A_242 = arith.constant 4 : i32
      %add3A_243 = arith.addi %add3A_241, %add3A_242 : i32
      %lt3A_244 = arith.constant 320 : i32
      %lt3A_245 = arith.cmpi slt, %add3A_243, %lt3A_244 : i32
      %convert_element_type3A_246 = arith.extui %lt3A_245 : i1 to i32
      %cond3A_247 = arith.constant 0 : i32
      %cond3A_248 = arith.cmpi ne, %convert_element_type3A_246, %cond3A_247 : i32
      scf.if %cond3A_248 {
        %dma_wait3A_249 = arith.constant 0 : i32
        %dma_wait3A_250 = arith.constant 0 : i32
        %dma_wait3A_251 = tpu.memref_slice %arg8[%dma_wait3A_249, %dma_wait3A_250] : memref<320x32xi32, #tpu.memory_space<vmem>> -> memref<1x32xi32, #tpu.memory_space<vmem>>
        %dma_wait3A_252 = tpu.memref_squeeze %dma_wait3A_251 : memref<1x32xi32, #tpu.memory_space<vmem>> -> memref<32xi32, #tpu.memory_space<vmem>>
        %dma_wait3A_253 = arith.constant 0 : i32
        %dma_wait3A_254 = arith.constant 0 : i32
        %dma_wait3A_255 = tpu.memref_slice %arg14[%dma_wait3A_253, %dma_wait3A_254] : memref<10240x128xf32, #tpu.memory_space<vmem_shared>> -> memref<10240x128xf32, #tpu.memory_space<vmem_shared>>
        tpu.wait_indirect_dma semaphore(%arg24 : memref<!tpu.dma_semaphore, #tpu.memory_space<semaphore_mem>>) src(%arg13 : memref<32x128xf32, #tpu.memory_space<vmem>>) dst(%dma_wait3A_255 : memref<10240x128xf32, #tpu.memory_space<vmem_shared>>)
        %add3A_256 = arith.constant 5 : i32
        %add3A_257 = arith.addi %mul3A_126, %add3A_256 : i32
        %add3A_258 = arith.constant 4 : i32
        %add3A_259 = arith.addi %add3A_257, %add3A_258 : i32
        %dma_start3A_260 = arith.constant 0 : i32
        %dma_start3A_261 = tpu.memref_slice %arg7[%add3A_259, %dma_start3A_260] : memref<320x32xi32, #tpu.memory_space<vmem>> -> memref<1x32xi32, #tpu.memory_space<vmem>>
        %dma_start3A_262 = tpu.memref_squeeze %dma_start3A_261 : memref<1x32xi32, #tpu.memory_space<vmem>> -> memref<32xi32, #tpu.memory_space<vmem>>
        %dma_start3A_263 = arith.constant 0 : i32
        %dma_start3A_264 = arith.constant 0 : i32
        %dma_start3A_265 = tpu.memref_slice %arg4[%dma_start3A_263, %dma_start3A_264] : memref<10240x128xf32, #tpu.memory_space<hbm>> -> memref<10240x128xf32, #tpu.memory_space<hbm>>
        tpu.enqueue_indirect_dma source(%dma_start3A_265 : memref<10240x128xf32, #tpu.memory_space<hbm>>) target(%arg13 : memref<32x128xf32, #tpu.memory_space<vmem>>) offsets(%dma_start3A_262 : memref<32xi32, #tpu.memory_space<vmem>>) semaphore(%arg19 : memref<!tpu.dma_semaphore, #tpu.memory_space<semaphore_mem>>)
      } else {
      }
    }
    %scan3A_85 = arith.constant 64 : i32
    %dma_wait3A = arith.constant 0 : i32
    %dma_wait3A_86 = arith.constant 0 : i32
    %dma_wait3A_87 = tpu.memref_slice %arg8[%dma_wait3A, %dma_wait3A_86] : memref<320x32xi32, #tpu.memory_space<vmem>> -> memref<1x32xi32, #tpu.memory_space<vmem>>
    %dma_wait3A_88 = tpu.memref_squeeze %dma_wait3A_87 : memref<1x32xi32, #tpu.memory_space<vmem>> -> memref<32xi32, #tpu.memory_space<vmem>>
    %dma_wait3A_89 = arith.constant 0 : i32
    %dma_wait3A_90 = arith.constant 0 : i32
    %dma_wait3A_91 = tpu.memref_slice %arg14[%dma_wait3A_89, %dma_wait3A_90] : memref<10240x128xf32, #tpu.memory_space<vmem_shared>> -> memref<10240x128xf32, #tpu.memory_space<vmem_shared>>
    tpu.wait_indirect_dma semaphore(%arg20 : memref<!tpu.dma_semaphore, #tpu.memory_space<semaphore_mem>>) src(%arg9 : memref<32x128xf32, #tpu.memory_space<vmem>>) dst(%dma_wait3A_91 : memref<10240x128xf32, #tpu.memory_space<vmem_shared>>)
    %dma_wait3A_92 = arith.constant 0 : i32
    %dma_wait3A_93 = arith.constant 0 : i32
    %dma_wait3A_94 = tpu.memref_slice %arg8[%dma_wait3A_92, %dma_wait3A_93] : memref<320x32xi32, #tpu.memory_space<vmem>> -> memref<1x32xi32, #tpu.memory_space<vmem>>
    %dma_wait3A_95 = tpu.memref_squeeze %dma_wait3A_94 : memref<1x32xi32, #tpu.memory_space<vmem>> -> memref<32xi32, #tpu.memory_space<vmem>>
    %dma_wait3A_96 = arith.constant 0 : i32
    %dma_wait3A_97 = arith.constant 0 : i32
    %dma_wait3A_98 = tpu.memref_slice %arg14[%dma_wait3A_96, %dma_wait3A_97] : memref<10240x128xf32, #tpu.memory_space<vmem_shared>> -> memref<10240x128xf32, #tpu.memory_space<vmem_shared>>
    tpu.wait_indirect_dma semaphore(%arg21 : memref<!tpu.dma_semaphore, #tpu.memory_space<semaphore_mem>>) src(%arg10 : memref<32x128xf32, #tpu.memory_space<vmem>>) dst(%dma_wait3A_98 : memref<10240x128xf32, #tpu.memory_space<vmem_shared>>)
    %dma_wait3A_99 = arith.constant 0 : i32
    %dma_wait3A_100 = arith.constant 0 : i32
    %dma_wait3A_101 = tpu.memref_slice %arg8[%dma_wait3A_99, %dma_wait3A_100] : memref<320x32xi32, #tpu.memory_space<vmem>> -> memref<1x32xi32, #tpu.memory_space<vmem>>
    %dma_wait3A_102 = tpu.memref_squeeze %dma_wait3A_101 : memref<1x32xi32, #tpu.memory_space<vmem>> -> memref<32xi32, #tpu.memory_space<vmem>>
    %dma_wait3A_103 = arith.constant 0 : i32
    %dma_wait3A_104 = arith.constant 0 : i32
    %dma_wait3A_105 = tpu.memref_slice %arg14[%dma_wait3A_103, %dma_wait3A_104] : memref<10240x128xf32, #tpu.memory_space<vmem_shared>> -> memref<10240x128xf32, #tpu.memory_space<vmem_shared>>
    tpu.wait_indirect_dma semaphore(%arg22 : memref<!tpu.dma_semaphore, #tpu.memory_space<semaphore_mem>>) src(%arg11 : memref<32x128xf32, #tpu.memory_space<vmem>>) dst(%dma_wait3A_105 : memref<10240x128xf32, #tpu.memory_space<vmem_shared>>)
    %dma_wait3A_106 = arith.constant 0 : i32
    %dma_wait3A_107 = arith.constant 0 : i32
    %dma_wait3A_108 = tpu.memref_slice %arg8[%dma_wait3A_106, %dma_wait3A_107] : memref<320x32xi32, #tpu.memory_space<vmem>> -> memref<1x32xi32, #tpu.memory_space<vmem>>
    %dma_wait3A_109 = tpu.memref_squeeze %dma_wait3A_108 : memref<1x32xi32, #tpu.memory_space<vmem>> -> memref<32xi32, #tpu.memory_space<vmem>>
    %dma_wait3A_110 = arith.constant 0 : i32
    %dma_wait3A_111 = arith.constant 0 : i32
    %dma_wait3A_112 = tpu.memref_slice %arg14[%dma_wait3A_110, %dma_wait3A_111] : memref<10240x128xf32, #tpu.memory_space<vmem_shared>> -> memref<10240x128xf32, #tpu.memory_space<vmem_shared>>
    tpu.wait_indirect_dma semaphore(%arg23 : memref<!tpu.dma_semaphore, #tpu.memory_space<semaphore_mem>>) src(%arg12 : memref<32x128xf32, #tpu.memory_space<vmem>>) dst(%dma_wait3A_112 : memref<10240x128xf32, #tpu.memory_space<vmem_shared>>)
    %dma_wait3A_113 = arith.constant 0 : i32
    %dma_wait3A_114 = arith.constant 0 : i32
    %dma_wait3A_115 = tpu.memref_slice %arg8[%dma_wait3A_113, %dma_wait3A_114] : memref<320x32xi32, #tpu.memory_space<vmem>> -> memref<1x32xi32, #tpu.memory_space<vmem>>
    %dma_wait3A_116 = tpu.memref_squeeze %dma_wait3A_115 : memref<1x32xi32, #tpu.memory_space<vmem>> -> memref<32xi32, #tpu.memory_space<vmem>>
    %dma_wait3A_117 = arith.constant 0 : i32
    %dma_wait3A_118 = arith.constant 0 : i32
    %dma_wait3A_119 = tpu.memref_slice %arg14[%dma_wait3A_117, %dma_wait3A_118] : memref<10240x128xf32, #tpu.memory_space<vmem_shared>> -> memref<10240x128xf32, #tpu.memory_space<vmem_shared>>
    tpu.wait_indirect_dma semaphore(%arg24 : memref<!tpu.dma_semaphore, #tpu.memory_space<semaphore_mem>>) src(%arg13 : memref<32x128xf32, #tpu.memory_space<vmem>>) dst(%dma_wait3A_119 : memref<10240x128xf32, #tpu.memory_space<vmem_shared>>)
    %barrier3A_120 = arith.constant 0 : index
    tpu.barrier barrier_id(%barrier3A_120)
    %mul3A_121 = arith.constant 10240 : i32
    %mul3A_122 = arith.muli %arg0, %mul3A_121 : i32
    %add3A_123 = arith.addi %mul3A_122, %mul3A_0 : i32
    "tpu.region"() ({
      %run_scoped3A = tpu.sem_alloc : memref<!tpu.dma_semaphore, #tpu.memory_space<semaphore_mem>>
      %dma_start3A_124 = arith.constant 0 : i32
      %dma_start3A_125 = tpu.memref_slice %arg6[%add3A_123, %dma_start3A_124] : memref<20480x128xf32, #tpu.memory_space<hbm>> -> memref<640x128xf32, #tpu.memory_space<hbm>>
      %dma_start3A_126 = arith.constant 0 : i32
      %dma_start3A_127 = tpu.memref_slice %arg14[%mul3A_0, %dma_start3A_126] : memref<10240x128xf32, #tpu.memory_space<vmem_shared>> -> memref<640x128xf32, #tpu.memory_space<vmem_shared>>
      tpu.enqueue_dma source(%dma_start3A_127 : memref<640x128xf32, #tpu.memory_space<vmem_shared>>) target(%dma_start3A_125 : memref<640x128xf32, #tpu.memory_space<hbm>>) target_semaphore(%run_scoped3A : memref<!tpu.dma_semaphore, #tpu.memory_space<semaphore_mem>>)
      %dma_wait3A_128 = arith.constant 0 : i32
      %dma_wait3A_129 = tpu.memref_slice %arg6[%add3A_123, %dma_wait3A_128] : memref<20480x128xf32, #tpu.memory_space<hbm>> -> memref<640x128xf32, #tpu.memory_space<hbm>>
      %dma_wait3A_130 = arith.constant 0 : i32
      %dma_wait3A_131 = tpu.memref_slice %arg14[%mul3A_0, %dma_wait3A_130] : memref<10240x128xf32, #tpu.memory_space<vmem_shared>> -> memref<640x128xf32, #tpu.memory_space<vmem_shared>>
      tpu.wait_dma2 semaphore(%run_scoped3A : memref<!tpu.dma_semaphore, #tpu.memory_space<semaphore_mem>>) src(%dma_wait3A_131 : memref<640x128xf32, #tpu.memory_space<vmem_shared>>) dst(%dma_wait3A_129 : memref<640x128xf32, #tpu.memory_space<hbm>>)
      tpu.yield
    }) : () -> ()
    return
  }
}

#map = affine_map<(d0, d1) -> (0, 0)>
module attributes {stable_mosaic.version = 14 : i64} {
  func.func @_agg_body(%arg0: i32, %arg1: i32, %arg2: memref<10240x32xi32, #tpu.memory_space<hbm>>, %arg3: memref<10240x32xi32, #tpu.memory_space<hbm>>, %arg4: memref<10240x128xf32, #tpu.memory_space<hbm>>, %arg5: memref<32x128xf32, #tpu.memory_space<hbm>>, %arg6: memref<20480x128xf32, #tpu.memory_space<hbm>>, %arg7: memref<320x32xi32, #tpu.memory_space<vmem>>, %arg8: memref<320x32xi32, #tpu.memory_space<vmem>>, %arg9: memref<32x128xf32, #tpu.memory_space<vmem>>, %arg10: memref<32x128xf32, #tpu.memory_space<vmem>>, %arg11: memref<32x128xf32, #tpu.memory_space<vmem>>, %arg12: memref<32x128xf32, #tpu.memory_space<vmem>>, %arg13: memref<32x128xf32, #tpu.memory_space<vmem>>, %arg14: memref<10240x128xf32, #tpu.memory_space<vmem_shared>>, %arg15: memref<!tpu.dma_semaphore, #tpu.memory_space<semaphore_mem>>, %arg16: memref<!tpu.dma_semaphore, #tpu.memory_space<semaphore_mem>>, %arg17: memref<!tpu.dma_semaphore, #tpu.memory_space<semaphore_mem>>, %arg18: memref<!tpu.dma_semaphore, #tpu.memory_space<semaphore_mem>>, %arg19: memref<!tpu.dma_semaphore, #tpu.memory_space<semaphore_mem>>, %arg20: memref<!tpu.dma_semaphore, #tpu.memory_space<semaphore_mem>>, %arg21: memref<!tpu.dma_semaphore, #tpu.memory_space<semaphore_mem>>, %arg22: memref<!tpu.dma_semaphore, #tpu.memory_space<semaphore_mem>>, %arg23: memref<!tpu.dma_semaphore, #tpu.memory_space<semaphore_mem>>, %arg24: memref<!tpu.dma_semaphore, #tpu.memory_space<semaphore_mem>>) attributes {dimension_semantics = [#tpu.dimension_semantics<core_parallel>, #tpu.dimension_semantics<subcore_parallel>], iteration_bounds = array<i64: 2, 16>, scalar_prefetch = 0 : i64, scratch_operands = 18 : i64, tpu.core_type = #tpu.core_type<sc_vector_subcore>, window_params = [{transform_indices = #map}, {transform_indices = #map}, {transform_indices = #map}, {transform_indices = #map}, {transform_indices = #map}]} {
    %mul3A = arith.constant 640 : i32
    %mul3A_0 = arith.muli %arg1, %mul3A : i32
    %mul3A_1 = arith.constant 16 : i32
    %mul3A_2 = arith.muli %arg0, %mul3A_1 : i32
    %add3A = arith.addi %mul3A_2, %arg1 : i32
    %mul3A_3 = arith.constant 320 : i32
    %mul3A_4 = arith.muli %add3A, %mul3A_3 : i32
    "tpu.region"() ({
      %run_scoped3A = tpu.sem_alloc : memref<!tpu.dma_semaphore, #tpu.memory_space<semaphore_mem>>
      %dma_start3A_124 = arith.constant 0 : i32
      %dma_start3A_125 = tpu.memref_slice %arg2[%mul3A_4, %dma_start3A_124] : memref<10240x32xi32, #tpu.memory_space<hbm>> -> memref<320x32xi32, #tpu.memory_space<hbm>>
      %dma_start3A_126 = arith.constant 0 : i32
      %dma_start3A_127 = tpu.memref_slice %arg2[%mul3A_4, %dma_start3A_126] : memref<10240x32xi32, #tpu.memory_space<hbm>> -> memref<320x32xi32, #tpu.memory_space<hbm>>
      tpu.enqueue_dma source(%dma_start3A_127 : memref<320x32xi32, #tpu.memory_space<hbm>>) target(%arg7 : memref<320x32xi32, #tpu.memory_space<vmem>>) target_semaphore(%run_scoped3A : memref<!tpu.dma_semaphore, #tpu.memory_space<semaphore_mem>>)
      %dma_wait3A_128 = arith.constant 0 : i32
      %dma_wait3A_129 = tpu.memref_slice %arg2[%mul3A_4, %dma_wait3A_128] : memref<10240x32xi32, #tpu.memory_space<hbm>> -> memref<320x32xi32, #tpu.memory_space<hbm>>
      %dma_wait3A_130 = arith.constant 0 : i32
      %dma_wait3A_131 = tpu.memref_slice %arg2[%mul3A_4, %dma_wait3A_130] : memref<10240x32xi32, #tpu.memory_space<hbm>> -> memref<320x32xi32, #tpu.memory_space<hbm>>
      tpu.wait_dma2 semaphore(%run_scoped3A : memref<!tpu.dma_semaphore, #tpu.memory_space<semaphore_mem>>) src(%dma_wait3A_131 : memref<320x32xi32, #tpu.memory_space<hbm>>) dst(%arg7 : memref<320x32xi32, #tpu.memory_space<vmem>>)
      tpu.yield
    }) : () -> ()
    %mul3A_5 = arith.constant 320 : i32
    %mul3A_6 = arith.muli %add3A, %mul3A_5 : i32
    "tpu.region"() ({
      %run_scoped3A = tpu.sem_alloc : memref<!tpu.dma_semaphore, #tpu.memory_space<semaphore_mem>>
      %dma_start3A_124 = arith.constant 0 : i32
      %dma_start3A_125 = tpu.memref_slice %arg3[%mul3A_6, %dma_start3A_124] : memref<10240x32xi32, #tpu.memory_space<hbm>> -> memref<320x32xi32, #tpu.memory_space<hbm>>
      %dma_start3A_126 = arith.constant 0 : i32
      %dma_start3A_127 = tpu.memref_slice %arg3[%mul3A_6, %dma_start3A_126] : memref<10240x32xi32, #tpu.memory_space<hbm>> -> memref<320x32xi32, #tpu.memory_space<hbm>>
      tpu.enqueue_dma source(%dma_start3A_127 : memref<320x32xi32, #tpu.memory_space<hbm>>) target(%arg8 : memref<320x32xi32, #tpu.memory_space<vmem>>) target_semaphore(%run_scoped3A : memref<!tpu.dma_semaphore, #tpu.memory_space<semaphore_mem>>)
      %dma_wait3A_128 = arith.constant 0 : i32
      %dma_wait3A_129 = tpu.memref_slice %arg3[%mul3A_6, %dma_wait3A_128] : memref<10240x32xi32, #tpu.memory_space<hbm>> -> memref<320x32xi32, #tpu.memory_space<hbm>>
      %dma_wait3A_130 = arith.constant 0 : i32
      %dma_wait3A_131 = tpu.memref_slice %arg3[%mul3A_6, %dma_wait3A_130] : memref<10240x32xi32, #tpu.memory_space<hbm>> -> memref<320x32xi32, #tpu.memory_space<hbm>>
      tpu.wait_dma2 semaphore(%run_scoped3A : memref<!tpu.dma_semaphore, #tpu.memory_space<semaphore_mem>>) src(%dma_wait3A_131 : memref<320x32xi32, #tpu.memory_space<hbm>>) dst(%arg8 : memref<320x32xi32, #tpu.memory_space<vmem>>)
      tpu.yield
    }) : () -> ()
    %dma_start3A = arith.constant 1 : i32
    %dma_start3A_7 = arith.constant 0 : i32
    %dma_start3A_8 = tpu.memref_slice %arg7[%dma_start3A, %dma_start3A_7] : memref<320x32xi32, #tpu.memory_space<vmem>> -> memref<1x32xi32, #tpu.memory_space<vmem>>
    %dma_start3A_9 = tpu.memref_squeeze %dma_start3A_8 : memref<1x32xi32, #tpu.memory_space<vmem>> -> memref<32xi32, #tpu.memory_space<vmem>>
    %dma_start3A_10 = arith.constant 0 : i32
    %dma_start3A_11 = arith.constant 0 : i32
    %dma_start3A_12 = tpu.memref_slice %arg4[%dma_start3A_10, %dma_start3A_11] : memref<10240x128xf32, #tpu.memory_space<hbm>> -> memref<10240x128xf32, #tpu.memory_space<hbm>>
    tpu.enqueue_indirect_dma source(%dma_start3A_12 : memref<10240x128xf32, #tpu.memory_space<hbm>>) target(%arg10 : memref<32x128xf32, #tpu.memory_space<vmem>>) offsets(%dma_start3A_9 : memref<32xi32, #tpu.memory_space<vmem>>) semaphore(%arg16 : memref<!tpu.dma_semaphore, #tpu.memory_space<semaphore_mem>>)
    %dma_start3A_13 = arith.constant 2 : i32
    %dma_start3A_14 = arith.constant 0 : i32
    %dma_start3A_15 = tpu.memref_slice %arg7[%dma_start3A_13, %dma_start3A_14] : memref<320x32xi32, #tpu.memory_space<vmem>> -> memref<1x32xi32, #tpu.memory_space<vmem>>
    %dma_start3A_16 = tpu.memref_squeeze %dma_start3A_15 : memref<1x32xi32, #tpu.memory_space<vmem>> -> memref<32xi32, #tpu.memory_space<vmem>>
    %dma_start3A_17 = arith.constant 0 : i32
    %dma_start3A_18 = arith.constant 0 : i32
    %dma_start3A_19 = tpu.memref_slice %arg4[%dma_start3A_17, %dma_start3A_18] : memref<10240x128xf32, #tpu.memory_space<hbm>> -> memref<10240x128xf32, #tpu.memory_space<hbm>>
    tpu.enqueue_indirect_dma source(%dma_start3A_19 : memref<10240x128xf32, #tpu.memory_space<hbm>>) target(%arg11 : memref<32x128xf32, #tpu.memory_space<vmem>>) offsets(%dma_start3A_16 : memref<32xi32, #tpu.memory_space<vmem>>) semaphore(%arg17 : memref<!tpu.dma_semaphore, #tpu.memory_space<semaphore_mem>>)
    %dma_start3A_20 = arith.constant 3 : i32
    %dma_start3A_21 = arith.constant 0 : i32
    %dma_start3A_22 = tpu.memref_slice %arg7[%dma_start3A_20, %dma_start3A_21] : memref<320x32xi32, #tpu.memory_space<vmem>> -> memref<1x32xi32, #tpu.memory_space<vmem>>
    %dma_start3A_23 = tpu.memref_squeeze %dma_start3A_22 : memref<1x32xi32, #tpu.memory_space<vmem>> -> memref<32xi32, #tpu.memory_space<vmem>>
    %dma_start3A_24 = arith.constant 0 : i32
    %dma_start3A_25 = arith.constant 0 : i32
    %dma_start3A_26 = tpu.memref_slice %arg4[%dma_start3A_24, %dma_start3A_25] : memref<10240x128xf32, #tpu.memory_space<hbm>> -> memref<10240x128xf32, #tpu.memory_space<hbm>>
    tpu.enqueue_indirect_dma source(%dma_start3A_26 : memref<10240x128xf32, #tpu.memory_space<hbm>>) target(%arg12 : memref<32x128xf32, #tpu.memory_space<vmem>>) offsets(%dma_start3A_23 : memref<32xi32, #tpu.memory_space<vmem>>) semaphore(%arg18 : memref<!tpu.dma_semaphore, #tpu.memory_space<semaphore_mem>>)
    %dma_start3A_27 = arith.constant 4 : i32
    %dma_start3A_28 = arith.constant 0 : i32
    %dma_start3A_29 = tpu.memref_slice %arg7[%dma_start3A_27, %dma_start3A_28] : memref<320x32xi32, #tpu.memory_space<vmem>> -> memref<1x32xi32, #tpu.memory_space<vmem>>
    %dma_start3A_30 = tpu.memref_squeeze %dma_start3A_29 : memref<1x32xi32, #tpu.memory_space<vmem>> -> memref<32xi32, #tpu.memory_space<vmem>>
    %dma_start3A_31 = arith.constant 0 : i32
    %dma_start3A_32 = arith.constant 0 : i32
    %dma_start3A_33 = tpu.memref_slice %arg4[%dma_start3A_31, %dma_start3A_32] : memref<10240x128xf32, #tpu.memory_space<hbm>> -> memref<10240x128xf32, #tpu.memory_space<hbm>>
    tpu.enqueue_indirect_dma source(%dma_start3A_33 : memref<10240x128xf32, #tpu.memory_space<hbm>>) target(%arg13 : memref<32x128xf32, #tpu.memory_space<vmem>>) offsets(%dma_start3A_30 : memref<32xi32, #tpu.memory_space<vmem>>) semaphore(%arg19 : memref<!tpu.dma_semaphore, #tpu.memory_space<semaphore_mem>>)
    "tpu.region"() ({
      %run_scoped3A = tpu.sem_alloc : memref<!tpu.dma_semaphore, #tpu.memory_space<semaphore_mem>>
      tpu.enqueue_dma source(%arg5 : memref<32x128xf32, #tpu.memory_space<hbm>>) target(%arg9 : memref<32x128xf32, #tpu.memory_space<vmem>>) target_semaphore(%run_scoped3A : memref<!tpu.dma_semaphore, #tpu.memory_space<semaphore_mem>>)
      tpu.wait_dma2 semaphore(%run_scoped3A : memref<!tpu.dma_semaphore, #tpu.memory_space<semaphore_mem>>) src(%arg5 : memref<32x128xf32, #tpu.memory_space<hbm>>) dst(%arg9 : memref<32x128xf32, #tpu.memory_space<vmem>>)
      tpu.yield
    }) : () -> ()
    %add3A_34 = arith.constant 0 : i32
    %add3A_35 = arith.addi %mul3A_0, %add3A_34 : i32
    "tpu.region"() ({
      %run_scoped3A = tpu.sem_alloc : memref<!tpu.dma_semaphore, #tpu.memory_space<semaphore_mem>>
      %dma_start3A_124 = arith.constant 0 : i32
      %dma_start3A_125 = tpu.memref_slice %arg14[%add3A_35, %dma_start3A_124] : memref<10240x128xf32, #tpu.memory_space<vmem_shared>> -> memref<32x128xf32, #tpu.memory_space<vmem_shared>>
      %dma_start3A_126 = arith.constant 0 : i32
      %dma_start3A_127 = tpu.memref_slice %arg14[%add3A_35, %dma_start3A_126] : memref<10240x128xf32, #tpu.memory_space<vmem_shared>> -> memref<32x128xf32, #tpu.memory_space<vmem_shared>>
      tpu.enqueue_dma source(%arg9 : memref<32x128xf32, #tpu.memory_space<vmem>>) target(%dma_start3A_127 : memref<32x128xf32, #tpu.memory_space<vmem_shared>>) target_semaphore(%run_scoped3A : memref<!tpu.dma_semaphore, #tpu.memory_space<semaphore_mem>>)
      %dma_wait3A_128 = arith.constant 0 : i32
      %dma_wait3A_129 = tpu.memref_slice %arg14[%add3A_35, %dma_wait3A_128] : memref<10240x128xf32, #tpu.memory_space<vmem_shared>> -> memref<32x128xf32, #tpu.memory_space<vmem_shared>>
      %dma_wait3A_130 = arith.constant 0 : i32
      %dma_wait3A_131 = tpu.memref_slice %arg14[%add3A_35, %dma_wait3A_130] : memref<10240x128xf32, #tpu.memory_space<vmem_shared>> -> memref<32x128xf32, #tpu.memory_space<vmem_shared>>
      tpu.wait_dma2 semaphore(%run_scoped3A : memref<!tpu.dma_semaphore, #tpu.memory_space<semaphore_mem>>) src(%arg9 : memref<32x128xf32, #tpu.memory_space<vmem>>) dst(%dma_wait3A_131 : memref<32x128xf32, #tpu.memory_space<vmem_shared>>)
      tpu.yield
    }) : () -> ()
    %add3A_36 = arith.constant 32 : i32
    %add3A_37 = arith.addi %mul3A_0, %add3A_36 : i32
    "tpu.region"() ({
      %run_scoped3A = tpu.sem_alloc : memref<!tpu.dma_semaphore, #tpu.memory_space<semaphore_mem>>
      %dma_start3A_124 = arith.constant 0 : i32
      %dma_start3A_125 = tpu.memref_slice %arg14[%add3A_37, %dma_start3A_124] : memref<10240x128xf32, #tpu.memory_space<vmem_shared>> -> memref<32x128xf32, #tpu.memory_space<vmem_shared>>
      %dma_start3A_126 = arith.constant 0 : i32
      %dma_start3A_127 = tpu.memref_slice %arg14[%add3A_37, %dma_start3A_126] : memref<10240x128xf32, #tpu.memory_space<vmem_shared>> -> memref<32x128xf32, #tpu.memory_space<vmem_shared>>
      tpu.enqueue_dma source(%arg9 : memref<32x128xf32, #tpu.memory_space<vmem>>) target(%dma_start3A_127 : memref<32x128xf32, #tpu.memory_space<vmem_shared>>) target_semaphore(%run_scoped3A : memref<!tpu.dma_semaphore, #tpu.memory_space<semaphore_mem>>)
      %dma_wait3A_128 = arith.constant 0 : i32
      %dma_wait3A_129 = tpu.memref_slice %arg14[%add3A_37, %dma_wait3A_128] : memref<10240x128xf32, #tpu.memory_space<vmem_shared>> -> memref<32x128xf32, #tpu.memory_space<vmem_shared>>
      %dma_wait3A_130 = arith.constant 0 : i32
      %dma_wait3A_131 = tpu.memref_slice %arg14[%add3A_37, %dma_wait3A_130] : memref<10240x128xf32, #tpu.memory_space<vmem_shared>> -> memref<32x128xf32, #tpu.memory_space<vmem_shared>>
      tpu.wait_dma2 semaphore(%run_scoped3A : memref<!tpu.dma_semaphore, #tpu.memory_space<semaphore_mem>>) src(%arg9 : memref<32x128xf32, #tpu.memory_space<vmem>>) dst(%dma_wait3A_131 : memref<32x128xf32, #tpu.memory_space<vmem_shared>>)
      tpu.yield
    }) : () -> ()
    %add3A_38 = arith.constant 64 : i32
    %add3A_39 = arith.addi %mul3A_0, %add3A_38 : i32
    "tpu.region"() ({
      %run_scoped3A = tpu.sem_alloc : memref<!tpu.dma_semaphore, #tpu.memory_space<semaphore_mem>>
      %dma_start3A_124 = arith.constant 0 : i32
      %dma_start3A_125 = tpu.memref_slice %arg14[%add3A_39, %dma_start3A_124] : memref<10240x128xf32, #tpu.memory_space<vmem_shared>> -> memref<32x128xf32, #tpu.memory_space<vmem_shared>>
      %dma_start3A_126 = arith.constant 0 : i32
      %dma_start3A_127 = tpu.memref_slice %arg14[%add3A_39, %dma_start3A_126] : memref<10240x128xf32, #tpu.memory_space<vmem_shared>> -> memref<32x128xf32, #tpu.memory_space<vmem_shared>>
      tpu.enqueue_dma source(%arg9 : memref<32x128xf32, #tpu.memory_space<vmem>>) target(%dma_start3A_127 : memref<32x128xf32, #tpu.memory_space<vmem_shared>>) target_semaphore(%run_scoped3A : memref<!tpu.dma_semaphore, #tpu.memory_space<semaphore_mem>>)
      %dma_wait3A_128 = arith.constant 0 : i32
      %dma_wait3A_129 = tpu.memref_slice %arg14[%add3A_39, %dma_wait3A_128] : memref<10240x128xf32, #tpu.memory_space<vmem_shared>> -> memref<32x128xf32, #tpu.memory_space<vmem_shared>>
      %dma_wait3A_130 = arith.constant 0 : i32
      %dma_wait3A_131 = tpu.memref_slice %arg14[%add3A_39, %dma_wait3A_130] : memref<10240x128xf32, #tpu.memory_space<vmem_shared>> -> memref<32x128xf32, #tpu.memory_space<vmem_shared>>
      tpu.wait_dma2 semaphore(%run_scoped3A : memref<!tpu.dma_semaphore, #tpu.memory_space<semaphore_mem>>) src(%arg9 : memref<32x128xf32, #tpu.memory_space<vmem>>) dst(%dma_wait3A_131 : memref<32x128xf32, #tpu.memory_space<vmem_shared>>)
      tpu.yield
    }) : () -> ()
    %add3A_40 = arith.constant 96 : i32
    %add3A_41 = arith.addi %mul3A_0, %add3A_40 : i32
    "tpu.region"() ({
      %run_scoped3A = tpu.sem_alloc : memref<!tpu.dma_semaphore, #tpu.memory_space<semaphore_mem>>
      %dma_start3A_124 = arith.constant 0 : i32
      %dma_start3A_125 = tpu.memref_slice %arg14[%add3A_41, %dma_start3A_124] : memref<10240x128xf32, #tpu.memory_space<vmem_shared>> -> memref<32x128xf32, #tpu.memory_space<vmem_shared>>
      %dma_start3A_126 = arith.constant 0 : i32
      %dma_start3A_127 = tpu.memref_slice %arg14[%add3A_41, %dma_start3A_126] : memref<10240x128xf32, #tpu.memory_space<vmem_shared>> -> memref<32x128xf32, #tpu.memory_space<vmem_shared>>
      tpu.enqueue_dma source(%arg9 : memref<32x128xf32, #tpu.memory_space<vmem>>) target(%dma_start3A_127 : memref<32x128xf32, #tpu.memory_space<vmem_shared>>) target_semaphore(%run_scoped3A : memref<!tpu.dma_semaphore, #tpu.memory_space<semaphore_mem>>)
      %dma_wait3A_128 = arith.constant 0 : i32
      %dma_wait3A_129 = tpu.memref_slice %arg14[%add3A_41, %dma_wait3A_128] : memref<10240x128xf32, #tpu.memory_space<vmem_shared>> -> memref<32x128xf32, #tpu.memory_space<vmem_shared>>
      %dma_wait3A_130 = arith.constant 0 : i32
      %dma_wait3A_131 = tpu.memref_slice %arg14[%add3A_41, %dma_wait3A_130] : memref<10240x128xf32, #tpu.memory_space<vmem_shared>> -> memref<32x128xf32, #tpu.memory_space<vmem_shared>>
      tpu.wait_dma2 semaphore(%run_scoped3A : memref<!tpu.dma_semaphore, #tpu.memory_space<semaphore_mem>>) src(%arg9 : memref<32x128xf32, #tpu.memory_space<vmem>>) dst(%dma_wait3A_131 : memref<32x128xf32, #tpu.memory_space<vmem_shared>>)
      tpu.yield
    }) : () -> ()
    %add3A_42 = arith.constant 128 : i32
    %add3A_43 = arith.addi %mul3A_0, %add3A_42 : i32
    "tpu.region"() ({
      %run_scoped3A = tpu.sem_alloc : memref<!tpu.dma_semaphore, #tpu.memory_space<semaphore_mem>>
      %dma_start3A_124 = arith.constant 0 : i32
      %dma_start3A_125 = tpu.memref_slice %arg14[%add3A_43, %dma_start3A_124] : memref<10240x128xf32, #tpu.memory_space<vmem_shared>> -> memref<32x128xf32, #tpu.memory_space<vmem_shared>>
      %dma_start3A_126 = arith.constant 0 : i32
      %dma_start3A_127 = tpu.memref_slice %arg14[%add3A_43, %dma_start3A_126] : memref<10240x128xf32, #tpu.memory_space<vmem_shared>> -> memref<32x128xf32, #tpu.memory_space<vmem_shared>>
      tpu.enqueue_dma source(%arg9 : memref<32x128xf32, #tpu.memory_space<vmem>>) target(%dma_start3A_127 : memref<32x128xf32, #tpu.memory_space<vmem_shared>>) target_semaphore(%run_scoped3A : memref<!tpu.dma_semaphore, #tpu.memory_space<semaphore_mem>>)
      %dma_wait3A_128 = arith.constant 0 : i32
      %dma_wait3A_129 = tpu.memref_slice %arg14[%add3A_43, %dma_wait3A_128] : memref<10240x128xf32, #tpu.memory_space<vmem_shared>> -> memref<32x128xf32, #tpu.memory_space<vmem_shared>>
      %dma_wait3A_130 = arith.constant 0 : i32
      %dma_wait3A_131 = tpu.memref_slice %arg14[%add3A_43, %dma_wait3A_130] : memref<10240x128xf32, #tpu.memory_space<vmem_shared>> -> memref<32x128xf32, #tpu.memory_space<vmem_shared>>
      tpu.wait_dma2 semaphore(%run_scoped3A : memref<!tpu.dma_semaphore, #tpu.memory_space<semaphore_mem>>) src(%arg9 : memref<32x128xf32, #tpu.memory_space<vmem>>) dst(%dma_wait3A_131 : memref<32x128xf32, #tpu.memory_space<vmem_shared>>)
      tpu.yield
    }) : () -> ()
    %add3A_44 = arith.constant 160 : i32
    %add3A_45 = arith.addi %mul3A_0, %add3A_44 : i32
    "tpu.region"() ({
      %run_scoped3A = tpu.sem_alloc : memref<!tpu.dma_semaphore, #tpu.memory_space<semaphore_mem>>
      %dma_start3A_124 = arith.constant 0 : i32
      %dma_start3A_125 = tpu.memref_slice %arg14[%add3A_45, %dma_start3A_124] : memref<10240x128xf32, #tpu.memory_space<vmem_shared>> -> memref<32x128xf32, #tpu.memory_space<vmem_shared>>
      %dma_start3A_126 = arith.constant 0 : i32
      %dma_start3A_127 = tpu.memref_slice %arg14[%add3A_45, %dma_start3A_126] : memref<10240x128xf32, #tpu.memory_space<vmem_shared>> -> memref<32x128xf32, #tpu.memory_space<vmem_shared>>
      tpu.enqueue_dma source(%arg9 : memref<32x128xf32, #tpu.memory_space<vmem>>) target(%dma_start3A_127 : memref<32x128xf32, #tpu.memory_space<vmem_shared>>) target_semaphore(%run_scoped3A : memref<!tpu.dma_semaphore, #tpu.memory_space<semaphore_mem>>)
      %dma_wait3A_128 = arith.constant 0 : i32
      %dma_wait3A_129 = tpu.memref_slice %arg14[%add3A_45, %dma_wait3A_128] : memref<10240x128xf32, #tpu.memory_space<vmem_shared>> -> memref<32x128xf32, #tpu.memory_space<vmem_shared>>
      %dma_wait3A_130 = arith.constant 0 : i32
      %dma_wait3A_131 = tpu.memref_slice %arg14[%add3A_45, %dma_wait3A_130] : memref<10240x128xf32, #tpu.memory_space<vmem_shared>> -> memref<32x128xf32, #tpu.memory_space<vmem_shared>>
      tpu.wait_dma2 semaphore(%run_scoped3A : memref<!tpu.dma_semaphore, #tpu.memory_space<semaphore_mem>>) src(%arg9 : memref<32x128xf32, #tpu.memory_space<vmem>>) dst(%dma_wait3A_131 : memref<32x128xf32, #tpu.memory_space<vmem_shared>>)
      tpu.yield
    }) : () -> ()
    %add3A_46 = arith.constant 192 : i32
    %add3A_47 = arith.addi %mul3A_0, %add3A_46 : i32
    "tpu.region"() ({
      %run_scoped3A = tpu.sem_alloc : memref<!tpu.dma_semaphore, #tpu.memory_space<semaphore_mem>>
      %dma_start3A_124 = arith.constant 0 : i32
      %dma_start3A_125 = tpu.memref_slice %arg14[%add3A_47, %dma_start3A_124] : memref<10240x128xf32, #tpu.memory_space<vmem_shared>> -> memref<32x128xf32, #tpu.memory_space<vmem_shared>>
      %dma_start3A_126 = arith.constant 0 : i32
      %dma_start3A_127 = tpu.memref_slice %arg14[%add3A_47, %dma_start3A_126] : memref<10240x128xf32, #tpu.memory_space<vmem_shared>> -> memref<32x128xf32, #tpu.memory_space<vmem_shared>>
      tpu.enqueue_dma source(%arg9 : memref<32x128xf32, #tpu.memory_space<vmem>>) target(%dma_start3A_127 : memref<32x128xf32, #tpu.memory_space<vmem_shared>>) target_semaphore(%run_scoped3A : memref<!tpu.dma_semaphore, #tpu.memory_space<semaphore_mem>>)
      %dma_wait3A_128 = arith.constant 0 : i32
      %dma_wait3A_129 = tpu.memref_slice %arg14[%add3A_47, %dma_wait3A_128] : memref<10240x128xf32, #tpu.memory_space<vmem_shared>> -> memref<32x128xf32, #tpu.memory_space<vmem_shared>>
      %dma_wait3A_130 = arith.constant 0 : i32
      %dma_wait3A_131 = tpu.memref_slice %arg14[%add3A_47, %dma_wait3A_130] : memref<10240x128xf32, #tpu.memory_space<vmem_shared>> -> memref<32x128xf32, #tpu.memory_space<vmem_shared>>
      tpu.wait_dma2 semaphore(%run_scoped3A : memref<!tpu.dma_semaphore, #tpu.memory_space<semaphore_mem>>) src(%arg9 : memref<32x128xf32, #tpu.memory_space<vmem>>) dst(%dma_wait3A_131 : memref<32x128xf32, #tpu.memory_space<vmem_shared>>)
      tpu.yield
    }) : () -> ()
    %add3A_48 = arith.constant 224 : i32
    %add3A_49 = arith.addi %mul3A_0, %add3A_48 : i32
    "tpu.region"() ({
      %run_scoped3A = tpu.sem_alloc : memref<!tpu.dma_semaphore, #tpu.memory_space<semaphore_mem>>
      %dma_start3A_124 = arith.constant 0 : i32
      %dma_start3A_125 = tpu.memref_slice %arg14[%add3A_49, %dma_start3A_124] : memref<10240x128xf32, #tpu.memory_space<vmem_shared>> -> memref<32x128xf32, #tpu.memory_space<vmem_shared>>
      %dma_start3A_126 = arith.constant 0 : i32
      %dma_start3A_127 = tpu.memref_slice %arg14[%add3A_49, %dma_start3A_126] : memref<10240x128xf32, #tpu.memory_space<vmem_shared>> -> memref<32x128xf32, #tpu.memory_space<vmem_shared>>
      tpu.enqueue_dma source(%arg9 : memref<32x128xf32, #tpu.memory_space<vmem>>) target(%dma_start3A_127 : memref<32x128xf32, #tpu.memory_space<vmem_shared>>) target_semaphore(%run_scoped3A : memref<!tpu.dma_semaphore, #tpu.memory_space<semaphore_mem>>)
      %dma_wait3A_128 = arith.constant 0 : i32
      %dma_wait3A_129 = tpu.memref_slice %arg14[%add3A_49, %dma_wait3A_128] : memref<10240x128xf32, #tpu.memory_space<vmem_shared>> -> memref<32x128xf32, #tpu.memory_space<vmem_shared>>
      %dma_wait3A_130 = arith.constant 0 : i32
      %dma_wait3A_131 = tpu.memref_slice %arg14[%add3A_49, %dma_wait3A_130] : memref<10240x128xf32, #tpu.memory_space<vmem_shared>> -> memref<32x128xf32, #tpu.memory_space<vmem_shared>>
      tpu.wait_dma2 semaphore(%run_scoped3A : memref<!tpu.dma_semaphore, #tpu.memory_space<semaphore_mem>>) src(%arg9 : memref<32x128xf32, #tpu.memory_space<vmem>>) dst(%dma_wait3A_131 : memref<32x128xf32, #tpu.memory_space<vmem_shared>>)
      tpu.yield
    }) : () -> ()
    %add3A_50 = arith.constant 256 : i32
    %add3A_51 = arith.addi %mul3A_0, %add3A_50 : i32
    "tpu.region"() ({
      %run_scoped3A = tpu.sem_alloc : memref<!tpu.dma_semaphore, #tpu.memory_space<semaphore_mem>>
      %dma_start3A_124 = arith.constant 0 : i32
      %dma_start3A_125 = tpu.memref_slice %arg14[%add3A_51, %dma_start3A_124] : memref<10240x128xf32, #tpu.memory_space<vmem_shared>> -> memref<32x128xf32, #tpu.memory_space<vmem_shared>>
      %dma_start3A_126 = arith.constant 0 : i32
      %dma_start3A_127 = tpu.memref_slice %arg14[%add3A_51, %dma_start3A_126] : memref<10240x128xf32, #tpu.memory_space<vmem_shared>> -> memref<32x128xf32, #tpu.memory_space<vmem_shared>>
      tpu.enqueue_dma source(%arg9 : memref<32x128xf32, #tpu.memory_space<vmem>>) target(%dma_start3A_127 : memref<32x128xf32, #tpu.memory_space<vmem_shared>>) target_semaphore(%run_scoped3A : memref<!tpu.dma_semaphore, #tpu.memory_space<semaphore_mem>>)
      %dma_wait3A_128 = arith.constant 0 : i32
      %dma_wait3A_129 = tpu.memref_slice %arg14[%add3A_51, %dma_wait3A_128] : memref<10240x128xf32, #tpu.memory_space<vmem_shared>> -> memref<32x128xf32, #tpu.memory_space<vmem_shared>>
      %dma_wait3A_130 = arith.constant 0 : i32
      %dma_wait3A_131 = tpu.memref_slice %arg14[%add3A_51, %dma_wait3A_130] : memref<10240x128xf32, #tpu.memory_space<vmem_shared>> -> memref<32x128xf32, #tpu.memory_space<vmem_shared>>
      tpu.wait_dma2 semaphore(%run_scoped3A : memref<!tpu.dma_semaphore, #tpu.memory_space<semaphore_mem>>) src(%arg9 : memref<32x128xf32, #tpu.memory_space<vmem>>) dst(%dma_wait3A_131 : memref<32x128xf32, #tpu.memory_space<vmem_shared>>)
      tpu.yield
    }) : () -> ()
    %add3A_52 = arith.constant 288 : i32
    %add3A_53 = arith.addi %mul3A_0, %add3A_52 : i32
    "tpu.region"() ({
      %run_scoped3A = tpu.sem_alloc : memref<!tpu.dma_semaphore, #tpu.memory_space<semaphore_mem>>
      %dma_start3A_124 = arith.constant 0 : i32
      %dma_start3A_125 = tpu.memref_slice %arg14[%add3A_53, %dma_start3A_124] : memref<10240x128xf32, #tpu.memory_space<vmem_shared>> -> memref<32x128xf32, #tpu.memory_space<vmem_shared>>
      %dma_start3A_126 = arith.constant 0 : i32
      %dma_start3A_127 = tpu.memref_slice %arg14[%add3A_53, %dma_start3A_126] : memref<10240x128xf32, #tpu.memory_space<vmem_shared>> -> memref<32x128xf32, #tpu.memory_space<vmem_shared>>
      tpu.enqueue_dma source(%arg9 : memref<32x128xf32, #tpu.memory_space<vmem>>) target(%dma_start3A_127 : memref<32x128xf32, #tpu.memory_space<vmem_shared>>) target_semaphore(%run_scoped3A : memref<!tpu.dma_semaphore, #tpu.memory_space<semaphore_mem>>)
      %dma_wait3A_128 = arith.constant 0 : i32
      %dma_wait3A_129 = tpu.memref_slice %arg14[%add3A_53, %dma_wait3A_128] : memref<10240x128xf32, #tpu.memory_space<vmem_shared>> -> memref<32x128xf32, #tpu.memory_space<vmem_shared>>
      %dma_wait3A_130 = arith.constant 0 : i32
      %dma_wait3A_131 = tpu.memref_slice %arg14[%add3A_53, %dma_wait3A_130] : memref<10240x128xf32, #tpu.memory_space<vmem_shared>> -> memref<32x128xf32, #tpu.memory_space<vmem_shared>>
      tpu.wait_dma2 semaphore(%run_scoped3A : memref<!tpu.dma_semaphore, #tpu.memory_space<semaphore_mem>>) src(%arg9 : memref<32x128xf32, #tpu.memory_space<vmem>>) dst(%dma_wait3A_131 : memref<32x128xf32, #tpu.memory_space<vmem_shared>>)
      tpu.yield
    }) : () -> ()
    %add3A_54 = arith.constant 320 : i32
    %add3A_55 = arith.addi %mul3A_0, %add3A_54 : i32
    "tpu.region"() ({
      %run_scoped3A = tpu.sem_alloc : memref<!tpu.dma_semaphore, #tpu.memory_space<semaphore_mem>>
      %dma_start3A_124 = arith.constant 0 : i32
      %dma_start3A_125 = tpu.memref_slice %arg14[%add3A_55, %dma_start3A_124] : memref<10240x128xf32, #tpu.memory_space<vmem_shared>> -> memref<32x128xf32, #tpu.memory_space<vmem_shared>>
      %dma_start3A_126 = arith.constant 0 : i32
      %dma_start3A_127 = tpu.memref_slice %arg14[%add3A_55, %dma_start3A_126] : memref<10240x128xf32, #tpu.memory_space<vmem_shared>> -> memref<32x128xf32, #tpu.memory_space<vmem_shared>>
      tpu.enqueue_dma source(%arg9 : memref<32x128xf32, #tpu.memory_space<vmem>>) target(%dma_start3A_127 : memref<32x128xf32, #tpu.memory_space<vmem_shared>>) target_semaphore(%run_scoped3A : memref<!tpu.dma_semaphore, #tpu.memory_space<semaphore_mem>>)
      %dma_wait3A_128 = arith.constant 0 : i32
      %dma_wait3A_129 = tpu.memref_slice %arg14[%add3A_55, %dma_wait3A_128] : memref<10240x128xf32, #tpu.memory_space<vmem_shared>> -> memref<32x128xf32, #tpu.memory_space<vmem_shared>>
      %dma_wait3A_130 = arith.constant 0 : i32
      %dma_wait3A_131 = tpu.memref_slice %arg14[%add3A_55, %dma_wait3A_130] : memref<10240x128xf32, #tpu.memory_space<vmem_shared>> -> memref<32x128xf32, #tpu.memory_space<vmem_shared>>
      tpu.wait_dma2 semaphore(%run_scoped3A : memref<!tpu.dma_semaphore, #tpu.memory_space<semaphore_mem>>) src(%arg9 : memref<32x128xf32, #tpu.memory_space<vmem>>) dst(%dma_wait3A_131 : memref<32x128xf32, #tpu.memory_space<vmem_shared>>)
      tpu.yield
    }) : () -> ()
    %add3A_56 = arith.constant 352 : i32
    %add3A_57 = arith.addi %mul3A_0, %add3A_56 : i32
    "tpu.region"() ({
      %run_scoped3A = tpu.sem_alloc : memref<!tpu.dma_semaphore, #tpu.memory_space<semaphore_mem>>
      %dma_start3A_124 = arith.constant 0 : i32
      %dma_start3A_125 = tpu.memref_slice %arg14[%add3A_57, %dma_start3A_124] : memref<10240x128xf32, #tpu.memory_space<vmem_shared>> -> memref<32x128xf32, #tpu.memory_space<vmem_shared>>
      %dma_start3A_126 = arith.constant 0 : i32
      %dma_start3A_127 = tpu.memref_slice %arg14[%add3A_57, %dma_start3A_126] : memref<10240x128xf32, #tpu.memory_space<vmem_shared>> -> memref<32x128xf32, #tpu.memory_space<vmem_shared>>
      tpu.enqueue_dma source(%arg9 : memref<32x128xf32, #tpu.memory_space<vmem>>) target(%dma_start3A_127 : memref<32x128xf32, #tpu.memory_space<vmem_shared>>) target_semaphore(%run_scoped3A : memref<!tpu.dma_semaphore, #tpu.memory_space<semaphore_mem>>)
      %dma_wait3A_128 = arith.constant 0 : i32
      %dma_wait3A_129 = tpu.memref_slice %arg14[%add3A_57, %dma_wait3A_128] : memref<10240x128xf32, #tpu.memory_space<vmem_shared>> -> memref<32x128xf32, #tpu.memory_space<vmem_shared>>
      %dma_wait3A_130 = arith.constant 0 : i32
      %dma_wait3A_131 = tpu.memref_slice %arg14[%add3A_57, %dma_wait3A_130] : memref<10240x128xf32, #tpu.memory_space<vmem_shared>> -> memref<32x128xf32, #tpu.memory_space<vmem_shared>>
      tpu.wait_dma2 semaphore(%run_scoped3A : memref<!tpu.dma_semaphore, #tpu.memory_space<semaphore_mem>>) src(%arg9 : memref<32x128xf32, #tpu.memory_space<vmem>>) dst(%dma_wait3A_131 : memref<32x128xf32, #tpu.memory_space<vmem_shared>>)
      tpu.yield
    }) : () -> ()
    %add3A_58 = arith.constant 384 : i32
    %add3A_59 = arith.addi %mul3A_0, %add3A_58 : i32
    "tpu.region"() ({
      %run_scoped3A = tpu.sem_alloc : memref<!tpu.dma_semaphore, #tpu.memory_space<semaphore_mem>>
      %dma_start3A_124 = arith.constant 0 : i32
      %dma_start3A_125 = tpu.memref_slice %arg14[%add3A_59, %dma_start3A_124] : memref<10240x128xf32, #tpu.memory_space<vmem_shared>> -> memref<32x128xf32, #tpu.memory_space<vmem_shared>>
      %dma_start3A_126 = arith.constant 0 : i32
      %dma_start3A_127 = tpu.memref_slice %arg14[%add3A_59, %dma_start3A_126] : memref<10240x128xf32, #tpu.memory_space<vmem_shared>> -> memref<32x128xf32, #tpu.memory_space<vmem_shared>>
      tpu.enqueue_dma source(%arg9 : memref<32x128xf32, #tpu.memory_space<vmem>>) target(%dma_start3A_127 : memref<32x128xf32, #tpu.memory_space<vmem_shared>>) target_semaphore(%run_scoped3A : memref<!tpu.dma_semaphore, #tpu.memory_space<semaphore_mem>>)
      %dma_wait3A_128 = arith.constant 0 : i32
      %dma_wait3A_129 = tpu.memref_slice %arg14[%add3A_59, %dma_wait3A_128] : memref<10240x128xf32, #tpu.memory_space<vmem_shared>> -> memref<32x128xf32, #tpu.memory_space<vmem_shared>>
      %dma_wait3A_130 = arith.constant 0 : i32
      %dma_wait3A_131 = tpu.memref_slice %arg14[%add3A_59, %dma_wait3A_130] : memref<10240x128xf32, #tpu.memory_space<vmem_shared>> -> memref<32x128xf32, #tpu.memory_space<vmem_shared>>
      tpu.wait_dma2 semaphore(%run_scoped3A : memref<!tpu.dma_semaphore, #tpu.memory_space<semaphore_mem>>) src(%arg9 : memref<32x128xf32, #tpu.memory_space<vmem>>) dst(%dma_wait3A_131 : memref<32x128xf32, #tpu.memory_space<vmem_shared>>)
      tpu.yield
    }) : () -> ()
    %add3A_60 = arith.constant 416 : i32
    %add3A_61 = arith.addi %mul3A_0, %add3A_60 : i32
    "tpu.region"() ({
      %run_scoped3A = tpu.sem_alloc : memref<!tpu.dma_semaphore, #tpu.memory_space<semaphore_mem>>
      %dma_start3A_124 = arith.constant 0 : i32
      %dma_start3A_125 = tpu.memref_slice %arg14[%add3A_61, %dma_start3A_124] : memref<10240x128xf32, #tpu.memory_space<vmem_shared>> -> memref<32x128xf32, #tpu.memory_space<vmem_shared>>
      %dma_start3A_126 = arith.constant 0 : i32
      %dma_start3A_127 = tpu.memref_slice %arg14[%add3A_61, %dma_start3A_126] : memref<10240x128xf32, #tpu.memory_space<vmem_shared>> -> memref<32x128xf32, #tpu.memory_space<vmem_shared>>
      tpu.enqueue_dma source(%arg9 : memref<32x128xf32, #tpu.memory_space<vmem>>) target(%dma_start3A_127 : memref<32x128xf32, #tpu.memory_space<vmem_shared>>) target_semaphore(%run_scoped3A : memref<!tpu.dma_semaphore, #tpu.memory_space<semaphore_mem>>)
      %dma_wait3A_128 = arith.constant 0 : i32
      %dma_wait3A_129 = tpu.memref_slice %arg14[%add3A_61, %dma_wait3A_128] : memref<10240x128xf32, #tpu.memory_space<vmem_shared>> -> memref<32x128xf32, #tpu.memory_space<vmem_shared>>
      %dma_wait3A_130 = arith.constant 0 : i32
      %dma_wait3A_131 = tpu.memref_slice %arg14[%add3A_61, %dma_wait3A_130] : memref<10240x128xf32, #tpu.memory_space<vmem_shared>> -> memref<32x128xf32, #tpu.memory_space<vmem_shared>>
      tpu.wait_dma2 semaphore(%run_scoped3A : memref<!tpu.dma_semaphore, #tpu.memory_space<semaphore_mem>>) src(%arg9 : memref<32x128xf32, #tpu.memory_space<vmem>>) dst(%dma_wait3A_131 : memref<32x128xf32, #tpu.memory_space<vmem_shared>>)
      tpu.yield
    }) : () -> ()
    %add3A_62 = arith.constant 448 : i32
    %add3A_63 = arith.addi %mul3A_0, %add3A_62 : i32
    "tpu.region"() ({
      %run_scoped3A = tpu.sem_alloc : memref<!tpu.dma_semaphore, #tpu.memory_space<semaphore_mem>>
      %dma_start3A_124 = arith.constant 0 : i32
      %dma_start3A_125 = tpu.memref_slice %arg14[%add3A_63, %dma_start3A_124] : memref<10240x128xf32, #tpu.memory_space<vmem_shared>> -> memref<32x128xf32, #tpu.memory_space<vmem_shared>>
      %dma_start3A_126 = arith.constant 0 : i32
      %dma_start3A_127 = tpu.memref_slice %arg14[%add3A_63, %dma_start3A_126] : memref<10240x128xf32, #tpu.memory_space<vmem_shared>> -> memref<32x128xf32, #tpu.memory_space<vmem_shared>>
      tpu.enqueue_dma source(%arg9 : memref<32x128xf32, #tpu.memory_space<vmem>>) target(%dma_start3A_127 : memref<32x128xf32, #tpu.memory_space<vmem_shared>>) target_semaphore(%run_scoped3A : memref<!tpu.dma_semaphore, #tpu.memory_space<semaphore_mem>>)
      %dma_wait3A_128 = arith.constant 0 : i32
      %dma_wait3A_129 = tpu.memref_slice %arg14[%add3A_63, %dma_wait3A_128] : memref<10240x128xf32, #tpu.memory_space<vmem_shared>> -> memref<32x128xf32, #tpu.memory_space<vmem_shared>>
      %dma_wait3A_130 = arith.constant 0 : i32
      %dma_wait3A_131 = tpu.memref_slice %arg14[%add3A_63, %dma_wait3A_130] : memref<10240x128xf32, #tpu.memory_space<vmem_shared>> -> memref<32x128xf32, #tpu.memory_space<vmem_shared>>
      tpu.wait_dma2 semaphore(%run_scoped3A : memref<!tpu.dma_semaphore, #tpu.memory_space<semaphore_mem>>) src(%arg9 : memref<32x128xf32, #tpu.memory_space<vmem>>) dst(%dma_wait3A_131 : memref<32x128xf32, #tpu.memory_space<vmem_shared>>)
      tpu.yield
    }) : () -> ()
    %add3A_64 = arith.constant 480 : i32
    %add3A_65 = arith.addi %mul3A_0, %add3A_64 : i32
    "tpu.region"() ({
      %run_scoped3A = tpu.sem_alloc : memref<!tpu.dma_semaphore, #tpu.memory_space<semaphore_mem>>
      %dma_start3A_124 = arith.constant 0 : i32
      %dma_start3A_125 = tpu.memref_slice %arg14[%add3A_65, %dma_start3A_124] : memref<10240x128xf32, #tpu.memory_space<vmem_shared>> -> memref<32x128xf32, #tpu.memory_space<vmem_shared>>
      %dma_start3A_126 = arith.constant 0 : i32
      %dma_start3A_127 = tpu.memref_slice %arg14[%add3A_65, %dma_start3A_126] : memref<10240x128xf32, #tpu.memory_space<vmem_shared>> -> memref<32x128xf32, #tpu.memory_space<vmem_shared>>
      tpu.enqueue_dma source(%arg9 : memref<32x128xf32, #tpu.memory_space<vmem>>) target(%dma_start3A_127 : memref<32x128xf32, #tpu.memory_space<vmem_shared>>) target_semaphore(%run_scoped3A : memref<!tpu.dma_semaphore, #tpu.memory_space<semaphore_mem>>)
      %dma_wait3A_128 = arith.constant 0 : i32
      %dma_wait3A_129 = tpu.memref_slice %arg14[%add3A_65, %dma_wait3A_128] : memref<10240x128xf32, #tpu.memory_space<vmem_shared>> -> memref<32x128xf32, #tpu.memory_space<vmem_shared>>
      %dma_wait3A_130 = arith.constant 0 : i32
      %dma_wait3A_131 = tpu.memref_slice %arg14[%add3A_65, %dma_wait3A_130] : memref<10240x128xf32, #tpu.memory_space<vmem_shared>> -> memref<32x128xf32, #tpu.memory_space<vmem_shared>>
      tpu.wait_dma2 semaphore(%run_scoped3A : memref<!tpu.dma_semaphore, #tpu.memory_space<semaphore_mem>>) src(%arg9 : memref<32x128xf32, #tpu.memory_space<vmem>>) dst(%dma_wait3A_131 : memref<32x128xf32, #tpu.memory_space<vmem_shared>>)
      tpu.yield
    }) : () -> ()
    %add3A_66 = arith.constant 512 : i32
    %add3A_67 = arith.addi %mul3A_0, %add3A_66 : i32
    "tpu.region"() ({
      %run_scoped3A = tpu.sem_alloc : memref<!tpu.dma_semaphore, #tpu.memory_space<semaphore_mem>>
      %dma_start3A_124 = arith.constant 0 : i32
      %dma_start3A_125 = tpu.memref_slice %arg14[%add3A_67, %dma_start3A_124] : memref<10240x128xf32, #tpu.memory_space<vmem_shared>> -> memref<32x128xf32, #tpu.memory_space<vmem_shared>>
      %dma_start3A_126 = arith.constant 0 : i32
      %dma_start3A_127 = tpu.memref_slice %arg14[%add3A_67, %dma_start3A_126] : memref<10240x128xf32, #tpu.memory_space<vmem_shared>> -> memref<32x128xf32, #tpu.memory_space<vmem_shared>>
      tpu.enqueue_dma source(%arg9 : memref<32x128xf32, #tpu.memory_space<vmem>>) target(%dma_start3A_127 : memref<32x128xf32, #tpu.memory_space<vmem_shared>>) target_semaphore(%run_scoped3A : memref<!tpu.dma_semaphore, #tpu.memory_space<semaphore_mem>>)
      %dma_wait3A_128 = arith.constant 0 : i32
      %dma_wait3A_129 = tpu.memref_slice %arg14[%add3A_67, %dma_wait3A_128] : memref<10240x128xf32, #tpu.memory_space<vmem_shared>> -> memref<32x128xf32, #tpu.memory_space<vmem_shared>>
      %dma_wait3A_130 = arith.constant 0 : i32
      %dma_wait3A_131 = tpu.memref_slice %arg14[%add3A_67, %dma_wait3A_130] : memref<10240x128xf32, #tpu.memory_space<vmem_shared>> -> memref<32x128xf32, #tpu.memory_space<vmem_shared>>
      tpu.wait_dma2 semaphore(%run_scoped3A : memref<!tpu.dma_semaphore, #tpu.memory_space<semaphore_mem>>) src(%arg9 : memref<32x128xf32, #tpu.memory_space<vmem>>) dst(%dma_wait3A_131 : memref<32x128xf32, #tpu.memory_space<vmem_shared>>)
      tpu.yield
    }) : () -> ()
    %add3A_68 = arith.constant 544 : i32
    %add3A_69 = arith.addi %mul3A_0, %add3A_68 : i32
    "tpu.region"() ({
      %run_scoped3A = tpu.sem_alloc : memref<!tpu.dma_semaphore, #tpu.memory_space<semaphore_mem>>
      %dma_start3A_124 = arith.constant 0 : i32
      %dma_start3A_125 = tpu.memref_slice %arg14[%add3A_69, %dma_start3A_124] : memref<10240x128xf32, #tpu.memory_space<vmem_shared>> -> memref<32x128xf32, #tpu.memory_space<vmem_shared>>
      %dma_start3A_126 = arith.constant 0 : i32
      %dma_start3A_127 = tpu.memref_slice %arg14[%add3A_69, %dma_start3A_126] : memref<10240x128xf32, #tpu.memory_space<vmem_shared>> -> memref<32x128xf32, #tpu.memory_space<vmem_shared>>
      tpu.enqueue_dma source(%arg9 : memref<32x128xf32, #tpu.memory_space<vmem>>) target(%dma_start3A_127 : memref<32x128xf32, #tpu.memory_space<vmem_shared>>) target_semaphore(%run_scoped3A : memref<!tpu.dma_semaphore, #tpu.memory_space<semaphore_mem>>)
      %dma_wait3A_128 = arith.constant 0 : i32
      %dma_wait3A_129 = tpu.memref_slice %arg14[%add3A_69, %dma_wait3A_128] : memref<10240x128xf32, #tpu.memory_space<vmem_shared>> -> memref<32x128xf32, #tpu.memory_space<vmem_shared>>
      %dma_wait3A_130 = arith.constant 0 : i32
      %dma_wait3A_131 = tpu.memref_slice %arg14[%add3A_69, %dma_wait3A_130] : memref<10240x128xf32, #tpu.memory_space<vmem_shared>> -> memref<32x128xf32, #tpu.memory_space<vmem_shared>>
      tpu.wait_dma2 semaphore(%run_scoped3A : memref<!tpu.dma_semaphore, #tpu.memory_space<semaphore_mem>>) src(%arg9 : memref<32x128xf32, #tpu.memory_space<vmem>>) dst(%dma_wait3A_131 : memref<32x128xf32, #tpu.memory_space<vmem_shared>>)
      tpu.yield
    }) : () -> ()
    %add3A_70 = arith.constant 576 : i32
    %add3A_71 = arith.addi %mul3A_0, %add3A_70 : i32
    "tpu.region"() ({
      %run_scoped3A = tpu.sem_alloc : memref<!tpu.dma_semaphore, #tpu.memory_space<semaphore_mem>>
      %dma_start3A_124 = arith.constant 0 : i32
      %dma_start3A_125 = tpu.memref_slice %arg14[%add3A_71, %dma_start3A_124] : memref<10240x128xf32, #tpu.memory_space<vmem_shared>> -> memref<32x128xf32, #tpu.memory_space<vmem_shared>>
      %dma_start3A_126 = arith.constant 0 : i32
      %dma_start3A_127 = tpu.memref_slice %arg14[%add3A_71, %dma_start3A_126] : memref<10240x128xf32, #tpu.memory_space<vmem_shared>> -> memref<32x128xf32, #tpu.memory_space<vmem_shared>>
      tpu.enqueue_dma source(%arg9 : memref<32x128xf32, #tpu.memory_space<vmem>>) target(%dma_start3A_127 : memref<32x128xf32, #tpu.memory_space<vmem_shared>>) target_semaphore(%run_scoped3A : memref<!tpu.dma_semaphore, #tpu.memory_space<semaphore_mem>>)
      %dma_wait3A_128 = arith.constant 0 : i32
      %dma_wait3A_129 = tpu.memref_slice %arg14[%add3A_71, %dma_wait3A_128] : memref<10240x128xf32, #tpu.memory_space<vmem_shared>> -> memref<32x128xf32, #tpu.memory_space<vmem_shared>>
      %dma_wait3A_130 = arith.constant 0 : i32
      %dma_wait3A_131 = tpu.memref_slice %arg14[%add3A_71, %dma_wait3A_130] : memref<10240x128xf32, #tpu.memory_space<vmem_shared>> -> memref<32x128xf32, #tpu.memory_space<vmem_shared>>
      tpu.wait_dma2 semaphore(%run_scoped3A : memref<!tpu.dma_semaphore, #tpu.memory_space<semaphore_mem>>) src(%arg9 : memref<32x128xf32, #tpu.memory_space<vmem>>) dst(%dma_wait3A_131 : memref<32x128xf32, #tpu.memory_space<vmem_shared>>)
      tpu.yield
    }) : () -> ()
    %add3A_72 = arith.constant 608 : i32
    %add3A_73 = arith.addi %mul3A_0, %add3A_72 : i32
    "tpu.region"() ({
      %run_scoped3A = tpu.sem_alloc : memref<!tpu.dma_semaphore, #tpu.memory_space<semaphore_mem>>
      %dma_start3A_124 = arith.constant 0 : i32
      %dma_start3A_125 = tpu.memref_slice %arg14[%add3A_73, %dma_start3A_124] : memref<10240x128xf32, #tpu.memory_space<vmem_shared>> -> memref<32x128xf32, #tpu.memory_space<vmem_shared>>
      %dma_start3A_126 = arith.constant 0 : i32
      %dma_start3A_127 = tpu.memref_slice %arg14[%add3A_73, %dma_start3A_126] : memref<10240x128xf32, #tpu.memory_space<vmem_shared>> -> memref<32x128xf32, #tpu.memory_space<vmem_shared>>
      tpu.enqueue_dma source(%arg9 : memref<32x128xf32, #tpu.memory_space<vmem>>) target(%dma_start3A_127 : memref<32x128xf32, #tpu.memory_space<vmem_shared>>) target_semaphore(%run_scoped3A : memref<!tpu.dma_semaphore, #tpu.memory_space<semaphore_mem>>)
      %dma_wait3A_128 = arith.constant 0 : i32
      %dma_wait3A_129 = tpu.memref_slice %arg14[%add3A_73, %dma_wait3A_128] : memref<10240x128xf32, #tpu.memory_space<vmem_shared>> -> memref<32x128xf32, #tpu.memory_space<vmem_shared>>
      %dma_wait3A_130 = arith.constant 0 : i32
      %dma_wait3A_131 = tpu.memref_slice %arg14[%add3A_73, %dma_wait3A_130] : memref<10240x128xf32, #tpu.memory_space<vmem_shared>> -> memref<32x128xf32, #tpu.memory_space<vmem_shared>>
      tpu.wait_dma2 semaphore(%run_scoped3A : memref<!tpu.dma_semaphore, #tpu.memory_space<semaphore_mem>>) src(%arg9 : memref<32x128xf32, #tpu.memory_space<vmem>>) dst(%dma_wait3A_131 : memref<32x128xf32, #tpu.memory_space<vmem_shared>>)
      tpu.yield
    }) : () -> ()
    %dma_start3A_74 = arith.constant 0 : i32
    %dma_start3A_75 = arith.constant 0 : i32
    %dma_start3A_76 = tpu.memref_slice %arg7[%dma_start3A_74, %dma_start3A_75] : memref<320x32xi32, #tpu.memory_space<vmem>> -> memref<1x32xi32, #tpu.memory_space<vmem>>
    %dma_start3A_77 = tpu.memref_squeeze %dma_start3A_76 : memref<1x32xi32, #tpu.memory_space<vmem>> -> memref<32xi32, #tpu.memory_space<vmem>>
    %dma_start3A_78 = arith.constant 0 : i32
    %dma_start3A_79 = arith.constant 0 : i32
    %dma_start3A_80 = tpu.memref_slice %arg4[%dma_start3A_78, %dma_start3A_79] : memref<10240x128xf32, #tpu.memory_space<hbm>> -> memref<10240x128xf32, #tpu.memory_space<hbm>>
    tpu.enqueue_indirect_dma source(%dma_start3A_80 : memref<10240x128xf32, #tpu.memory_space<hbm>>) target(%arg9 : memref<32x128xf32, #tpu.memory_space<vmem>>) offsets(%dma_start3A_77 : memref<32xi32, #tpu.memory_space<vmem>>) semaphore(%arg15 : memref<!tpu.dma_semaphore, #tpu.memory_space<semaphore_mem>>)
    %barrier3A = arith.constant 0 : index
    tpu.barrier barrier_id(%barrier3A)
    %scan3A = arith.constant 0 : i32
    %scan3A_81 = arith.constant 0 : i32
    %scan3A_82 = arith.constant 64 : i32
    %scan3A_83 = arith.addi %scan3A_81, %scan3A_82 : i32
    %scan3A_84 = arith.constant 1 : i32
    scf.for %scan3A_124 = %scan3A_81 to %scan3A_83 step %scan3A_84  : i32 {
      %mul3A_125 = arith.constant 5 : i32
      %mul3A_126 = arith.muli %mul3A_125, %scan3A_124 : i32
      %add3A_127 = arith.constant 0 : i32
      %add3A_128 = arith.addi %mul3A_126, %add3A_127 : i32
      %dma_wait3A_129 = arith.constant 0 : i32
      %dma_wait3A_130 = tpu.memref_slice %arg7[%add3A_128, %dma_wait3A_129] : memref<320x32xi32, #tpu.memory_space<vmem>> -> memref<1x32xi32, #tpu.memory_space<vmem>>
      %dma_wait3A_131 = tpu.memref_squeeze %dma_wait3A_130 : memref<1x32xi32, #tpu.memory_space<vmem>> -> memref<32xi32, #tpu.memory_space<vmem>>
      %dma_wait3A_132 = arith.constant 0 : i32
      %dma_wait3A_133 = arith.constant 0 : i32
      %dma_wait3A_134 = tpu.memref_slice %arg4[%dma_wait3A_132, %dma_wait3A_133] : memref<10240x128xf32, #tpu.memory_space<hbm>> -> memref<10240x128xf32, #tpu.memory_space<hbm>>
      tpu.wait_indirect_dma semaphore(%arg15 : memref<!tpu.dma_semaphore, #tpu.memory_space<semaphore_mem>>) src(%dma_wait3A_134 : memref<10240x128xf32, #tpu.memory_space<hbm>>) dst(%arg9 : memref<32x128xf32, #tpu.memory_space<vmem>>)
      %add3A_135 = arith.constant 0 : i32
      %add3A_136 = arith.addi %mul3A_126, %add3A_135 : i32
      %dma_start3A_137 = arith.constant 0 : i32
      %dma_start3A_138 = tpu.memref_slice %arg8[%add3A_136, %dma_start3A_137] : memref<320x32xi32, #tpu.memory_space<vmem>> -> memref<1x32xi32, #tpu.memory_space<vmem>>
      %dma_start3A_139 = tpu.memref_squeeze %dma_start3A_138 : memref<1x32xi32, #tpu.memory_space<vmem>> -> memref<32xi32, #tpu.memory_space<vmem>>
      %dma_start3A_140 = arith.constant 0 : i32
      %dma_start3A_141 = arith.constant 0 : i32
      %dma_start3A_142 = tpu.memref_slice %arg14[%dma_start3A_140, %dma_start3A_141] : memref<10240x128xf32, #tpu.memory_space<vmem_shared>> -> memref<10240x128xf32, #tpu.memory_space<vmem_shared>>
      tpu.enqueue_indirect_dma source(%arg9 : memref<32x128xf32, #tpu.memory_space<vmem>>) target(%dma_start3A_142 : memref<10240x128xf32, #tpu.memory_space<vmem_shared>>) offsets(%dma_start3A_139 : memref<32xi32, #tpu.memory_space<vmem>>) semaphore(%arg20 : memref<!tpu.dma_semaphore, #tpu.memory_space<semaphore_mem>>) {add = true}
      %add3A_143 = arith.constant 1 : i32
      %add3A_144 = arith.addi %mul3A_126, %add3A_143 : i32
      %dma_wait3A_145 = arith.constant 0 : i32
      %dma_wait3A_146 = tpu.memref_slice %arg7[%add3A_144, %dma_wait3A_145] : memref<320x32xi32, #tpu.memory_space<vmem>> -> memref<1x32xi32, #tpu.memory_space<vmem>>
      %dma_wait3A_147 = tpu.memref_squeeze %dma_wait3A_146 : memref<1x32xi32, #tpu.memory_space<vmem>> -> memref<32xi32, #tpu.memory_space<vmem>>
      %dma_wait3A_148 = arith.constant 0 : i32
      %dma_wait3A_149 = arith.constant 0 : i32
      %dma_wait3A_150 = tpu.memref_slice %arg4[%dma_wait3A_148, %dma_wait3A_149] : memref<10240x128xf32, #tpu.memory_space<hbm>> -> memref<10240x128xf32, #tpu.memory_space<hbm>>
      tpu.wait_indirect_dma semaphore(%arg16 : memref<!tpu.dma_semaphore, #tpu.memory_space<semaphore_mem>>) src(%dma_wait3A_150 : memref<10240x128xf32, #tpu.memory_space<hbm>>) dst(%arg10 : memref<32x128xf32, #tpu.memory_space<vmem>>)
      %add3A_151 = arith.constant 1 : i32
      %add3A_152 = arith.addi %mul3A_126, %add3A_151 : i32
      %dma_start3A_153 = arith.constant 0 : i32
      %dma_start3A_154 = tpu.memref_slice %arg8[%add3A_152, %dma_start3A_153] : memref<320x32xi32, #tpu.memory_space<vmem>> -> memref<1x32xi32, #tpu.memory_space<vmem>>
      %dma_start3A_155 = tpu.memref_squeeze %dma_start3A_154 : memref<1x32xi32, #tpu.memory_space<vmem>> -> memref<32xi32, #tpu.memory_space<vmem>>
      %dma_start3A_156 = arith.constant 0 : i32
      %dma_start3A_157 = arith.constant 0 : i32
      %dma_start3A_158 = tpu.memref_slice %arg14[%dma_start3A_156, %dma_start3A_157] : memref<10240x128xf32, #tpu.memory_space<vmem_shared>> -> memref<10240x128xf32, #tpu.memory_space<vmem_shared>>
      tpu.enqueue_indirect_dma source(%arg10 : memref<32x128xf32, #tpu.memory_space<vmem>>) target(%dma_start3A_158 : memref<10240x128xf32, #tpu.memory_space<vmem_shared>>) offsets(%dma_start3A_155 : memref<32xi32, #tpu.memory_space<vmem>>) semaphore(%arg21 : memref<!tpu.dma_semaphore, #tpu.memory_space<semaphore_mem>>) {add = true}
      %add3A_159 = arith.constant 2 : i32
      %add3A_160 = arith.addi %mul3A_126, %add3A_159 : i32
      %dma_wait3A_161 = arith.constant 0 : i32
      %dma_wait3A_162 = tpu.memref_slice %arg7[%add3A_160, %dma_wait3A_161] : memref<320x32xi32, #tpu.memory_space<vmem>> -> memref<1x32xi32, #tpu.memory_space<vmem>>
      %dma_wait3A_163 = tpu.memref_squeeze %dma_wait3A_162 : memref<1x32xi32, #tpu.memory_space<vmem>> -> memref<32xi32, #tpu.memory_space<vmem>>
      %dma_wait3A_164 = arith.constant 0 : i32
      %dma_wait3A_165 = arith.constant 0 : i32
      %dma_wait3A_166 = tpu.memref_slice %arg4[%dma_wait3A_164, %dma_wait3A_165] : memref<10240x128xf32, #tpu.memory_space<hbm>> -> memref<10240x128xf32, #tpu.memory_space<hbm>>
      tpu.wait_indirect_dma semaphore(%arg17 : memref<!tpu.dma_semaphore, #tpu.memory_space<semaphore_mem>>) src(%dma_wait3A_166 : memref<10240x128xf32, #tpu.memory_space<hbm>>) dst(%arg11 : memref<32x128xf32, #tpu.memory_space<vmem>>)
      %add3A_167 = arith.constant 2 : i32
      %add3A_168 = arith.addi %mul3A_126, %add3A_167 : i32
      %dma_start3A_169 = arith.constant 0 : i32
      %dma_start3A_170 = tpu.memref_slice %arg8[%add3A_168, %dma_start3A_169] : memref<320x32xi32, #tpu.memory_space<vmem>> -> memref<1x32xi32, #tpu.memory_space<vmem>>
      %dma_start3A_171 = tpu.memref_squeeze %dma_start3A_170 : memref<1x32xi32, #tpu.memory_space<vmem>> -> memref<32xi32, #tpu.memory_space<vmem>>
      %dma_start3A_172 = arith.constant 0 : i32
      %dma_start3A_173 = arith.constant 0 : i32
      %dma_start3A_174 = tpu.memref_slice %arg14[%dma_start3A_172, %dma_start3A_173] : memref<10240x128xf32, #tpu.memory_space<vmem_shared>> -> memref<10240x128xf32, #tpu.memory_space<vmem_shared>>
      tpu.enqueue_indirect_dma source(%arg11 : memref<32x128xf32, #tpu.memory_space<vmem>>) target(%dma_start3A_174 : memref<10240x128xf32, #tpu.memory_space<vmem_shared>>) offsets(%dma_start3A_171 : memref<32xi32, #tpu.memory_space<vmem>>) semaphore(%arg22 : memref<!tpu.dma_semaphore, #tpu.memory_space<semaphore_mem>>) {add = true}
      %add3A_175 = arith.constant 3 : i32
      %add3A_176 = arith.addi %mul3A_126, %add3A_175 : i32
      %dma_wait3A_177 = arith.constant 0 : i32
      %dma_wait3A_178 = tpu.memref_slice %arg7[%add3A_176, %dma_wait3A_177] : memref<320x32xi32, #tpu.memory_space<vmem>> -> memref<1x32xi32, #tpu.memory_space<vmem>>
      %dma_wait3A_179 = tpu.memref_squeeze %dma_wait3A_178 : memref<1x32xi32, #tpu.memory_space<vmem>> -> memref<32xi32, #tpu.memory_space<vmem>>
      %dma_wait3A_180 = arith.constant 0 : i32
      %dma_wait3A_181 = arith.constant 0 : i32
      %dma_wait3A_182 = tpu.memref_slice %arg4[%dma_wait3A_180, %dma_wait3A_181] : memref<10240x128xf32, #tpu.memory_space<hbm>> -> memref<10240x128xf32, #tpu.memory_space<hbm>>
      tpu.wait_indirect_dma semaphore(%arg18 : memref<!tpu.dma_semaphore, #tpu.memory_space<semaphore_mem>>) src(%dma_wait3A_182 : memref<10240x128xf32, #tpu.memory_space<hbm>>) dst(%arg12 : memref<32x128xf32, #tpu.memory_space<vmem>>)
      %add3A_183 = arith.constant 3 : i32
      %add3A_184 = arith.addi %mul3A_126, %add3A_183 : i32
      %dma_start3A_185 = arith.constant 0 : i32
      %dma_start3A_186 = tpu.memref_slice %arg8[%add3A_184, %dma_start3A_185] : memref<320x32xi32, #tpu.memory_space<vmem>> -> memref<1x32xi32, #tpu.memory_space<vmem>>
      %dma_start3A_187 = tpu.memref_squeeze %dma_start3A_186 : memref<1x32xi32, #tpu.memory_space<vmem>> -> memref<32xi32, #tpu.memory_space<vmem>>
      %dma_start3A_188 = arith.constant 0 : i32
      %dma_start3A_189 = arith.constant 0 : i32
      %dma_start3A_190 = tpu.memref_slice %arg14[%dma_start3A_188, %dma_start3A_189] : memref<10240x128xf32, #tpu.memory_space<vmem_shared>> -> memref<10240x128xf32, #tpu.memory_space<vmem_shared>>
      tpu.enqueue_indirect_dma source(%arg12 : memref<32x128xf32, #tpu.memory_space<vmem>>) target(%dma_start3A_190 : memref<10240x128xf32, #tpu.memory_space<vmem_shared>>) offsets(%dma_start3A_187 : memref<32xi32, #tpu.memory_space<vmem>>) semaphore(%arg23 : memref<!tpu.dma_semaphore, #tpu.memory_space<semaphore_mem>>) {add = true}
      %add3A_191 = arith.constant 4 : i32
      %add3A_192 = arith.addi %mul3A_126, %add3A_191 : i32
      %dma_wait3A_193 = arith.constant 0 : i32
      %dma_wait3A_194 = tpu.memref_slice %arg7[%add3A_192, %dma_wait3A_193] : memref<320x32xi32, #tpu.memory_space<vmem>> -> memref<1x32xi32, #tpu.memory_space<vmem>>
      %dma_wait3A_195 = tpu.memref_squeeze %dma_wait3A_194 : memref<1x32xi32, #tpu.memory_space<vmem>> -> memref<32xi32, #tpu.memory_space<vmem>>
      %dma_wait3A_196 = arith.constant 0 : i32
      %dma_wait3A_197 = arith.constant 0 : i32
      %dma_wait3A_198 = tpu.memref_slice %arg4[%dma_wait3A_196, %dma_wait3A_197] : memref<10240x128xf32, #tpu.memory_space<hbm>> -> memref<10240x128xf32, #tpu.memory_space<hbm>>
      tpu.wait_indirect_dma semaphore(%arg19 : memref<!tpu.dma_semaphore, #tpu.memory_space<semaphore_mem>>) src(%dma_wait3A_198 : memref<10240x128xf32, #tpu.memory_space<hbm>>) dst(%arg13 : memref<32x128xf32, #tpu.memory_space<vmem>>)
      %add3A_199 = arith.constant 4 : i32
      %add3A_200 = arith.addi %mul3A_126, %add3A_199 : i32
      %dma_start3A_201 = arith.constant 0 : i32
      %dma_start3A_202 = tpu.memref_slice %arg8[%add3A_200, %dma_start3A_201] : memref<320x32xi32, #tpu.memory_space<vmem>> -> memref<1x32xi32, #tpu.memory_space<vmem>>
      %dma_start3A_203 = tpu.memref_squeeze %dma_start3A_202 : memref<1x32xi32, #tpu.memory_space<vmem>> -> memref<32xi32, #tpu.memory_space<vmem>>
      %dma_start3A_204 = arith.constant 0 : i32
      %dma_start3A_205 = arith.constant 0 : i32
      %dma_start3A_206 = tpu.memref_slice %arg14[%dma_start3A_204, %dma_start3A_205] : memref<10240x128xf32, #tpu.memory_space<vmem_shared>> -> memref<10240x128xf32, #tpu.memory_space<vmem_shared>>
      tpu.enqueue_indirect_dma source(%arg13 : memref<32x128xf32, #tpu.memory_space<vmem>>) target(%dma_start3A_206 : memref<10240x128xf32, #tpu.memory_space<vmem_shared>>) offsets(%dma_start3A_203 : memref<32xi32, #tpu.memory_space<vmem>>) semaphore(%arg24 : memref<!tpu.dma_semaphore, #tpu.memory_space<semaphore_mem>>) {add = true}
      %add3A_207 = arith.constant 5 : i32
      %add3A_208 = arith.addi %mul3A_126, %add3A_207 : i32
      %add3A_209 = arith.constant 0 : i32
      %add3A_210 = arith.addi %add3A_208, %add3A_209 : i32
      %lt3A = arith.constant 320 : i32
      %lt3A_211 = arith.cmpi slt, %add3A_210, %lt3A : i32
      %convert_element_type3A = arith.extui %lt3A_211 : i1 to i32
      %cond3A = arith.constant 0 : i32
      %cond3A_212 = arith.cmpi ne, %convert_element_type3A, %cond3A : i32
      scf.if %cond3A_212 {
        %dma_wait3A_249 = arith.constant 0 : i32
        %dma_wait3A_250 = arith.constant 0 : i32
        %dma_wait3A_251 = tpu.memref_slice %arg8[%dma_wait3A_249, %dma_wait3A_250] : memref<320x32xi32, #tpu.memory_space<vmem>> -> memref<1x32xi32, #tpu.memory_space<vmem>>
        %dma_wait3A_252 = tpu.memref_squeeze %dma_wait3A_251 : memref<1x32xi32, #tpu.memory_space<vmem>> -> memref<32xi32, #tpu.memory_space<vmem>>
        %dma_wait3A_253 = arith.constant 0 : i32
        %dma_wait3A_254 = arith.constant 0 : i32
        %dma_wait3A_255 = tpu.memref_slice %arg14[%dma_wait3A_253, %dma_wait3A_254] : memref<10240x128xf32, #tpu.memory_space<vmem_shared>> -> memref<10240x128xf32, #tpu.memory_space<vmem_shared>>
        tpu.wait_indirect_dma semaphore(%arg20 : memref<!tpu.dma_semaphore, #tpu.memory_space<semaphore_mem>>) src(%arg9 : memref<32x128xf32, #tpu.memory_space<vmem>>) dst(%dma_wait3A_255 : memref<10240x128xf32, #tpu.memory_space<vmem_shared>>)
        %add3A_256 = arith.constant 5 : i32
        %add3A_257 = arith.addi %mul3A_126, %add3A_256 : i32
        %add3A_258 = arith.constant 0 : i32
        %add3A_259 = arith.addi %add3A_257, %add3A_258 : i32
        %dma_start3A_260 = arith.constant 0 : i32
        %dma_start3A_261 = tpu.memref_slice %arg7[%add3A_259, %dma_start3A_260] : memref<320x32xi32, #tpu.memory_space<vmem>> -> memref<1x32xi32, #tpu.memory_space<vmem>>
        %dma_start3A_262 = tpu.memref_squeeze %dma_start3A_261 : memref<1x32xi32, #tpu.memory_space<vmem>> -> memref<32xi32, #tpu.memory_space<vmem>>
        %dma_start3A_263 = arith.constant 0 : i32
        %dma_start3A_264 = arith.constant 0 : i32
        %dma_start3A_265 = tpu.memref_slice %arg4[%dma_start3A_263, %dma_start3A_264] : memref<10240x128xf32, #tpu.memory_space<hbm>> -> memref<10240x128xf32, #tpu.memory_space<hbm>>
        tpu.enqueue_indirect_dma source(%dma_start3A_265 : memref<10240x128xf32, #tpu.memory_space<hbm>>) target(%arg9 : memref<32x128xf32, #tpu.memory_space<vmem>>) offsets(%dma_start3A_262 : memref<32xi32, #tpu.memory_space<vmem>>) semaphore(%arg15 : memref<!tpu.dma_semaphore, #tpu.memory_space<semaphore_mem>>)
      } else {
      }
      %add3A_213 = arith.constant 5 : i32
      %add3A_214 = arith.addi %mul3A_126, %add3A_213 : i32
      %add3A_215 = arith.constant 1 : i32
      %add3A_216 = arith.addi %add3A_214, %add3A_215 : i32
      %lt3A_217 = arith.constant 320 : i32
      %lt3A_218 = arith.cmpi slt, %add3A_216, %lt3A_217 : i32
      %convert_element_type3A_219 = arith.extui %lt3A_218 : i1 to i32
      %cond3A_220 = arith.constant 0 : i32
      %cond3A_221 = arith.cmpi ne, %convert_element_type3A_219, %cond3A_220 : i32
      scf.if %cond3A_221 {
        %dma_wait3A_249 = arith.constant 0 : i32
        %dma_wait3A_250 = arith.constant 0 : i32
        %dma_wait3A_251 = tpu.memref_slice %arg8[%dma_wait3A_249, %dma_wait3A_250] : memref<320x32xi32, #tpu.memory_space<vmem>> -> memref<1x32xi32, #tpu.memory_space<vmem>>
        %dma_wait3A_252 = tpu.memref_squeeze %dma_wait3A_251 : memref<1x32xi32, #tpu.memory_space<vmem>> -> memref<32xi32, #tpu.memory_space<vmem>>
        %dma_wait3A_253 = arith.constant 0 : i32
        %dma_wait3A_254 = arith.constant 0 : i32
        %dma_wait3A_255 = tpu.memref_slice %arg14[%dma_wait3A_253, %dma_wait3A_254] : memref<10240x128xf32, #tpu.memory_space<vmem_shared>> -> memref<10240x128xf32, #tpu.memory_space<vmem_shared>>
        tpu.wait_indirect_dma semaphore(%arg21 : memref<!tpu.dma_semaphore, #tpu.memory_space<semaphore_mem>>) src(%arg10 : memref<32x128xf32, #tpu.memory_space<vmem>>) dst(%dma_wait3A_255 : memref<10240x128xf32, #tpu.memory_space<vmem_shared>>)
        %add3A_256 = arith.constant 5 : i32
        %add3A_257 = arith.addi %mul3A_126, %add3A_256 : i32
        %add3A_258 = arith.constant 1 : i32
        %add3A_259 = arith.addi %add3A_257, %add3A_258 : i32
        %dma_start3A_260 = arith.constant 0 : i32
        %dma_start3A_261 = tpu.memref_slice %arg7[%add3A_259, %dma_start3A_260] : memref<320x32xi32, #tpu.memory_space<vmem>> -> memref<1x32xi32, #tpu.memory_space<vmem>>
        %dma_start3A_262 = tpu.memref_squeeze %dma_start3A_261 : memref<1x32xi32, #tpu.memory_space<vmem>> -> memref<32xi32, #tpu.memory_space<vmem>>
        %dma_start3A_263 = arith.constant 0 : i32
        %dma_start3A_264 = arith.constant 0 : i32
        %dma_start3A_265 = tpu.memref_slice %arg4[%dma_start3A_263, %dma_start3A_264] : memref<10240x128xf32, #tpu.memory_space<hbm>> -> memref<10240x128xf32, #tpu.memory_space<hbm>>
        tpu.enqueue_indirect_dma source(%dma_start3A_265 : memref<10240x128xf32, #tpu.memory_space<hbm>>) target(%arg10 : memref<32x128xf32, #tpu.memory_space<vmem>>) offsets(%dma_start3A_262 : memref<32xi32, #tpu.memory_space<vmem>>) semaphore(%arg16 : memref<!tpu.dma_semaphore, #tpu.memory_space<semaphore_mem>>)
      } else {
      }
      %add3A_222 = arith.constant 5 : i32
      %add3A_223 = arith.addi %mul3A_126, %add3A_222 : i32
      %add3A_224 = arith.constant 2 : i32
      %add3A_225 = arith.addi %add3A_223, %add3A_224 : i32
      %lt3A_226 = arith.constant 320 : i32
      %lt3A_227 = arith.cmpi slt, %add3A_225, %lt3A_226 : i32
      %convert_element_type3A_228 = arith.extui %lt3A_227 : i1 to i32
      %cond3A_229 = arith.constant 0 : i32
      %cond3A_230 = arith.cmpi ne, %convert_element_type3A_228, %cond3A_229 : i32
      scf.if %cond3A_230 {
        %dma_wait3A_249 = arith.constant 0 : i32
        %dma_wait3A_250 = arith.constant 0 : i32
        %dma_wait3A_251 = tpu.memref_slice %arg8[%dma_wait3A_249, %dma_wait3A_250] : memref<320x32xi32, #tpu.memory_space<vmem>> -> memref<1x32xi32, #tpu.memory_space<vmem>>
        %dma_wait3A_252 = tpu.memref_squeeze %dma_wait3A_251 : memref<1x32xi32, #tpu.memory_space<vmem>> -> memref<32xi32, #tpu.memory_space<vmem>>
        %dma_wait3A_253 = arith.constant 0 : i32
        %dma_wait3A_254 = arith.constant 0 : i32
        %dma_wait3A_255 = tpu.memref_slice %arg14[%dma_wait3A_253, %dma_wait3A_254] : memref<10240x128xf32, #tpu.memory_space<vmem_shared>> -> memref<10240x128xf32, #tpu.memory_space<vmem_shared>>
        tpu.wait_indirect_dma semaphore(%arg22 : memref<!tpu.dma_semaphore, #tpu.memory_space<semaphore_mem>>) src(%arg11 : memref<32x128xf32, #tpu.memory_space<vmem>>) dst(%dma_wait3A_255 : memref<10240x128xf32, #tpu.memory_space<vmem_shared>>)
        %add3A_256 = arith.constant 5 : i32
        %add3A_257 = arith.addi %mul3A_126, %add3A_256 : i32
        %add3A_258 = arith.constant 2 : i32
        %add3A_259 = arith.addi %add3A_257, %add3A_258 : i32
        %dma_start3A_260 = arith.constant 0 : i32
        %dma_start3A_261 = tpu.memref_slice %arg7[%add3A_259, %dma_start3A_260] : memref<320x32xi32, #tpu.memory_space<vmem>> -> memref<1x32xi32, #tpu.memory_space<vmem>>
        %dma_start3A_262 = tpu.memref_squeeze %dma_start3A_261 : memref<1x32xi32, #tpu.memory_space<vmem>> -> memref<32xi32, #tpu.memory_space<vmem>>
        %dma_start3A_263 = arith.constant 0 : i32
        %dma_start3A_264 = arith.constant 0 : i32
        %dma_start3A_265 = tpu.memref_slice %arg4[%dma_start3A_263, %dma_start3A_264] : memref<10240x128xf32, #tpu.memory_space<hbm>> -> memref<10240x128xf32, #tpu.memory_space<hbm>>
        tpu.enqueue_indirect_dma source(%dma_start3A_265 : memref<10240x128xf32, #tpu.memory_space<hbm>>) target(%arg11 : memref<32x128xf32, #tpu.memory_space<vmem>>) offsets(%dma_start3A_262 : memref<32xi32, #tpu.memory_space<vmem>>) semaphore(%arg17 : memref<!tpu.dma_semaphore, #tpu.memory_space<semaphore_mem>>)
      } else {
      }
      %add3A_231 = arith.constant 5 : i32
      %add3A_232 = arith.addi %mul3A_126, %add3A_231 : i32
      %add3A_233 = arith.constant 3 : i32
      %add3A_234 = arith.addi %add3A_232, %add3A_233 : i32
      %lt3A_235 = arith.constant 320 : i32
      %lt3A_236 = arith.cmpi slt, %add3A_234, %lt3A_235 : i32
      %convert_element_type3A_237 = arith.extui %lt3A_236 : i1 to i32
      %cond3A_238 = arith.constant 0 : i32
      %cond3A_239 = arith.cmpi ne, %convert_element_type3A_237, %cond3A_238 : i32
      scf.if %cond3A_239 {
        %dma_wait3A_249 = arith.constant 0 : i32
        %dma_wait3A_250 = arith.constant 0 : i32
        %dma_wait3A_251 = tpu.memref_slice %arg8[%dma_wait3A_249, %dma_wait3A_250] : memref<320x32xi32, #tpu.memory_space<vmem>> -> memref<1x32xi32, #tpu.memory_space<vmem>>
        %dma_wait3A_252 = tpu.memref_squeeze %dma_wait3A_251 : memref<1x32xi32, #tpu.memory_space<vmem>> -> memref<32xi32, #tpu.memory_space<vmem>>
        %dma_wait3A_253 = arith.constant 0 : i32
        %dma_wait3A_254 = arith.constant 0 : i32
        %dma_wait3A_255 = tpu.memref_slice %arg14[%dma_wait3A_253, %dma_wait3A_254] : memref<10240x128xf32, #tpu.memory_space<vmem_shared>> -> memref<10240x128xf32, #tpu.memory_space<vmem_shared>>
        tpu.wait_indirect_dma semaphore(%arg23 : memref<!tpu.dma_semaphore, #tpu.memory_space<semaphore_mem>>) src(%arg12 : memref<32x128xf32, #tpu.memory_space<vmem>>) dst(%dma_wait3A_255 : memref<10240x128xf32, #tpu.memory_space<vmem_shared>>)
        %add3A_256 = arith.constant 5 : i32
        %add3A_257 = arith.addi %mul3A_126, %add3A_256 : i32
        %add3A_258 = arith.constant 3 : i32
        %add3A_259 = arith.addi %add3A_257, %add3A_258 : i32
        %dma_start3A_260 = arith.constant 0 : i32
        %dma_start3A_261 = tpu.memref_slice %arg7[%add3A_259, %dma_start3A_260] : memref<320x32xi32, #tpu.memory_space<vmem>> -> memref<1x32xi32, #tpu.memory_space<vmem>>
        %dma_start3A_262 = tpu.memref_squeeze %dma_start3A_261 : memref<1x32xi32, #tpu.memory_space<vmem>> -> memref<32xi32, #tpu.memory_space<vmem>>
        %dma_start3A_263 = arith.constant 0 : i32
        %dma_start3A_264 = arith.constant 0 : i32
        %dma_start3A_265 = tpu.memref_slice %arg4[%dma_start3A_263, %dma_start3A_264] : memref<10240x128xf32, #tpu.memory_space<hbm>> -> memref<10240x128xf32, #tpu.memory_space<hbm>>
        tpu.enqueue_indirect_dma source(%dma_start3A_265 : memref<10240x128xf32, #tpu.memory_space<hbm>>) target(%arg12 : memref<32x128xf32, #tpu.memory_space<vmem>>) offsets(%dma_start3A_262 : memref<32xi32, #tpu.memory_space<vmem>>) semaphore(%arg18 : memref<!tpu.dma_semaphore, #tpu.memory_space<semaphore_mem>>)
      } else {
      }
      %add3A_240 = arith.constant 5 : i32
      %add3A_241 = arith.addi %mul3A_126, %add3A_240 : i32
      %add3A_242 = arith.constant 4 : i32
      %add3A_243 = arith.addi %add3A_241, %add3A_242 : i32
      %lt3A_244 = arith.constant 320 : i32
      %lt3A_245 = arith.cmpi slt, %add3A_243, %lt3A_244 : i32
      %convert_element_type3A_246 = arith.extui %lt3A_245 : i1 to i32
      %cond3A_247 = arith.constant 0 : i32
      %cond3A_248 = arith.cmpi ne, %convert_element_type3A_246, %cond3A_247 : i32
      scf.if %cond3A_248 {
        %dma_wait3A_249 = arith.constant 0 : i32
        %dma_wait3A_250 = arith.constant 0 : i32
        %dma_wait3A_251 = tpu.memref_slice %arg8[%dma_wait3A_249, %dma_wait3A_250] : memref<320x32xi32, #tpu.memory_space<vmem>> -> memref<1x32xi32, #tpu.memory_space<vmem>>
        %dma_wait3A_252 = tpu.memref_squeeze %dma_wait3A_251 : memref<1x32xi32, #tpu.memory_space<vmem>> -> memref<32xi32, #tpu.memory_space<vmem>>
        %dma_wait3A_253 = arith.constant 0 : i32
        %dma_wait3A_254 = arith.constant 0 : i32
        %dma_wait3A_255 = tpu.memref_slice %arg14[%dma_wait3A_253, %dma_wait3A_254] : memref<10240x128xf32, #tpu.memory_space<vmem_shared>> -> memref<10240x128xf32, #tpu.memory_space<vmem_shared>>
        tpu.wait_indirect_dma semaphore(%arg24 : memref<!tpu.dma_semaphore, #tpu.memory_space<semaphore_mem>>) src(%arg13 : memref<32x128xf32, #tpu.memory_space<vmem>>) dst(%dma_wait3A_255 : memref<10240x128xf32, #tpu.memory_space<vmem_shared>>)
        %add3A_256 = arith.constant 5 : i32
        %add3A_257 = arith.addi %mul3A_126, %add3A_256 : i32
        %add3A_258 = arith.constant 4 : i32
        %add3A_259 = arith.addi %add3A_257, %add3A_258 : i32
        %dma_start3A_260 = arith.constant 0 : i32
        %dma_start3A_261 = tpu.memref_slice %arg7[%add3A_259, %dma_start3A_260] : memref<320x32xi32, #tpu.memory_space<vmem>> -> memref<1x32xi32, #tpu.memory_space<vmem>>
        %dma_start3A_262 = tpu.memref_squeeze %dma_start3A_261 : memref<1x32xi32, #tpu.memory_space<vmem>> -> memref<32xi32, #tpu.memory_space<vmem>>
        %dma_start3A_263 = arith.constant 0 : i32
        %dma_start3A_264 = arith.constant 0 : i32
        %dma_start3A_265 = tpu.memref_slice %arg4[%dma_start3A_263, %dma_start3A_264] : memref<10240x128xf32, #tpu.memory_space<hbm>> -> memref<10240x128xf32, #tpu.memory_space<hbm>>
        tpu.enqueue_indirect_dma source(%dma_start3A_265 : memref<10240x128xf32, #tpu.memory_space<hbm>>) target(%arg13 : memref<32x128xf32, #tpu.memory_space<vmem>>) offsets(%dma_start3A_262 : memref<32xi32, #tpu.memory_space<vmem>>) semaphore(%arg19 : memref<!tpu.dma_semaphore, #tpu.memory_space<semaphore_mem>>)
      } else {
      }
    }
    %scan3A_85 = arith.constant 64 : i32
    %dma_wait3A = arith.constant 0 : i32
    %dma_wait3A_86 = arith.constant 0 : i32
    %dma_wait3A_87 = tpu.memref_slice %arg8[%dma_wait3A, %dma_wait3A_86] : memref<320x32xi32, #tpu.memory_space<vmem>> -> memref<1x32xi32, #tpu.memory_space<vmem>>
    %dma_wait3A_88 = tpu.memref_squeeze %dma_wait3A_87 : memref<1x32xi32, #tpu.memory_space<vmem>> -> memref<32xi32, #tpu.memory_space<vmem>>
    %dma_wait3A_89 = arith.constant 0 : i32
    %dma_wait3A_90 = arith.constant 0 : i32
    %dma_wait3A_91 = tpu.memref_slice %arg14[%dma_wait3A_89, %dma_wait3A_90] : memref<10240x128xf32, #tpu.memory_space<vmem_shared>> -> memref<10240x128xf32, #tpu.memory_space<vmem_shared>>
    tpu.wait_indirect_dma semaphore(%arg20 : memref<!tpu.dma_semaphore, #tpu.memory_space<semaphore_mem>>) src(%arg9 : memref<32x128xf32, #tpu.memory_space<vmem>>) dst(%dma_wait3A_91 : memref<10240x128xf32, #tpu.memory_space<vmem_shared>>)
    %dma_wait3A_92 = arith.constant 0 : i32
    %dma_wait3A_93 = arith.constant 0 : i32
    %dma_wait3A_94 = tpu.memref_slice %arg8[%dma_wait3A_92, %dma_wait3A_93] : memref<320x32xi32, #tpu.memory_space<vmem>> -> memref<1x32xi32, #tpu.memory_space<vmem>>
    %dma_wait3A_95 = tpu.memref_squeeze %dma_wait3A_94 : memref<1x32xi32, #tpu.memory_space<vmem>> -> memref<32xi32, #tpu.memory_space<vmem>>
    %dma_wait3A_96 = arith.constant 0 : i32
    %dma_wait3A_97 = arith.constant 0 : i32
    %dma_wait3A_98 = tpu.memref_slice %arg14[%dma_wait3A_96, %dma_wait3A_97] : memref<10240x128xf32, #tpu.memory_space<vmem_shared>> -> memref<10240x128xf32, #tpu.memory_space<vmem_shared>>
    tpu.wait_indirect_dma semaphore(%arg21 : memref<!tpu.dma_semaphore, #tpu.memory_space<semaphore_mem>>) src(%arg10 : memref<32x128xf32, #tpu.memory_space<vmem>>) dst(%dma_wait3A_98 : memref<10240x128xf32, #tpu.memory_space<vmem_shared>>)
    %dma_wait3A_99 = arith.constant 0 : i32
    %dma_wait3A_100 = arith.constant 0 : i32
    %dma_wait3A_101 = tpu.memref_slice %arg8[%dma_wait3A_99, %dma_wait3A_100] : memref<320x32xi32, #tpu.memory_space<vmem>> -> memref<1x32xi32, #tpu.memory_space<vmem>>
    %dma_wait3A_102 = tpu.memref_squeeze %dma_wait3A_101 : memref<1x32xi32, #tpu.memory_space<vmem>> -> memref<32xi32, #tpu.memory_space<vmem>>
    %dma_wait3A_103 = arith.constant 0 : i32
    %dma_wait3A_104 = arith.constant 0 : i32
    %dma_wait3A_105 = tpu.memref_slice %arg14[%dma_wait3A_103, %dma_wait3A_104] : memref<10240x128xf32, #tpu.memory_space<vmem_shared>> -> memref<10240x128xf32, #tpu.memory_space<vmem_shared>>
    tpu.wait_indirect_dma semaphore(%arg22 : memref<!tpu.dma_semaphore, #tpu.memory_space<semaphore_mem>>) src(%arg11 : memref<32x128xf32, #tpu.memory_space<vmem>>) dst(%dma_wait3A_105 : memref<10240x128xf32, #tpu.memory_space<vmem_shared>>)
    %dma_wait3A_106 = arith.constant 0 : i32
    %dma_wait3A_107 = arith.constant 0 : i32
    %dma_wait3A_108 = tpu.memref_slice %arg8[%dma_wait3A_106, %dma_wait3A_107] : memref<320x32xi32, #tpu.memory_space<vmem>> -> memref<1x32xi32, #tpu.memory_space<vmem>>
    %dma_wait3A_109 = tpu.memref_squeeze %dma_wait3A_108 : memref<1x32xi32, #tpu.memory_space<vmem>> -> memref<32xi32, #tpu.memory_space<vmem>>
    %dma_wait3A_110 = arith.constant 0 : i32
    %dma_wait3A_111 = arith.constant 0 : i32
    %dma_wait3A_112 = tpu.memref_slice %arg14[%dma_wait3A_110, %dma_wait3A_111] : memref<10240x128xf32, #tpu.memory_space<vmem_shared>> -> memref<10240x128xf32, #tpu.memory_space<vmem_shared>>
    tpu.wait_indirect_dma semaphore(%arg23 : memref<!tpu.dma_semaphore, #tpu.memory_space<semaphore_mem>>) src(%arg12 : memref<32x128xf32, #tpu.memory_space<vmem>>) dst(%dma_wait3A_112 : memref<10240x128xf32, #tpu.memory_space<vmem_shared>>)
    %dma_wait3A_113 = arith.constant 0 : i32
    %dma_wait3A_114 = arith.constant 0 : i32
    %dma_wait3A_115 = tpu.memref_slice %arg8[%dma_wait3A_113, %dma_wait3A_114] : memref<320x32xi32, #tpu.memory_space<vmem>> -> memref<1x32xi32, #tpu.memory_space<vmem>>
    %dma_wait3A_116 = tpu.memref_squeeze %dma_wait3A_115 : memref<1x32xi32, #tpu.memory_space<vmem>> -> memref<32xi32, #tpu.memory_space<vmem>>
    %dma_wait3A_117 = arith.constant 0 : i32
    %dma_wait3A_118 = arith.constant 0 : i32
    %dma_wait3A_119 = tpu.memref_slice %arg14[%dma_wait3A_117, %dma_wait3A_118] : memref<10240x128xf32, #tpu.memory_space<vmem_shared>> -> memref<10240x128xf32, #tpu.memory_space<vmem_shared>>
    tpu.wait_indirect_dma semaphore(%arg24 : memref<!tpu.dma_semaphore, #tpu.memory_space<semaphore_mem>>) src(%arg13 : memref<32x128xf32, #tpu.memory_space<vmem>>) dst(%dma_wait3A_119 : memref<10240x128xf32, #tpu.memory_space<vmem_shared>>)
    %barrier3A_120 = arith.constant 0 : index
    tpu.barrier barrier_id(%barrier3A_120)
    %mul3A_121 = arith.constant 10240 : i32
    %mul3A_122 = arith.muli %arg0, %mul3A_121 : i32
    %add3A_123 = arith.addi %mul3A_122, %mul3A_0 : i32
    "tpu.region"() ({
      %run_scoped3A = tpu.sem_alloc : memref<!tpu.dma_semaphore, #tpu.memory_space<semaphore_mem>>
      %dma_start3A_124 = arith.constant 0 : i32
      %dma_start3A_125 = tpu.memref_slice %arg6[%add3A_123, %dma_start3A_124] : memref<20480x128xf32, #tpu.memory_space<hbm>> -> memref<640x128xf32, #tpu.memory_space<hbm>>
      %dma_start3A_126 = arith.constant 0 : i32
      %dma_start3A_127 = tpu.memref_slice %arg14[%mul3A_0, %dma_start3A_126] : memref<10240x128xf32, #tpu.memory_space<vmem_shared>> -> memref<640x128xf32, #tpu.memory_space<vmem_shared>>
      tpu.enqueue_dma source(%dma_start3A_127 : memref<640x128xf32, #tpu.memory_space<vmem_shared>>) target(%dma_start3A_125 : memref<640x128xf32, #tpu.memory_space<hbm>>) target_semaphore(%run_scoped3A : memref<!tpu.dma_semaphore, #tpu.memory_space<semaphore_mem>>)
      %dma_wait3A_128 = arith.constant 0 : i32
      %dma_wait3A_129 = tpu.memref_slice %arg6[%add3A_123, %dma_wait3A_128] : memref<20480x128xf32, #tpu.memory_space<hbm>> -> memref<640x128xf32, #tpu.memory_space<hbm>>
      %dma_wait3A_130 = arith.constant 0 : i32
      %dma_wait3A_131 = tpu.memref_slice %arg14[%mul3A_0, %dma_wait3A_130] : memref<10240x128xf32, #tpu.memory_space<vmem_shared>> -> memref<640x128xf32, #tpu.memory_space<vmem_shared>>
      tpu.wait_dma2 semaphore(%run_scoped3A : memref<!tpu.dma_semaphore, #tpu.memory_space<semaphore_mem>>) src(%dma_wait3A_131 : memref<640x128xf32, #tpu.memory_space<vmem_shared>>) dst(%dma_wait3A_129 : memref<640x128xf32, #tpu.memory_space<hbm>>)
      tpu.yield
    }) : () -> ()
    return
  }
}

module attributes {stable_mosaic.version = 14 : i64} {
  func.func @_tc1_body(%arg0: memref<10240x128xf32, #tpu.memory_space<vmem>>, %arg1: memref<2x10240x1xf32, #tpu.memory_space<vmem>>, %arg2: memref<128x128xf32, #tpu.memory_space<vmem>>, %arg3: memref<10240x128xf32, #tpu.memory_space<vmem>>, %arg4: memref<10240x1xf32, #tpu.memory_space<vmem>>) attributes {dimension_semantics = [], scalar_prefetch = 0 : i64, scratch_operands = 0 : i64, tpu.core_type = #tpu.core_type<tc>} {
    %get3A = arith.constant 0 : index
    %get3A_0 = arith.constant 0 : index
    %get3A_1 = arith.constant 0 : index
    %get3A_2 = vector.load %arg1[%get3A, %get3A_0, %get3A_1] : memref<2x10240x1xf32, #tpu.memory_space<vmem>>, vector<1x10240x1xf32>
    %get3A_3 = vector.shape_cast %get3A_2 : vector<1x10240x1xf32> to vector<10240x1xf32>
    %get3A_4 = arith.constant 1 : index
    %get3A_5 = arith.constant 0 : index
    %get3A_6 = arith.constant 0 : index
    %get3A_7 = vector.load %arg1[%get3A_4, %get3A_5, %get3A_6] : memref<2x10240x1xf32, #tpu.memory_space<vmem>>, vector<1x10240x1xf32>
    %get3A_8 = vector.shape_cast %get3A_7 : vector<1x10240x1xf32> to vector<10240x1xf32>
    %add3A = arith.addf %get3A_3, %get3A_8 : vector<10240x1xf32>
    %add3A_9 = arith.constant 1.000000e+00 : f32
    %add3A_10 = vector.broadcast %add3A_9 : f32 to vector<10240x1xf32>
    %add3A_11 = arith.addf %add3A, %add3A_10 : vector<10240x1xf32>
    %rsqrt3A = math.rsqrt %add3A_11 : vector<10240x1xf32>
    %swap3A = arith.constant 0 : index
    %swap3A_12 = arith.constant 0 : index
    %swap3A_13 = vector.load %arg4[%swap3A, %swap3A_12] : memref<10240x1xf32, #tpu.memory_space<vmem>>, vector<10240x1xf32>
    tpu.vector_store %arg4[%swap3A, %swap3A_12], %rsqrt3A {strides = array<i32>} : memref<10240x1xf32, #tpu.memory_space<vmem>>, vector<10240x1xf32>,
    %get3A_14 = arith.constant 0 : index
    %get3A_15 = arith.constant 0 : index
    %get3A_16 = vector.load %arg0[%get3A_14, %get3A_15] : memref<10240x128xf32, #tpu.memory_space<vmem>>, vector<10240x128xf32>
    %mul3A = vector.broadcast %rsqrt3A : vector<10240x1xf32> to vector<10240x128xf32>
    %mul3A_17 = arith.mulf %get3A_16, %mul3A : vector<10240x128xf32>
    %get3A_18 = arith.constant 0 : index
    %get3A_19 = arith.constant 0 : index
    %get3A_20 = vector.load %arg2[%get3A_18, %get3A_19] : memref<128x128xf32, #tpu.memory_space<vmem>>, vector<128x128xf32>
    %dot_general3A = arith.constant dense<0.000000e+00> : vector<10240x128xf32>
    %dot_general3A_21 = tpu.matmul %mul3A_17, %get3A_20, %dot_general3A {dimension_numbers = #tpu.dot_dimension_numbers<[1], [0], [0], [1], [0, 0, 1, 1], [], []>, transpose_lhs_hint = false} : vector<10240x128xf32>, vector<128x128xf32>, vector<10240x128xf32> -> vector<10240x128xf32>
    %swap3A_22 = arith.constant 0 : index
    %swap3A_23 = arith.constant 0 : index
    %swap3A_24 = vector.load %arg3[%swap3A_22, %swap3A_23] : memref<10240x128xf32, #tpu.memory_space<vmem>>, vector<10240x128xf32>
    tpu.vector_store %arg3[%swap3A_22, %swap3A_23], %dot_general3A_21 {strides = array<i32>} : memref<10240x128xf32, #tpu.memory_space<vmem>>, vector<10240x128xf32>,
    return
  }
}

module attributes {stable_mosaic.version = 14 : i64} {
  func.func @_tc_mid_body(%arg0: memref<2x10240x128xf32, #tpu.memory_space<vmem>>, %arg1: memref<10240x128xf32, #tpu.memory_space<vmem>>, %arg2: memref<10240x1xf32, #tpu.memory_space<vmem>>, %arg3: memref<1x128xf32, #tpu.memory_space<vmem>>, %arg4: memref<128x128xf32, #tpu.memory_space<vmem>>, %arg5: memref<10240x128xf32, #tpu.memory_space<vmem>>) attributes {dimension_semantics = [], scalar_prefetch = 0 : i64, scratch_operands = 0 : i64, tpu.core_type = #tpu.core_type<tc>} {
    %get3A = arith.constant 0 : index
    %get3A_0 = arith.constant 0 : index
    %get3A_1 = vector.load %arg2[%get3A, %get3A_0] : memref<10240x1xf32, #tpu.memory_space<vmem>>, vector<10240x1xf32>
    %get3A_2 = arith.constant 0 : index
    %get3A_3 = arith.constant 0 : index
    %get3A_4 = arith.constant 0 : index
    %get3A_5 = vector.load %arg0[%get3A_2, %get3A_3, %get3A_4] : memref<2x10240x128xf32, #tpu.memory_space<vmem>>, vector<1x10240x128xf32>
    %get3A_6 = vector.shape_cast %get3A_5 : vector<1x10240x128xf32> to vector<10240x128xf32>
    %get3A_7 = arith.constant 1 : index
    %get3A_8 = arith.constant 0 : index
    %get3A_9 = arith.constant 0 : index
    %get3A_10 = vector.load %arg0[%get3A_7, %get3A_8, %get3A_9] : memref<2x10240x128xf32, #tpu.memory_space<vmem>>, vector<1x10240x128xf32>
    %get3A_11 = vector.shape_cast %get3A_10 : vector<1x10240x128xf32> to vector<10240x128xf32>
    %add3A = arith.addf %get3A_6, %get3A_11 : vector<10240x128xf32>
    %get3A_12 = arith.constant 0 : index
    %get3A_13 = arith.constant 0 : index
    %get3A_14 = vector.load %arg1[%get3A_12, %get3A_13] : memref<10240x128xf32, #tpu.memory_space<vmem>>, vector<10240x128xf32>
    %add3A_15 = arith.addf %add3A, %get3A_14 : vector<10240x128xf32>
    %mul3A = vector.broadcast %get3A_1 : vector<10240x1xf32> to vector<10240x128xf32>
    %mul3A_16 = arith.mulf %add3A_15, %mul3A : vector<10240x128xf32>
    %get3A_17 = arith.constant 0 : index
    %get3A_18 = arith.constant 0 : index
    %get3A_19 = vector.load %arg3[%get3A_17, %get3A_18] : memref<1x128xf32, #tpu.memory_space<vmem>>, vector<1x128xf32>
    %add3A_20 = vector.broadcast %get3A_19 : vector<1x128xf32> to vector<10240x128xf32>
    %add3A_21 = arith.addf %mul3A_16, %add3A_20 : vector<10240x128xf32>
    %max3A = arith.constant 0.000000e+00 : f32
    %max3A_22 = vector.broadcast %max3A : f32 to vector<10240x128xf32>
    %max3A_23 = arith.maximumf %add3A_21, %max3A_22 : vector<10240x128xf32>
    %iota3A = tpu.iota {dimensions = array<i32: 0>} : vector<10240x1xi32>
    %lt3A = arith.constant 10000 : i32
    %lt3A_24 = vector.broadcast %lt3A : i32 to vector<10240x1xi32>
    %lt3A_25 = arith.cmpi slt, %iota3A, %lt3A_24 : vector<10240x1xi32>
    %jit3A = arith.constant 0.000000e+00 : f32
    %broadcast_in_dim3A = vector.shape_cast %lt3A_25 : vector<10240x1xi1> to vector<10240x1xi1>
    %broadcast_in_dim3A_26 = vector.broadcast %broadcast_in_dim3A : vector<10240x1xi1> to vector<10240x128xi1>
    %broadcast_in_dim3A_27 = vector.broadcast %jit3A : f32 to vector<10240x128xf32>
    %select_n3A = arith.select %broadcast_in_dim3A_26, %max3A_23, %broadcast_in_dim3A_27 : vector<10240x128xi1>, vector<10240x128xf32>
    %mul3A_28 = vector.broadcast %get3A_1 : vector<10240x1xf32> to vector<10240x128xf32>
    %mul3A_29 = arith.mulf %select_n3A, %mul3A_28 : vector<10240x128xf32>
    %get3A_30 = arith.constant 0 : index
    %get3A_31 = arith.constant 0 : index
    %get3A_32 = vector.load %arg4[%get3A_30, %get3A_31] : memref<128x128xf32, #tpu.memory_space<vmem>>, vector<128x128xf32>
    %dot_general3A = arith.constant dense<0.000000e+00> : vector<10240x128xf32>
    %dot_general3A_33 = tpu.matmul %mul3A_29, %get3A_32, %dot_general3A {dimension_numbers = #tpu.dot_dimension_numbers<[1], [0], [0], [1], [0, 0, 1, 1], [], []>, transpose_lhs_hint = false} : vector<10240x128xf32>, vector<128x128xf32>, vector<10240x128xf32> -> vector<10240x128xf32>
    %swap3A = arith.constant 0 : index
    %swap3A_34 = arith.constant 0 : index
    %swap3A_35 = vector.load %arg5[%swap3A, %swap3A_34] : memref<10240x128xf32, #tpu.memory_space<vmem>>, vector<10240x128xf32>
    tpu.vector_store %arg5[%swap3A, %swap3A_34], %dot_general3A_33 {strides = array<i32>} : memref<10240x128xf32, #tpu.memory_space<vmem>>, vector<10240x128xf32>,
    return
  }
}

module attributes {stable_mosaic.version = 14 : i64} {
  func.func @_tc_fin_body(%arg0: memref<2x10240x128xf32, #tpu.memory_space<vmem>>, %arg1: memref<10240x128xf32, #tpu.memory_space<vmem>>, %arg2: memref<10240x1xf32, #tpu.memory_space<vmem>>, %arg3: memref<1x128xf32, #tpu.memory_space<vmem>>, %arg4: memref<10240x1xi32, #tpu.memory_space<vmem>>, %arg5: memref<128x128xf32, #tpu.memory_space<vmem>>, %arg6: memref<1x128xf32, #tpu.memory_space<vmem>>, %arg7: memref<64x128xf32, #tpu.memory_space<vmem>>) attributes {dimension_semantics = [], scalar_prefetch = 0 : i64, scratch_operands = 0 : i64, tpu.core_type = #tpu.core_type<tc>} {
    %get3A = arith.constant 0 : index
    %get3A_0 = arith.constant 0 : index
    %get3A_1 = arith.constant 0 : index
    %get3A_2 = vector.load %arg0[%get3A, %get3A_0, %get3A_1] : memref<2x10240x128xf32, #tpu.memory_space<vmem>>, vector<1x10240x128xf32>
    %get3A_3 = vector.shape_cast %get3A_2 : vector<1x10240x128xf32> to vector<10240x128xf32>
    %get3A_4 = arith.constant 1 : index
    %get3A_5 = arith.constant 0 : index
    %get3A_6 = arith.constant 0 : index
    %get3A_7 = vector.load %arg0[%get3A_4, %get3A_5, %get3A_6] : memref<2x10240x128xf32, #tpu.memory_space<vmem>>, vector<1x10240x128xf32>
    %get3A_8 = vector.shape_cast %get3A_7 : vector<1x10240x128xf32> to vector<10240x128xf32>
    %add3A = arith.addf %get3A_3, %get3A_8 : vector<10240x128xf32>
    %get3A_9 = arith.constant 0 : index
    %get3A_10 = arith.constant 0 : index
    %get3A_11 = vector.load %arg1[%get3A_9, %get3A_10] : memref<10240x128xf32, #tpu.memory_space<vmem>>, vector<10240x128xf32>
    %add3A_12 = arith.addf %add3A, %get3A_11 : vector<10240x128xf32>
    %get3A_13 = arith.constant 0 : index
    %get3A_14 = arith.constant 0 : index
    %get3A_15 = vector.load %arg2[%get3A_13, %get3A_14] : memref<10240x1xf32, #tpu.memory_space<vmem>>, vector<10240x1xf32>
    %mul3A = vector.broadcast %get3A_15 : vector<10240x1xf32> to vector<10240x128xf32>
    %mul3A_16 = arith.mulf %add3A_12, %mul3A : vector<10240x128xf32>
    %get3A_17 = arith.constant 0 : index
    %get3A_18 = arith.constant 0 : index
    %get3A_19 = vector.load %arg3[%get3A_17, %get3A_18] : memref<1x128xf32, #tpu.memory_space<vmem>>, vector<1x128xf32>
    %add3A_20 = vector.broadcast %get3A_19 : vector<1x128xf32> to vector<10240x128xf32>
    %add3A_21 = arith.addf %mul3A_16, %add3A_20 : vector<10240x128xf32>
    %max3A = arith.constant 0.000000e+00 : f32
    %max3A_22 = vector.broadcast %max3A : f32 to vector<10240x128xf32>
    %max3A_23 = arith.maximumf %add3A_21, %max3A_22 : vector<10240x128xf32>
    %get3A_24 = arith.constant 0 : index
    %get3A_25 = arith.constant 0 : index
    %get3A_26 = vector.load %arg4[%get3A_24, %get3A_25] : memref<10240x1xi32, #tpu.memory_space<vmem>>, vector<10240x1xi32>
    %iota3A = tpu.iota {dimensions = array<i32: 1>} : vector<10240x64xi32>
    %eq3A = vector.broadcast %get3A_26 : vector<10240x1xi32> to vector<10240x64xi32>
    %eq3A_27 = arith.cmpi eq, %eq3A, %iota3A : vector<10240x64xi32>
    %convert_element_type3A = arith.extui %eq3A_27 : vector<10240x64xi1> to vector<10240x64xi32>
    %convert_element_type3A_28 = arith.sitofp %convert_element_type3A : vector<10240x64xi32> to vector<10240x64xf32>
    %dot_general3A = arith.constant dense<0.000000e+00> : vector<64x128xf32>
    %dot_general3A_29 = tpu.matmul %convert_element_type3A_28, %max3A_23, %dot_general3A {dimension_numbers = #tpu.dot_dimension_numbers<[0], [0], [1], [1], [0, 1, 1, 1], [], []>, transpose_lhs_hint = false} : vector<10240x64xf32>, vector<10240x128xf32>, vector<64x128xf32> -> vector<64x128xf32>
    %broadcast_in_dim3A = arith.constant 1.000000e+00 : f32
    %broadcast_in_dim3A_30 = vector.broadcast %broadcast_in_dim3A : f32 to vector<10240x1xf32>
    %dot_general3A_31 = arith.constant dense<0.000000e+00> : vector<64x1xf32>
    %dot_general3A_32 = tpu.matmul %convert_element_type3A_28, %broadcast_in_dim3A_30, %dot_general3A_31 {dimension_numbers = #tpu.dot_dimension_numbers<[0], [0], [1], [1], [0, 1, 1, 1], [], []>, transpose_lhs_hint = false} : vector<10240x64xf32>, vector<10240x1xf32>, vector<64x1xf32> -> vector<64x1xf32>
    %max3A_33 = arith.constant 1.000000e+00 : f32
    %max3A_34 = vector.broadcast %max3A_33 : f32 to vector<64x1xf32>
    %max3A_35 = arith.maximumf %dot_general3A_32, %max3A_34 : vector<64x1xf32>
    %div3A = vector.broadcast %max3A_35 : vector<64x1xf32> to vector<64x128xf32>
    %div3A_36 = arith.divf %dot_general3A_29, %div3A : vector<64x128xf32>
    %get3A_37 = arith.constant 0 : index
    %get3A_38 = arith.constant 0 : index
    %get3A_39 = vector.load %arg5[%get3A_37, %get3A_38] : memref<128x128xf32, #tpu.memory_space<vmem>>, vector<128x128xf32>
    %dot_general3A_40 = arith.constant dense<0.000000e+00> : vector<64x128xf32>
    %dot_general3A_41 = tpu.matmul %div3A_36, %get3A_39, %dot_general3A_40 {dimension_numbers = #tpu.dot_dimension_numbers<[1], [0], [0], [1], [0, 0, 1, 1], [], []>, transpose_lhs_hint = false} : vector<64x128xf32>, vector<128x128xf32>, vector<64x128xf32> -> vector<64x128xf32>
    %get3A_42 = arith.constant 0 : index
    %get3A_43 = arith.constant 0 : index
    %get3A_44 = vector.load %arg6[%get3A_42, %get3A_43] : memref<1x128xf32, #tpu.memory_space<vmem>>, vector<1x128xf32>
    %add3A_45 = vector.broadcast %get3A_44 : vector<1x128xf32> to vector<64x128xf32>
    %add3A_46 = arith.addf %dot_general3A_41, %add3A_45 : vector<64x128xf32>
    %swap3A = arith.constant 0 : index
    %swap3A_47 = arith.constant 0 : index
    %swap3A_48 = vector.load %arg7[%swap3A, %swap3A_47] : memref<64x128xf32, #tpu.memory_space<vmem>>, vector<64x128xf32>
    tpu.vector_store %arg7[%swap3A, %swap3A_47], %add3A_46 {strides = array<i32>} : memref<64x128xf32, #tpu.memory_space<vmem>>, vector<64x128xf32>,
    return
  }
}

</mosaic_0001>

<sc_bundles>
// kernel: kernel.10.cloned.1.call-start
scs
__scs_entry_jumppad:
0x0: {  	(pc) =	sbr.rel $0x88, $3  }
0x1: {  	(tag) =	ssettag $0x0;
	lr =	simm.s32 $0x1  }
0x2: {  	[smem:$0x3F96] =	sst lr;
	_ =	strace $0xD0000000  }
0x3: {  	_ = 	snop  }
0x4: {  	_ = 	snop  }
0x5: {  	_ = 	snop  }
0x6: {  	_ = 	snop  }
0x7: {  	_ = 	snop  }
__scs_overlays_trampoline_lowered:
0x8: {  	[smem:$0x3FA5] =	sst s0  }
0x9: {  	[smem:$0x3FA6] =	sst s1  }
0xa: {  	[smem:$0x3FA7] =	sst s2  }
0xb: {  	[smem:$0x3FA8] =	sst s3  }
0xc: {  	[smem:$0x3FA9] =	sst s4  }
0xd: {  	[smem:$0x3FAA] =	sst s5  }
0xe: {  	[smem:$0x3FAB] =	sst s6  }
0xf: {  	[smem:$0x3FAC] =	sst s7  }
0x10: {  	[smem:$0x3FAD] =	sst s8  }
0x11: {  	[smem:$0x3FAE] =	sst s9;
	s0 =	simm.s32 @!p0 $0x0  }
0x12: {  	s1 =	sld [smem:$0x3F94];
	s0 =	simm.s32 @p0 $0x1  }
0x13: {  	[smem:$0x3FAF] =	sst s0;
	s0 =	simm.s32 @!p1 $0x0  }
0x14: {  	s2 =	sld [smem:$0x3F93];
	s0 =	simm.s32 @p1 $0x1  }
0x15: {  	[smem:$0x3FB0] =	sst s0;
	s0 =	simm.s32 @!p2 $0x0  }
0x16: {  	s3 =	sld [smem:$0x3FDB];
	s0 =	simm.s32 @p2 $0x1  }
0x17: {  	s4 =	simm.s32 $0x1BF5;
	[smem:$0x3FB2] =	sst s0  }
0x18: {  	s0 =	sld [smem:$0x3F95];
	_ =	swait.ge [sflag:s4], $0x0  }
0x19: {  	s7 =	sld [smem:$0x3F96]  }
0x1a: {  	s8 =	sadd.s32 $0xFFFFE003, lr  }
0x1b: {  	s9 =	sadd.s32 $0xFFFFFEF7, lr;
	s5 =	simm.s32 $0xFFFFFFFF;
	p2 =	slt.u32 s8, $0xFFFFF086  }
0x1c: {  	p1 =	slt.u32 s9, $0xF7A;
	s5 =	simm.s32 @!p2 $0x0  }
0x1d: {  	s5 =	simm.s32 @p1 $0x1;
	p0 =	seq.s32 s7, s2  }
0x1e: {  	s7 =	smul.u32 @!p0 $0xF7A, s2;
	p2 =	seq.s32 @!p0 s5, $0x0  }
0x1f: {  	s9 =	smul.u32 $0xF7A, s1;
	s8 =	simm.s32 @!p0 $0x1BF5;
	p2 =	por !p2, p0  }
0x20: {  	[sflag:s8] =	ssyncset.s32 @!p0 $0xFFFFF086;
	s6 =	sadd.s32 @!p0 s3, s7;
	s7 =	simm.s32 @!p0 $0x108  }
0x21: {  	s3 =	sadd.s32 s3, s9;
	s6 =	sadd.s32 @!p0 $0x88, s6;
	s7 =	simm.s32 @p2 $0x1082  }
0x22: {  	[simem:s7], [sflag:s8] =	dma.local @!p0 [hbm:s6], $0xF7A  }
0x23: {  	s9 =	sor.u32 $0xD0000000, s2;
	s6 =	simm.s32 $0x108;
	_ =	swait.ge @!p0 [sflag:s8], $0x0  }
0x24: {  	s3 =	sadd.s32 $0x88, s3;
	s6 =	simm.s32 @!p1 $0x1082;
	[sflag:s4] =	ssyncset.s32 $0xFFFFF086  }
0x25: {  	[simem:s6], [sflag:s4] =	dma.local [hbm:s3], $0xF7A  }
0x26: {  	[smem:$0x3F96] =	sst s1;
	(tag) =	ssettag s2;
	_ =	strace s9  }
0x27: {  	s1 =	sld [smem:$0x3FA6]  }
0x28: {  	s2 =	sld [smem:$0x3FA7]  }
0x29: {  	s4 =	sld [smem:$0x3FA9]  }
0x2a: {  	p0 =	seq.s32 s5, $0x0;
	s5 =	sld [smem:$0x3FAA]  }
0x2b: {  	s6 =	sld [smem:$0x3FAB]  }
0x2c: {  	s7 =	sld [smem:$0x3FAC]  }
0x2d: {  	s3 =	simm.s32 $0x108;
	s8 =	sld [smem:$0x3FAD]  }
0x2e: {  	s3 =	simm.s32 @!p0 $0x1082;
	s9 =	sld [smem:$0x3FAE]  }
0x2f: {  	lr =	sadd.s32 s0, s3;
	s0 =	sld [smem:$0x3FA5]  }
0x30: {  	s3 =	sld [smem:$0x3FA8]  }
0x31: {  	[smem:$0x3FB1] =	sst s10  }
0x32: {  	s10 =	sld [smem:$0x3FAF];
	_ =	sdelay $0x3  }
0x33: {  	p0 =	seq.s32 s10, $0x1;
	s10 =	sld [smem:$0x3FB1];
	_ =	sdelay $0x3  }
0x34: {  	[smem:$0x3FB1] =	sst s10  }
0x35: {  	s10 =	sld [smem:$0x3FB0];
	_ =	sdelay $0x3  }
0x36: {  	p1 =	seq.s32 s10, $0x1;
	s10 =	sld [smem:$0x3FB1];
	_ =	sdelay $0x3  }
0x37: {  	[smem:$0x3FB1] =	sst s10  }
0x38: {  	s10 =	sld [smem:$0x3FB2]  }
0x39: {  	_ = 	snop;
	(pc) =	sbr.ind lr, $3  }
0x3a: {  	_ = 	snop  }
0x3b: {  	_ = 	snop  }
0x3c: {  	p2 =	seq.s32 s10, $0x1;
	s10 =	sld [smem:$0x3FB1]  }
0x3d: {  	_ =	shalt  }
0x3e: {  	_ =	shalt  }
0x3f: {  	_ =	shalt  }
0x40: {  	_ =	shalt  }
0x41: {  	_ =	shalt  }
0x42: {  	_ =	shalt  }
0x43: {  	_ =	shalt  }
0x44: {  	_ =	shalt  }
0x45: {  	_ =	shalt  }
0x46: {  	_ =	shalt  }
0x47: {  	_ =	shalt  }
0x48: {  	_ =	shalt  }
0x49: {  	_ =	shalt  }
0x4a: {  	_ =	shalt  }
0x4b: {  	_ =	shalt  }
0x4c: {  	_ =	shalt  }
0x4d: {  	_ =	shalt  }
0x4e: {  	_ =	shalt  }
0x4f: {  	_ =	shalt  }
0x50: {  	_ =	shalt  }
0x51: {  	_ =	shalt  }
0x52: {  	_ =	shalt  }
0x53: {  	_ =	shalt  }
0x54: {  	_ =	shalt  }
0x55: {  	_ =	shalt  }
0x56: {  	_ =	shalt  }
0x57: {  	_ =	shalt  }
0x58: {  	_ =	shalt  }
0x59: {  	_ =	shalt  }
0x5a: {  	_ =	shalt  }
0x5b: {  	_ =	shalt  }
0x5c: {  	_ =	shalt  }
0x5d: {  	_ =	shalt  }
0x5e: {  	_ =	shalt  }
0x5f: {  	_ =	shalt  }
0x60: {  	_ =	shalt  }
0x61: {  	_ =	shalt  }
0x62: {  	_ =	shalt  }
0x63: {  	_ =	shalt  }
0x64: {  	_ =	shalt  }
0x65: {  	_ =	shalt  }
0x66: {  	_ =	shalt  }
0x67: {  	_ =	shalt  }
0x68: {  	_ =	shalt  }
0x69: {  	_ =	shalt  }
0x6a: {  	_ =	shalt  }
0x6b: {  	_ =	shalt  }
0x6c: {  	_ =	shalt  }
0x6d: {  	_ =	shalt  }
0x6e: {  	_ =	shalt  }
0x6f: {  	_ =	shalt  }
0x70: {  	_ =	shalt  }
0x71: {  	_ =	shalt  }
0x72: {  	_ =	shalt  }
0x73: {  	_ =	shalt  }
0x74: {  	_ =	shalt  }
0x75: {  	_ =	shalt  }
0x76: {  	_ =	shalt  }
0x77: {  	_ =	shalt  }
0x78: {  	_ =	shalt  }
0x79: {  	_ =	shalt  }
0x7a: {  	_ =	shalt  }
0x7b: {  	_ =	shalt  }
0x7c: {  	_ =	shalt  }
0x7d: {  	_ =	shalt  }
0x7e: {  	_ =	shalt  }
0x7f: {  	_ =	shalt  }
0x80: {  	_ =	shalt  }
0x81: {  	_ =	shalt  }
0x82: {  	_ =	shalt  }
0x83: {  	_ =	shalt  }
0x84: {  	_ =	shalt  }
0x85: {  	_ =	shalt  }
0x86: {  	_ =	shalt  }
0x87: {  	_ =	shalt  }
.Lfunc_end0:
.L_simem_size_0:
called_computation_lowered:
.L_overlay_start_0:
0x88: {  	s2 =	sld [smem:$0x3FD9]  }
0x89: {  	s3 =	sld [smem:$0x3FFE];
	_ =	sdelay $0x1  }
0x8a: {  	s1 =	srdreg.scid  }
0x8b: {  	s0 =	sand.u32 $0x1, s1  }
0x8c: {  	s17 =	sshll.u32 s0, $0xA;
	s2 =	sadd.s32 s3, s2  }
0x8d: {  	s2 =	sadd.s32 s2, s17  }
0x8e: {  	[smem:$0x3FBD] =	sst s2  }
0x8f: {  	_ = 	snop  }
0x90: {  	s2 =	sld [smem:$0x3FD0];
	(tm) =	ssettm $0x1  }
0x91: {  	s18 =	sld [smem:$0x3FFB];
	_ =	sdelay $0x3  }
0x92: {  	_ =	strace s18  }
0x93: {  	s3 =	sld [smem:$0x3FFC];
	_ =	sdelay $0x3  }
0x94: {  	_ =	strace s3  }
0x95: {  	s3 =	sld [smem:$0x3FFD];
	_ =	sdelay $0x3  }
0x96: {  	_ =	strace s3  }
0x97: {  	_ =	strace $0x8FFFFFFF  }
0x98: {  	s19 =	sld [smem:$0x3FDB];
	_ =	sdelay $0x1  }
0x99: {  	s4 =	simm.s32 $_scs_section_size  }
0x9a: {  	s5 =	simm.s32 $_size__tile_overlayer_lowered;
	s6 =	simm.s32 $_tile_overlayer_lowered  }
0x9b: {  	s22 =	simm.s32 $0x1BFF;
	s21 =	sshll.u32 s6, $0x1;
	s3 =	sadd.s32 s4, s19  }
0x9c: {  	s7 =	simm.s32 $0x0;
	s20 =	sshll.u32 s5, $0x1;
	s5 =	sadd.s32 s21, s3  }
0x9d: {  	[timem:s7], [sflag:s22] =	dma.local [hbm:s5], s20  }
0x9e: {  	_ =	swait.ge [sflag:s22], s20  }
0x9f: {  	s4 =	ssub.s32 $0x0, s20;
	[sflag:s22] =	ssyncset.done $0x0  }
0xa0: {  	[sflag:s22] =	ssyncadd.s32 s4;
	_ =	sdelay $0x1  }
0xa1: {  	s23 =	simm.s32 $0x1B8B  }
0xa2: {  	_ =	swait.ge [sflag:s23], $0x1  }
0xa3: {  	[sflag:s23] =	ssyncset.done $0x0  }
0xa4: {  	s25 =	simm.s32 $0x1B8E;
	s24 =	sld [smem:$0x3FFE];
	[sflag:s23] =	ssyncadd.s32 $0xFFFFFFFF  }
0xa5: {  	s26 =	simm.s32 $execute0_lowered;
	[smem:$0x3FD2] =	sst s25  }
0xa6: {  	s5 =	sshll.u32 s26, $0x1;
	_ =	strace $0x80000046;
	[dreg:$0x1] =	wrdreg $0xFFFFFFFF  }
0xa7: {  	s28 =	simm.s32 $_size_execute0_lowered;
	s3 =	sadd.s32 s3, s5;
	[dreg:$0x0] =	wrdreg $0x0  }
0xa8: {  	s5 =	sshll.u32 s28, $0x1;
	[dreg:$0x2] =	wrdreg s3  }
0xa9: {  	[dreg:$0x3] =	wrdreg s5  }
0xaa: {  	[dreg:$0x4] =	wrdreg $0xC0  }
0xab: {  	_ =	task [dreg:s7], $0x5FFFF  }
0xac: {  	[dreg:$0x1] =	wrdreg $0xFFFFFFFF  }
0xad: {  	[dreg:$0x0] =	wrdreg $0x60  }
0xae: {  	[dreg:$0x2] =	wrdreg s24  }
0xaf: {  	[dreg:$0x3] =	wrdreg s2  }
0xb0: {  	[dreg:$0x4] =	wrdreg $0x30000  }
0xb1: {  	[dreg:$0x5] =	wrdreg $0x9  }
0xb2: {  	_ =	task.clear_ibuf [dreg:s7], $0x6FFFF;
	_ =	strace $0x90000046  }
0xb3: {  	s29 =	simm.s32 $0x9;
	_ =	strace $0x80000048  }
0xb4: {  	_ =	swait.ge [sflag:s29], $0x1  }
0xb5: {  	[sflag:s29] =	ssyncadd.s32 $0xFFFFFFFF  }
0xb6: {  	_ =	strace $0x90000048  }
0xb7: {  	_ =	sfence  }
0xb8: {  	s30 =	sld [smem:$0x0];
	_ =	sdelay $0x2  }
0xb9: {  	s31 =	sshll.u32 s1, $0xD;
	s1 =	sshrl.u32 s1, $0x2  }
0xba: {  	s3 =	sand.u32 $0x4000, s31;
	s1 =	sadd.s32 s1, s30  }
0xbb: {  	s0 =	sor.u32 s3, s0;
	s1 =	sshll.u32 s1, $0x11  }
0xbc: {  	s0 =	sor.u32 s1, s0  }
0xbd: {  	s0 =	sadd.s32 $0x8F2B, s0  }
0xbe: {  	[sflag:s0] =	ssyncadd.remote.s32 $0x1  }
0xbf: {  	_ =	sfence.sel $0xFFFF  }
0xc0: {  	[dreg:$0x0] =	wrdreg $0xFFFFFFFF;
	(pc) =	sbr.abs _section_cstart, $3  }
0xc1: {  	[dreg:$0x1] =	wrdreg $0xFFFFFFFF  }
0xc2: {  	_ =	task.clear_ibuf [dreg:s7], $0x2FFFF;
	_ =	strace $0x9FFFFFFF  }
0xc3: {  	(tm) =	ssettm $0x7FFFFFFF  }
tec
execute0_lowered:
.L_overlay_start_1:
0x0: {  	(tag) =	ssettag $0x1  }
0x1: {  	s7 =	rddreg [dreg:$0x0];
	s1 =	srdreg.scid  }
0x2: {  	s0 =	stileid.u32;
	s2 =	rddreg [dreg:$0x1]  }
0x3: {  	s3 =	rddreg [dreg:$0x2];
	s4 =	simm.s32 $0x0;
	s16 =	simm.s32 $0x2800  }
0x4: {  	s17 =	simm.s32 $0x80;
	s20 =	simm.s32 $0x0;
	s8 =	sand.u32 $0x1, s1  }
0x5: {  	s30 =	sshll.u32 s0, $0x1;
	s1 =	rddreg [dreg:$0x3];
	s6 =	smul.u32 $0x5000, s0  }
0x6: {  	[smem:$0x7FF] =	sst s4;
	s9 =	smul.u32 $0x280, s0;
	s18 =	sshll.u32 s0, $0x6  }
0x7: {  	s5 =	sor.u32 s8, s30;
	_ =	strace $0x80000047;
	s13 =	smul.u32 $0x2800, s8  }
0x8: {  	s10 =	ssub.s32 $0x2, s8;
	s18 =	sor.u32 $0x1C01, s18;
	s5 =	smul.u32 $0x500, s5  }
0x9: {  	s6 =	sshrl.u32 s6, $0x2;
	s12 =	sshrl.u32 s10, $0x1;
	s14 =	sadd.s32 s9, s7  }
0xa: {  	s6 =	sadd.s32 s6, s3;
	s15 =	ssub.s32 s10, s12;
	s31 =	sadd.s32 s13, s14  }
0xb: {  	s14 =	simm.s32 $0x2C00;
	s11 =	sadd.s32 s5, s7;
	s5 =	sadd.s32 $0x17E00, s7  }
0xc: {  	s7 =	sadd.s32 $0x400, s6;
	s8 =	sadd.s32 $0x800, s6;
	s9 =	sadd.s32 $0xC00, s6  }
0xd: {  	s10 =	sadd.s32 $0x1000, s6;
	s12 =	sadd.s32 $0x18000, s31;
	s13 =	smax.u32 s15, $0x1  }
0xe: {  	s15 =	simm.s32 $0x1;
	s19 =	sshrl.u32 s6, $0x3;
	s11 =	sadd.s32 $0x3E00, s11  }
.LBB2_1:
0xf: {  	[tilespmem:s14], [sflag:$0x1] =	stream.linear.gather [hbm4b:s5+s4], $0x400, $0x38;
	[tilespmem:$0x4400] =	vst v63  }
0x10: {  	_ =	swait.ge [sflag:s15], $0x400  }
0x11: {  	[sflag:s15] =	ssyncset.done $0x0  }
0x12: {  	[sflag:s15] =	ssyncadd.s32 $0xFFFFFC00  }
0x13: {  	[spmem:s6] =	stream.linear.scatter [tilespmem:s14], [sflag:$0x1], $0x400, $0x38;
	[tilespmem:$0x4400] =	vst v63  }
0x14: {  	_ =	swait.ge [sflag:s15], $0x400  }
0x15: {  	[sflag:s15] =	ssyncset.done $0x0  }
0x16: {  	[sflag:s15] =	ssyncadd.s32 $0xFFFFFC00  }
0x17: {  	[spmem:s7] =	stream.linear.scatter [tilespmem:s14], [sflag:$0x1], $0x400, $0x38;
	[tilespmem:$0x4400] =	vst v63  }
0x18: {  	_ =	swait.ge [sflag:s15], $0x400  }
0x19: {  	[sflag:s15] =	ssyncset.done $0x0  }
0x1a: {  	[sflag:s15] =	ssyncadd.s32 $0xFFFFFC00  }
0x1b: {  	[spmem:s8] =	stream.linear.scatter [tilespmem:s14], [sflag:$0x1], $0x400, $0x38;
	[tilespmem:$0x4400] =	vst v63  }
0x1c: {  	_ =	swait.ge [sflag:s15], $0x400  }
0x1d: {  	[sflag:s15] =	ssyncset.done $0x0  }
0x1e: {  	[sflag:s15] =	ssyncadd.s32 $0xFFFFFC00  }
0x1f: {  	[spmem:s9] =	stream.linear.scatter [tilespmem:s14], [sflag:$0x1], $0x400, $0x38;
	[tilespmem:$0x4400] =	vst v63  }
0x20: {  	_ =	swait.ge [sflag:s15], $0x400  }
0x21: {  	[sflag:s15] =	ssyncset.done $0x0  }
0x22: {  	[sflag:s15] =	ssyncadd.s32 $0xFFFFFC00  }
0x23: {  	[spmem:s10] =	stream.linear.scatter [tilespmem:s14], [sflag:$0x1], $0x400, $0x38;
	[tilespmem:$0x4400] =	vst v63  }
0x24: {  	_ =	swait.ge [sflag:s15], $0x400  }
0x25: {  	[sflag:s15] =	ssyncset.done $0x0  }
0x26: {  	[sflag:s15] =	ssyncadd.s32 $0xFFFFFC00  }
0x27: {  	[tilespmem:s16], [sflag:$0x1] =	stream.linear.gather [hbm4b:s2+s4], $0x400, $0x38;
	[tilespmem:$0x4400] =	vst v63  }
0x28: {  	_ =	swait.ge [sflag:s15], $0x400  }
0x29: {  	[sflag:s15] =	ssyncset.done $0x0  }
0x2a: {  	[sflag:s15] =	ssyncadd.s32 $0xFFFFFC00  }
0x2b: {  	[tilespmem:s4], [sflag:$0x1] =	stream.linear.gather [hbm4b:s11+s4], $0x2800, $0x38;
	[tilespmem:$0x4400] =	vst v63  }
0x2c: {  	_ =	swait.ge [sflag:s15], $0x2800  }
0x2d: {  	[sflag:s15] =	ssyncset.done $0x0  }
0x2e: {  	[sflag:s15] =	ssyncadd.s32 $0xFFFFD800  }
0x2f: {  	s21 =	simm.s32 $0x0;
	[bflag:$0x0] =	sbarrier.arrive $0xFFFF  }
0x30: {  	[spmem:s3] =	stream.indirect.scatter.add.f32 [tilespmem:s16], [sflag:$0x1], $0x8, s21, s17, $0xb8;
	[tilespmem:$0x4400] =	vst v63  }
0x31: {  	_ =	swait.ge [sflag:s15], $0x400  }
0x32: {  	s21 =	simm.s32 $0x200;
	[sflag:s15] =	ssyncset.done $0x0  }
.LBB2_2:
0x33: {  	s22 =	sshra.s32 s21, $0x2;
	[sflag:s15] =	ssyncadd.s32 $0xFFFFFC00;
	p0 =	sne.s32 s21, $0x9E00  }
0x34: {  	[spmem:s3] =	stream.indirect.scatter.add.f32 [tilespmem:s16], [sflag:$0x1], $0x8, s22, s17, $0xb8;
	[tilespmem:$0x4400] =	vst v63  }
.Ltmp0:
0x35: {  	_ = 	snop;
	(pc) =	sbr.rel @p0 .LBB2_2-.Ltmp0, $4  }
0x36: {  	_ = 	snop  }
0x37: {  	s21 =	sadd.s32 $0x200, s21  }
0x38: {  	_ =	swait.ge [sflag:s15], $0x400  }
0x39: {  	[sflag:s15] =	ssyncset.done $0x0  }
0x3a: {  	s20 =	sadd.s32 $0x1, s20  }
0x3b: {  	[sflag:s15] =	ssyncadd.s32 $0xFFFFFC00;
	p0 =	sne.s32 s20, s13  }
.Ltmp1:
0x3c: {  	[bflag:$0x0] =	sbarrier.arrive $0xFFFF;
	(pc) =	sbr.rel @p0 .LBB2_1-.Ltmp1, $4  }
0x3d: {  	[hbm:s12], [sflag:s18] =	dma.local [spmem:s19], $0x280  }
0x3e: {  	_ =	swait.ge [sflag:s15], $0x280  }
0x3f: {  	[sflag:s15] =	ssyncset.done $0x0  }
0x40: {  	[sflag:s15] =	ssyncadd.s32 $0xFFFFFD80  }
0x41: {  	_ =	sfence.sel $0x180000  }
0x42: {  	[bflag:$0x0] =	sbarrier.arrive $0xFFFF  }
0x43: {  	p0 =	sne.s32 s0, $0x0;
	_ =	strace $0x90000047  }
0x44: {  	s0 =	sadd.s32 @!p0 $0x100000, s1;
	[bflag:$0x2] =	sbarrier.arrive $0xFFFF  }
0x45: {  	[sflag:s0] =	ssyncadd.tile.s32 @!p0 $0x1;
	_ =	shalt  }
.Lfunc_end2:
_tile_overlayer_lowered:
.L_overlay_start_2:
0x46: {  	(tag) =	ssettag $0x2  }
0x47: {  	s0 =	rddreg [dreg:$0x0];
	s2 =	stileid.u32  }
0x48: {  	s1 =	rddreg [dreg:$0x1];
	p0 =	sne.s32 s2, $0x0  }
0x49: {  	s3 =	rddreg [dreg:$0x2];
	[bflag:$0x3] =	sbarrier.arrive $0xFFFF;
	s2 =	simm.s32 @!p0 $0x1C01  }
0x4a: {  	[timem:s3], [sflag:s2] =	dma.local @!p0 [hbm:s0], s1  }
0x4b: {  	s0 =	simm.s32 @!p0 $0x1  }
0x4c: {  	_ =	swait.ge @!p0 [sflag:s0], s1  }
0x4d: {  	s1 =	ssub.s32 @!p0 $0x0, s1;
	[sflag:s0] =	ssyncset.done @!p0 $0x0  }
0x4e: {  	[sflag:s0] =	ssyncadd.s32 @!p0 s1  }
0x4f: {  	[bflag:$0x3] =	sbarrier.arrive $0xFFFF  }
0x50: {  	_ =	shalt  }

// kernel: kernel.13.cloned.1.call-start
scs
__scs_entry_jumppad:
0x0: {  	(pc) =	sbr.rel $0x88, $3  }
0x1: {  	(tag) =	ssettag $0x0;
	lr =	simm.s32 $0x1  }
0x2: {  	[smem:$0x3F96] =	sst lr;
	_ =	strace $0xD0000000  }
0x3: {  	_ = 	snop  }
0x4: {  	_ = 	snop  }
0x5: {  	_ = 	snop  }
0x6: {  	_ = 	snop  }
0x7: {  	_ = 	snop  }
__scs_overlays_trampoline_lowered:
0x8: {  	[smem:$0x3FA5] =	sst s0  }
0x9: {  	[smem:$0x3FA6] =	sst s1  }
0xa: {  	[smem:$0x3FA7] =	sst s2  }
0xb: {  	[smem:$0x3FA8] =	sst s3  }
0xc: {  	[smem:$0x3FA9] =	sst s4  }
0xd: {  	[smem:$0x3FAA] =	sst s5  }
0xe: {  	[smem:$0x3FAB] =	sst s6  }
0xf: {  	[smem:$0x3FAC] =	sst s7  }
0x10: {  	[smem:$0x3FAD] =	sst s8  }
0x11: {  	[smem:$0x3FAE] =	sst s9;
	s0 =	simm.s32 @!p0 $0x0  }
0x12: {  	s1 =	sld [smem:$0x3F94];
	s0 =	simm.s32 @p0 $0x1  }
0x13: {  	[smem:$0x3FAF] =	sst s0;
	s0 =	simm.s32 @!p1 $0x0  }
0x14: {  	s2 =	sld [smem:$0x3F93];
	s0 =	simm.s32 @p1 $0x1  }
0x15: {  	[smem:$0x3FB0] =	sst s0;
	s0 =	simm.s32 @!p2 $0x0  }
0x16: {  	s3 =	sld [smem:$0x3FDB];
	s0 =	simm.s32 @p2 $0x1  }
0x17: {  	s4 =	simm.s32 $0x1BF5;
	[smem:$0x3FB2] =	sst s0  }
0x18: {  	s0 =	sld [smem:$0x3F95];
	_ =	swait.ge [sflag:s4], $0x0  }
0x19: {  	s7 =	sld [smem:$0x3F96]  }
0x1a: {  	s8 =	sadd.s32 $0xFFFFE003, lr  }
0x1b: {  	s9 =	sadd.s32 $0xFFFFFEF7, lr;
	s5 =	simm.s32 $0xFFFFFFFF;
	p2 =	slt.u32 s8, $0xFFFFF086  }
0x1c: {  	p1 =	slt.u32 s9, $0xF7A;
	s5 =	simm.s32 @!p2 $0x0  }
0x1d: {  	s5 =	simm.s32 @p1 $0x1;
	p0 =	seq.s32 s7, s2  }
0x1e: {  	s7 =	smul.u32 @!p0 $0xF7A, s2;
	p2 =	seq.s32 @!p0 s5, $0x0  }
0x1f: {  	s9 =	smul.u32 $0xF7A, s1;
	s8 =	simm.s32 @!p0 $0x1BF5;
	p2 =	por !p2, p0  }
0x20: {  	[sflag:s8] =	ssyncset.s32 @!p0 $0xFFFFF086;
	s6 =	sadd.s32 @!p0 s3, s7;
	s7 =	simm.s32 @!p0 $0x108  }
0x21: {  	s3 =	sadd.s32 s3, s9;
	s6 =	sadd.s32 @!p0 $0x88, s6;
	s7 =	simm.s32 @p2 $0x1082  }
0x22: {  	[simem:s7], [sflag:s8] =	dma.local @!p0 [hbm:s6], $0xF7A  }
0x23: {  	s9 =	sor.u32 $0xD0000000, s2;
	s6 =	simm.s32 $0x108;
	_ =	swait.ge @!p0 [sflag:s8], $0x0  }
0x24: {  	s3 =	sadd.s32 $0x88, s3;
	s6 =	simm.s32 @!p1 $0x1082;
	[sflag:s4] =	ssyncset.s32 $0xFFFFF086  }
0x25: {  	[simem:s6], [sflag:s4] =	dma.local [hbm:s3], $0xF7A  }
0x26: {  	[smem:$0x3F96] =	sst s1;
	(tag) =	ssettag s2;
	_ =	strace s9  }
0x27: {  	s1 =	sld [smem:$0x3FA6]  }
0x28: {  	s2 =	sld [smem:$0x3FA7]  }
0x29: {  	s4 =	sld [smem:$0x3FA9]  }
0x2a: {  	p0 =	seq.s32 s5, $0x0;
	s5 =	sld [smem:$0x3FAA]  }
0x2b: {  	s6 =	sld [smem:$0x3FAB]  }
0x2c: {  	s7 =	sld [smem:$0x3FAC]  }
0x2d: {  	s3 =	simm.s32 $0x108;
	s8 =	sld [smem:$0x3FAD]  }
0x2e: {  	s3 =	simm.s32 @!p0 $0x1082;
	s9 =	sld [smem:$0x3FAE]  }
0x2f: {  	lr =	sadd.s32 s0, s3;
	s0 =	sld [smem:$0x3FA5]  }
0x30: {  	s3 =	sld [smem:$0x3FA8]  }
0x31: {  	[smem:$0x3FB1] =	sst s10  }
0x32: {  	s10 =	sld [smem:$0x3FAF];
	_ =	sdelay $0x3  }
0x33: {  	p0 =	seq.s32 s10, $0x1;
	s10 =	sld [smem:$0x3FB1];
	_ =	sdelay $0x3  }
0x34: {  	[smem:$0x3FB1] =	sst s10  }
0x35: {  	s10 =	sld [smem:$0x3FB0];
	_ =	sdelay $0x3  }
0x36: {  	p1 =	seq.s32 s10, $0x1;
	s10 =	sld [smem:$0x3FB1];
	_ =	sdelay $0x3  }
0x37: {  	[smem:$0x3FB1] =	sst s10  }
0x38: {  	s10 =	sld [smem:$0x3FB2]  }
0x39: {  	_ = 	snop;
	(pc) =	sbr.ind lr, $3  }
0x3a: {  	_ = 	snop  }
0x3b: {  	_ = 	snop  }
0x3c: {  	p2 =	seq.s32 s10, $0x1;
	s10 =	sld [smem:$0x3FB1]  }
0x3d: {  	_ =	shalt  }
0x3e: {  	_ =	shalt  }
0x3f: {  	_ =	shalt  }
0x40: {  	_ =	shalt  }
0x41: {  	_ =	shalt  }
0x42: {  	_ =	shalt  }
0x43: {  	_ =	shalt  }
0x44: {  	_ =	shalt  }
0x45: {  	_ =	shalt  }
0x46: {  	_ =	shalt  }
0x47: {  	_ =	shalt  }
0x48: {  	_ =	shalt  }
0x49: {  	_ =	shalt  }
0x4a: {  	_ =	shalt  }
0x4b: {  	_ =	shalt  }
0x4c: {  	_ =	shalt  }
0x4d: {  	_ =	shalt  }
0x4e: {  	_ =	shalt  }
0x4f: {  	_ =	shalt  }
0x50: {  	_ =	shalt  }
0x51: {  	_ =	shalt  }
0x52: {  	_ =	shalt  }
0x53: {  	_ =	shalt  }
0x54: {  	_ =	shalt  }
0x55: {  	_ =	shalt  }
0x56: {  	_ =	shalt  }
0x57: {  	_ =	shalt  }
0x58: {  	_ =	shalt  }
0x59: {  	_ =	shalt  }
0x5a: {  	_ =	shalt  }
0x5b: {  	_ =	shalt  }
0x5c: {  	_ =	shalt  }
0x5d: {  	_ =	shalt  }
0x5e: {  	_ =	shalt  }
0x5f: {  	_ =	shalt  }
0x60: {  	_ =	shalt  }
0x61: {  	_ =	shalt  }
0x62: {  	_ =	shalt  }
0x63: {  	_ =	shalt  }
0x64: {  	_ =	shalt  }
0x65: {  	_ =	shalt  }
0x66: {  	_ =	shalt  }
0x67: {  	_ =	shalt  }
0x68: {  	_ =	shalt  }
0x69: {  	_ =	shalt  }
0x6a: {  	_ =	shalt  }
0x6b: {  	_ =	shalt  }
0x6c: {  	_ =	shalt  }
0x6d: {  	_ =	shalt  }
0x6e: {  	_ =	shalt  }
0x6f: {  	_ =	shalt  }
0x70: {  	_ =	shalt  }
0x71: {  	_ =	shalt  }
0x72: {  	_ =	shalt  }
0x73: {  	_ =	shalt  }
0x74: {  	_ =	shalt  }
0x75: {  	_ =	shalt  }
0x76: {  	_ =	shalt  }
0x77: {  	_ =	shalt  }
0x78: {  	_ =	shalt  }
0x79: {  	_ =	shalt  }
0x7a: {  	_ =	shalt  }
0x7b: {  	_ =	shalt  }
0x7c: {  	_ =	shalt  }
0x7d: {  	_ =	shalt  }
0x7e: {  	_ =	shalt  }
0x7f: {  	_ =	shalt  }
0x80: {  	_ =	shalt  }
0x81: {  	_ =	shalt  }
0x82: {  	_ =	shalt  }
0x83: {  	_ =	shalt  }
0x84: {  	_ =	shalt  }
0x85: {  	_ =	shalt  }
0x86: {  	_ =	shalt  }
0x87: {  	_ =	shalt  }
.Lfunc_end0:
.L_simem_size_0:
called_computation.1_lowered:
.L_overlay_start_0:
0x88: {  	s2 =	sld [smem:$0x3FD9]  }
0x89: {  	s3 =	sld [smem:$0x3FFE];
	_ =	sdelay $0x1  }
0x8a: {  	s1 =	srdreg.scid  }
0x8b: {  	s0 =	sand.u32 $0x1, s1  }
0x8c: {  	s17 =	sshll.u32 s0, $0xA;
	s2 =	sadd.s32 s3, s2  }
0x8d: {  	s2 =	sadd.s32 s2, s17  }
0x8e: {  	[smem:$0x3FBD] =	sst s2  }
0x8f: {  	_ = 	snop  }
0x90: {  	s2 =	sld [smem:$0x3FD0];
	(tm) =	ssettm $0x1  }
0x91: {  	s18 =	sld [smem:$0x3FFB];
	_ =	sdelay $0x3  }
0x92: {  	_ =	strace s18  }
0x93: {  	s3 =	sld [smem:$0x3FFC];
	_ =	sdelay $0x3  }
0x94: {  	_ =	strace s3  }
0x95: {  	s3 =	sld [smem:$0x3FFD];
	_ =	sdelay $0x3  }
0x96: {  	_ =	strace s3  }
0x97: {  	_ =	strace $0x8FFFFFFF  }
0x98: {  	s19 =	sld [smem:$0x3FDB];
	_ =	sdelay $0x1  }
0x99: {  	s4 =	simm.s32 $_scs_section_size  }
0x9a: {  	s5 =	simm.s32 $_size__tile_overlayer_lowered;
	s6 =	simm.s32 $_tile_overlayer_lowered  }
0x9b: {  	s22 =	simm.s32 $0x1BFF;
	s21 =	sshll.u32 s6, $0x1;
	s3 =	sadd.s32 s4, s19  }
0x9c: {  	s7 =	simm.s32 $0x0;
	s20 =	sshll.u32 s5, $0x1;
	s5 =	sadd.s32 s21, s3  }
0x9d: {  	[timem:s7], [sflag:s22] =	dma.local [hbm:s5], s20  }
0x9e: {  	_ =	swait.ge [sflag:s22], s20  }
0x9f: {  	s4 =	ssub.s32 $0x0, s20;
	[sflag:s22] =	ssyncset.done $0x0  }
0xa0: {  	[sflag:s22] =	ssyncadd.s32 s4;
	_ =	sdelay $0x1  }
0xa1: {  	s23 =	simm.s32 $0x1B8B  }
0xa2: {  	_ =	swait.ge [sflag:s23], $0x1  }
0xa3: {  	[sflag:s23] =	ssyncset.done $0x0  }
0xa4: {  	s25 =	simm.s32 $0x1B8E;
	s24 =	sld [smem:$0x3FFE];
	[sflag:s23] =	ssyncadd.s32 $0xFFFFFFFF  }
0xa5: {  	s26 =	simm.s32 $execute0_lowered;
	[smem:$0x3FD2] =	sst s25  }
0xa6: {  	s5 =	sshll.u32 s26, $0x1;
	_ =	strace $0x80000049;
	[dreg:$0x1] =	wrdreg $0xFFFFFFFF  }
0xa7: {  	s28 =	simm.s32 $_size_execute0_lowered;
	s3 =	sadd.s32 s3, s5;
	[dreg:$0x0] =	wrdreg $0x0  }
0xa8: {  	s5 =	sshll.u32 s28, $0x1;
	[dreg:$0x2] =	wrdreg s3  }
0xa9: {  	[dreg:$0x3] =	wrdreg s5  }
0xaa: {  	[dreg:$0x4] =	wrdreg $0xC0  }
0xab: {  	_ =	task [dreg:s7], $0x5FFFF  }
0xac: {  	[dreg:$0x1] =	wrdreg $0xFFFFFFFF  }
0xad: {  	[dreg:$0x0] =	wrdreg $0x60  }
0xae: {  	[dreg:$0x2] =	wrdreg s24  }
0xaf: {  	[dreg:$0x3] =	wrdreg s2  }
0xb0: {  	[dreg:$0x4] =	wrdreg $0xA0000  }
0xb1: {  	[dreg:$0x5] =	wrdreg $0x9  }
0xb2: {  	_ =	task.clear_ibuf [dreg:s7], $0x6FFFF;
	_ =	strace $0x90000049  }
0xb3: {  	s29 =	simm.s32 $0x9;
	_ =	strace $0x8000004B  }
0xb4: {  	_ =	swait.ge [sflag:s29], $0x1  }
0xb5: {  	[sflag:s29] =	ssyncadd.s32 $0xFFFFFFFF  }
0xb6: {  	_ =	strace $0x9000004B  }
0xb7: {  	_ =	sfence  }
0xb8: {  	s30 =	sld [smem:$0x0];
	_ =	sdelay $0x2  }
0xb9: {  	s31 =	sshll.u32 s1, $0xD;
	s1 =	sshrl.u32 s1, $0x2  }
0xba: {  	s3 =	sand.u32 $0x4000, s31;
	s1 =	sadd.s32 s1, s30  }
0xbb: {  	s0 =	sor.u32 s3, s0;
	s1 =	sshll.u32 s1, $0x11  }
0xbc: {  	s0 =	sor.u32 s1, s0  }
0xbd: {  	s0 =	sadd.s32 $0x8F2B, s0  }
0xbe: {  	[sflag:s0] =	ssyncadd.remote.s32 $0x1  }
0xbf: {  	_ =	sfence.sel $0xFFFF  }
0xc0: {  	[dreg:$0x0] =	wrdreg $0xFFFFFFFF;
	(pc) =	sbr.abs _section_cstart, $3  }
0xc1: {  	[dreg:$0x1] =	wrdreg $0xFFFFFFFF  }
0xc2: {  	_ =	task.clear_ibuf [dreg:s7], $0x2FFFF;
	_ =	strace $0x9FFFFFFF  }
0xc3: {  	(tm) =	ssettm $0x7FFFFFFF  }
tec
execute0_lowered:
.L_overlay_start_1:
0x0: {  	(tag) =	ssettag $0x1  }
0x1: {  	s5 =	stileid.u32  }
0x2: {  	s1 =	rddreg [dreg:$0x0];
	s8 =	smul.u32 $0x50000, s5  }
0x3: {  	s0 =	srdreg.scid;
	s3 =	rddreg [dreg:$0x2];
	s4 =	simm.s32 $0x0  }
0x4: {  	s31 =	simm.s32 $0xB;
	s0 =	sand.u32 $0x1, s0;
	s10 =	sshrl.u32 s8, $0x2  }
0x5: {  	[smem:$0x7FF] =	sst s4;
	s6 =	smul.u32 $0x2800, s5;
	s8 =	sadd.s32 s10, s3  }
0x6: {  	s2 =	sshll.u32 s0, $0x4;
	_ =	strace $0x8000004A;
	s12 =	sadd.s32 $0x1000, s8  }
0x7: {  	s7 =	smul.u32 $0x28000, s0;
	s13 =	sadd.s32 $0x2000, s8;
	[dreg:$0x6] =	wrdreg s12  }
0x8: {  	s0 =	ssub.s32 $0x2, s0;
	s14 =	sadd.s32 $0x3000, s8;
	[dreg:$0x7] =	wrdreg s13  }
0x9: {  	s2 =	sor.u32 s5, s2;
	s15 =	sadd.s32 $0x4000, s8;
	[dreg:$0x8] =	wrdreg s14  }
0xa: {  	s5 =	sadd.s32 $0x17E00, s1;
	s16 =	sadd.s32 $0x5000, s8;
	[dreg:$0x9] =	wrdreg s15  }
0xb: {  	s9 =	sshrl.u32 s0, $0x1;
	s17 =	sadd.s32 $0x6000, s8;
	[dreg:$0xa] =	wrdreg s16  }
0xc: {  	s2 =	smul.u32 $0x500, s2;
	s18 =	sadd.s32 $0x7000, s8;
	[dreg:$0xb] =	wrdreg s17  }
0xd: {  	s6 =	sadd.s32 s6, s7;
	s19 =	sadd.s32 $0x8000, s8;
	[dreg:$0xc] =	wrdreg s18  }
0xe: {  	s0 =	ssub.s32 s0, s9;
	s20 =	sadd.s32 $0x9000, s8;
	[dreg:$0xd] =	wrdreg s19  }
0xf: {  	s7 =	simm.s32 $0x9000;
	s21 =	sadd.s32 $0xA000, s8;
	[dreg:$0xe] =	wrdreg s20  }
0x10: {  	s9 =	simm.s32 $0x5000;
	s22 =	sadd.s32 $0xB000, s8;
	[dreg:$0xf] =	wrdreg s21  }
0x11: {  	s10 =	simm.s32 $0x1;
	s23 =	sadd.s32 $0xC000, s8;
	[dreg:$0x10] =	wrdreg s22  }
0x12: {  	s24 =	sadd.s32 $0xD000, s8;
	s25 =	sadd.s32 $0xE000, s8;
	[dreg:$0x11] =	wrdreg s23  }
0x13: {  	s26 =	sadd.s32 $0xF000, s8;
	s28 =	sadd.s32 $0x11000, s8;
	[dreg:$0x12] =	wrdreg s24  }
0x14: {  	s29 =	sadd.s32 $0x12000, s8;
	s30 =	sadd.s32 $0x13000, s8;
	[dreg:$0x13] =	wrdreg s25  }
0x15: {  	s2 =	sadd.s32 s2, s1;
	s1 =	sadd.s32 s6, s1;
	[dreg:$0x14] =	wrdreg s26  }
0x16: {  	s25 =	smax.u32 s0, $0x1;
	s26 =	sadd.s32 $0x10000, s8;
	s0 =	simm.s32 $0x6000  }
0x17: {  	s6 =	simm.s32 $0x8000;
	s12 =	simm.s32 $0x3;
	s13 =	simm.s32 $0x4  }
0x18: {  	s14 =	simm.s32 $0x5;
	s15 =	simm.s32 $0x6;
	s16 =	simm.s32 $0x7  }
0x19: {  	s17 =	simm.s32 $0x8;
	s18 =	simm.s32 $0x9;
	s19 =	simm.s32 $0xA  }
0x1a: {  	s20 =	simm.s32 $0x0;
	s11 =	sadd.s32 $0xDE00, s2;
	s2 =	sadd.s32 $0x3E00, s2  }
0x1b: {  	s24 =	sadd.s32 $0x3FE00, s1;
	s1 =	simm.s32 $0x7000;
	[dreg:$0x4] =	wrdreg s11  }
0x1c: {  	[dreg:$0x5] =	wrdreg s2;
	s2 =	simm.s32 $0x20;
	s11 =	simm.s32 $0x2  }
.LBB2_1:
0x1d: {  	s21 =	rddreg [dreg:$0x4]  }
0x1e: {  	[tilespmem:s4], [sflag:$0xB] =	stream.linear.gather [hbm4b:s21+s4], $0x2800, $0x38;
	[tilespmem:$0x1E000] =	vst v63  }
0x1f: {  	_ =	swait.ge [sflag:s31], $0x2800  }
0x20: {  	[sflag:s31] =	ssyncset.done $0x0  }
0x21: {  	s22 =	simm.s32 $0x2800;
	s23 =	rddreg [dreg:$0x5];
	[sflag:s31] =	ssyncadd.s32 $0xFFFFD800  }
0x22: {  	[tilespmem:s22], [sflag:$0xB] =	stream.linear.gather [hbm4b:s23+s4], $0x2800, $0x38;
	[tilespmem:$0x1E000] =	vst v63  }
0x23: {  	_ =	swait.ge [sflag:s31], $0x2800  }
0x24: {  	[sflag:s31] =	ssyncset.done $0x0  }
0x25: {  	[sflag:s31] =	ssyncadd.s32 $0xFFFFD800  }
0x26: {  	[tilespmem:s0], [sflag:$0x2] =	stream.indirect.gather [hbm4b:s5+s2], $0x80, s2, s2, $0xb8;
	[tilespmem:$0x1E000] =	vst v63  }
0x27: {  	s22 =	simm.s32 $0x40  }
0x28: {  	[tilespmem:s1], [sflag:$0x3] =	stream.indirect.gather [hbm4b:s5+s2], $0x80, s22, s2, $0xb8;
	[tilespmem:$0x1E000] =	vst v63  }
0x29: {  	s23 =	simm.s32 $0x60  }
0x2a: {  	[tilespmem:s6], [sflag:$0x4] =	stream.indirect.gather [hbm4b:s5+s2], $0x80, s23, s2, $0xb8;
	[tilespmem:$0x1E000] =	vst v63  }
0x2b: {  	s22 =	simm.s32 $0x80  }
0x2c: {  	[tilespmem:s7], [sflag:$0x5] =	stream.indirect.gather [hbm4b:s5+s2], $0x80, s22, s2, $0xb8;
	[tilespmem:$0x1E000] =	vst v63  }
0x2d: {  	s23 =	rddreg [dreg:$0x1]  }
0x2e: {  	[tilespmem:s9], [sflag:$0xB] =	stream.linear.gather [hbm4b:s23+s4], $0x1000, $0x38;
	[tilespmem:$0x1E000] =	vst v63  }
0x2f: {  	_ =	swait.ge [sflag:s31], $0x1000  }
0x30: {  	[sflag:s31] =	ssyncset.done $0x0  }
0x31: {  	[sflag:s31] =	ssyncadd.s32 $0xFFFFF000  }
0x32: {  	[spmem:s8] =	stream.linear.scatter [tilespmem:s9], [sflag:$0xB], $0x1000, $0x38;
	[tilespmem:$0x1E000] =	vst v63  }
0x33: {  	_ =	swait.ge [sflag:s31], $0x1000  }
0x34: {  	[sflag:s31] =	ssyncset.done $0x0  }
0x35: {  	s22 =	rddreg [dreg:$0x6];
	[sflag:s31] =	ssyncadd.s32 $0xFFFFF000  }
0x36: {  	[spmem:s22] =	stream.linear.scatter [tilespmem:s9], [sflag:$0xB], $0x1000, $0x38;
	[tilespmem:$0x1E000] =	vst v63  }
0x37: {  	_ =	swait.ge [sflag:s31], $0x1000  }
0x38: {  	[sflag:s31] =	ssyncset.done $0x0  }
0x39: {  	s23 =	rddreg [dreg:$0x7];
	[sflag:s31] =	ssyncadd.s32 $0xFFFFF000  }
0x3a: {  	[spmem:s23] =	stream.linear.scatter [tilespmem:s9], [sflag:$0xB], $0x1000, $0x38;
	[tilespmem:$0x1E000] =	vst v63  }
0x3b: {  	_ =	swait.ge [sflag:s31], $0x1000  }
0x3c: {  	[sflag:s31] =	ssyncset.done $0x0  }
0x3d: {  	s22 =	rddreg [dreg:$0x8];
	[sflag:s31] =	ssyncadd.s32 $0xFFFFF000  }
0x3e: {  	[spmem:s22] =	stream.linear.scatter [tilespmem:s9], [sflag:$0xB], $0x1000, $0x38;
	[tilespmem:$0x1E000] =	vst v63  }
0x3f: {  	_ =	swait.ge [sflag:s31], $0x1000  }
0x40: {  	[sflag:s31] =	ssyncset.done $0x0  }
0x41: {  	s23 =	rddreg [dreg:$0x9];
	[sflag:s31] =	ssyncadd.s32 $0xFFFFF000  }
0x42: {  	[spmem:s23] =	stream.linear.scatter [tilespmem:s9], [sflag:$0xB], $0x1000, $0x38;
	[tilespmem:$0x1E000] =	vst v63  }
0x43: {  	_ =	swait.ge [sflag:s31], $0x1000  }
0x44: {  	[sflag:s31] =	ssyncset.done $0x0  }
0x45: {  	s22 =	rddreg [dreg:$0xa];
	[sflag:s31] =	ssyncadd.s32 $0xFFFFF000  }
0x46: {  	[spmem:s22] =	stream.linear.scatter [tilespmem:s9], [sflag:$0xB], $0x1000, $0x38;
	[tilespmem:$0x1E000] =	vst v63  }
0x47: {  	_ =	swait.ge [sflag:s31], $0x1000  }
0x48: {  	[sflag:s31] =	ssyncset.done $0x0  }
0x49: {  	s23 =	rddreg [dreg:$0xb];
	[sflag:s31] =	ssyncadd.s32 $0xFFFFF000  }
0x4a: {  	[spmem:s23] =	stream.linear.scatter [tilespmem:s9], [sflag:$0xB], $0x1000, $0x38;
	[tilespmem:$0x1E000] =	vst v63  }
0x4b: {  	_ =	swait.ge [sflag:s31], $0x1000  }
0x4c: {  	[sflag:s31] =	ssyncset.done $0x0  }
0x4d: {  	s22 =	rddreg [dreg:$0xc];
	[sflag:s31] =	ssyncadd.s32 $0xFFFFF000  }
0x4e: {  	[spmem:s22] =	stream.linear.scatter [tilespmem:s9], [sflag:$0xB], $0x1000, $0x38;
	[tilespmem:$0x1E000] =	vst v63  }
0x4f: {  	_ =	swait.ge [sflag:s31], $0x1000  }
0x50: {  	[sflag:s31] =	ssyncset.done $0x0  }
0x51: {  	s23 =	rddreg [dreg:$0xd];
	[sflag:s31] =	ssyncadd.s32 $0xFFFFF000  }
0x52: {  	[spmem:s23] =	stream.linear.scatter [tilespmem:s9], [sflag:$0xB], $0x1000, $0x38;
	[tilespmem:$0x1E000] =	vst v63  }
0x53: {  	_ =	swait.ge [sflag:s31], $0x1000  }
0x54: {  	[sflag:s31] =	ssyncset.done $0x0  }
0x55: {  	s22 =	rddreg [dreg:$0xe];
	[sflag:s31] =	ssyncadd.s32 $0xFFFFF000  }
0x56: {  	[spmem:s22] =	stream.linear.scatter [tilespmem:s9], [sflag:$0xB], $0x1000, $0x38;
	[tilespmem:$0x1E000] =	vst v63  }
0x57: {  	_ =	swait.ge [sflag:s31], $0x1000  }
0x58: {  	[sflag:s31] =	ssyncset.done $0x0  }
0x59: {  	s23 =	rddreg [dreg:$0xf];
	[sflag:s31] =	ssyncadd.s32 $0xFFFFF000  }
0x5a: {  	[spmem:s23] =	stream.linear.scatter [tilespmem:s9], [sflag:$0xB], $0x1000, $0x38;
	[tilespmem:$0x1E000] =	vst v63  }
0x5b: {  	_ =	swait.ge [sflag:s31], $0x1000  }
0x5c: {  	[sflag:s31] =	ssyncset.done $0x0  }
0x5d: {  	s22 =	rddreg [dreg:$0x10];
	[sflag:s31] =	ssyncadd.s32 $0xFFFFF000  }
0x5e: {  	[spmem:s22] =	stream.linear.scatter [tilespmem:s9], [sflag:$0xB], $0x1000, $0x38;
	[tilespmem:$0x1E000] =	vst v63  }
0x5f: {  	_ =	swait.ge [sflag:s31], $0x1000  }
0x60: {  	[sflag:s31] =	ssyncset.done $0x0  }
0x61: {  	s23 =	rddreg [dreg:$0x11];
	[sflag:s31] =	ssyncadd.s32 $0xFFFFF000  }
0x62: {  	[spmem:s23] =	stream.linear.scatter [tilespmem:s9], [sflag:$0xB], $0x1000, $0x38;
	[tilespmem:$0x1E000] =	vst v63  }
0x63: {  	_ =	swait.ge [sflag:s31], $0x1000  }
0x64: {  	[sflag:s31] =	ssyncset.done $0x0  }
0x65: {  	s22 =	rddreg [dreg:$0x12];
	[sflag:s31] =	ssyncadd.s32 $0xFFFFF000  }
0x66: {  	[spmem:s22] =	stream.linear.scatter [tilespmem:s9], [sflag:$0xB], $0x1000, $0x38;
	[tilespmem:$0x1E000] =	vst v63  }
0x67: {  	_ =	swait.ge [sflag:s31], $0x1000  }
0x68: {  	[sflag:s31] =	ssyncset.done $0x0  }
0x69: {  	s23 =	rddreg [dreg:$0x13];
	[sflag:s31] =	ssyncadd.s32 $0xFFFFF000  }
0x6a: {  	[spmem:s23] =	stream.linear.scatter [tilespmem:s9], [sflag:$0xB], $0x1000, $0x38;
	[tilespmem:$0x1E000] =	vst v63  }
0x6b: {  	_ =	swait.ge [sflag:s31], $0x1000  }
0x6c: {  	[sflag:s31] =	ssyncset.done $0x0  }
0x6d: {  	s22 =	rddreg [dreg:$0x14];
	[sflag:s31] =	ssyncadd.s32 $0xFFFFF000  }
0x6e: {  	[spmem:s22] =	stream.linear.scatter [tilespmem:s9], [sflag:$0xB], $0x1000, $0x38;
	[tilespmem:$0x1E000] =	vst v63  }
0x6f: {  	_ =	swait.ge [sflag:s31], $0x1000  }
0x70: {  	[sflag:s31] =	ssyncset.done $0x0  }
0x71: {  	[sflag:s31] =	ssyncadd.s32 $0xFFFFF000  }
0x72: {  	[spmem:s26] =	stream.linear.scatter [tilespmem:s9], [sflag:$0xB], $0x1000, $0x38;
	[tilespmem:$0x1E000] =	vst v63  }
0x73: {  	_ =	swait.ge [sflag:s31], $0x1000  }
0x74: {  	[sflag:s31] =	ssyncset.done $0x0  }
0x75: {  	[sflag:s31] =	ssyncadd.s32 $0xFFFFF000  }
0x76: {  	[spmem:s28] =	stream.linear.scatter [tilespmem:s9], [sflag:$0xB], $0x1000, $0x38;
	[tilespmem:$0x1E000] =	vst v63  }
0x77: {  	_ =	swait.ge [sflag:s31], $0x1000  }
0x78: {  	[sflag:s31] =	ssyncset.done $0x0  }
0x79: {  	[sflag:s31] =	ssyncadd.s32 $0xFFFFF000  }
0x7a: {  	[spmem:s29] =	stream.linear.scatter [tilespmem:s9], [sflag:$0xB], $0x1000, $0x38;
	[tilespmem:$0x1E000] =	vst v63  }
0x7b: {  	_ =	swait.ge [sflag:s31], $0x1000  }
0x7c: {  	[sflag:s31] =	ssyncset.done $0x0  }
0x7d: {  	[sflag:s31] =	ssyncadd.s32 $0xFFFFF000  }
0x7e: {  	[spmem:s30] =	stream.linear.scatter [tilespmem:s9], [sflag:$0xB], $0x1000, $0x38;
	[tilespmem:$0x1E000] =	vst v63  }
0x7f: {  	_ =	swait.ge [sflag:s31], $0x1000  }
0x80: {  	[sflag:s31] =	ssyncset.done $0x0  }
0x81: {  	[sflag:s31] =	ssyncadd.s32 $0xFFFFF000  }
0x82: {  	[tilespmem:s9], [sflag:$0x1] =	stream.indirect.gather [hbm4b:s5+s2], $0x80, s4, s2, $0xb8;
	[tilespmem:$0x1E000] =	vst v63  }
0x83: {  	[bflag:$0x0] =	sbarrier.arrive $0xFFFF  }
0x84: {  	_ =	swait.ge [sflag:s10], $0x1000  }
0x85: {  	[sflag:s10] =	ssyncset.done $0x0  }
0x86: {  	s23 =	simm.s32 $0x2800;
	[sflag:s10] =	ssyncadd.s32 $0xFFFFF000  }
0x87: {  	[spmem:s3] =	stream.indirect.scatter.add.f32 [tilespmem:s9], [sflag:$0x6], $0x80, s23, s2, $0xb8;
	[tilespmem:$0x1E000] =	vst v63  }
0x88: {  	_ =	swait.ge [sflag:s11], $0x1000  }
0x89: {  	[sflag:s11] =	ssyncset.done $0x0  }
0x8a: {  	s22 =	simm.s32 $0x2820;
	[sflag:s11] =	ssyncadd.s32 $0xFFFFF000  }
0x8b: {  	[spmem:s3] =	stream.indirect.scatter.add.f32 [tilespmem:s0], [sflag:$0x7], $0x80, s22, s2, $0xb8;
	[tilespmem:$0x1E000] =	vst v63  }
0x8c: {  	_ =	swait.ge [sflag:s12], $0x1000  }
0x8d: {  	[sflag:s12] =	ssyncset.done $0x0  }
0x8e: {  	s23 =	simm.s32 $0x2840;
	[sflag:s12] =	ssyncadd.s32 $0xFFFFF000  }
0x8f: {  	[spmem:s3] =	stream.indirect.scatter.add.f32 [tilespmem:s1], [sflag:$0x8], $0x80, s23, s2, $0xb8;
	[tilespmem:$0x1E000] =	vst v63  }
0x90: {  	_ =	swait.ge [sflag:s13], $0x1000  }
0x91: {  	[sflag:s13] =	ssyncset.done $0x0  }
0x92: {  	s22 =	simm.s32 $0x2860;
	[sflag:s13] =	ssyncadd.s32 $0xFFFFF000  }
0x93: {  	[spmem:s3] =	stream.indirect.scatter.add.f32 [tilespmem:s6], [sflag:$0x9], $0x80, s22, s2, $0xb8;
	[tilespmem:$0x1E000] =	vst v63  }
0x94: {  	_ =	swait.ge [sflag:s14], $0x1000  }
0x95: {  	[sflag:s14] =	ssyncset.done $0x0  }
0x96: {  	s23 =	simm.s32 $0x2880;
	[sflag:s14] =	ssyncadd.s32 $0xFFFFF000  }
0x97: {  	[spmem:s3] =	stream.indirect.scatter.add.f32 [tilespmem:s7], [sflag:$0xA], $0x80, s23, s2, $0xb8;
	[tilespmem:$0x1E000] =	vst v63  }
0x98: {  	_ =	swait.ge [sflag:s15], $0x1000  }
0x99: {  	[sflag:s15] =	ssyncset.done $0x0  }
0x9a: {  	s22 =	simm.s32 $0xA0;
	[sflag:s15] =	ssyncadd.s32 $0xFFFFF000  }
0x9b: {  	[tilespmem:s9], [sflag:$0x1] =	stream.indirect.gather [hbm4b:s5+s2], $0x80, s22, s2, $0xb8;
	[tilespmem:$0x1E000] =	vst v63  }
0x9c: {  	_ =	swait.ge [sflag:s16], $0x1000  }
0x9d: {  	[sflag:s16] =	ssyncset.done $0x0  }
0x9e: {  	s23 =	simm.s32 $0xC0;
	[sflag:s16] =	ssyncadd.s32 $0xFFFFF000  }
0x9f: {  	[tilespmem:s0], [sflag:$0x2] =	stream.indirect.gather [hbm4b:s5+s2], $0x80, s23, s2, $0xb8;
	[tilespmem:$0x1E000] =	vst v63  }
0xa0: {  	_ =	swait.ge [sflag:s17], $0x1000  }
0xa1: {  	[sflag:s17] =	ssyncset.done $0x0  }
0xa2: {  	s22 =	simm.s32 $0xE0;
	[sflag:s17] =	ssyncadd.s32 $0xFFFFF000  }
0xa3: {  	[tilespmem:s1], [sflag:$0x3] =	stream.indirect.gather [hbm4b:s5+s2], $0x80, s22, s2, $0xb8;
	[tilespmem:$0x1E000] =	vst v63  }
0xa4: {  	_ =	swait.ge [sflag:s18], $0x1000  }
0xa5: {  	[sflag:s18] =	ssyncset.done $0x0  }
0xa6: {  	s23 =	simm.s32 $0x100;
	[sflag:s18] =	ssyncadd.s32 $0xFFFFF000  }
0xa7: {  	[tilespmem:s6], [sflag:$0x4] =	stream.indirect.gather [hbm4b:s5+s2], $0x80, s23, s2, $0xb8;
	[tilespmem:$0x1E000] =	vst v63  }
0xa8: {  	_ =	swait.ge [sflag:s19], $0x1000  }
0xa9: {  	[sflag:s19] =	ssyncset.done $0x0  }
0xaa: {  	s21 =	simm.s32 $0x280;
	s22 =	simm.s32 $0x120;
	[sflag:s19] =	ssyncadd.s32 $0xFFFFF000  }
.LBB2_2:
0xab: {  	[tilespmem:s7], [sflag:$0x5] =	stream.indirect.gather [hbm4b:s5+s2], $0x80, s22, s2, $0xb8;
	[tilespmem:$0x1E000] =	vst v63  }
0xac: {  	s22 =	smov.u32 s21  }
0xad: {  	p0 =	sne.s32 s21, $0x9B00;
	s21 =	sadd.s32 $0x280, s21;
	_ =	swait.ge [sflag:s10], $0x1000  }
0xae: {  	s22 =	sshra.s32 s22, $0x2;
	[sflag:s10] =	ssyncset.done $0x0  }
0xaf: {  	s23 =	sadd.s32 $0x2800, s22;
	[sflag:s10] =	ssyncadd.s32 $0xFFFFF000  }
0xb0: {  	[spmem:s3] =	stream.indirect.scatter.add.f32 [tilespmem:s9], [sflag:$0x6], $0x80, s23, s2, $0xb8;
	[tilespmem:$0x1E000] =	vst v63  }
0xb1: {  	_ =	swait.ge [sflag:s11], $0x1000  }
0xb2: {  	[sflag:s11] =	ssyncset.done $0x0  }
0xb3: {  	s23 =	sadd.s32 $0x2820, s22;
	[sflag:s11] =	ssyncadd.s32 $0xFFFFF000  }
0xb4: {  	[spmem:s3] =	stream.indirect.scatter.add.f32 [tilespmem:s0], [sflag:$0x7], $0x80, s23, s2, $0xb8;
	[tilespmem:$0x1E000] =	vst v63  }
0xb5: {  	_ =	swait.ge [sflag:s12], $0x1000  }
0xb6: {  	[sflag:s12] =	ssyncset.done $0x0  }
0xb7: {  	s23 =	sadd.s32 $0x2840, s22;
	[sflag:s12] =	ssyncadd.s32 $0xFFFFF000  }
0xb8: {  	[spmem:s3] =	stream.indirect.scatter.add.f32 [tilespmem:s1], [sflag:$0x8], $0x80, s23, s2, $0xb8;
	[tilespmem:$0x1E000] =	vst v63  }
0xb9: {  	_ =	swait.ge [sflag:s13], $0x1000  }
0xba: {  	[sflag:s13] =	ssyncset.done $0x0  }
0xbb: {  	s23 =	sadd.s32 $0x2860, s22;
	[sflag:s13] =	ssyncadd.s32 $0xFFFFF000  }
0xbc: {  	[spmem:s3] =	stream.indirect.scatter.add.f32 [tilespmem:s6], [sflag:$0x9], $0x80, s23, s2, $0xb8;
	[tilespmem:$0x1E000] =	vst v63  }
0xbd: {  	_ =	swait.ge [sflag:s14], $0x1000  }
0xbe: {  	[sflag:s14] =	ssyncset.done $0x0  }
0xbf: {  	s23 =	sadd.s32 $0x2880, s22;
	[sflag:s14] =	ssyncadd.s32 $0xFFFFF000  }
0xc0: {  	[spmem:s3] =	stream.indirect.scatter.add.f32 [tilespmem:s7], [sflag:$0xA], $0x80, s23, s2, $0xb8;
	[tilespmem:$0x1E000] =	vst v63  }
0xc1: {  	_ =	swait.ge [sflag:s15], $0x1000  }
0xc2: {  	[sflag:s15] =	ssyncset.done $0x0  }
0xc3: {  	s23 =	sadd.s32 $0xA0, s22;
	[sflag:s15] =	ssyncadd.s32 $0xFFFFF000  }
0xc4: {  	[tilespmem:s9], [sflag:$0x1] =	stream.indirect.gather [hbm4b:s5+s2], $0x80, s23, s2, $0xb8;
	[tilespmem:$0x1E000] =	vst v63  }
0xc5: {  	_ =	swait.ge [sflag:s16], $0x1000  }
0xc6: {  	[sflag:s16] =	ssyncset.done $0x0  }
0xc7: {  	s23 =	sadd.s32 $0xC0, s22;
	[sflag:s16] =	ssyncadd.s32 $0xFFFFF000  }
0xc8: {  	[tilespmem:s0], [sflag:$0x2] =	stream.indirect.gather [hbm4b:s5+s2], $0x80, s23, s2, $0xb8;
	[tilespmem:$0x1E000] =	vst v63  }
0xc9: {  	_ =	swait.ge [sflag:s17], $0x1000  }
0xca: {  	[sflag:s17] =	ssyncset.done $0x0  }
0xcb: {  	s23 =	sadd.s32 $0xE0, s22;
	[sflag:s17] =	ssyncadd.s32 $0xFFFFF000  }
0xcc: {  	[tilespmem:s1], [sflag:$0x3] =	stream.indirect.gather [hbm4b:s5+s2], $0x80, s23, s2, $0xb8;
	[tilespmem:$0x1E000] =	vst v63  }
0xcd: {  	_ =	swait.ge [sflag:s18], $0x1000  }
0xce: {  	[sflag:s18] =	ssyncset.done $0x0  }
.Ltmp0:
0xcf: {  	s23 =	sadd.s32 $0x100, s22;
	[sflag:s18] =	ssyncadd.s32 $0xFFFFF000;
	(pc) =	sbr.rel @p0 .LBB2_2-.Ltmp0, $4  }
0xd0: {  	[tilespmem:s6], [sflag:$0x4] =	stream.indirect.gather [hbm4b:s5+s2], $0x80, s23, s2, $0xb8;
	[tilespmem:$0x1E000] =	vst v63  }
0xd1: {  	_ =	swait.ge [sflag:s19], $0x1000  }
0xd2: {  	[sflag:s19] =	ssyncset.done $0x0  }
0xd3: {  	s22 =	sadd.s32 $0x120, s22;
	[sflag:s19] =	ssyncadd.s32 $0xFFFFF000  }
0xd4: {  	[tilespmem:s7], [sflag:$0x5] =	stream.indirect.gather [hbm4b:s5+s2], $0x80, s22, s2, $0xb8;
	[tilespmem:$0x1E000] =	vst v63  }
0xd5: {  	_ =	swait.ge [sflag:s10], $0x1000  }
0xd6: {  	[sflag:s10] =	ssyncset.done $0x0  }
0xd7: {  	s21 =	simm.s32 $0x4F60;
	[sflag:s10] =	ssyncadd.s32 $0xFFFFF000  }
0xd8: {  	[spmem:s3] =	stream.indirect.scatter.add.f32 [tilespmem:s9], [sflag:$0x6], $0x80, s21, s2, $0xb8;
	[tilespmem:$0x1E000] =	vst v63  }
0xd9: {  	_ =	swait.ge [sflag:s11], $0x1000  }
0xda: {  	[sflag:s11] =	ssyncset.done $0x0  }
0xdb: {  	s22 =	simm.s32 $0x4F80;
	[sflag:s11] =	ssyncadd.s32 $0xFFFFF000  }
0xdc: {  	[spmem:s3] =	stream.indirect.scatter.add.f32 [tilespmem:s0], [sflag:$0x7], $0x80, s22, s2, $0xb8;
	[tilespmem:$0x1E000] =	vst v63  }
0xdd: {  	_ =	swait.ge [sflag:s12], $0x1000  }
0xde: {  	[sflag:s12] =	ssyncset.done $0x0  }
0xdf: {  	s23 =	simm.s32 $0x4FA0;
	[sflag:s12] =	ssyncadd.s32 $0xFFFFF000  }
0xe0: {  	[spmem:s3] =	stream.indirect.scatter.add.f32 [tilespmem:s1], [sflag:$0x8], $0x80, s23, s2, $0xb8;
	[tilespmem:$0x1E000] =	vst v63  }
0xe1: {  	_ =	swait.ge [sflag:s13], $0x1000  }
0xe2: {  	[sflag:s13] =	ssyncset.done $0x0  }
0xe3: {  	s22 =	simm.s32 $0x4FC0;
	[sflag:s13] =	ssyncadd.s32 $0xFFFFF000  }
0xe4: {  	[spmem:s3] =	stream.indirect.scatter.add.f32 [tilespmem:s6], [sflag:$0x9], $0x80, s22, s2, $0xb8;
	[tilespmem:$0x1E000] =	vst v63  }
0xe5: {  	_ =	swait.ge [sflag:s14], $0x1000  }
0xe6: {  	[sflag:s14] =	ssyncset.done $0x0  }
0xe7: {  	s23 =	simm.s32 $0x4FE0;
	[sflag:s14] =	ssyncadd.s32 $0xFFFFF000  }
0xe8: {  	[spmem:s3] =	stream.indirect.scatter.add.f32 [tilespmem:s7], [sflag:$0xA], $0x80, s23, s2, $0xb8;
	[tilespmem:$0x1E000] =	vst v63  }
0xe9: {  	_ =	swait.ge [sflag:s15], $0x1000  }
0xea: {  	[sflag:s15] =	ssyncset.done $0x0  }
0xeb: {  	[sflag:s15] =	ssyncadd.s32 $0xFFFFF000  }
0xec: {  	_ =	swait.ge [sflag:s16], $0x1000  }
0xed: {  	[sflag:s16] =	ssyncset.done $0x0  }
0xee: {  	[sflag:s16] =	ssyncadd.s32 $0xFFFFF000  }
0xef: {  	_ =	swait.ge [sflag:s17], $0x1000  }
0xf0: {  	[sflag:s17] =	ssyncset.done $0x0  }
0xf1: {  	[sflag:s17] =	ssyncadd.s32 $0xFFFFF000  }
0xf2: {  	_ =	swait.ge [sflag:s18], $0x1000  }
0xf3: {  	[sflag:s18] =	ssyncset.done $0x0  }
0xf4: {  	[sflag:s18] =	ssyncadd.s32 $0xFFFFF000  }
0xf5: {  	s22 =	stileid.u32;
	_ =	swait.ge [sflag:s19], $0x1000  }
0xf6: {  	s20 =	sadd.s32 $0x1, s20;
	s21 =	sshll.u32 s22, $0x6;
	[sflag:s19] =	ssyncset.done $0x0  }
0xf7: {  	p0 =	sne.s32 s20, s25;
	s21 =	sor.u32 $0x1C0B, s21;
	[sflag:s19] =	ssyncadd.s32 $0xFFFFF000  }
.Ltmp1:
0xf8: {  	s23 =	sshrl.u32 s8, $0x3;
	[bflag:$0x0] =	sbarrier.arrive $0xFFFF;
	(pc) =	sbr.rel @p0 .LBB2_1-.Ltmp1, $4  }
0xf9: {  	[hbm:s24], [sflag:s21] =	dma.local [spmem:s23], $0x2800  }
0xfa: {  	_ =	swait.ge [sflag:s31], $0x2800  }
0xfb: {  	[sflag:s31] =	ssyncset.done $0x0  }
0xfc: {  	[sflag:s31] =	ssyncadd.s32 $0xFFFFD800  }
0xfd: {  	_ =	sfence.sel $0x180000  }
0xfe: {  	[bflag:$0x0] =	sbarrier.arrive $0xFFFF  }
0xff: {  	_ =	strace $0x9000004A  }
0x100: {  	s0 =	stileid.u32;
	[bflag:$0x2] =	sbarrier.arrive $0xFFFF  }
0x101: {  	p0 =	sne.s32 s0, $0x0;
	s0 =	rddreg [dreg:$0x3]  }
0x102: {  	s0 =	sadd.s32 @!p0 $0x100000, s0  }
0x103: {  	[sflag:s0] =	ssyncadd.tile.s32 @!p0 $0x1;
	_ =	shalt  }
.Lfunc_end2:
_tile_overlayer_lowered:
.L_overlay_start_2:
0x104: {  	(tag) =	ssettag $0x2  }
0x105: {  	s0 =	rddreg [dreg:$0x0];
	s2 =	stileid.u32  }
0x106: {  	s1 =	rddreg [dreg:$0x1];
	p0 =	sne.s32 s2, $0x0  }
0x107: {  	s3 =	rddreg [dreg:$0x2];
	[bflag:$0x3] =	sbarrier.arrive $0xFFFF;
	s2 =	simm.s32 @!p0 $0x1C0B  }
0x108: {  	[timem:s3], [sflag:s2] =	dma.local @!p0 [hbm:s0], s1  }
0x109: {  	s0 =	simm.s32 @!p0 $0xB  }
0x10a: {  	_ =	swait.ge @!p0 [sflag:s0], s1  }
0x10b: {  	s1 =	ssub.s32 @!p0 $0x0, s1;
	[sflag:s0] =	ssyncset.done @!p0 $0x0  }
0x10c: {  	[sflag:s0] =	ssyncadd.s32 @!p0 s1  }
0x10d: {  	[bflag:$0x3] =	sbarrier.arrive $0xFFFF  }
0x10e: {  	_ =	shalt  }

// kernel: kernel.16.cloned.1.call-start
scs
__scs_entry_jumppad:
0x0: {  	(pc) =	sbr.rel $0x88, $3  }
0x1: {  	(tag) =	ssettag $0x0;
	lr =	simm.s32 $0x1  }
0x2: {  	[smem:$0x3F96] =	sst lr;
	_ =	strace $0xD0000000  }
0x3: {  	_ = 	snop  }
0x4: {  	_ = 	snop  }
0x5: {  	_ = 	snop  }
0x6: {  	_ = 	snop  }
0x7: {  	_ = 	snop  }
__scs_overlays_trampoline_lowered:
0x8: {  	[smem:$0x3FA5] =	sst s0  }
0x9: {  	[smem:$0x3FA6] =	sst s1  }
0xa: {  	[smem:$0x3FA7] =	sst s2  }
0xb: {  	[smem:$0x3FA8] =	sst s3  }
0xc: {  	[smem:$0x3FA9] =	sst s4  }
0xd: {  	[smem:$0x3FAA] =	sst s5  }
0xe: {  	[smem:$0x3FAB] =	sst s6  }
0xf: {  	[smem:$0x3FAC] =	sst s7  }
0x10: {  	[smem:$0x3FAD] =	sst s8  }
0x11: {  	[smem:$0x3FAE] =	sst s9;
	s0 =	simm.s32 @!p0 $0x0  }
0x12: {  	s1 =	sld [smem:$0x3F94];
	s0 =	simm.s32 @p0 $0x1  }
0x13: {  	[smem:$0x3FAF] =	sst s0;
	s0 =	simm.s32 @!p1 $0x0  }
0x14: {  	s2 =	sld [smem:$0x3F93];
	s0 =	simm.s32 @p1 $0x1  }
0x15: {  	[smem:$0x3FB0] =	sst s0;
	s0 =	simm.s32 @!p2 $0x0  }
0x16: {  	s3 =	sld [smem:$0x3FDB];
	s0 =	simm.s32 @p2 $0x1  }
0x17: {  	s4 =	simm.s32 $0x1BF5;
	[smem:$0x3FB2] =	sst s0  }
0x18: {  	s0 =	sld [smem:$0x3F95];
	_ =	swait.ge [sflag:s4], $0x0  }
0x19: {  	s7 =	sld [smem:$0x3F96]  }
0x1a: {  	s8 =	sadd.s32 $0xFFFFE003, lr  }
0x1b: {  	s9 =	sadd.s32 $0xFFFFFEF7, lr;
	s5 =	simm.s32 $0xFFFFFFFF;
	p2 =	slt.u32 s8, $0xFFFFF086  }
0x1c: {  	p1 =	slt.u32 s9, $0xF7A;
	s5 =	simm.s32 @!p2 $0x0  }
0x1d: {  	s5 =	simm.s32 @p1 $0x1;
	p0 =	seq.s32 s7, s2  }
0x1e: {  	s7 =	smul.u32 @!p0 $0xF7A, s2;
	p2 =	seq.s32 @!p0 s5, $0x0  }
0x1f: {  	s9 =	smul.u32 $0xF7A, s1;
	s8 =	simm.s32 @!p0 $0x1BF5;
	p2 =	por !p2, p0  }
0x20: {  	[sflag:s8] =	ssyncset.s32 @!p0 $0xFFFFF086;
	s6 =	sadd.s32 @!p0 s3, s7;
	s7 =	simm.s32 @!p0 $0x108  }
0x21: {  	s3 =	sadd.s32 s3, s9;
	s6 =	sadd.s32 @!p0 $0x88, s6;
	s7 =	simm.s32 @p2 $0x1082  }
0x22: {  	[simem:s7], [sflag:s8] =	dma.local @!p0 [hbm:s6], $0xF7A  }
0x23: {  	s9 =	sor.u32 $0xD0000000, s2;
	s6 =	simm.s32 $0x108;
	_ =	swait.ge @!p0 [sflag:s8], $0x0  }
0x24: {  	s3 =	sadd.s32 $0x88, s3;
	s6 =	simm.s32 @!p1 $0x1082;
	[sflag:s4] =	ssyncset.s32 $0xFFFFF086  }
0x25: {  	[simem:s6], [sflag:s4] =	dma.local [hbm:s3], $0xF7A  }
0x26: {  	[smem:$0x3F96] =	sst s1;
	(tag) =	ssettag s2;
	_ =	strace s9  }
0x27: {  	s1 =	sld [smem:$0x3FA6]  }
0x28: {  	s2 =	sld [smem:$0x3FA7]  }
0x29: {  	s4 =	sld [smem:$0x3FA9]  }
0x2a: {  	p0 =	seq.s32 s5, $0x0;
	s5 =	sld [smem:$0x3FAA]  }
0x2b: {  	s6 =	sld [smem:$0x3FAB]  }
0x2c: {  	s7 =	sld [smem:$0x3FAC]  }
0x2d: {  	s3 =	simm.s32 $0x108;
	s8 =	sld [smem:$0x3FAD]  }
0x2e: {  	s3 =	simm.s32 @!p0 $0x1082;
	s9 =	sld [smem:$0x3FAE]  }
0x2f: {  	lr =	sadd.s32 s0, s3;
	s0 =	sld [smem:$0x3FA5]  }
0x30: {  	s3 =	sld [smem:$0x3FA8]  }
0x31: {  	[smem:$0x3FB1] =	sst s10  }
0x32: {  	s10 =	sld [smem:$0x3FAF];
	_ =	sdelay $0x3  }
0x33: {  	p0 =	seq.s32 s10, $0x1;
	s10 =	sld [smem:$0x3FB1];
	_ =	sdelay $0x3  }
0x34: {  	[smem:$0x3FB1] =	sst s10  }
0x35: {  	s10 =	sld [smem:$0x3FB0];
	_ =	sdelay $0x3  }
0x36: {  	p1 =	seq.s32 s10, $0x1;
	s10 =	sld [smem:$0x3FB1];
	_ =	sdelay $0x3  }
0x37: {  	[smem:$0x3FB1] =	sst s10  }
0x38: {  	s10 =	sld [smem:$0x3FB2]  }
0x39: {  	_ = 	snop;
	(pc) =	sbr.ind lr, $3  }
0x3a: {  	_ = 	snop  }
0x3b: {  	_ = 	snop  }
0x3c: {  	p2 =	seq.s32 s10, $0x1;
	s10 =	sld [smem:$0x3FB1]  }
0x3d: {  	_ =	shalt  }
0x3e: {  	_ =	shalt  }
0x3f: {  	_ =	shalt  }
0x40: {  	_ =	shalt  }
0x41: {  	_ =	shalt  }
0x42: {  	_ =	shalt  }
0x43: {  	_ =	shalt  }
0x44: {  	_ =	shalt  }
0x45: {  	_ =	shalt  }
0x46: {  	_ =	shalt  }
0x47: {  	_ =	shalt  }
0x48: {  	_ =	shalt  }
0x49: {  	_ =	shalt  }
0x4a: {  	_ =	shalt  }
0x4b: {  	_ =	shalt  }
0x4c: {  	_ =	shalt  }
0x4d: {  	_ =	shalt  }
0x4e: {  	_ =	shalt  }
0x4f: {  	_ =	shalt  }
0x50: {  	_ =	shalt  }
0x51: {  	_ =	shalt  }
0x52: {  	_ =	shalt  }
0x53: {  	_ =	shalt  }
0x54: {  	_ =	shalt  }
0x55: {  	_ =	shalt  }
0x56: {  	_ =	shalt  }
0x57: {  	_ =	shalt  }
0x58: {  	_ =	shalt  }
0x59: {  	_ =	shalt  }
0x5a: {  	_ =	shalt  }
0x5b: {  	_ =	shalt  }
0x5c: {  	_ =	shalt  }
0x5d: {  	_ =	shalt  }
0x5e: {  	_ =	shalt  }
0x5f: {  	_ =	shalt  }
0x60: {  	_ =	shalt  }
0x61: {  	_ =	shalt  }
0x62: {  	_ =	shalt  }
0x63: {  	_ =	shalt  }
0x64: {  	_ =	shalt  }
0x65: {  	_ =	shalt  }
0x66: {  	_ =	shalt  }
0x67: {  	_ =	shalt  }
0x68: {  	_ =	shalt  }
0x69: {  	_ =	shalt  }
0x6a: {  	_ =	shalt  }
0x6b: {  	_ =	shalt  }
0x6c: {  	_ =	shalt  }
0x6d: {  	_ =	shalt  }
0x6e: {  	_ =	shalt  }
0x6f: {  	_ =	shalt  }
0x70: {  	_ =	shalt  }
0x71: {  	_ =	shalt  }
0x72: {  	_ =	shalt  }
0x73: {  	_ =	shalt  }
0x74: {  	_ =	shalt  }
0x75: {  	_ =	shalt  }
0x76: {  	_ =	shalt  }
0x77: {  	_ =	shalt  }
0x78: {  	_ =	shalt  }
0x79: {  	_ =	shalt  }
0x7a: {  	_ =	shalt  }
0x7b: {  	_ =	shalt  }
0x7c: {  	_ =	shalt  }
0x7d: {  	_ =	shalt  }
0x7e: {  	_ =	shalt  }
0x7f: {  	_ =	shalt  }
0x80: {  	_ =	shalt  }
0x81: {  	_ =	shalt  }
0x82: {  	_ =	shalt  }
0x83: {  	_ =	shalt  }
0x84: {  	_ =	shalt  }
0x85: {  	_ =	shalt  }
0x86: {  	_ =	shalt  }
0x87: {  	_ =	shalt  }
.Lfunc_end0:
.L_simem_size_0:
called_computation.2_lowered:
.L_overlay_start_0:
0x88: {  	s2 =	sld [smem:$0x3FD9]  }
0x89: {  	s3 =	sld [smem:$0x3FFE];
	_ =	sdelay $0x1  }
0x8a: {  	s1 =	srdreg.scid  }
0x8b: {  	s0 =	sand.u32 $0x1, s1  }
0x8c: {  	s17 =	sshll.u32 s0, $0xA;
	s2 =	sadd.s32 s3, s2  }
0x8d: {  	s2 =	sadd.s32 s2, s17  }
0x8e: {  	[smem:$0x3FBD] =	sst s2  }
0x8f: {  	_ = 	snop  }
0x90: {  	s2 =	sld [smem:$0x3FD0];
	(tm) =	ssettm $0x1  }
0x91: {  	s18 =	sld [smem:$0x3FFB];
	_ =	sdelay $0x3  }
0x92: {  	_ =	strace s18  }
0x93: {  	s3 =	sld [smem:$0x3FFC];
	_ =	sdelay $0x3  }
0x94: {  	_ =	strace s3  }
0x95: {  	s3 =	sld [smem:$0x3FFD];
	_ =	sdelay $0x3  }
0x96: {  	_ =	strace s3  }
0x97: {  	_ =	strace $0x8FFFFFFF  }
0x98: {  	s19 =	sld [smem:$0x3FDB];
	_ =	sdelay $0x1  }
0x99: {  	s4 =	simm.s32 $_scs_section_size  }
0x9a: {  	s5 =	simm.s32 $_size__tile_overlayer_lowered;
	s6 =	simm.s32 $_tile_overlayer_lowered  }
0x9b: {  	s22 =	simm.s32 $0x1BFF;
	s21 =	sshll.u32 s6, $0x1;
	s3 =	sadd.s32 s4, s19  }
0x9c: {  	s7 =	simm.s32 $0x0;
	s20 =	sshll.u32 s5, $0x1;
	s5 =	sadd.s32 s21, s3  }
0x9d: {  	[timem:s7], [sflag:s22] =	dma.local [hbm:s5], s20  }
0x9e: {  	_ =	swait.ge [sflag:s22], s20  }
0x9f: {  	s4 =	ssub.s32 $0x0, s20;
	[sflag:s22] =	ssyncset.done $0x0  }
0xa0: {  	[sflag:s22] =	ssyncadd.s32 s4;
	_ =	sdelay $0x1  }
0xa1: {  	s23 =	simm.s32 $0x1B8B  }
0xa2: {  	_ =	swait.ge [sflag:s23], $0x1  }
0xa3: {  	[sflag:s23] =	ssyncset.done $0x0  }
0xa4: {  	s25 =	simm.s32 $0x1B8E;
	s24 =	sld [smem:$0x3FFE];
	[sflag:s23] =	ssyncadd.s32 $0xFFFFFFFF  }
0xa5: {  	s26 =	simm.s32 $execute0_lowered;
	[smem:$0x3FD2] =	sst s25  }
0xa6: {  	s5 =	sshll.u32 s26, $0x1;
	_ =	strace $0x8000004C;
	[dreg:$0x1] =	wrdreg $0xFFFFFFFF  }
0xa7: {  	s28 =	simm.s32 $_size_execute0_lowered;
	s3 =	sadd.s32 s3, s5;
	[dreg:$0x0] =	wrdreg $0x0  }
0xa8: {  	s5 =	sshll.u32 s28, $0x1;
	[dreg:$0x2] =	wrdreg s3  }
0xa9: {  	[dreg:$0x3] =	wrdreg s5  }
0xaa: {  	[dreg:$0x4] =	wrdreg $0xC0  }
0xab: {  	_ =	task [dreg:s7], $0x5FFFF  }
0xac: {  	[dreg:$0x1] =	wrdreg $0xFFFFFFFF  }
0xad: {  	[dreg:$0x0] =	wrdreg $0x60  }
0xae: {  	[dreg:$0x2] =	wrdreg s24  }
0xaf: {  	[dreg:$0x3] =	wrdreg s2  }
0xb0: {  	[dreg:$0x4] =	wrdreg $0xA0000  }
0xb1: {  	[dreg:$0x5] =	wrdreg $0x9  }
0xb2: {  	_ =	task.clear_ibuf [dreg:s7], $0x6FFFF;
	_ =	strace $0x9000004C  }
0xb3: {  	s29 =	simm.s32 $0x9;
	_ =	strace $0x8000004E  }
0xb4: {  	_ =	swait.ge [sflag:s29], $0x1  }
0xb5: {  	[sflag:s29] =	ssyncadd.s32 $0xFFFFFFFF  }
0xb6: {  	_ =	strace $0x9000004E  }
0xb7: {  	_ =	sfence  }
0xb8: {  	s30 =	sld [smem:$0x0];
	_ =	sdelay $0x2  }
0xb9: {  	s31 =	sshll.u32 s1, $0xD;
	s1 =	sshrl.u32 s1, $0x2  }
0xba: {  	s3 =	sand.u32 $0x4000, s31;
	s1 =	sadd.s32 s1, s30  }
0xbb: {  	s0 =	sor.u32 s3, s0;
	s1 =	sshll.u32 s1, $0x11  }
0xbc: {  	s0 =	sor.u32 s1, s0  }
0xbd: {  	s0 =	sadd.s32 $0x8F2B, s0  }
0xbe: {  	[sflag:s0] =	ssyncadd.remote.s32 $0x1  }
0xbf: {  	_ =	sfence.sel $0xFFFF  }
0xc0: {  	[dreg:$0x0] =	wrdreg $0xFFFFFFFF;
	(pc) =	sbr.abs _section_cstart, $3  }
0xc1: {  	[dreg:$0x1] =	wrdreg $0xFFFFFFFF  }
0xc2: {  	_ =	task.clear_ibuf [dreg:s7], $0x2FFFF;
	_ =	strace $0x9FFFFFFF  }
0xc3: {  	(tm) =	ssettm $0x7FFFFFFF  }
tec
execute0_lowered:
.L_overlay_start_1:
0x0: {  	(tag) =	ssettag $0x1  }
0x1: {  	s5 =	stileid.u32  }
0x2: {  	s1 =	rddreg [dreg:$0x0];
	s8 =	smul.u32 $0x50000, s5  }
0x3: {  	s0 =	srdreg.scid;
	s3 =	rddreg [dreg:$0x2];
	s4 =	simm.s32 $0x0  }
0x4: {  	s31 =	simm.s32 $0xB;
	s0 =	sand.u32 $0x1, s0;
	s10 =	sshrl.u32 s8, $0x2  }
0x5: {  	[smem:$0x7FF] =	sst s4;
	s6 =	smul.u32 $0x2800, s5;
	s8 =	sadd.s32 s10, s3  }
0x6: {  	s2 =	sshll.u32 s0, $0x4;
	_ =	strace $0x8000004D;
	s12 =	sadd.s32 $0x1000, s8  }
0x7: {  	s7 =	smul.u32 $0x28000, s0;
	s13 =	sadd.s32 $0x2000, s8;
	[dreg:$0x6] =	wrdreg s12  }
0x8: {  	s0 =	ssub.s32 $0x2, s0;
	s14 =	sadd.s32 $0x3000, s8;
	[dreg:$0x7] =	wrdreg s13  }
0x9: {  	s2 =	sor.u32 s5, s2;
	s15 =	sadd.s32 $0x4000, s8;
	[dreg:$0x8] =	wrdreg s14  }
0xa: {  	s5 =	sadd.s32 $0x17E00, s1;
	s16 =	sadd.s32 $0x5000, s8;
	[dreg:$0x9] =	wrdreg s15  }
0xb: {  	s9 =	sshrl.u32 s0, $0x1;
	s17 =	sadd.s32 $0x6000, s8;
	[dreg:$0xa] =	wrdreg s16  }
0xc: {  	s2 =	smul.u32 $0x500, s2;
	s18 =	sadd.s32 $0x7000, s8;
	[dreg:$0xb] =	wrdreg s17  }
0xd: {  	s6 =	sadd.s32 s6, s7;
	s19 =	sadd.s32 $0x8000, s8;
	[dreg:$0xc] =	wrdreg s18  }
0xe: {  	s0 =	ssub.s32 s0, s9;
	s20 =	sadd.s32 $0x9000, s8;
	[dreg:$0xd] =	wrdreg s19  }
0xf: {  	s7 =	simm.s32 $0x9000;
	s21 =	sadd.s32 $0xA000, s8;
	[dreg:$0xe] =	wrdreg s20  }
0x10: {  	s9 =	simm.s32 $0x5000;
	s22 =	sadd.s32 $0xB000, s8;
	[dreg:$0xf] =	wrdreg s21  }
0x11: {  	s10 =	simm.s32 $0x1;
	s23 =	sadd.s32 $0xC000, s8;
	[dreg:$0x10] =	wrdreg s22  }
0x12: {  	s24 =	sadd.s32 $0xD000, s8;
	s25 =	sadd.s32 $0xE000, s8;
	[dreg:$0x11] =	wrdreg s23  }
0x13: {  	s26 =	sadd.s32 $0xF000, s8;
	s28 =	sadd.s32 $0x11000, s8;
	[dreg:$0x12] =	wrdreg s24  }
0x14: {  	s29 =	sadd.s32 $0x12000, s8;
	s30 =	sadd.s32 $0x13000, s8;
	[dreg:$0x13] =	wrdreg s25  }
0x15: {  	s2 =	sadd.s32 s2, s1;
	s1 =	sadd.s32 s6, s1;
	[dreg:$0x14] =	wrdreg s26  }
0x16: {  	s25 =	smax.u32 s0, $0x1;
	s26 =	sadd.s32 $0x10000, s8;
	s0 =	simm.s32 $0x6000  }
0x17: {  	s6 =	simm.s32 $0x8000;
	s12 =	simm.s32 $0x3;
	s13 =	simm.s32 $0x4  }
0x18: {  	s14 =	simm.s32 $0x5;
	s15 =	simm.s32 $0x6;
	s16 =	simm.s32 $0x7  }
0x19: {  	s17 =	simm.s32 $0x8;
	s18 =	simm.s32 $0x9;
	s19 =	simm.s32 $0xA  }
0x1a: {  	s20 =	simm.s32 $0x0;
	s11 =	sadd.s32 $0xDE00, s2;
	s2 =	sadd.s32 $0x3E00, s2  }
0x1b: {  	s24 =	sadd.s32 $0x3FE00, s1;
	s1 =	simm.s32 $0x7000;
	[dreg:$0x4] =	wrdreg s11  }
0x1c: {  	[dreg:$0x5] =	wrdreg s2;
	s2 =	simm.s32 $0x20;
	s11 =	simm.s32 $0x2  }
.LBB2_1:
0x1d: {  	s21 =	rddreg [dreg:$0x4]  }
0x1e: {  	[tilespmem:s4], [sflag:$0xB] =	stream.linear.gather [hbm4b:s21+s4], $0x2800, $0x38;
	[tilespmem:$0x1E000] =	vst v63  }
0x1f: {  	_ =	swait.ge [sflag:s31], $0x2800  }
0x20: {  	[sflag:s31] =	ssyncset.done $0x0  }
0x21: {  	s22 =	simm.s32 $0x2800;
	s23 =	rddreg [dreg:$0x5];
	[sflag:s31] =	ssyncadd.s32 $0xFFFFD800  }
0x22: {  	[tilespmem:s22], [sflag:$0xB] =	stream.linear.gather [hbm4b:s23+s4], $0x2800, $0x38;
	[tilespmem:$0x1E000] =	vst v63  }
0x23: {  	_ =	swait.ge [sflag:s31], $0x2800  }
0x24: {  	[sflag:s31] =	ssyncset.done $0x0  }
0x25: {  	[sflag:s31] =	ssyncadd.s32 $0xFFFFD800  }
0x26: {  	[tilespmem:s0], [sflag:$0x2] =	stream.indirect.gather [hbm4b:s5+s2], $0x80, s2, s2, $0xb8;
	[tilespmem:$0x1E000] =	vst v63  }
0x27: {  	s22 =	simm.s32 $0x40  }
0x28: {  	[tilespmem:s1], [sflag:$0x3] =	stream.indirect.gather [hbm4b:s5+s2], $0x80, s22, s2, $0xb8;
	[tilespmem:$0x1E000] =	vst v63  }
0x29: {  	s23 =	simm.s32 $0x60  }
0x2a: {  	[tilespmem:s6], [sflag:$0x4] =	stream.indirect.gather [hbm4b:s5+s2], $0x80, s23, s2, $0xb8;
	[tilespmem:$0x1E000] =	vst v63  }
0x2b: {  	s22 =	simm.s32 $0x80  }
0x2c: {  	[tilespmem:s7], [sflag:$0x5] =	stream.indirect.gather [hbm4b:s5+s2], $0x80, s22, s2, $0xb8;
	[tilespmem:$0x1E000] =	vst v63  }
0x2d: {  	s23 =	rddreg [dreg:$0x1]  }
0x2e: {  	[tilespmem:s9], [sflag:$0xB] =	stream.linear.gather [hbm4b:s23+s4], $0x1000, $0x38;
	[tilespmem:$0x1E000] =	vst v63  }
0x2f: {  	_ =	swait.ge [sflag:s31], $0x1000  }
0x30: {  	[sflag:s31] =	ssyncset.done $0x0  }
0x31: {  	[sflag:s31] =	ssyncadd.s32 $0xFFFFF000  }
0x32: {  	[spmem:s8] =	stream.linear.scatter [tilespmem:s9], [sflag:$0xB], $0x1000, $0x38;
	[tilespmem:$0x1E000] =	vst v63  }
0x33: {  	_ =	swait.ge [sflag:s31], $0x1000  }
0x34: {  	[sflag:s31] =	ssyncset.done $0x0  }
0x35: {  	s22 =	rddreg [dreg:$0x6];
	[sflag:s31] =	ssyncadd.s32 $0xFFFFF000  }
0x36: {  	[spmem:s22] =	stream.linear.scatter [tilespmem:s9], [sflag:$0xB], $0x1000, $0x38;
	[tilespmem:$0x1E000] =	vst v63  }
0x37: {  	_ =	swait.ge [sflag:s31], $0x1000  }
0x38: {  	[sflag:s31] =	ssyncset.done $0x0  }
0x39: {  	s23 =	rddreg [dreg:$0x7];
	[sflag:s31] =	ssyncadd.s32 $0xFFFFF000  }
0x3a: {  	[spmem:s23] =	stream.linear.scatter [tilespmem:s9], [sflag:$0xB], $0x1000, $0x38;
	[tilespmem:$0x1E000] =	vst v63  }
0x3b: {  	_ =	swait.ge [sflag:s31], $0x1000  }
0x3c: {  	[sflag:s31] =	ssyncset.done $0x0  }
0x3d: {  	s22 =	rddreg [dreg:$0x8];
	[sflag:s31] =	ssyncadd.s32 $0xFFFFF000  }
0x3e: {  	[spmem:s22] =	stream.linear.scatter [tilespmem:s9], [sflag:$0xB], $0x1000, $0x38;
	[tilespmem:$0x1E000] =	vst v63  }
0x3f: {  	_ =	swait.ge [sflag:s31], $0x1000  }
0x40: {  	[sflag:s31] =	ssyncset.done $0x0  }
0x41: {  	s23 =	rddreg [dreg:$0x9];
	[sflag:s31] =	ssyncadd.s32 $0xFFFFF000  }
0x42: {  	[spmem:s23] =	stream.linear.scatter [tilespmem:s9], [sflag:$0xB], $0x1000, $0x38;
	[tilespmem:$0x1E000] =	vst v63  }
0x43: {  	_ =	swait.ge [sflag:s31], $0x1000  }
0x44: {  	[sflag:s31] =	ssyncset.done $0x0  }
0x45: {  	s22 =	rddreg [dreg:$0xa];
	[sflag:s31] =	ssyncadd.s32 $0xFFFFF000  }
0x46: {  	[spmem:s22] =	stream.linear.scatter [tilespmem:s9], [sflag:$0xB], $0x1000, $0x38;
	[tilespmem:$0x1E000] =	vst v63  }
0x47: {  	_ =	swait.ge [sflag:s31], $0x1000  }
0x48: {  	[sflag:s31] =	ssyncset.done $0x0  }
0x49: {  	s23 =	rddreg [dreg:$0xb];
	[sflag:s31] =	ssyncadd.s32 $0xFFFFF000  }
0x4a: {  	[spmem:s23] =	stream.linear.scatter [tilespmem:s9], [sflag:$0xB], $0x1000, $0x38;
	[tilespmem:$0x1E000] =	vst v63  }
0x4b: {  	_ =	swait.ge [sflag:s31], $0x1000  }
0x4c: {  	[sflag:s31] =	ssyncset.done $0x0  }
0x4d: {  	s22 =	rddreg [dreg:$0xc];
	[sflag:s31] =	ssyncadd.s32 $0xFFFFF000  }
0x4e: {  	[spmem:s22] =	stream.linear.scatter [tilespmem:s9], [sflag:$0xB], $0x1000, $0x38;
	[tilespmem:$0x1E000] =	vst v63  }
0x4f: {  	_ =	swait.ge [sflag:s31], $0x1000  }
0x50: {  	[sflag:s31] =	ssyncset.done $0x0  }
0x51: {  	s23 =	rddreg [dreg:$0xd];
	[sflag:s31] =	ssyncadd.s32 $0xFFFFF000  }
0x52: {  	[spmem:s23] =	stream.linear.scatter [tilespmem:s9], [sflag:$0xB], $0x1000, $0x38;
	[tilespmem:$0x1E000] =	vst v63  }
0x53: {  	_ =	swait.ge [sflag:s31], $0x1000  }
0x54: {  	[sflag:s31] =	ssyncset.done $0x0  }
0x55: {  	s22 =	rddreg [dreg:$0xe];
	[sflag:s31] =	ssyncadd.s32 $0xFFFFF000  }
0x56: {  	[spmem:s22] =	stream.linear.scatter [tilespmem:s9], [sflag:$0xB], $0x1000, $0x38;
	[tilespmem:$0x1E000] =	vst v63  }
0x57: {  	_ =	swait.ge [sflag:s31], $0x1000  }
0x58: {  	[sflag:s31] =	ssyncset.done $0x0  }
0x59: {  	s23 =	rddreg [dreg:$0xf];
	[sflag:s31] =	ssyncadd.s32 $0xFFFFF000  }
0x5a: {  	[spmem:s23] =	stream.linear.scatter [tilespmem:s9], [sflag:$0xB], $0x1000, $0x38;
	[tilespmem:$0x1E000] =	vst v63  }
0x5b: {  	_ =	swait.ge [sflag:s31], $0x1000  }
0x5c: {  	[sflag:s31] =	ssyncset.done $0x0  }
0x5d: {  	s22 =	rddreg [dreg:$0x10];
	[sflag:s31] =	ssyncadd.s32 $0xFFFFF000  }
0x5e: {  	[spmem:s22] =	stream.linear.scatter [tilespmem:s9], [sflag:$0xB], $0x1000, $0x38;
	[tilespmem:$0x1E000] =	vst v63  }
0x5f: {  	_ =	swait.ge [sflag:s31], $0x1000  }
0x60: {  	[sflag:s31] =	ssyncset.done $0x0  }
0x61: {  	s23 =	rddreg [dreg:$0x11];
	[sflag:s31] =	ssyncadd.s32 $0xFFFFF000  }
0x62: {  	[spmem:s23] =	stream.linear.scatter [tilespmem:s9], [sflag:$0xB], $0x1000, $0x38;
	[tilespmem:$0x1E000] =	vst v63  }
0x63: {  	_ =	swait.ge [sflag:s31], $0x1000  }
0x64: {  	[sflag:s31] =	ssyncset.done $0x0  }
0x65: {  	s22 =	rddreg [dreg:$0x12];
	[sflag:s31] =	ssyncadd.s32 $0xFFFFF000  }
0x66: {  	[spmem:s22] =	stream.linear.scatter [tilespmem:s9], [sflag:$0xB], $0x1000, $0x38;
	[tilespmem:$0x1E000] =	vst v63  }
0x67: {  	_ =	swait.ge [sflag:s31], $0x1000  }
0x68: {  	[sflag:s31] =	ssyncset.done $0x0  }
0x69: {  	s23 =	rddreg [dreg:$0x13];
	[sflag:s31] =	ssyncadd.s32 $0xFFFFF000  }
0x6a: {  	[spmem:s23] =	stream.linear.scatter [tilespmem:s9], [sflag:$0xB], $0x1000, $0x38;
	[tilespmem:$0x1E000] =	vst v63  }
0x6b: {  	_ =	swait.ge [sflag:s31], $0x1000  }
0x6c: {  	[sflag:s31] =	ssyncset.done $0x0  }
0x6d: {  	s22 =	rddreg [dreg:$0x14];
	[sflag:s31] =	ssyncadd.s32 $0xFFFFF000  }
0x6e: {  	[spmem:s22] =	stream.linear.scatter [tilespmem:s9], [sflag:$0xB], $0x1000, $0x38;
	[tilespmem:$0x1E000] =	vst v63  }
0x6f: {  	_ =	swait.ge [sflag:s31], $0x1000  }
0x70: {  	[sflag:s31] =	ssyncset.done $0x0  }
0x71: {  	[sflag:s31] =	ssyncadd.s32 $0xFFFFF000  }
0x72: {  	[spmem:s26] =	stream.linear.scatter [tilespmem:s9], [sflag:$0xB], $0x1000, $0x38;
	[tilespmem:$0x1E000] =	vst v63  }
0x73: {  	_ =	swait.ge [sflag:s31], $0x1000  }
0x74: {  	[sflag:s31] =	ssyncset.done $0x0  }
0x75: {  	[sflag:s31] =	ssyncadd.s32 $0xFFFFF000  }
0x76: {  	[spmem:s28] =	stream.linear.scatter [tilespmem:s9], [sflag:$0xB], $0x1000, $0x38;
	[tilespmem:$0x1E000] =	vst v63  }
0x77: {  	_ =	swait.ge [sflag:s31], $0x1000  }
0x78: {  	[sflag:s31] =	ssyncset.done $0x0  }
0x79: {  	[sflag:s31] =	ssyncadd.s32 $0xFFFFF000  }
0x7a: {  	[spmem:s29] =	stream.linear.scatter [tilespmem:s9], [sflag:$0xB], $0x1000, $0x38;
	[tilespmem:$0x1E000] =	vst v63  }
0x7b: {  	_ =	swait.ge [sflag:s31], $0x1000  }
0x7c: {  	[sflag:s31] =	ssyncset.done $0x0  }
0x7d: {  	[sflag:s31] =	ssyncadd.s32 $0xFFFFF000  }
0x7e: {  	[spmem:s30] =	stream.linear.scatter [tilespmem:s9], [sflag:$0xB], $0x1000, $0x38;
	[tilespmem:$0x1E000] =	vst v63  }
0x7f: {  	_ =	swait.ge [sflag:s31], $0x1000  }
0x80: {  	[sflag:s31] =	ssyncset.done $0x0  }
0x81: {  	[sflag:s31] =	ssyncadd.s32 $0xFFFFF000  }
0x82: {  	[tilespmem:s9], [sflag:$0x1] =	stream.indirect.gather [hbm4b:s5+s2], $0x80, s4, s2, $0xb8;
	[tilespmem:$0x1E000] =	vst v63  }
0x83: {  	[bflag:$0x0] =	sbarrier.arrive $0xFFFF  }
0x84: {  	_ =	swait.ge [sflag:s10], $0x1000  }
0x85: {  	[sflag:s10] =	ssyncset.done $0x0  }
0x86: {  	s23 =	simm.s32 $0x2800;
	[sflag:s10] =	ssyncadd.s32 $0xFFFFF000  }
0x87: {  	[spmem:s3] =	stream.indirect.scatter.add.f32 [tilespmem:s9], [sflag:$0x6], $0x80, s23, s2, $0xb8;
	[tilespmem:$0x1E000] =	vst v63  }
0x88: {  	_ =	swait.ge [sflag:s11], $0x1000  }
0x89: {  	[sflag:s11] =	ssyncset.done $0x0  }
0x8a: {  	s22 =	simm.s32 $0x2820;
	[sflag:s11] =	ssyncadd.s32 $0xFFFFF000  }
0x8b: {  	[spmem:s3] =	stream.indirect.scatter.add.f32 [tilespmem:s0], [sflag:$0x7], $0x80, s22, s2, $0xb8;
	[tilespmem:$0x1E000] =	vst v63  }
0x8c: {  	_ =	swait.ge [sflag:s12], $0x1000  }
0x8d: {  	[sflag:s12] =	ssyncset.done $0x0  }
0x8e: {  	s23 =	simm.s32 $0x2840;
	[sflag:s12] =	ssyncadd.s32 $0xFFFFF000  }
0x8f: {  	[spmem:s3] =	stream.indirect.scatter.add.f32 [tilespmem:s1], [sflag:$0x8], $0x80, s23, s2, $0xb8;
	[tilespmem:$0x1E000] =	vst v63  }
0x90: {  	_ =	swait.ge [sflag:s13], $0x1000  }
0x91: {  	[sflag:s13] =	ssyncset.done $0x0  }
0x92: {  	s22 =	simm.s32 $0x2860;
	[sflag:s13] =	ssyncadd.s32 $0xFFFFF000  }
0x93: {  	[spmem:s3] =	stream.indirect.scatter.add.f32 [tilespmem:s6], [sflag:$0x9], $0x80, s22, s2, $0xb8;
	[tilespmem:$0x1E000] =	vst v63  }
0x94: {  	_ =	swait.ge [sflag:s14], $0x1000  }
0x95: {  	[sflag:s14] =	ssyncset.done $0x0  }
0x96: {  	s23 =	simm.s32 $0x2880;
	[sflag:s14] =	ssyncadd.s32 $0xFFFFF000  }
0x97: {  	[spmem:s3] =	stream.indirect.scatter.add.f32 [tilespmem:s7], [sflag:$0xA], $0x80, s23, s2, $0xb8;
	[tilespmem:$0x1E000] =	vst v63  }
0x98: {  	_ =	swait.ge [sflag:s15], $0x1000  }
0x99: {  	[sflag:s15] =	ssyncset.done $0x0  }
0x9a: {  	s22 =	simm.s32 $0xA0;
	[sflag:s15] =	ssyncadd.s32 $0xFFFFF000  }
0x9b: {  	[tilespmem:s9], [sflag:$0x1] =	stream.indirect.gather [hbm4b:s5+s2], $0x80, s22, s2, $0xb8;
	[tilespmem:$0x1E000] =	vst v63  }
0x9c: {  	_ =	swait.ge [sflag:s16], $0x1000  }
0x9d: {  	[sflag:s16] =	ssyncset.done $0x0  }
0x9e: {  	s23 =	simm.s32 $0xC0;
	[sflag:s16] =	ssyncadd.s32 $0xFFFFF000  }
0x9f: {  	[tilespmem:s0], [sflag:$0x2] =	stream.indirect.gather [hbm4b:s5+s2], $0x80, s23, s2, $0xb8;
	[tilespmem:$0x1E000] =	vst v63  }
0xa0: {  	_ =	swait.ge [sflag:s17], $0x1000  }
0xa1: {  	[sflag:s17] =	ssyncset.done $0x0  }
0xa2: {  	s22 =	simm.s32 $0xE0;
	[sflag:s17] =	ssyncadd.s32 $0xFFFFF000  }
0xa3: {  	[tilespmem:s1], [sflag:$0x3] =	stream.indirect.gather [hbm4b:s5+s2], $0x80, s22, s2, $0xb8;
	[tilespmem:$0x1E000] =	vst v63  }
0xa4: {  	_ =	swait.ge [sflag:s18], $0x1000  }
0xa5: {  	[sflag:s18] =	ssyncset.done $0x0  }
0xa6: {  	s23 =	simm.s32 $0x100;
	[sflag:s18] =	ssyncadd.s32 $0xFFFFF000  }
0xa7: {  	[tilespmem:s6], [sflag:$0x4] =	stream.indirect.gather [hbm4b:s5+s2], $0x80, s23, s2, $0xb8;
	[tilespmem:$0x1E000] =	vst v63  }
0xa8: {  	_ =	swait.ge [sflag:s19], $0x1000  }
0xa9: {  	[sflag:s19] =	ssyncset.done $0x0  }
0xaa: {  	s21 =	simm.s32 $0x280;
	s22 =	simm.s32 $0x120;
	[sflag:s19] =	ssyncadd.s32 $0xFFFFF000  }
.LBB2_2:
0xab: {  	[tilespmem:s7], [sflag:$0x5] =	stream.indirect.gather [hbm4b:s5+s2], $0x80, s22, s2, $0xb8;
	[tilespmem:$0x1E000] =	vst v63  }
0xac: {  	s22 =	smov.u32 s21  }
0xad: {  	p0 =	sne.s32 s21, $0x9B00;
	s21 =	sadd.s32 $0x280, s21;
	_ =	swait.ge [sflag:s10], $0x1000  }
0xae: {  	s22 =	sshra.s32 s22, $0x2;
	[sflag:s10] =	ssyncset.done $0x0  }
0xaf: {  	s23 =	sadd.s32 $0x2800, s22;
	[sflag:s10] =	ssyncadd.s32 $0xFFFFF000  }
0xb0: {  	[spmem:s3] =	stream.indirect.scatter.add.f32 [tilespmem:s9], [sflag:$0x6], $0x80, s23, s2, $0xb8;
	[tilespmem:$0x1E000] =	vst v63  }
0xb1: {  	_ =	swait.ge [sflag:s11], $0x1000  }
0xb2: {  	[sflag:s11] =	ssyncset.done $0x0  }
0xb3: {  	s23 =	sadd.s32 $0x2820, s22;
	[sflag:s11] =	ssyncadd.s32 $0xFFFFF000  }
0xb4: {  	[spmem:s3] =	stream.indirect.scatter.add.f32 [tilespmem:s0], [sflag:$0x7], $0x80, s23, s2, $0xb8;
	[tilespmem:$0x1E000] =	vst v63  }
0xb5: {  	_ =	swait.ge [sflag:s12], $0x1000  }
0xb6: {  	[sflag:s12] =	ssyncset.done $0x0  }
0xb7: {  	s23 =	sadd.s32 $0x2840, s22;
	[sflag:s12] =	ssyncadd.s32 $0xFFFFF000  }
0xb8: {  	[spmem:s3] =	stream.indirect.scatter.add.f32 [tilespmem:s1], [sflag:$0x8], $0x80, s23, s2, $0xb8;
	[tilespmem:$0x1E000] =	vst v63  }
0xb9: {  	_ =	swait.ge [sflag:s13], $0x1000  }
0xba: {  	[sflag:s13] =	ssyncset.done $0x0  }
0xbb: {  	s23 =	sadd.s32 $0x2860, s22;
	[sflag:s13] =	ssyncadd.s32 $0xFFFFF000  }
0xbc: {  	[spmem:s3] =	stream.indirect.scatter.add.f32 [tilespmem:s6], [sflag:$0x9], $0x80, s23, s2, $0xb8;
	[tilespmem:$0x1E000] =	vst v63  }
0xbd: {  	_ =	swait.ge [sflag:s14], $0x1000  }
0xbe: {  	[sflag:s14] =	ssyncset.done $0x0  }
0xbf: {  	s23 =	sadd.s32 $0x2880, s22;
	[sflag:s14] =	ssyncadd.s32 $0xFFFFF000  }
0xc0: {  	[spmem:s3] =	stream.indirect.scatter.add.f32 [tilespmem:s7], [sflag:$0xA], $0x80, s23, s2, $0xb8;
	[tilespmem:$0x1E000] =	vst v63  }
0xc1: {  	_ =	swait.ge [sflag:s15], $0x1000  }
0xc2: {  	[sflag:s15] =	ssyncset.done $0x0  }
0xc3: {  	s23 =	sadd.s32 $0xA0, s22;
	[sflag:s15] =	ssyncadd.s32 $0xFFFFF000  }
0xc4: {  	[tilespmem:s9], [sflag:$0x1] =	stream.indirect.gather [hbm4b:s5+s2], $0x80, s23, s2, $0xb8;
	[tilespmem:$0x1E000] =	vst v63  }
0xc5: {  	_ =	swait.ge [sflag:s16], $0x1000  }
0xc6: {  	[sflag:s16] =	ssyncset.done $0x0  }
0xc7: {  	s23 =	sadd.s32 $0xC0, s22;
	[sflag:s16] =	ssyncadd.s32 $0xFFFFF000  }
0xc8: {  	[tilespmem:s0], [sflag:$0x2] =	stream.indirect.gather [hbm4b:s5+s2], $0x80, s23, s2, $0xb8;
	[tilespmem:$0x1E000] =	vst v63  }
0xc9: {  	_ =	swait.ge [sflag:s17], $0x1000  }
0xca: {  	[sflag:s17] =	ssyncset.done $0x0  }
0xcb: {  	s23 =	sadd.s32 $0xE0, s22;
	[sflag:s17] =	ssyncadd.s32 $0xFFFFF000  }
0xcc: {  	[tilespmem:s1], [sflag:$0x3] =	stream.indirect.gather [hbm4b:s5+s2], $0x80, s23, s2, $0xb8;
	[tilespmem:$0x1E000] =	vst v63  }
0xcd: {  	_ =	swait.ge [sflag:s18], $0x1000  }
0xce: {  	[sflag:s18] =	ssyncset.done $0x0  }
.Ltmp0:
0xcf: {  	s23 =	sadd.s32 $0x100, s22;
	[sflag:s18] =	ssyncadd.s32 $0xFFFFF000;
	(pc) =	sbr.rel @p0 .LBB2_2-.Ltmp0, $4  }
0xd0: {  	[tilespmem:s6], [sflag:$0x4] =	stream.indirect.gather [hbm4b:s5+s2], $0x80, s23, s2, $0xb8;
	[tilespmem:$0x1E000] =	vst v63  }
0xd1: {  	_ =	swait.ge [sflag:s19], $0x1000  }
0xd2: {  	[sflag:s19] =	ssyncset.done $0x0  }
0xd3: {  	s22 =	sadd.s32 $0x120, s22;
	[sflag:s19] =	ssyncadd.s32 $0xFFFFF000  }
0xd4: {  	[tilespmem:s7], [sflag:$0x5] =	stream.indirect.gather [hbm4b:s5+s2], $0x80, s22, s2, $0xb8;
	[tilespmem:$0x1E000] =	vst v63  }
0xd5: {  	_ =	swait.ge [sflag:s10], $0x1000  }
0xd6: {  	[sflag:s10] =	ssyncset.done $0x0  }
0xd7: {  	s21 =	simm.s32 $0x4F60;
	[sflag:s10] =	ssyncadd.s32 $0xFFFFF000  }
0xd8: {  	[spmem:s3] =	stream.indirect.scatter.add.f32 [tilespmem:s9], [sflag:$0x6], $0x80, s21, s2, $0xb8;
	[tilespmem:$0x1E000] =	vst v63  }
0xd9: {  	_ =	swait.ge [sflag:s11], $0x1000  }
0xda: {  	[sflag:s11] =	ssyncset.done $0x0  }
0xdb: {  	s22 =	simm.s32 $0x4F80;
	[sflag:s11] =	ssyncadd.s32 $0xFFFFF000  }
0xdc: {  	[spmem:s3] =	stream.indirect.scatter.add.f32 [tilespmem:s0], [sflag:$0x7], $0x80, s22, s2, $0xb8;
	[tilespmem:$0x1E000] =	vst v63  }
0xdd: {  	_ =	swait.ge [sflag:s12], $0x1000  }
0xde: {  	[sflag:s12] =	ssyncset.done $0x0  }
0xdf: {  	s23 =	simm.s32 $0x4FA0;
	[sflag:s12] =	ssyncadd.s32 $0xFFFFF000  }
0xe0: {  	[spmem:s3] =	stream.indirect.scatter.add.f32 [tilespmem:s1], [sflag:$0x8], $0x80, s23, s2, $0xb8;
	[tilespmem:$0x1E000] =	vst v63  }
0xe1: {  	_ =	swait.ge [sflag:s13], $0x1000  }
0xe2: {  	[sflag:s13] =	ssyncset.done $0x0  }
0xe3: {  	s22 =	simm.s32 $0x4FC0;
	[sflag:s13] =	ssyncadd.s32 $0xFFFFF000  }
0xe4: {  	[spmem:s3] =	stream.indirect.scatter.add.f32 [tilespmem:s6], [sflag:$0x9], $0x80, s22, s2, $0xb8;
	[tilespmem:$0x1E000] =	vst v63  }
0xe5: {  	_ =	swait.ge [sflag:s14], $0x1000  }
0xe6: {  	[sflag:s14] =	ssyncset.done $0x0  }
0xe7: {  	s23 =	simm.s32 $0x4FE0;
	[sflag:s14] =	ssyncadd.s32 $0xFFFFF000  }
0xe8: {  	[spmem:s3] =	stream.indirect.scatter.add.f32 [tilespmem:s7], [sflag:$0xA], $0x80, s23, s2, $0xb8;
	[tilespmem:$0x1E000] =	vst v63  }
0xe9: {  	_ =	swait.ge [sflag:s15], $0x1000  }
0xea: {  	[sflag:s15] =	ssyncset.done $0x0  }
0xeb: {  	[sflag:s15] =	ssyncadd.s32 $0xFFFFF000  }
0xec: {  	_ =	swait.ge [sflag:s16], $0x1000  }
0xed: {  	[sflag:s16] =	ssyncset.done $0x0  }
0xee: {  	[sflag:s16] =	ssyncadd.s32 $0xFFFFF000  }
0xef: {  	_ =	swait.ge [sflag:s17], $0x1000  }
0xf0: {  	[sflag:s17] =	ssyncset.done $0x0  }
0xf1: {  	[sflag:s17] =	ssyncadd.s32 $0xFFFFF000  }
0xf2: {  	_ =	swait.ge [sflag:s18], $0x1000  }
0xf3: {  	[sflag:s18] =	ssyncset.done $0x0  }
0xf4: {  	[sflag:s18] =	ssyncadd.s32 $0xFFFFF000  }
0xf5: {  	s22 =	stileid.u32;
	_ =	swait.ge [sflag:s19], $0x1000  }
0xf6: {  	s20 =	sadd.s32 $0x1, s20;
	s21 =	sshll.u32 s22, $0x6;
	[sflag:s19] =	ssyncset.done $0x0  }
0xf7: {  	p0 =	sne.s32 s20, s25;
	s21 =	sor.u32 $0x1C0B, s21;
	[sflag:s19] =	ssyncadd.s32 $0xFFFFF000  }
.Ltmp1:
0xf8: {  	s23 =	sshrl.u32 s8, $0x3;
	[bflag:$0x0] =	sbarrier.arrive $0xFFFF;
	(pc) =	sbr.rel @p0 .LBB2_1-.Ltmp1, $4  }
0xf9: {  	[hbm:s24], [sflag:s21] =	dma.local [spmem:s23], $0x2800  }
0xfa: {  	_ =	swait.ge [sflag:s31], $0x2800  }
0xfb: {  	[sflag:s31] =	ssyncset.done $0x0  }
0xfc: {  	[sflag:s31] =	ssyncadd.s32 $0xFFFFD800  }
0xfd: {  	_ =	sfence.sel $0x180000  }
0xfe: {  	[bflag:$0x0] =	sbarrier.arrive $0xFFFF  }
0xff: {  	_ =	strace $0x9000004D  }
0x100: {  	s0 =	stileid.u32;
	[bflag:$0x2] =	sbarrier.arrive $0xFFFF  }
0x101: {  	p0 =	sne.s32 s0, $0x0;
	s0 =	rddreg [dreg:$0x3]  }
0x102: {  	s0 =	sadd.s32 @!p0 $0x100000, s0  }
0x103: {  	[sflag:s0] =	ssyncadd.tile.s32 @!p0 $0x1;
	_ =	shalt  }
.Lfunc_end2:
_tile_overlayer_lowered:
.L_overlay_start_2:
0x104: {  	(tag) =	ssettag $0x2  }
0x105: {  	s0 =	rddreg [dreg:$0x0];
	s2 =	stileid.u32  }
0x106: {  	s1 =	rddreg [dreg:$0x1];
	p0 =	sne.s32 s2, $0x0  }
0x107: {  	s3 =	rddreg [dreg:$0x2];
	[bflag:$0x3] =	sbarrier.arrive $0xFFFF;
	s2 =	simm.s32 @!p0 $0x1C0B  }
0x108: {  	[timem:s3], [sflag:s2] =	dma.local @!p0 [hbm:s0], s1  }
0x109: {  	s0 =	simm.s32 @!p0 $0xB  }
0x10a: {  	_ =	swait.ge @!p0 [sflag:s0], s1  }
0x10b: {  	s1 =	ssub.s32 @!p0 $0x0, s1;
	[sflag:s0] =	ssyncset.done @!p0 $0x0  }
0x10c: {  	[sflag:s0] =	ssyncadd.s32 @!p0 s1  }
0x10d: {  	[bflag:$0x3] =	sbarrier.arrive $0xFFFF  }
0x10e: {  	_ =	shalt  }

// kernel: kernel.19.cloned.1.call-start
scs
__scs_entry_jumppad:
0x0: {  	(pc) =	sbr.rel $0x88, $3  }
0x1: {  	(tag) =	ssettag $0x0;
	lr =	simm.s32 $0x1  }
0x2: {  	[smem:$0x3F96] =	sst lr;
	_ =	strace $0xD0000000  }
0x3: {  	_ = 	snop  }
0x4: {  	_ = 	snop  }
0x5: {  	_ = 	snop  }
0x6: {  	_ = 	snop  }
0x7: {  	_ = 	snop  }
__scs_overlays_trampoline_lowered:
0x8: {  	[smem:$0x3FA5] =	sst s0  }
0x9: {  	[smem:$0x3FA6] =	sst s1  }
0xa: {  	[smem:$0x3FA7] =	sst s2  }
0xb: {  	[smem:$0x3FA8] =	sst s3  }
0xc: {  	[smem:$0x3FA9] =	sst s4  }
0xd: {  	[smem:$0x3FAA] =	sst s5  }
0xe: {  	[smem:$0x3FAB] =	sst s6  }
0xf: {  	[smem:$0x3FAC] =	sst s7  }
0x10: {  	[smem:$0x3FAD] =	sst s8  }
0x11: {  	[smem:$0x3FAE] =	sst s9;
	s0 =	simm.s32 @!p0 $0x0  }
0x12: {  	s1 =	sld [smem:$0x3F94];
	s0 =	simm.s32 @p0 $0x1  }
0x13: {  	[smem:$0x3FAF] =	sst s0;
	s0 =	simm.s32 @!p1 $0x0  }
0x14: {  	s2 =	sld [smem:$0x3F93];
	s0 =	simm.s32 @p1 $0x1  }
0x15: {  	[smem:$0x3FB0] =	sst s0;
	s0 =	simm.s32 @!p2 $0x0  }
0x16: {  	s3 =	sld [smem:$0x3FDB];
	s0 =	simm.s32 @p2 $0x1  }
0x17: {  	s4 =	simm.s32 $0x1BF5;
	[smem:$0x3FB2] =	sst s0  }
0x18: {  	s0 =	sld [smem:$0x3F95];
	_ =	swait.ge [sflag:s4], $0x0  }
0x19: {  	s7 =	sld [smem:$0x3F96]  }
0x1a: {  	s8 =	sadd.s32 $0xFFFFE003, lr  }
0x1b: {  	s9 =	sadd.s32 $0xFFFFFEF7, lr;
	s5 =	simm.s32 $0xFFFFFFFF;
	p2 =	slt.u32 s8, $0xFFFFF086  }
0x1c: {  	p1 =	slt.u32 s9, $0xF7A;
	s5 =	simm.s32 @!p2 $0x0  }
0x1d: {  	s5 =	simm.s32 @p1 $0x1;
	p0 =	seq.s32 s7, s2  }
0x1e: {  	s7 =	smul.u32 @!p0 $0xF7A, s2;
	p2 =	seq.s32 @!p0 s5, $0x0  }
0x1f: {  	s9 =	smul.u32 $0xF7A, s1;
	s8 =	simm.s32 @!p0 $0x1BF5;
	p2 =	por !p2, p0  }
0x20: {  	[sflag:s8] =	ssyncset.s32 @!p0 $0xFFFFF086;
	s6 =	sadd.s32 @!p0 s3, s7;
	s7 =	simm.s32 @!p0 $0x108  }
0x21: {  	s3 =	sadd.s32 s3, s9;
	s6 =	sadd.s32 @!p0 $0x88, s6;
	s7 =	simm.s32 @p2 $0x1082  }
0x22: {  	[simem:s7], [sflag:s8] =	dma.local @!p0 [hbm:s6], $0xF7A  }
0x23: {  	s9 =	sor.u32 $0xD0000000, s2;
	s6 =	simm.s32 $0x108;
	_ =	swait.ge @!p0 [sflag:s8], $0x0  }
0x24: {  	s3 =	sadd.s32 $0x88, s3;
	s6 =	simm.s32 @!p1 $0x1082;
	[sflag:s4] =	ssyncset.s32 $0xFFFFF086  }
0x25: {  	[simem:s6], [sflag:s4] =	dma.local [hbm:s3], $0xF7A  }
0x26: {  	[smem:$0x3F96] =	sst s1;
	(tag) =	ssettag s2;
	_ =	strace s9  }
0x27: {  	s1 =	sld [smem:$0x3FA6]  }
0x28: {  	s2 =	sld [smem:$0x3FA7]  }
0x29: {  	s4 =	sld [smem:$0x3FA9]  }
0x2a: {  	p0 =	seq.s32 s5, $0x0;
	s5 =	sld [smem:$0x3FAA]  }
0x2b: {  	s6 =	sld [smem:$0x3FAB]  }
0x2c: {  	s7 =	sld [smem:$0x3FAC]  }
0x2d: {  	s3 =	simm.s32 $0x108;
	s8 =	sld [smem:$0x3FAD]  }
0x2e: {  	s3 =	simm.s32 @!p0 $0x1082;
	s9 =	sld [smem:$0x3FAE]  }
0x2f: {  	lr =	sadd.s32 s0, s3;
	s0 =	sld [smem:$0x3FA5]  }
0x30: {  	s3 =	sld [smem:$0x3FA8]  }
0x31: {  	[smem:$0x3FB1] =	sst s10  }
0x32: {  	s10 =	sld [smem:$0x3FAF];
	_ =	sdelay $0x3  }
0x33: {  	p0 =	seq.s32 s10, $0x1;
	s10 =	sld [smem:$0x3FB1];
	_ =	sdelay $0x3  }
0x34: {  	[smem:$0x3FB1] =	sst s10  }
0x35: {  	s10 =	sld [smem:$0x3FB0];
	_ =	sdelay $0x3  }
0x36: {  	p1 =	seq.s32 s10, $0x1;
	s10 =	sld [smem:$0x3FB1];
	_ =	sdelay $0x3  }
0x37: {  	[smem:$0x3FB1] =	sst s10  }
0x38: {  	s10 =	sld [smem:$0x3FB2]  }
0x39: {  	_ = 	snop;
	(pc) =	sbr.ind lr, $3  }
0x3a: {  	_ = 	snop  }
0x3b: {  	_ = 	snop  }
0x3c: {  	p2 =	seq.s32 s10, $0x1;
	s10 =	sld [smem:$0x3FB1]  }
0x3d: {  	_ =	shalt  }
0x3e: {  	_ =	shalt  }
0x3f: {  	_ =	shalt  }
0x40: {  	_ =	shalt  }
0x41: {  	_ =	shalt  }
0x42: {  	_ =	shalt  }
0x43: {  	_ =	shalt  }
0x44: {  	_ =	shalt  }
0x45: {  	_ =	shalt  }
0x46: {  	_ =	shalt  }
0x47: {  	_ =	shalt  }
0x48: {  	_ =	shalt  }
0x49: {  	_ =	shalt  }
0x4a: {  	_ =	shalt  }
0x4b: {  	_ =	shalt  }
0x4c: {  	_ =	shalt  }
0x4d: {  	_ =	shalt  }
0x4e: {  	_ =	shalt  }
0x4f: {  	_ =	shalt  }
0x50: {  	_ =	shalt  }
0x51: {  	_ =	shalt  }
0x52: {  	_ =	shalt  }
0x53: {  	_ =	shalt  }
0x54: {  	_ =	shalt  }
0x55: {  	_ =	shalt  }
0x56: {  	_ =	shalt  }
0x57: {  	_ =	shalt  }
0x58: {  	_ =	shalt  }
0x59: {  	_ =	shalt  }
0x5a: {  	_ =	shalt  }
0x5b: {  	_ =	shalt  }
0x5c: {  	_ =	shalt  }
0x5d: {  	_ =	shalt  }
0x5e: {  	_ =	shalt  }
0x5f: {  	_ =	shalt  }
0x60: {  	_ =	shalt  }
0x61: {  	_ =	shalt  }
0x62: {  	_ =	shalt  }
0x63: {  	_ =	shalt  }
0x64: {  	_ =	shalt  }
0x65: {  	_ =	shalt  }
0x66: {  	_ =	shalt  }
0x67: {  	_ =	shalt  }
0x68: {  	_ =	shalt  }
0x69: {  	_ =	shalt  }
0x6a: {  	_ =	shalt  }
0x6b: {  	_ =	shalt  }
0x6c: {  	_ =	shalt  }
0x6d: {  	_ =	shalt  }
0x6e: {  	_ =	shalt  }
0x6f: {  	_ =	shalt  }
0x70: {  	_ =	shalt  }
0x71: {  	_ =	shalt  }
0x72: {  	_ =	shalt  }
0x73: {  	_ =	shalt  }
0x74: {  	_ =	shalt  }
0x75: {  	_ =	shalt  }
0x76: {  	_ =	shalt  }
0x77: {  	_ =	shalt  }
0x78: {  	_ =	shalt  }
0x79: {  	_ =	shalt  }
0x7a: {  	_ =	shalt  }
0x7b: {  	_ =	shalt  }
0x7c: {  	_ =	shalt  }
0x7d: {  	_ =	shalt  }
0x7e: {  	_ =	shalt  }
0x7f: {  	_ =	shalt  }
0x80: {  	_ =	shalt  }
0x81: {  	_ =	shalt  }
0x82: {  	_ =	shalt  }
0x83: {  	_ =	shalt  }
0x84: {  	_ =	shalt  }
0x85: {  	_ =	shalt  }
0x86: {  	_ =	shalt  }
0x87: {  	_ =	shalt  }
.Lfunc_end0:
.L_simem_size_0:
called_computation.3_lowered:
.L_overlay_start_0:
0x88: {  	s2 =	sld [smem:$0x3FD9]  }
0x89: {  	s3 =	sld [smem:$0x3FFE];
	_ =	sdelay $0x1  }
0x8a: {  	s1 =	srdreg.scid  }
0x8b: {  	s0 =	sand.u32 $0x1, s1  }
0x8c: {  	s17 =	sshll.u32 s0, $0xA;
	s2 =	sadd.s32 s3, s2  }
0x8d: {  	s2 =	sadd.s32 s2, s17  }
0x8e: {  	[smem:$0x3FBD] =	sst s2  }
0x8f: {  	_ = 	snop  }
0x90: {  	s2 =	sld [smem:$0x3FD0];
	(tm) =	ssettm $0x1  }
0x91: {  	s18 =	sld [smem:$0x3FFB];
	_ =	sdelay $0x3  }
0x92: {  	_ =	strace s18  }
0x93: {  	s3 =	sld [smem:$0x3FFC];
	_ =	sdelay $0x3  }
0x94: {  	_ =	strace s3  }
0x95: {  	s3 =	sld [smem:$0x3FFD];
	_ =	sdelay $0x3  }
0x96: {  	_ =	strace s3  }
0x97: {  	_ =	strace $0x8FFFFFFF  }
0x98: {  	s19 =	sld [smem:$0x3FDB];
	_ =	sdelay $0x1  }
0x99: {  	s4 =	simm.s32 $_scs_section_size  }
0x9a: {  	s5 =	simm.s32 $_size__tile_overlayer_lowered;
	s6 =	simm.s32 $_tile_overlayer_lowered  }
0x9b: {  	s22 =	simm.s32 $0x1BFF;
	s21 =	sshll.u32 s6, $0x1;
	s3 =	sadd.s32 s4, s19  }
0x9c: {  	s7 =	simm.s32 $0x0;
	s20 =	sshll.u32 s5, $0x1;
	s5 =	sadd.s32 s21, s3  }
0x9d: {  	[timem:s7], [sflag:s22] =	dma.local [hbm:s5], s20  }
0x9e: {  	_ =	swait.ge [sflag:s22], s20  }
0x9f: {  	s4 =	ssub.s32 $0x0, s20;
	[sflag:s22] =	ssyncset.done $0x0  }
0xa0: {  	[sflag:s22] =	ssyncadd.s32 s4;
	_ =	sdelay $0x1  }
0xa1: {  	s23 =	simm.s32 $0x1B8B  }
0xa2: {  	_ =	swait.ge [sflag:s23], $0x1  }
0xa3: {  	[sflag:s23] =	ssyncset.done $0x0  }
0xa4: {  	s25 =	simm.s32 $0x1B8E;
	s24 =	sld [smem:$0x3FFE];
	[sflag:s23] =	ssyncadd.s32 $0xFFFFFFFF  }
0xa5: {  	s26 =	simm.s32 $execute0_lowered;
	[smem:$0x3FD2] =	sst s25  }
0xa6: {  	s5 =	sshll.u32 s26, $0x1;
	_ =	strace $0x8000004F;
	[dreg:$0x1] =	wrdreg $0xFFFFFFFF  }
0xa7: {  	s28 =	simm.s32 $_size_execute0_lowered;
	s3 =	sadd.s32 s3, s5;
	[dreg:$0x0] =	wrdreg $0x0  }
0xa8: {  	s5 =	sshll.u32 s28, $0x1;
	[dreg:$0x2] =	wrdreg s3  }
0xa9: {  	[dreg:$0x3] =	wrdreg s5  }
0xaa: {  	[dreg:$0x4] =	wrdreg $0xC0  }
0xab: {  	_ =	task [dreg:s7], $0x5FFFF  }
0xac: {  	[dreg:$0x1] =	wrdreg $0xFFFFFFFF  }
0xad: {  	[dreg:$0x0] =	wrdreg $0x60  }
0xae: {  	[dreg:$0x2] =	wrdreg s24  }
0xaf: {  	[dreg:$0x3] =	wrdreg s2  }
0xb0: {  	[dreg:$0x4] =	wrdreg $0xA0000  }
0xb1: {  	[dreg:$0x5] =	wrdreg $0x9  }
0xb2: {  	_ =	task.clear_ibuf [dreg:s7], $0x6FFFF;
	_ =	strace $0x9000004F  }
0xb3: {  	s29 =	simm.s32 $0x9;
	_ =	strace $0x80000051  }
0xb4: {  	_ =	swait.ge [sflag:s29], $0x1  }
0xb5: {  	[sflag:s29] =	ssyncadd.s32 $0xFFFFFFFF  }
0xb6: {  	_ =	strace $0x90000051  }
0xb7: {  	_ =	sfence  }
0xb8: {  	s30 =	sld [smem:$0x0];
	_ =	sdelay $0x2  }
0xb9: {  	s31 =	sshll.u32 s1, $0xD;
	s1 =	sshrl.u32 s1, $0x2  }
0xba: {  	s3 =	sand.u32 $0x4000, s31;
	s1 =	sadd.s32 s1, s30  }
0xbb: {  	s0 =	sor.u32 s3, s0;
	s1 =	sshll.u32 s1, $0x11  }
0xbc: {  	s0 =	sor.u32 s1, s0  }
0xbd: {  	s0 =	sadd.s32 $0x8F2B, s0  }
0xbe: {  	[sflag:s0] =	ssyncadd.remote.s32 $0x1  }
0xbf: {  	_ =	sfence.sel $0xFFFF  }
0xc0: {  	[dreg:$0x0] =	wrdreg $0xFFFFFFFF;
	(pc) =	sbr.abs _section_cstart, $3  }
0xc1: {  	[dreg:$0x1] =	wrdreg $0xFFFFFFFF  }
0xc2: {  	_ =	task.clear_ibuf [dreg:s7], $0x2FFFF;
	_ =	strace $0x9FFFFFFF  }
0xc3: {  	(tm) =	ssettm $0x7FFFFFFF  }
tec
execute0_lowered:
.L_overlay_start_1:
0x0: {  	(tag) =	ssettag $0x1  }
0x1: {  	s5 =	stileid.u32  }
0x2: {  	s1 =	rddreg [dreg:$0x0];
	s8 =	smul.u32 $0x50000, s5  }
0x3: {  	s0 =	srdreg.scid;
	s3 =	rddreg [dreg:$0x2];
	s4 =	simm.s32 $0x0  }
0x4: {  	s31 =	simm.s32 $0xB;
	s0 =	sand.u32 $0x1, s0;
	s10 =	sshrl.u32 s8, $0x2  }
0x5: {  	[smem:$0x7FF] =	sst s4;
	s6 =	smul.u32 $0x2800, s5;
	s8 =	sadd.s32 s10, s3  }
0x6: {  	s2 =	sshll.u32 s0, $0x4;
	_ =	strace $0x80000050;
	s12 =	sadd.s32 $0x1000, s8  }
0x7: {  	s7 =	smul.u32 $0x28000, s0;
	s13 =	sadd.s32 $0x2000, s8;
	[dreg:$0x6] =	wrdreg s12  }
0x8: {  	s0 =	ssub.s32 $0x2, s0;
	s14 =	sadd.s32 $0x3000, s8;
	[dreg:$0x7] =	wrdreg s13  }
0x9: {  	s2 =	sor.u32 s5, s2;
	s15 =	sadd.s32 $0x4000, s8;
	[dreg:$0x8] =	wrdreg s14  }
0xa: {  	s5 =	sadd.s32 $0x17E00, s1;
	s16 =	sadd.s32 $0x5000, s8;
	[dreg:$0x9] =	wrdreg s15  }
0xb: {  	s9 =	sshrl.u32 s0, $0x1;
	s17 =	sadd.s32 $0x6000, s8;
	[dreg:$0xa] =	wrdreg s16  }
0xc: {  	s2 =	smul.u32 $0x500, s2;
	s18 =	sadd.s32 $0x7000, s8;
	[dreg:$0xb] =	wrdreg s17  }
0xd: {  	s6 =	sadd.s32 s6, s7;
	s19 =	sadd.s32 $0x8000, s8;
	[dreg:$0xc] =	wrdreg s18  }
0xe: {  	s0 =	ssub.s32 s0, s9;
	s20 =	sadd.s32 $0x9000, s8;
	[dreg:$0xd] =	wrdreg s19  }
0xf: {  	s7 =	simm.s32 $0x9000;
	s21 =	sadd.s32 $0xA000, s8;
	[dreg:$0xe] =	wrdreg s20  }
0x10: {  	s9 =	simm.s32 $0x5000;
	s22 =	sadd.s32 $0xB000, s8;
	[dreg:$0xf] =	wrdreg s21  }
0x11: {  	s10 =	simm.s32 $0x1;
	s23 =	sadd.s32 $0xC000, s8;
	[dreg:$0x10] =	wrdreg s22  }
0x12: {  	s24 =	sadd.s32 $0xD000, s8;
	s25 =	sadd.s32 $0xE000, s8;
	[dreg:$0x11] =	wrdreg s23  }
0x13: {  	s26 =	sadd.s32 $0xF000, s8;
	s28 =	sadd.s32 $0x11000, s8;
	[dreg:$0x12] =	wrdreg s24  }
0x14: {  	s29 =	sadd.s32 $0x12000, s8;
	s30 =	sadd.s32 $0x13000, s8;
	[dreg:$0x13] =	wrdreg s25  }
0x15: {  	s2 =	sadd.s32 s2, s1;
	s1 =	sadd.s32 s6, s1;
	[dreg:$0x14] =	wrdreg s26  }
0x16: {  	s25 =	smax.u32 s0, $0x1;
	s26 =	sadd.s32 $0x10000, s8;
	s0 =	simm.s32 $0x6000  }
0x17: {  	s6 =	simm.s32 $0x8000;
	s12 =	simm.s32 $0x3;
	s13 =	simm.s32 $0x4  }
0x18: {  	s14 =	simm.s32 $0x5;
	s15 =	simm.s32 $0x6;
	s16 =	simm.s32 $0x7  }
0x19: {  	s17 =	simm.s32 $0x8;
	s18 =	simm.s32 $0x9;
	s19 =	simm.s32 $0xA  }
0x1a: {  	s20 =	simm.s32 $0x0;
	s11 =	sadd.s32 $0xDE00, s2;
	s2 =	sadd.s32 $0x3E00, s2  }
0x1b: {  	s24 =	sadd.s32 $0x3FE00, s1;
	s1 =	simm.s32 $0x7000;
	[dreg:$0x4] =	wrdreg s11  }
0x1c: {  	[dreg:$0x5] =	wrdreg s2;
	s2 =	simm.s32 $0x20;
	s11 =	simm.s32 $0x2  }
.LBB2_1:
0x1d: {  	s21 =	rddreg [dreg:$0x4]  }
0x1e: {  	[tilespmem:s4], [sflag:$0xB] =	stream.linear.gather [hbm4b:s21+s4], $0x2800, $0x38;
	[tilespmem:$0x1E000] =	vst v63  }
0x1f: {  	_ =	swait.ge [sflag:s31], $0x2800  }
0x20: {  	[sflag:s31] =	ssyncset.done $0x0  }
0x21: {  	s22 =	simm.s32 $0x2800;
	s23 =	rddreg [dreg:$0x5];
	[sflag:s31] =	ssyncadd.s32 $0xFFFFD800  }
0x22: {  	[tilespmem:s22], [sflag:$0xB] =	stream.linear.gather [hbm4b:s23+s4], $0x2800, $0x38;
	[tilespmem:$0x1E000] =	vst v63  }
0x23: {  	_ =	swait.ge [sflag:s31], $0x2800  }
0x24: {  	[sflag:s31] =	ssyncset.done $0x0  }
0x25: {  	[sflag:s31] =	ssyncadd.s32 $0xFFFFD800  }
0x26: {  	[tilespmem:s0], [sflag:$0x2] =	stream.indirect.gather [hbm4b:s5+s2], $0x80, s2, s2, $0xb8;
	[tilespmem:$0x1E000] =	vst v63  }
0x27: {  	s22 =	simm.s32 $0x40  }
0x28: {  	[tilespmem:s1], [sflag:$0x3] =	stream.indirect.gather [hbm4b:s5+s2], $0x80, s22, s2, $0xb8;
	[tilespmem:$0x1E000] =	vst v63  }
0x29: {  	s23 =	simm.s32 $0x60  }
0x2a: {  	[tilespmem:s6], [sflag:$0x4] =	stream.indirect.gather [hbm4b:s5+s2], $0x80, s23, s2, $0xb8;
	[tilespmem:$0x1E000] =	vst v63  }
0x2b: {  	s22 =	simm.s32 $0x80  }
0x2c: {  	[tilespmem:s7], [sflag:$0x5] =	stream.indirect.gather [hbm4b:s5+s2], $0x80, s22, s2, $0xb8;
	[tilespmem:$0x1E000] =	vst v63  }
0x2d: {  	s23 =	rddreg [dreg:$0x1]  }
0x2e: {  	[tilespmem:s9], [sflag:$0xB] =	stream.linear.gather [hbm4b:s23+s4], $0x1000, $0x38;
	[tilespmem:$0x1E000] =	vst v63  }
0x2f: {  	_ =	swait.ge [sflag:s31], $0x1000  }
0x30: {  	[sflag:s31] =	ssyncset.done $0x0  }
0x31: {  	[sflag:s31] =	ssyncadd.s32 $0xFFFFF000  }
0x32: {  	[spmem:s8] =	stream.linear.scatter [tilespmem:s9], [sflag:$0xB], $0x1000, $0x38;
	[tilespmem:$0x1E000] =	vst v63  }
0x33: {  	_ =	swait.ge [sflag:s31], $0x1000  }
0x34: {  	[sflag:s31] =	ssyncset.done $0x0  }
0x35: {  	s22 =	rddreg [dreg:$0x6];
	[sflag:s31] =	ssyncadd.s32 $0xFFFFF000  }
0x36: {  	[spmem:s22] =	stream.linear.scatter [tilespmem:s9], [sflag:$0xB], $0x1000, $0x38;
	[tilespmem:$0x1E000] =	vst v63  }
0x37: {  	_ =	swait.ge [sflag:s31], $0x1000  }
0x38: {  	[sflag:s31] =	ssyncset.done $0x0  }
0x39: {  	s23 =	rddreg [dreg:$0x7];
	[sflag:s31] =	ssyncadd.s32 $0xFFFFF000  }
0x3a: {  	[spmem:s23] =	stream.linear.scatter [tilespmem:s9], [sflag:$0xB], $0x1000, $0x38;
	[tilespmem:$0x1E000] =	vst v63  }
0x3b: {  	_ =	swait.ge [sflag:s31], $0x1000  }
0x3c: {  	[sflag:s31] =	ssyncset.done $0x0  }
0x3d: {  	s22 =	rddreg [dreg:$0x8];
	[sflag:s31] =	ssyncadd.s32 $0xFFFFF000  }
0x3e: {  	[spmem:s22] =	stream.linear.scatter [tilespmem:s9], [sflag:$0xB], $0x1000, $0x38;
	[tilespmem:$0x1E000] =	vst v63  }
0x3f: {  	_ =	swait.ge [sflag:s31], $0x1000  }
0x40: {  	[sflag:s31] =	ssyncset.done $0x0  }
0x41: {  	s23 =	rddreg [dreg:$0x9];
	[sflag:s31] =	ssyncadd.s32 $0xFFFFF000  }
0x42: {  	[spmem:s23] =	stream.linear.scatter [tilespmem:s9], [sflag:$0xB], $0x1000, $0x38;
	[tilespmem:$0x1E000] =	vst v63  }
0x43: {  	_ =	swait.ge [sflag:s31], $0x1000  }
0x44: {  	[sflag:s31] =	ssyncset.done $0x0  }
0x45: {  	s22 =	rddreg [dreg:$0xa];
	[sflag:s31] =	ssyncadd.s32 $0xFFFFF000  }
0x46: {  	[spmem:s22] =	stream.linear.scatter [tilespmem:s9], [sflag:$0xB], $0x1000, $0x38;
	[tilespmem:$0x1E000] =	vst v63  }
0x47: {  	_ =	swait.ge [sflag:s31], $0x1000  }
0x48: {  	[sflag:s31] =	ssyncset.done $0x0  }
0x49: {  	s23 =	rddreg [dreg:$0xb];
	[sflag:s31] =	ssyncadd.s32 $0xFFFFF000  }
0x4a: {  	[spmem:s23] =	stream.linear.scatter [tilespmem:s9], [sflag:$0xB], $0x1000, $0x38;
	[tilespmem:$0x1E000] =	vst v63  }
0x4b: {  	_ =	swait.ge [sflag:s31], $0x1000  }
0x4c: {  	[sflag:s31] =	ssyncset.done $0x0  }
0x4d: {  	s22 =	rddreg [dreg:$0xc];
	[sflag:s31] =	ssyncadd.s32 $0xFFFFF000  }
0x4e: {  	[spmem:s22] =	stream.linear.scatter [tilespmem:s9], [sflag:$0xB], $0x1000, $0x38;
	[tilespmem:$0x1E000] =	vst v63  }
0x4f: {  	_ =	swait.ge [sflag:s31], $0x1000  }
0x50: {  	[sflag:s31] =	ssyncset.done $0x0  }
0x51: {  	s23 =	rddreg [dreg:$0xd];
	[sflag:s31] =	ssyncadd.s32 $0xFFFFF000  }
0x52: {  	[spmem:s23] =	stream.linear.scatter [tilespmem:s9], [sflag:$0xB], $0x1000, $0x38;
	[tilespmem:$0x1E000] =	vst v63  }
0x53: {  	_ =	swait.ge [sflag:s31], $0x1000  }
0x54: {  	[sflag:s31] =	ssyncset.done $0x0  }
0x55: {  	s22 =	rddreg [dreg:$0xe];
	[sflag:s31] =	ssyncadd.s32 $0xFFFFF000  }
0x56: {  	[spmem:s22] =	stream.linear.scatter [tilespmem:s9], [sflag:$0xB], $0x1000, $0x38;
	[tilespmem:$0x1E000] =	vst v63  }
0x57: {  	_ =	swait.ge [sflag:s31], $0x1000  }
0x58: {  	[sflag:s31] =	ssyncset.done $0x0  }
0x59: {  	s23 =	rddreg [dreg:$0xf];
	[sflag:s31] =	ssyncadd.s32 $0xFFFFF000  }
0x5a: {  	[spmem:s23] =	stream.linear.scatter [tilespmem:s9], [sflag:$0xB], $0x1000, $0x38;
	[tilespmem:$0x1E000] =	vst v63  }
0x5b: {  	_ =	swait.ge [sflag:s31], $0x1000  }
0x5c: {  	[sflag:s31] =	ssyncset.done $0x0  }
0x5d: {  	s22 =	rddreg [dreg:$0x10];
	[sflag:s31] =	ssyncadd.s32 $0xFFFFF000  }
0x5e: {  	[spmem:s22] =	stream.linear.scatter [tilespmem:s9], [sflag:$0xB], $0x1000, $0x38;
	[tilespmem:$0x1E000] =	vst v63  }
0x5f: {  	_ =	swait.ge [sflag:s31], $0x1000  }
0x60: {  	[sflag:s31] =	ssyncset.done $0x0  }
0x61: {  	s23 =	rddreg [dreg:$0x11];
	[sflag:s31] =	ssyncadd.s32 $0xFFFFF000  }
0x62: {  	[spmem:s23] =	stream.linear.scatter [tilespmem:s9], [sflag:$0xB], $0x1000, $0x38;
	[tilespmem:$0x1E000] =	vst v63  }
0x63: {  	_ =	swait.ge [sflag:s31], $0x1000  }
0x64: {  	[sflag:s31] =	ssyncset.done $0x0  }
0x65: {  	s22 =	rddreg [dreg:$0x12];
	[sflag:s31] =	ssyncadd.s32 $0xFFFFF000  }
0x66: {  	[spmem:s22] =	stream.linear.scatter [tilespmem:s9], [sflag:$0xB], $0x1000, $0x38;
	[tilespmem:$0x1E000] =	vst v63  }
0x67: {  	_ =	swait.ge [sflag:s31], $0x1000  }
0x68: {  	[sflag:s31] =	ssyncset.done $0x0  }
0x69: {  	s23 =	rddreg [dreg:$0x13];
	[sflag:s31] =	ssyncadd.s32 $0xFFFFF000  }
0x6a: {  	[spmem:s23] =	stream.linear.scatter [tilespmem:s9], [sflag:$0xB], $0x1000, $0x38;
	[tilespmem:$0x1E000] =	vst v63  }
0x6b: {  	_ =	swait.ge [sflag:s31], $0x1000  }
0x6c: {  	[sflag:s31] =	ssyncset.done $0x0  }
0x6d: {  	s22 =	rddreg [dreg:$0x14];
	[sflag:s31] =	ssyncadd.s32 $0xFFFFF000  }
0x6e: {  	[spmem:s22] =	stream.linear.scatter [tilespmem:s9], [sflag:$0xB], $0x1000, $0x38;
	[tilespmem:$0x1E000] =	vst v63  }
0x6f: {  	_ =	swait.ge [sflag:s31], $0x1000  }
0x70: {  	[sflag:s31] =	ssyncset.done $0x0  }
0x71: {  	[sflag:s31] =	ssyncadd.s32 $0xFFFFF000  }
0x72: {  	[spmem:s26] =	stream.linear.scatter [tilespmem:s9], [sflag:$0xB], $0x1000, $0x38;
	[tilespmem:$0x1E000] =	vst v63  }
0x73: {  	_ =	swait.ge [sflag:s31], $0x1000  }
0x74: {  	[sflag:s31] =	ssyncset.done $0x0  }
0x75: {  	[sflag:s31] =	ssyncadd.s32 $0xFFFFF000  }
0x76: {  	[spmem:s28] =	stream.linear.scatter [tilespmem:s9], [sflag:$0xB], $0x1000, $0x38;
	[tilespmem:$0x1E000] =	vst v63  }
0x77: {  	_ =	swait.ge [sflag:s31], $0x1000  }
0x78: {  	[sflag:s31] =	ssyncset.done $0x0  }
0x79: {  	[sflag:s31] =	ssyncadd.s32 $0xFFFFF000  }
0x7a: {  	[spmem:s29] =	stream.linear.scatter [tilespmem:s9], [sflag:$0xB], $0x1000, $0x38;
	[tilespmem:$0x1E000] =	vst v63  }
0x7b: {  	_ =	swait.ge [sflag:s31], $0x1000  }
0x7c: {  	[sflag:s31] =	ssyncset.done $0x0  }
0x7d: {  	[sflag:s31] =	ssyncadd.s32 $0xFFFFF000  }
0x7e: {  	[spmem:s30] =	stream.linear.scatter [tilespmem:s9], [sflag:$0xB], $0x1000, $0x38;
	[tilespmem:$0x1E000] =	vst v63  }
0x7f: {  	_ =	swait.ge [sflag:s31], $0x1000  }
0x80: {  	[sflag:s31] =	ssyncset.done $0x0  }
0x81: {  	[sflag:s31] =	ssyncadd.s32 $0xFFFFF000  }
0x82: {  	[tilespmem:s9], [sflag:$0x1] =	stream.indirect.gather [hbm4b:s5+s2], $0x80, s4, s2, $0xb8;
	[tilespmem:$0x1E000] =	vst v63  }
0x83: {  	[bflag:$0x0] =	sbarrier.arrive $0xFFFF  }
0x84: {  	_ =	swait.ge [sflag:s10], $0x1000  }
0x85: {  	[sflag:s10] =	ssyncset.done $0x0  }
0x86: {  	s23 =	simm.s32 $0x2800;
	[sflag:s10] =	ssyncadd.s32 $0xFFFFF000  }
0x87: {  	[spmem:s3] =	stream.indirect.scatter.add.f32 [tilespmem:s9], [sflag:$0x6], $0x80, s23, s2, $0xb8;
	[tilespmem:$0x1E000] =	vst v63  }
0x88: {  	_ =	swait.ge [sflag:s11], $0x1000  }
0x89: {  	[sflag:s11] =	ssyncset.done $0x0  }
0x8a: {  	s22 =	simm.s32 $0x2820;
	[sflag:s11] =	ssyncadd.s32 $0xFFFFF000  }
0x8b: {  	[spmem:s3] =	stream.indirect.scatter.add.f32 [tilespmem:s0], [sflag:$0x7], $0x80, s22, s2, $0xb8;
	[tilespmem:$0x1E000] =	vst v63  }
0x8c: {  	_ =	swait.ge [sflag:s12], $0x1000  }
0x8d: {  	[sflag:s12] =	ssyncset.done $0x0  }
0x8e: {  	s23 =	simm.s32 $0x2840;
	[sflag:s12] =	ssyncadd.s32 $0xFFFFF000  }
0x8f: {  	[spmem:s3] =	stream.indirect.scatter.add.f32 [tilespmem:s1], [sflag:$0x8], $0x80, s23, s2, $0xb8;
	[tilespmem:$0x1E000] =	vst v63  }
0x90: {  	_ =	swait.ge [sflag:s13], $0x1000  }
0x91: {  	[sflag:s13] =	ssyncset.done $0x0  }
0x92: {  	s22 =	simm.s32 $0x2860;
	[sflag:s13] =	ssyncadd.s32 $0xFFFFF000  }
0x93: {  	[spmem:s3] =	stream.indirect.scatter.add.f32 [tilespmem:s6], [sflag:$0x9], $0x80, s22, s2, $0xb8;
	[tilespmem:$0x1E000] =	vst v63  }
0x94: {  	_ =	swait.ge [sflag:s14], $0x1000  }
0x95: {  	[sflag:s14] =	ssyncset.done $0x0  }
0x96: {  	s23 =	simm.s32 $0x2880;
	[sflag:s14] =	ssyncadd.s32 $0xFFFFF000  }
0x97: {  	[spmem:s3] =	stream.indirect.scatter.add.f32 [tilespmem:s7], [sflag:$0xA], $0x80, s23, s2, $0xb8;
	[tilespmem:$0x1E000] =	vst v63  }
0x98: {  	_ =	swait.ge [sflag:s15], $0x1000  }
0x99: {  	[sflag:s15] =	ssyncset.done $0x0  }
0x9a: {  	s22 =	simm.s32 $0xA0;
	[sflag:s15] =	ssyncadd.s32 $0xFFFFF000  }
0x9b: {  	[tilespmem:s9], [sflag:$0x1] =	stream.indirect.gather [hbm4b:s5+s2], $0x80, s22, s2, $0xb8;
	[tilespmem:$0x1E000] =	vst v63  }
0x9c: {  	_ =	swait.ge [sflag:s16], $0x1000  }
0x9d: {  	[sflag:s16] =	ssyncset.done $0x0  }
0x9e: {  	s23 =	simm.s32 $0xC0;
	[sflag:s16] =	ssyncadd.s32 $0xFFFFF000  }
0x9f: {  	[tilespmem:s0], [sflag:$0x2] =	stream.indirect.gather [hbm4b:s5+s2], $0x80, s23, s2, $0xb8;
	[tilespmem:$0x1E000] =	vst v63  }
0xa0: {  	_ =	swait.ge [sflag:s17], $0x1000  }
0xa1: {  	[sflag:s17] =	ssyncset.done $0x0  }
0xa2: {  	s22 =	simm.s32 $0xE0;
	[sflag:s17] =	ssyncadd.s32 $0xFFFFF000  }
0xa3: {  	[tilespmem:s1], [sflag:$0x3] =	stream.indirect.gather [hbm4b:s5+s2], $0x80, s22, s2, $0xb8;
	[tilespmem:$0x1E000] =	vst v63  }
0xa4: {  	_ =	swait.ge [sflag:s18], $0x1000  }
0xa5: {  	[sflag:s18] =	ssyncset.done $0x0  }
0xa6: {  	s23 =	simm.s32 $0x100;
	[sflag:s18] =	ssyncadd.s32 $0xFFFFF000  }
0xa7: {  	[tilespmem:s6], [sflag:$0x4] =	stream.indirect.gather [hbm4b:s5+s2], $0x80, s23, s2, $0xb8;
	[tilespmem:$0x1E000] =	vst v63  }
0xa8: {  	_ =	swait.ge [sflag:s19], $0x1000  }
0xa9: {  	[sflag:s19] =	ssyncset.done $0x0  }
0xaa: {  	s21 =	simm.s32 $0x280;
	s22 =	simm.s32 $0x120;
	[sflag:s19] =	ssyncadd.s32 $0xFFFFF000  }
.LBB2_2:
0xab: {  	[tilespmem:s7], [sflag:$0x5] =	stream.indirect.gather [hbm4b:s5+s2], $0x80, s22, s2, $0xb8;
	[tilespmem:$0x1E000] =	vst v63  }
0xac: {  	s22 =	smov.u32 s21  }
0xad: {  	p0 =	sne.s32 s21, $0x9B00;
	s21 =	sadd.s32 $0x280, s21;
	_ =	swait.ge [sflag:s10], $0x1000  }
0xae: {  	s22 =	sshra.s32 s22, $0x2;
	[sflag:s10] =	ssyncset.done $0x0  }
0xaf: {  	s23 =	sadd.s32 $0x2800, s22;
	[sflag:s10] =	ssyncadd.s32 $0xFFFFF000  }
0xb0: {  	[spmem:s3] =	stream.indirect.scatter.add.f32 [tilespmem:s9], [sflag:$0x6], $0x80, s23, s2, $0xb8;
	[tilespmem:$0x1E000] =	vst v63  }
0xb1: {  	_ =	swait.ge [sflag:s11], $0x1000  }
0xb2: {  	[sflag:s11] =	ssyncset.done $0x0  }
0xb3: {  	s23 =	sadd.s32 $0x2820, s22;
	[sflag:s11] =	ssyncadd.s32 $0xFFFFF000  }
0xb4: {  	[spmem:s3] =	stream.indirect.scatter.add.f32 [tilespmem:s0], [sflag:$0x7], $0x80, s23, s2, $0xb8;
	[tilespmem:$0x1E000] =	vst v63  }
0xb5: {  	_ =	swait.ge [sflag:s12], $0x1000  }
0xb6: {  	[sflag:s12] =	ssyncset.done $0x0  }
0xb7: {  	s23 =	sadd.s32 $0x2840, s22;
	[sflag:s12] =	ssyncadd.s32 $0xFFFFF000  }
0xb8: {  	[spmem:s3] =	stream.indirect.scatter.add.f32 [tilespmem:s1], [sflag:$0x8], $0x80, s23, s2, $0xb8;
	[tilespmem:$0x1E000] =	vst v63  }
0xb9: {  	_ =	swait.ge [sflag:s13], $0x1000  }
0xba: {  	[sflag:s13] =	ssyncset.done $0x0  }
0xbb: {  	s23 =	sadd.s32 $0x2860, s22;
	[sflag:s13] =	ssyncadd.s32 $0xFFFFF000  }
0xbc: {  	[spmem:s3] =	stream.indirect.scatter.add.f32 [tilespmem:s6], [sflag:$0x9], $0x80, s23, s2, $0xb8;
	[tilespmem:$0x1E000] =	vst v63  }
0xbd: {  	_ =	swait.ge [sflag:s14], $0x1000  }
0xbe: {  	[sflag:s14] =	ssyncset.done $0x0  }
0xbf: {  	s23 =	sadd.s32 $0x2880, s22;
	[sflag:s14] =	ssyncadd.s32 $0xFFFFF000  }
0xc0: {  	[spmem:s3] =	stream.indirect.scatter.add.f32 [tilespmem:s7], [sflag:$0xA], $0x80, s23, s2, $0xb8;
	[tilespmem:$0x1E000] =	vst v63  }
0xc1: {  	_ =	swait.ge [sflag:s15], $0x1000  }
0xc2: {  	[sflag:s15] =	ssyncset.done $0x0  }
0xc3: {  	s23 =	sadd.s32 $0xA0, s22;
	[sflag:s15] =	ssyncadd.s32 $0xFFFFF000  }
0xc4: {  	[tilespmem:s9], [sflag:$0x1] =	stream.indirect.gather [hbm4b:s5+s2], $0x80, s23, s2, $0xb8;
	[tilespmem:$0x1E000] =	vst v63  }
0xc5: {  	_ =	swait.ge [sflag:s16], $0x1000  }
0xc6: {  	[sflag:s16] =	ssyncset.done $0x0  }
0xc7: {  	s23 =	sadd.s32 $0xC0, s22;
	[sflag:s16] =	ssyncadd.s32 $0xFFFFF000  }
0xc8: {  	[tilespmem:s0], [sflag:$0x2] =	stream.indirect.gather [hbm4b:s5+s2], $0x80, s23, s2, $0xb8;
	[tilespmem:$0x1E000] =	vst v63  }
0xc9: {  	_ =	swait.ge [sflag:s17], $0x1000  }
0xca: {  	[sflag:s17] =	ssyncset.done $0x0  }
0xcb: {  	s23 =	sadd.s32 $0xE0, s22;
	[sflag:s17] =	ssyncadd.s32 $0xFFFFF000  }
0xcc: {  	[tilespmem:s1], [sflag:$0x3] =	stream.indirect.gather [hbm4b:s5+s2], $0x80, s23, s2, $0xb8;
	[tilespmem:$0x1E000] =	vst v63  }
0xcd: {  	_ =	swait.ge [sflag:s18], $0x1000  }
0xce: {  	[sflag:s18] =	ssyncset.done $0x0  }
.Ltmp0:
0xcf: {  	s23 =	sadd.s32 $0x100, s22;
	[sflag:s18] =	ssyncadd.s32 $0xFFFFF000;
	(pc) =	sbr.rel @p0 .LBB2_2-.Ltmp0, $4  }
0xd0: {  	[tilespmem:s6], [sflag:$0x4] =	stream.indirect.gather [hbm4b:s5+s2], $0x80, s23, s2, $0xb8;
	[tilespmem:$0x1E000] =	vst v63  }
0xd1: {  	_ =	swait.ge [sflag:s19], $0x1000  }
0xd2: {  	[sflag:s19] =	ssyncset.done $0x0  }
0xd3: {  	s22 =	sadd.s32 $0x120, s22;
	[sflag:s19] =	ssyncadd.s32 $0xFFFFF000  }
0xd4: {  	[tilespmem:s7], [sflag:$0x5] =	stream.indirect.gather [hbm4b:s5+s2], $0x80, s22, s2, $0xb8;
	[tilespmem:$0x1E000] =	vst v63  }
0xd5: {  	_ =	swait.ge [sflag:s10], $0x1000  }
0xd6: {  	[sflag:s10] =	ssyncset.done $0x0  }
0xd7: {  	s21 =	simm.s32 $0x4F60;
	[sflag:s10] =	ssyncadd.s32 $0xFFFFF000  }
0xd8: {  	[spmem:s3] =	stream.indirect.scatter.add.f32 [tilespmem:s9], [sflag:$0x6], $0x80, s21, s2, $0xb8;
	[tilespmem:$0x1E000] =	vst v63  }
0xd9: {  	_ =	swait.ge [sflag:s11], $0x1000  }
0xda: {  	[sflag:s11] =	ssyncset.done $0x0  }
0xdb: {  	s22 =	simm.s32 $0x4F80;
	[sflag:s11] =	ssyncadd.s32 $0xFFFFF000  }
0xdc: {  	[spmem:s3] =	stream.indirect.scatter.add.f32 [tilespmem:s0], [sflag:$0x7], $0x80, s22, s2, $0xb8;
	[tilespmem:$0x1E000] =	vst v63  }
0xdd: {  	_ =	swait.ge [sflag:s12], $0x1000  }
0xde: {  	[sflag:s12] =	ssyncset.done $0x0  }
0xdf: {  	s23 =	simm.s32 $0x4FA0;
	[sflag:s12] =	ssyncadd.s32 $0xFFFFF000  }
0xe0: {  	[spmem:s3] =	stream.indirect.scatter.add.f32 [tilespmem:s1], [sflag:$0x8], $0x80, s23, s2, $0xb8;
	[tilespmem:$0x1E000] =	vst v63  }
0xe1: {  	_ =	swait.ge [sflag:s13], $0x1000  }
0xe2: {  	[sflag:s13] =	ssyncset.done $0x0  }
0xe3: {  	s22 =	simm.s32 $0x4FC0;
	[sflag:s13] =	ssyncadd.s32 $0xFFFFF000  }
0xe4: {  	[spmem:s3] =	stream.indirect.scatter.add.f32 [tilespmem:s6], [sflag:$0x9], $0x80, s22, s2, $0xb8;
	[tilespmem:$0x1E000] =	vst v63  }
0xe5: {  	_ =	swait.ge [sflag:s14], $0x1000  }
0xe6: {  	[sflag:s14] =	ssyncset.done $0x0  }
0xe7: {  	s23 =	simm.s32 $0x4FE0;
	[sflag:s14] =	ssyncadd.s32 $0xFFFFF000  }
0xe8: {  	[spmem:s3] =	stream.indirect.scatter.add.f32 [tilespmem:s7], [sflag:$0xA], $0x80, s23, s2, $0xb8;
	[tilespmem:$0x1E000] =	vst v63  }
0xe9: {  	_ =	swait.ge [sflag:s15], $0x1000  }
0xea: {  	[sflag:s15] =	ssyncset.done $0x0  }
0xeb: {  	[sflag:s15] =	ssyncadd.s32 $0xFFFFF000  }
0xec: {  	_ =	swait.ge [sflag:s16], $0x1000  }
0xed: {  	[sflag:s16] =	ssyncset.done $0x0  }
0xee: {  	[sflag:s16] =	ssyncadd.s32 $0xFFFFF000  }
0xef: {  	_ =	swait.ge [sflag:s17], $0x1000  }
0xf0: {  	[sflag:s17] =	ssyncset.done $0x0  }
0xf1: {  	[sflag:s17] =	ssyncadd.s32 $0xFFFFF000  }
0xf2: {  	_ =	swait.ge [sflag:s18], $0x1000  }
0xf3: {  	[sflag:s18] =	ssyncset.done $0x0  }
0xf4: {  	[sflag:s18] =	ssyncadd.s32 $0xFFFFF000  }
0xf5: {  	s22 =	stileid.u32;
	_ =	swait.ge [sflag:s19], $0x1000  }
0xf6: {  	s20 =	sadd.s32 $0x1, s20;
	s21 =	sshll.u32 s22, $0x6;
	[sflag:s19] =	ssyncset.done $0x0  }
0xf7: {  	p0 =	sne.s32 s20, s25;
	s21 =	sor.u32 $0x1C0B, s21;
	[sflag:s19] =	ssyncadd.s32 $0xFFFFF000  }
.Ltmp1:
0xf8: {  	s23 =	sshrl.u32 s8, $0x3;
	[bflag:$0x0] =	sbarrier.arrive $0xFFFF;
	(pc) =	sbr.rel @p0 .LBB2_1-.Ltmp1, $4  }
0xf9: {  	[hbm:s24], [sflag:s21] =	dma.local [spmem:s23], $0x2800  }
0xfa: {  	_ =	swait.ge [sflag:s31], $0x2800  }
0xfb: {  	[sflag:s31] =	ssyncset.done $0x0  }
0xfc: {  	[sflag:s31] =	ssyncadd.s32 $0xFFFFD800  }
0xfd: {  	_ =	sfence.sel $0x180000  }
0xfe: {  	[bflag:$0x0] =	sbarrier.arrive $0xFFFF  }
0xff: {  	_ =	strace $0x90000050  }
0x100: {  	s0 =	stileid.u32;
	[bflag:$0x2] =	sbarrier.arrive $0xFFFF  }
0x101: {  	p0 =	sne.s32 s0, $0x0;
	s0 =	rddreg [dreg:$0x3]  }
0x102: {  	s0 =	sadd.s32 @!p0 $0x100000, s0  }
0x103: {  	[sflag:s0] =	ssyncadd.tile.s32 @!p0 $0x1;
	_ =	shalt  }
.Lfunc_end2:
_tile_overlayer_lowered:
.L_overlay_start_2:
0x104: {  	(tag) =	ssettag $0x2  }
0x105: {  	s0 =	rddreg [dreg:$0x0];
	s2 =	stileid.u32  }
0x106: {  	s1 =	rddreg [dreg:$0x1];
	p0 =	sne.s32 s2, $0x0  }
0x107: {  	s3 =	rddreg [dreg:$0x2];
	[bflag:$0x3] =	sbarrier.arrive $0xFFFF;
	s2 =	simm.s32 @!p0 $0x1C0B  }
0x108: {  	[timem:s3], [sflag:s2] =	dma.local @!p0 [hbm:s0], s1  }
0x109: {  	s0 =	simm.s32 @!p0 $0xB  }
0x10a: {  	_ =	swait.ge @!p0 [sflag:s0], s1  }
0x10b: {  	s1 =	ssub.s32 @!p0 $0x0, s1;
	[sflag:s0] =	ssyncset.done @!p0 $0x0  }
0x10c: {  	[sflag:s0] =	ssyncadd.s32 @!p0 s1  }
0x10d: {  	[bflag:$0x3] =	sbarrier.arrive $0xFFFF  }
0x10e: {  	_ =	shalt  }

</sc_bundles>
